<compile_context>
chip_gen: v7x
topology: tpu7x:2x2x1
jax: 0.10.2.dev20260603
libtpu: 0.0.44.dev20260713+nightly
codegen_flags: <defaults>
</compile_context>

<pallas_src>
import functools

import jax
import jax.numpy as jnp
from jax import lax
from jax.experimental import pallas as pl
from jax.experimental.pallas import tpu as pltpu
from jax.experimental.pallas import tpu_sc as plsc

N = 10000
IN_CH = 128
HID = 16
OUT_CH = 128

NC = 2
NS = 16
NW = NC * NS
CHUNK = 128
ECH = 2500
NCH = ECH // NW
XCH = ECH - NCH * NW
NBUF = 6
NG = NCH // NBUF
NPAD = 10240
RPT = NPAD // NS
NF = NPAD * HID // 128
NFV = N * HID // 128


def _sc_mesh():
    return plsc.VectorSubcoreMesh(core_axis_name="c", subcore_axis_name="s")


def _sc_degree(ei_raw):

    @functools.partial(
        pl.kernel,
        out_type=jax.ShapeDtypeStruct((NC, NPAD, HID), jnp.float32),
        mesh=_sc_mesh(),
        compiler_params=pltpu.CompilerParams(use_tc_tiling_on_sc=False),
        scratch_types=[
            pltpu.VMEM((NCH * CHUNK,), jnp.int32),
            pltpu.VMEM((NCH, CHUNK), jnp.int32),
            pltpu.VMEM((XCH * CHUNK,), jnp.int32),
            pltpu.VMEM((XCH, CHUNK), jnp.int32),
            pltpu.VMEM((CHUNK,), jnp.float32),
            pltpu.VMEM((RPT,), jnp.float32),
            pltpu.VMEM((RPT, HID), jnp.float32),
            pltpu.VMEM_SHARED((NPAD,), jnp.float32),
        ] + [pltpu.SemaphoreType.DMA] * NBUF,
    )
    def k(ei_hbm, out_hbm, didx1, didx, dxidx1, dxidx, ones_v,
          dv, rep, acc, *ssem):
        cid = lax.axis_index("c")
        sid = lax.axis_index("s")
        wid = cid * NS + sid
        last = wid == NW - 1
        r0 = sid * RPT
        pltpu.sync_copy(ei_hbm.at[1, pl.ds(wid * NCH * CHUNK, NCH * CHUNK)],
                        didx1)

        @pl.when(last)
        def _():
            pltpu.sync_copy(ei_hbm.at[1, pl.ds(NW * NCH * CHUNK,
                                               XCH * CHUNK)], dxidx1)

        for m in range(CHUNK // HID):
            ones_v[pl.ds(m * HID, HID)] = jnp.ones((HID,), jnp.float32)

        def zbody(i, carry):
            dv[pl.ds(i * HID, HID)] = jnp.zeros((HID,), jnp.float32)
            return carry

        lax.fori_loop(0, RPT // HID, zbody, 0)
        pltpu.sync_copy(dv, acc.at[pl.ds(r0, RPT)])

        def rbody(j, carry):
            for m in range(CHUNK // HID):
                didx[j, pl.ds(m * HID, HID)] = (
                    didx1[pl.ds(j * CHUNK + m * HID, HID)])
            return carry

        lax.fori_loop(0, NCH, rbody, 0)

        @pl.when(last)
        def _():
            def xbody(j, carry):
                for m in range(CHUNK // HID):
                    dxidx[j, pl.ds(m * HID, HID)] = (
                        dxidx1[pl.ds(j * CHUNK + m * HID, HID)])
                return carry

            lax.fori_loop(0, XCH, xbody, 0)

        plsc.subcore_barrier()

        def body(g, carry):
            for b in range(NBUF):
                pltpu.async_copy(ones_v, acc.at[didx.at[g * NBUF + b]],
                                 ssem[b], add=True)
            for b in range(NBUF):
                pltpu.make_async_copy(
                    ones_v, acc.at[didx.at[g * NBUF + b]], ssem[b]).wait()
            return carry

        lax.fori_loop(0, NG, body, 0)

        @pl.when(last)
        def _():
            for t in range(XCH):
                pltpu.sync_copy(ones_v, acc.at[dxidx.at[t]], add=True)

        plsc.subcore_barrier()
        pltpu.sync_copy(acc.at[pl.ds(r0, RPT)], dv)

        def repl(g, carry):
            v16 = dv[pl.ds(g * HID, HID)]
            for t in range(HID):
                rep[g * HID + t] = jnp.full((HID,), v16[t], jnp.float32)
            return carry

        lax.fori_loop(0, RPT // HID, repl, 0)
        pltpu.sync_copy(rep, out_hbm.at[cid, pl.ds(r0, RPT)])

    return k(ei_raw)


def _sc_aggregate(table, ei3, zeros):

    @functools.partial(
        pl.kernel,
        out_type=jax.ShapeDtypeStruct((NC, NPAD, HID), jnp.float32),
        mesh=_sc_mesh(),
        compiler_params=pltpu.CompilerParams(use_tc_tiling_on_sc=False),
        scratch_types=[
            pltpu.VMEM((NCH, CHUNK), jnp.int32),
            pltpu.VMEM((NCH, CHUNK), jnp.int32),
            pltpu.VMEM((XCH, CHUNK), jnp.int32),
            pltpu.VMEM((XCH, CHUNK), jnp.int32),
            pltpu.VMEM_SHARED((NPAD, HID), jnp.float32),
            pltpu.VMEM_SHARED((NPAD, HID), jnp.float32),
        ]
        + [pltpu.VMEM((CHUNK, HID), jnp.float32)] * NBUF
        + [pltpu.SemaphoreType.DMA] * (2 * NBUF),
    )
    def k(table_hbm, ei_hbm, zeros_hbm, out_hbm,
          sidx, didx, sxidx, dxidx, acc, tsp, *rest):
        bufs = rest[:NBUF]
        gsem = rest[NBUF:2 * NBUF]
        ssem = rest[2 * NBUF:]
        cid = lax.axis_index("c")
        sid = lax.axis_index("s")
        wid = cid * NS + sid
        last = wid == NW - 1
        r0 = sid * RPT
        pltpu.sync_copy(zeros_hbm.at[pl.ds(r0, RPT)], acc.at[pl.ds(r0, RPT)])
        pltpu.sync_copy(table_hbm.at[pl.ds(r0, RPT)], tsp.at[pl.ds(r0, RPT)])
        pltpu.sync_copy(ei_hbm.at[0, pl.ds(wid * NCH, NCH)], sidx)
        pltpu.sync_copy(ei_hbm.at[1, pl.ds(wid * NCH, NCH)], didx)

        @pl.when(last)
        def _():
            pltpu.sync_copy(ei_hbm.at[0, pl.ds(NW * NCH, XCH)], sxidx)
            pltpu.sync_copy(ei_hbm.at[1, pl.ds(NW * NCH, XCH)], dxidx)

        plsc.subcore_barrier()

        for b in range(NBUF):
            pltpu.async_copy(tsp.at[sidx.at[b]], bufs[b], gsem[b])

        def body(g, carry):
            for b in range(NBUF):
                j = g * NBUF + b
                pltpu.make_async_copy(tsp.at[sidx.at[j]], bufs[b],
                                      gsem[b]).wait()
                pltpu.async_copy(bufs[b], acc.at[didx.at[j]], ssem[b],
                                 add=True)
            for b in range(NBUF):
                j = g * NBUF + b
                pltpu.make_async_copy(bufs[b], acc.at[didx.at[j]],
                                      ssem[b]).wait()

                @pl.when(g + 1 < NG)
                def _():
                    pltpu.async_copy(tsp.at[sidx.at[j + NBUF]], bufs[b],
                                     gsem[b])

            return carry

        lax.fori_loop(0, NG, body, 0)

        @pl.when(last)
        def _():
            for t in range(XCH):
                pltpu.async_copy(tsp.at[sxidx.at[t]], bufs[0],
                                 gsem[0]).wait()
                pltpu.sync_copy(bufs[0], acc.at[dxidx.at[t]], add=True)

        plsc.subcore_barrier()
        pltpu.sync_copy(acc.at[pl.ds(r0, RPT)],
                        out_hbm.at[cid, pl.ds(r0, RPT)])

    return k(table, ei3, zeros)


def _tc_matmul(xr, w1):

    def body(xr_ref, w1_ref, z1f_ref):
        parts = [
            jnp.dot(xr_ref[:, k, :], w1_ref[...],
                    preferred_element_type=jnp.float32)
            for k in range(8)
        ]
        z1f_ref[pl.ds(0, NFV)] = jnp.concatenate(parts, axis=1)
        z1f_ref[pl.ds(NFV, NF - NFV)] = jnp.zeros((NF - NFV, 128),
                                                  jnp.float32)

    return pl.pallas_call(
        body,
        out_shape=jax.ShapeDtypeStruct((NF, 128), jnp.float32),
    )(xr, w1)


def _tc_scale(z1f, degpf):
    def body(z1f_ref, degpf_ref, zt1f_ref, dinvf_ref):
        deg = degpf_ref[0] + degpf_ref[1] + 1.0
        dinv = lax.rsqrt(deg)
        zt1f_ref[...] = dinv * z1f_ref[...]
        dinvf_ref[...] = dinv

    return pl.pallas_call(
        body,
        out_shape=(
            jax.ShapeDtypeStruct((NF, 128), jnp.float32),
            jax.ShapeDtypeStruct((NF, 128), jnp.float32),
        ),
    )(z1f, degpf)


def _tc_mid(aggpf, zt1f, dinvf, b1f):
    def body(ap_ref, zt1f_ref, dinvf_ref, b1f_ref, zt2f_ref):
        dinv = dinvf_ref[...]
        pre = dinv * (ap_ref[0] + ap_ref[1] + zt1f_ref[...]) + b1f_ref[...]
        zt2f_ref[...] = dinv * jnp.maximum(pre, 0.0)

    return pl.pallas_call(
        body,
        out_shape=jax.ShapeDtypeStruct((NF, 128), jnp.float32),
    )(aggpf, zt1f, dinvf, b1f)


def _tc_post(aggpf, zt2f, dinvf, w2, b2):
    def body(ap_ref, zt2f_ref, dinvf_ref, w2_ref, b2_ref, out_ref):
        g = dinvf_ref[...] * (ap_ref[0] + ap_ref[1] + zt2f_ref[...])
        gv = g[:NFV]
        for k in range(8):
            out_ref[:, k, :] = jnp.dot(
                gv[:, 16 * k:16 * (k + 1)], w2_ref[...],
                preferred_element_type=jnp.float32) + b2_ref[...]

    return pl.pallas_call(
        body,
        out_shape=jax.ShapeDtypeStruct((NFV, 8, 128), jnp.float32),
    )(aggpf, zt2f, dinvf, w2, b2)


def kernel(x, edge_index, W1, b1, W2, b2):
    ei = edge_index.astype(jnp.int32)
    ei3 = ei.reshape(2, ECH, CHUNK)
    xr = x.reshape(NFV, 8, 128)

    zeros = jnp.zeros((NPAD, HID), jnp.float32)
    b1f = jnp.tile(b1, 8).reshape(1, 128)

    degp = _sc_degree(ei)
    z1f = _tc_matmul(xr, W1)
    zt1f, dinvf = _tc_scale(z1f, degp.reshape(NC, NF, 128))
    agg1 = _sc_aggregate(zt1f.reshape(NPAD, HID), ei3, zeros)
    zt2f = _tc_mid(agg1.reshape(NC, NF, 128), zt1f, dinvf, b1f)
    agg2 = _sc_aggregate(zt2f.reshape(NPAD, HID), ei3, zeros)
    out3 = _tc_post(agg2.reshape(NC, NF, 128), zt2f, dinvf, W2,
                    b2.reshape(1, OUT_CH))
    return out3.reshape(N, OUT_CH)

# --- scband reference (transcript-rebuilt; emitter-appended) ---
"""Pipeline reference for scband-two-layer-gcn-7696581394715 (READ-ONLY COPY).

The authoritative reference and input builder live on the scoring server;
editing this copy changes nothing except your own understanding.
"""

import jax, jax.numpy as jnp
import numpy as np

N = 10000
E = 320000
IN_CH = 128
HIDDEN = 16
OUT_CH = 128


def _glorot(key, shape):
    fan_in, fan_out = shape[0], shape[1]
    limit = np.sqrt(6.0 / (fan_in + fan_out))
    return jax.random.uniform(key, shape, dtype=jnp.float32, minval=-limit, maxval=limit)


def setup_inputs(seed: int = 0) -> dict:
    key = jax.random.key(seed)
    k1, k2, k3, k4 = jax.random.split(key, 4)
    x = jax.random.normal(k1, (N, IN_CH), dtype=jnp.float32)
    edge_index = jax.random.randint(k2, (2, E), 0, N, dtype=jnp.int32)
    W1 = _glorot(k3, (IN_CH, HIDDEN))
    b1 = jnp.zeros((HIDDEN,), dtype=jnp.float32)
    W2 = _glorot(k4, (HIDDEN, OUT_CH))
    b2 = jnp.zeros((OUT_CH,), dtype=jnp.float32)
    return {"x": x, "edge_index": edge_index, "W1": W1, "b1": b1, "W2": W2, "b2": b2}


def gcn_conv(x, src, dst, W, b):
    # PyG GCNConv: add self-loops, symmetric normalization D^-1/2 (A+I) D^-1/2 X W + b
    n = x.shape[0]
    loop = jnp.arange(n, dtype=src.dtype)
    s = jnp.concatenate([src, loop])
    d = jnp.concatenate([dst, loop])
    h = x @ W
    deg = jnp.zeros((n,), dtype=x.dtype).at[d].add(1.0)
    deg_inv_sqrt = jnp.where(deg > 0, 1.0 / jnp.sqrt(deg), 0.0)
    norm = deg_inv_sqrt[s] * deg_inv_sqrt[d]
    msg = h[s] * norm[:, None]
    out = jnp.zeros((n, h.shape[1]), dtype=x.dtype).at[d].add(msg)
    return out + b


def reference(x, edge_index, W1, b1, W2, b2):
    src, dst = edge_index[0], edge_index[1]
    h = jax.nn.relu(gcn_conv(x, src, dst, W1, b1))
    # dropout is identity in eval mode
    return gcn_conv(h, src, dst, W2, b2)

if __name__ == "__main__":
    import jax
    _d = setup_inputs()
    print(jax.jit(kernel)(*tuple(_d.values())))

</pallas_src>

<mosaic_0001>
#map = affine_map<(d0, d1) -> (0, 0)>
#map1 = affine_map<(d0, d1) -> (0, 0, 0)>
module attributes {stable_mosaic.version = 14 : i64} {
  func.func @k(%arg0: i32, %arg1: i32, %arg2: memref<10240x16xf32, #tpu.memory_space<hbm>>, %arg3: memref<2x2500x128xi32, #tpu.memory_space<hbm>>, %arg4: memref<10240x16xf32, #tpu.memory_space<hbm>>, %arg5: memref<2x10240x16xf32, #tpu.memory_space<hbm>>, %arg6: memref<78x128xi32, #tpu.memory_space<vmem>>, %arg7: memref<78x128xi32, #tpu.memory_space<vmem>>, %arg8: memref<4x128xi32, #tpu.memory_space<vmem>>, %arg9: memref<4x128xi32, #tpu.memory_space<vmem>>, %arg10: memref<10240x16xf32, #tpu.memory_space<vmem_shared>>, %arg11: memref<10240x16xf32, #tpu.memory_space<vmem_shared>>, %arg12: memref<128x16xf32, #tpu.memory_space<vmem>>, %arg13: memref<128x16xf32, #tpu.memory_space<vmem>>, %arg14: memref<128x16xf32, #tpu.memory_space<vmem>>, %arg15: memref<128x16xf32, #tpu.memory_space<vmem>>, %arg16: memref<128x16xf32, #tpu.memory_space<vmem>>, %arg17: memref<128x16xf32, #tpu.memory_space<vmem>>, %arg18: memref<!tpu.dma_semaphore, #tpu.memory_space<semaphore_mem>>, %arg19: memref<!tpu.dma_semaphore, #tpu.memory_space<semaphore_mem>>, %arg20: memref<!tpu.dma_semaphore, #tpu.memory_space<semaphore_mem>>, %arg21: memref<!tpu.dma_semaphore, #tpu.memory_space<semaphore_mem>>, %arg22: memref<!tpu.dma_semaphore, #tpu.memory_space<semaphore_mem>>, %arg23: memref<!tpu.dma_semaphore, #tpu.memory_space<semaphore_mem>>, %arg24: memref<!tpu.dma_semaphore, #tpu.memory_space<semaphore_mem>>, %arg25: memref<!tpu.dma_semaphore, #tpu.memory_space<semaphore_mem>>, %arg26: memref<!tpu.dma_semaphore, #tpu.memory_space<semaphore_mem>>, %arg27: memref<!tpu.dma_semaphore, #tpu.memory_space<semaphore_mem>>, %arg28: memref<!tpu.dma_semaphore, #tpu.memory_space<semaphore_mem>>, %arg29: memref<!tpu.dma_semaphore, #tpu.memory_space<semaphore_mem>>) attributes {dimension_semantics = [#tpu.dimension_semantics<core_parallel>, #tpu.dimension_semantics<subcore_parallel>], iteration_bounds = array<i64: 2, 16>, scalar_prefetch = 0 : i64, scratch_operands = 24 : i64, tpu.core_type = #tpu.core_type<sc_vector_subcore>, window_params = [{transform_indices = #map}, {transform_indices = #map1}, {transform_indices = #map}, {transform_indices = #map1}]} {
    %mul3A = arith.constant 16 : i32
    %mul3A_0 = arith.muli %arg0, %mul3A : i32
    %add3A = arith.addi %mul3A_0, %arg1 : i32
    %eq3A = arith.constant 31 : i32
    %eq3A_1 = arith.cmpi eq, %add3A, %eq3A : i32
    %mul3A_2 = arith.constant 640 : i32
    %mul3A_3 = arith.muli %arg1, %mul3A_2 : i32
    "tpu.region"() ({
      %run_scoped3A_60 = tpu.sem_alloc : memref<!tpu.dma_semaphore, #tpu.memory_space<semaphore_mem>>
      %dma_start3A_61 = arith.constant 0 : i32
      %dma_start3A_62 = tpu.memref_slice %arg10[%mul3A_3, %dma_start3A_61] : memref<10240x16xf32, #tpu.memory_space<vmem_shared>> -> memref<640x16xf32, #tpu.memory_space<vmem_shared>>
      %dma_start3A_63 = arith.constant 0 : i32
      %dma_start3A_64 = tpu.memref_slice %arg4[%mul3A_3, %dma_start3A_63] : memref<10240x16xf32, #tpu.memory_space<hbm>> -> memref<640x16xf32, #tpu.memory_space<hbm>>
      tpu.enqueue_dma source(%dma_start3A_64 : memref<640x16xf32, #tpu.memory_space<hbm>>) target(%dma_start3A_62 : memref<640x16xf32, #tpu.memory_space<vmem_shared>>) target_semaphore(%run_scoped3A_60 : memref<!tpu.dma_semaphore, #tpu.memory_space<semaphore_mem>>)
      %dma_wait3A = arith.constant 0 : i32
      %dma_wait3A_65 = tpu.memref_slice %arg10[%mul3A_3, %dma_wait3A] : memref<10240x16xf32, #tpu.memory_space<vmem_shared>> -> memref<640x16xf32, #tpu.memory_space<vmem_shared>>
      %dma_wait3A_66 = arith.constant 0 : i32
      %dma_wait3A_67 = tpu.memref_slice %arg4[%mul3A_3, %dma_wait3A_66] : memref<10240x16xf32, #tpu.memory_space<hbm>> -> memref<640x16xf32, #tpu.memory_space<hbm>>
      tpu.wait_dma2 semaphore(%run_scoped3A_60 : memref<!tpu.dma_semaphore, #tpu.memory_space<semaphore_mem>>) src(%dma_wait3A_67 : memref<640x16xf32, #tpu.memory_space<hbm>>) dst(%dma_wait3A_65 : memref<640x16xf32, #tpu.memory_space<vmem_shared>>)
      tpu.yield
    }) : () -> ()
    "tpu.region"() ({
      %run_scoped3A_60 = tpu.sem_alloc : memref<!tpu.dma_semaphore, #tpu.memory_space<semaphore_mem>>
      %dma_start3A_61 = arith.constant 0 : i32
      %dma_start3A_62 = tpu.memref_slice %arg11[%mul3A_3, %dma_start3A_61] : memref<10240x16xf32, #tpu.memory_space<vmem_shared>> -> memref<640x16xf32, #tpu.memory_space<vmem_shared>>
      %dma_start3A_63 = arith.constant 0 : i32
      %dma_start3A_64 = tpu.memref_slice %arg2[%mul3A_3, %dma_start3A_63] : memref<10240x16xf32, #tpu.memory_space<hbm>> -> memref<640x16xf32, #tpu.memory_space<hbm>>
      tpu.enqueue_dma source(%dma_start3A_64 : memref<640x16xf32, #tpu.memory_space<hbm>>) target(%dma_start3A_62 : memref<640x16xf32, #tpu.memory_space<vmem_shared>>) target_semaphore(%run_scoped3A_60 : memref<!tpu.dma_semaphore, #tpu.memory_space<semaphore_mem>>)
      %dma_wait3A = arith.constant 0 : i32
      %dma_wait3A_65 = tpu.memref_slice %arg11[%mul3A_3, %dma_wait3A] : memref<10240x16xf32, #tpu.memory_space<vmem_shared>> -> memref<640x16xf32, #tpu.memory_space<vmem_shared>>
      %dma_wait3A_66 = arith.constant 0 : i32
      %dma_wait3A_67 = tpu.memref_slice %arg2[%mul3A_3, %dma_wait3A_66] : memref<10240x16xf32, #tpu.memory_space<hbm>> -> memref<640x16xf32, #tpu.memory_space<hbm>>
      tpu.wait_dma2 semaphore(%run_scoped3A_60 : memref<!tpu.dma_semaphore, #tpu.memory_space<semaphore_mem>>) src(%dma_wait3A_67 : memref<640x16xf32, #tpu.memory_space<hbm>>) dst(%dma_wait3A_65 : memref<640x16xf32, #tpu.memory_space<vmem_shared>>)
      tpu.yield
    }) : () -> ()
    %mul3A_4 = arith.constant 78 : i32
    %mul3A_5 = arith.muli %add3A, %mul3A_4 : i32
    %run_scoped3A = arith.constant 0 : i32
    "tpu.region"() ({
      %run_scoped3A_60 = tpu.sem_alloc : memref<!tpu.dma_semaphore, #tpu.memory_space<semaphore_mem>>
      %dma_start3A_61 = arith.constant 0 : i32
      %dma_start3A_62 = tpu.memref_slice %arg3[%run_scoped3A, %mul3A_5, %dma_start3A_61] : memref<2x2500x128xi32, #tpu.memory_space<hbm>> -> memref<1x78x128xi32, #tpu.memory_space<hbm>>
      %dma_start3A_63 = tpu.memref_squeeze %dma_start3A_62 : memref<1x78x128xi32, #tpu.memory_space<hbm>> -> memref<78x128xi32, #tpu.memory_space<hbm>>
      %dma_start3A_64 = arith.constant 0 : i32
      %dma_start3A_65 = tpu.memref_slice %arg3[%run_scoped3A, %mul3A_5, %dma_start3A_64] : memref<2x2500x128xi32, #tpu.memory_space<hbm>> -> memref<1x78x128xi32, #tpu.memory_space<hbm>>
      %dma_start3A_66 = tpu.memref_squeeze %dma_start3A_65 : memref<1x78x128xi32, #tpu.memory_space<hbm>> -> memref<78x128xi32, #tpu.memory_space<hbm>>
      tpu.enqueue_dma source(%dma_start3A_66 : memref<78x128xi32, #tpu.memory_space<hbm>>) target(%arg6 : memref<78x128xi32, #tpu.memory_space<vmem>>) target_semaphore(%run_scoped3A_60 : memref<!tpu.dma_semaphore, #tpu.memory_space<semaphore_mem>>)
      %dma_wait3A = arith.constant 0 : i32
      %dma_wait3A_67 = tpu.memref_slice %arg3[%run_scoped3A, %mul3A_5, %dma_wait3A] : memref<2x2500x128xi32, #tpu.memory_space<hbm>> -> memref<1x78x128xi32, #tpu.memory_space<hbm>>
      %dma_wait3A_68 = tpu.memref_squeeze %dma_wait3A_67 : memref<1x78x128xi32, #tpu.memory_space<hbm>> -> memref<78x128xi32, #tpu.memory_space<hbm>>
      %dma_wait3A_69 = arith.constant 0 : i32
      %dma_wait3A_70 = tpu.memref_slice %arg3[%run_scoped3A, %mul3A_5, %dma_wait3A_69] : memref<2x2500x128xi32, #tpu.memory_space<hbm>> -> memref<1x78x128xi32, #tpu.memory_space<hbm>>
      %dma_wait3A_71 = tpu.memref_squeeze %dma_wait3A_70 : memref<1x78x128xi32, #tpu.memory_space<hbm>> -> memref<78x128xi32, #tpu.memory_space<hbm>>
      tpu.wait_dma2 semaphore(%run_scoped3A_60 : memref<!tpu.dma_semaphore, #tpu.memory_space<semaphore_mem>>) src(%dma_wait3A_71 : memref<78x128xi32, #tpu.memory_space<hbm>>) dst(%arg6 : memref<78x128xi32, #tpu.memory_space<vmem>>)
      tpu.yield
    }) : () -> ()
    %mul3A_6 = arith.constant 78 : i32
    %mul3A_7 = arith.muli %add3A, %mul3A_6 : i32
    %run_scoped3A_8 = arith.constant 1 : i32
    "tpu.region"() ({
      %run_scoped3A_60 = tpu.sem_alloc : memref<!tpu.dma_semaphore, #tpu.memory_space<semaphore_mem>>
      %dma_start3A_61 = arith.constant 0 : i32
      %dma_start3A_62 = tpu.memref_slice %arg3[%run_scoped3A_8, %mul3A_7, %dma_start3A_61] : memref<2x2500x128xi32, #tpu.memory_space<hbm>> -> memref<1x78x128xi32, #tpu.memory_space<hbm>>
      %dma_start3A_63 = tpu.memref_squeeze %dma_start3A_62 : memref<1x78x128xi32, #tpu.memory_space<hbm>> -> memref<78x128xi32, #tpu.memory_space<hbm>>
      %dma_start3A_64 = arith.constant 0 : i32
      %dma_start3A_65 = tpu.memref_slice %arg3[%run_scoped3A_8, %mul3A_7, %dma_start3A_64] : memref<2x2500x128xi32, #tpu.memory_space<hbm>> -> memref<1x78x128xi32, #tpu.memory_space<hbm>>
      %dma_start3A_66 = tpu.memref_squeeze %dma_start3A_65 : memref<1x78x128xi32, #tpu.memory_space<hbm>> -> memref<78x128xi32, #tpu.memory_space<hbm>>
      tpu.enqueue_dma source(%dma_start3A_66 : memref<78x128xi32, #tpu.memory_space<hbm>>) target(%arg7 : memref<78x128xi32, #tpu.memory_space<vmem>>) target_semaphore(%run_scoped3A_60 : memref<!tpu.dma_semaphore, #tpu.memory_space<semaphore_mem>>)
      %dma_wait3A = arith.constant 0 : i32
      %dma_wait3A_67 = tpu.memref_slice %arg3[%run_scoped3A_8, %mul3A_7, %dma_wait3A] : memref<2x2500x128xi32, #tpu.memory_space<hbm>> -> memref<1x78x128xi32, #tpu.memory_space<hbm>>
      %dma_wait3A_68 = tpu.memref_squeeze %dma_wait3A_67 : memref<1x78x128xi32, #tpu.memory_space<hbm>> -> memref<78x128xi32, #tpu.memory_space<hbm>>
      %dma_wait3A_69 = arith.constant 0 : i32
      %dma_wait3A_70 = tpu.memref_slice %arg3[%run_scoped3A_8, %mul3A_7, %dma_wait3A_69] : memref<2x2500x128xi32, #tpu.memory_space<hbm>> -> memref<1x78x128xi32, #tpu.memory_space<hbm>>
      %dma_wait3A_71 = tpu.memref_squeeze %dma_wait3A_70 : memref<1x78x128xi32, #tpu.memory_space<hbm>> -> memref<78x128xi32, #tpu.memory_space<hbm>>
      tpu.wait_dma2 semaphore(%run_scoped3A_60 : memref<!tpu.dma_semaphore, #tpu.memory_space<semaphore_mem>>) src(%dma_wait3A_71 : memref<78x128xi32, #tpu.memory_space<hbm>>) dst(%arg7 : memref<78x128xi32, #tpu.memory_space<vmem>>)
      tpu.yield
    }) : () -> ()
    %convert_element_type3A = arith.extui %eq3A_1 : i1 to i32
    %cond3A = arith.constant 0 : i32
    %cond3A_9 = arith.cmpi ne, %convert_element_type3A, %cond3A : i32
    scf.if %cond3A_9 {
      %run_scoped3A_60 = arith.constant 0 : i32
      "tpu.region"() ({
        %run_scoped3A_62 = tpu.sem_alloc : memref<!tpu.dma_semaphore, #tpu.memory_space<semaphore_mem>>
        %dma_start3A_63 = arith.constant 2496 : i32
        %dma_start3A_64 = arith.constant 0 : i32
        %dma_start3A_65 = tpu.memref_slice %arg3[%run_scoped3A_60, %dma_start3A_63, %dma_start3A_64] : memref<2x2500x128xi32, #tpu.memory_space<hbm>> -> memref<1x4x128xi32, #tpu.memory_space<hbm>>
        %dma_start3A_66 = tpu.memref_squeeze %dma_start3A_65 : memref<1x4x128xi32, #tpu.memory_space<hbm>> -> memref<4x128xi32, #tpu.memory_space<hbm>>
        %dma_start3A_67 = arith.constant 2496 : i32
        %dma_start3A_68 = arith.constant 0 : i32
        %dma_start3A_69 = tpu.memref_slice %arg3[%run_scoped3A_60, %dma_start3A_67, %dma_start3A_68] : memref<2x2500x128xi32, #tpu.memory_space<hbm>> -> memref<1x4x128xi32, #tpu.memory_space<hbm>>
        %dma_start3A_70 = tpu.memref_squeeze %dma_start3A_69 : memref<1x4x128xi32, #tpu.memory_space<hbm>> -> memref<4x128xi32, #tpu.memory_space<hbm>>
        tpu.enqueue_dma source(%dma_start3A_70 : memref<4x128xi32, #tpu.memory_space<hbm>>) target(%arg8 : memref<4x128xi32, #tpu.memory_space<vmem>>) target_semaphore(%run_scoped3A_62 : memref<!tpu.dma_semaphore, #tpu.memory_space<semaphore_mem>>)
        %dma_wait3A = arith.constant 2496 : i32
        %dma_wait3A_71 = arith.constant 0 : i32
        %dma_wait3A_72 = tpu.memref_slice %arg3[%run_scoped3A_60, %dma_wait3A, %dma_wait3A_71] : memref<2x2500x128xi32, #tpu.memory_space<hbm>> -> memref<1x4x128xi32, #tpu.memory_space<hbm>>
        %dma_wait3A_73 = tpu.memref_squeeze %dma_wait3A_72 : memref<1x4x128xi32, #tpu.memory_space<hbm>> -> memref<4x128xi32, #tpu.memory_space<hbm>>
        %dma_wait3A_74 = arith.constant 2496 : i32
        %dma_wait3A_75 = arith.constant 0 : i32
        %dma_wait3A_76 = tpu.memref_slice %arg3[%run_scoped3A_60, %dma_wait3A_74, %dma_wait3A_75] : memref<2x2500x128xi32, #tpu.memory_space<hbm>> -> memref<1x4x128xi32, #tpu.memory_space<hbm>>
        %dma_wait3A_77 = tpu.memref_squeeze %dma_wait3A_76 : memref<1x4x128xi32, #tpu.memory_space<hbm>> -> memref<4x128xi32, #tpu.memory_space<hbm>>
        tpu.wait_dma2 semaphore(%run_scoped3A_62 : memref<!tpu.dma_semaphore, #tpu.memory_space<semaphore_mem>>) src(%dma_wait3A_77 : memref<4x128xi32, #tpu.memory_space<hbm>>) dst(%arg8 : memref<4x128xi32, #tpu.memory_space<vmem>>)
        tpu.yield
      }) : () -> ()
      %run_scoped3A_61 = arith.constant 1 : i32
      "tpu.region"() ({
        %run_scoped3A_62 = tpu.sem_alloc : memref<!tpu.dma_semaphore, #tpu.memory_space<semaphore_mem>>
        %dma_start3A_63 = arith.constant 2496 : i32
        %dma_start3A_64 = arith.constant 0 : i32
        %dma_start3A_65 = tpu.memref_slice %arg3[%run_scoped3A_61, %dma_start3A_63, %dma_start3A_64] : memref<2x2500x128xi32, #tpu.memory_space<hbm>> -> memref<1x4x128xi32, #tpu.memory_space<hbm>>
        %dma_start3A_66 = tpu.memref_squeeze %dma_start3A_65 : memref<1x4x128xi32, #tpu.memory_space<hbm>> -> memref<4x128xi32, #tpu.memory_space<hbm>>
        %dma_start3A_67 = arith.constant 2496 : i32
        %dma_start3A_68 = arith.constant 0 : i32
        %dma_start3A_69 = tpu.memref_slice %arg3[%run_scoped3A_61, %dma_start3A_67, %dma_start3A_68] : memref<2x2500x128xi32, #tpu.memory_space<hbm>> -> memref<1x4x128xi32, #tpu.memory_space<hbm>>
        %dma_start3A_70 = tpu.memref_squeeze %dma_start3A_69 : memref<1x4x128xi32, #tpu.memory_space<hbm>> -> memref<4x128xi32, #tpu.memory_space<hbm>>
        tpu.enqueue_dma source(%dma_start3A_70 : memref<4x128xi32, #tpu.memory_space<hbm>>) target(%arg9 : memref<4x128xi32, #tpu.memory_space<vmem>>) target_semaphore(%run_scoped3A_62 : memref<!tpu.dma_semaphore, #tpu.memory_space<semaphore_mem>>)
        %dma_wait3A = arith.constant 2496 : i32
        %dma_wait3A_71 = arith.constant 0 : i32
        %dma_wait3A_72 = tpu.memref_slice %arg3[%run_scoped3A_61, %dma_wait3A, %dma_wait3A_71] : memref<2x2500x128xi32, #tpu.memory_space<hbm>> -> memref<1x4x128xi32, #tpu.memory_space<hbm>>
        %dma_wait3A_73 = tpu.memref_squeeze %dma_wait3A_72 : memref<1x4x128xi32, #tpu.memory_space<hbm>> -> memref<4x128xi32, #tpu.memory_space<hbm>>
        %dma_wait3A_74 = arith.constant 2496 : i32
        %dma_wait3A_75 = arith.constant 0 : i32
        %dma_wait3A_76 = tpu.memref_slice %arg3[%run_scoped3A_61, %dma_wait3A_74, %dma_wait3A_75] : memref<2x2500x128xi32, #tpu.memory_space<hbm>> -> memref<1x4x128xi32, #tpu.memory_space<hbm>>
        %dma_wait3A_77 = tpu.memref_squeeze %dma_wait3A_76 : memref<1x4x128xi32, #tpu.memory_space<hbm>> -> memref<4x128xi32, #tpu.memory_space<hbm>>
        tpu.wait_dma2 semaphore(%run_scoped3A_62 : memref<!tpu.dma_semaphore, #tpu.memory_space<semaphore_mem>>) src(%dma_wait3A_77 : memref<4x128xi32, #tpu.memory_space<hbm>>) dst(%arg9 : memref<4x128xi32, #tpu.memory_space<vmem>>)
        tpu.yield
      }) : () -> ()
    } else {
    }
    %barrier3A = arith.constant 0 : index
    tpu.barrier barrier_id(%barrier3A)
    %dma_start3A = arith.constant 0 : i32
    %dma_start3A_10 = arith.constant 0 : i32
    %dma_start3A_11 = tpu.memref_slice %arg6[%dma_start3A, %dma_start3A_10] : memref<78x128xi32, #tpu.memory_space<vmem>> -> memref<1x128xi32, #tpu.memory_space<vmem>>
    %dma_start3A_12 = tpu.memref_squeeze %dma_start3A_11 : memref<1x128xi32, #tpu.memory_space<vmem>> -> memref<128xi32, #tpu.memory_space<vmem>>
    %dma_start3A_13 = arith.constant 0 : i32
    %dma_start3A_14 = arith.constant 0 : i32
    %dma_start3A_15 = tpu.memref_slice %arg11[%dma_start3A_13, %dma_start3A_14] : memref<10240x16xf32, #tpu.memory_space<vmem_shared>> -> memref<10240x16xf32, #tpu.memory_space<vmem_shared>>
    tpu.enqueue_indirect_dma source(%dma_start3A_15 : memref<10240x16xf32, #tpu.memory_space<vmem_shared>>) target(%arg12 : memref<128x16xf32, #tpu.memory_space<vmem>>) offsets(%dma_start3A_12 : memref<128xi32, #tpu.memory_space<vmem>>) semaphore(%arg18 : memref<!tpu.dma_semaphore, #tpu.memory_space<semaphore_mem>>)
    %dma_start3A_16 = arith.constant 1 : i32
    %dma_start3A_17 = arith.constant 0 : i32
    %dma_start3A_18 = tpu.memref_slice %arg6[%dma_start3A_16, %dma_start3A_17] : memref<78x128xi32, #tpu.memory_space<vmem>> -> memref<1x128xi32, #tpu.memory_space<vmem>>
    %dma_start3A_19 = tpu.memref_squeeze %dma_start3A_18 : memref<1x128xi32, #tpu.memory_space<vmem>> -> memref<128xi32, #tpu.memory_space<vmem>>
    %dma_start3A_20 = arith.constant 0 : i32
    %dma_start3A_21 = arith.constant 0 : i32
    %dma_start3A_22 = tpu.memref_slice %arg11[%dma_start3A_20, %dma_start3A_21] : memref<10240x16xf32, #tpu.memory_space<vmem_shared>> -> memref<10240x16xf32, #tpu.memory_space<vmem_shared>>
    tpu.enqueue_indirect_dma source(%dma_start3A_22 : memref<10240x16xf32, #tpu.memory_space<vmem_shared>>) target(%arg13 : memref<128x16xf32, #tpu.memory_space<vmem>>) offsets(%dma_start3A_19 : memref<128xi32, #tpu.memory_space<vmem>>) semaphore(%arg19 : memref<!tpu.dma_semaphore, #tpu.memory_space<semaphore_mem>>)
    %dma_start3A_23 = arith.constant 2 : i32
    %dma_start3A_24 = arith.constant 0 : i32
    %dma_start3A_25 = tpu.memref_slice %arg6[%dma_start3A_23, %dma_start3A_24] : memref<78x128xi32, #tpu.memory_space<vmem>> -> memref<1x128xi32, #tpu.memory_space<vmem>>
    %dma_start3A_26 = tpu.memref_squeeze %dma_start3A_25 : memref<1x128xi32, #tpu.memory_space<vmem>> -> memref<128xi32, #tpu.memory_space<vmem>>
    %dma_start3A_27 = arith.constant 0 : i32
    %dma_start3A_28 = arith.constant 0 : i32
    %dma_start3A_29 = tpu.memref_slice %arg11[%dma_start3A_27, %dma_start3A_28] : memref<10240x16xf32, #tpu.memory_space<vmem_shared>> -> memref<10240x16xf32, #tpu.memory_space<vmem_shared>>
    tpu.enqueue_indirect_dma source(%dma_start3A_29 : memref<10240x16xf32, #tpu.memory_space<vmem_shared>>) target(%arg14 : memref<128x16xf32, #tpu.memory_space<vmem>>) offsets(%dma_start3A_26 : memref<128xi32, #tpu.memory_space<vmem>>) semaphore(%arg20 : memref<!tpu.dma_semaphore, #tpu.memory_space<semaphore_mem>>)
    %dma_start3A_30 = arith.constant 3 : i32
    %dma_start3A_31 = arith.constant 0 : i32
    %dma_start3A_32 = tpu.memref_slice %arg6[%dma_start3A_30, %dma_start3A_31] : memref<78x128xi32, #tpu.memory_space<vmem>> -> memref<1x128xi32, #tpu.memory_space<vmem>>
    %dma_start3A_33 = tpu.memref_squeeze %dma_start3A_32 : memref<1x128xi32, #tpu.memory_space<vmem>> -> memref<128xi32, #tpu.memory_space<vmem>>
    %dma_start3A_34 = arith.constant 0 : i32
    %dma_start3A_35 = arith.constant 0 : i32
    %dma_start3A_36 = tpu.memref_slice %arg11[%dma_start3A_34, %dma_start3A_35] : memref<10240x16xf32, #tpu.memory_space<vmem_shared>> -> memref<10240x16xf32, #tpu.memory_space<vmem_shared>>
    tpu.enqueue_indirect_dma source(%dma_start3A_36 : memref<10240x16xf32, #tpu.memory_space<vmem_shared>>) target(%arg15 : memref<128x16xf32, #tpu.memory_space<vmem>>) offsets(%dma_start3A_33 : memref<128xi32, #tpu.memory_space<vmem>>) semaphore(%arg21 : memref<!tpu.dma_semaphore, #tpu.memory_space<semaphore_mem>>)
    %dma_start3A_37 = arith.constant 4 : i32
    %dma_start3A_38 = arith.constant 0 : i32
    %dma_start3A_39 = tpu.memref_slice %arg6[%dma_start3A_37, %dma_start3A_38] : memref<78x128xi32, #tpu.memory_space<vmem>> -> memref<1x128xi32, #tpu.memory_space<vmem>>
    %dma_start3A_40 = tpu.memref_squeeze %dma_start3A_39 : memref<1x128xi32, #tpu.memory_space<vmem>> -> memref<128xi32, #tpu.memory_space<vmem>>
    %dma_start3A_41 = arith.constant 0 : i32
    %dma_start3A_42 = arith.constant 0 : i32
    %dma_start3A_43 = tpu.memref_slice %arg11[%dma_start3A_41, %dma_start3A_42] : memref<10240x16xf32, #tpu.memory_space<vmem_shared>> -> memref<10240x16xf32, #tpu.memory_space<vmem_shared>>
    tpu.enqueue_indirect_dma source(%dma_start3A_43 : memref<10240x16xf32, #tpu.memory_space<vmem_shared>>) target(%arg16 : memref<128x16xf32, #tpu.memory_space<vmem>>) offsets(%dma_start3A_40 : memref<128xi32, #tpu.memory_space<vmem>>) semaphore(%arg22 : memref<!tpu.dma_semaphore, #tpu.memory_space<semaphore_mem>>)
    %dma_start3A_44 = arith.constant 5 : i32
    %dma_start3A_45 = arith.constant 0 : i32
    %dma_start3A_46 = tpu.memref_slice %arg6[%dma_start3A_44, %dma_start3A_45] : memref<78x128xi32, #tpu.memory_space<vmem>> -> memref<1x128xi32, #tpu.memory_space<vmem>>
    %dma_start3A_47 = tpu.memref_squeeze %dma_start3A_46 : memref<1x128xi32, #tpu.memory_space<vmem>> -> memref<128xi32, #tpu.memory_space<vmem>>
    %dma_start3A_48 = arith.constant 0 : i32
    %dma_start3A_49 = arith.constant 0 : i32
    %dma_start3A_50 = tpu.memref_slice %arg11[%dma_start3A_48, %dma_start3A_49] : memref<10240x16xf32, #tpu.memory_space<vmem_shared>> -> memref<10240x16xf32, #tpu.memory_space<vmem_shared>>
    tpu.enqueue_indirect_dma source(%dma_start3A_50 : memref<10240x16xf32, #tpu.memory_space<vmem_shared>>) target(%arg17 : memref<128x16xf32, #tpu.memory_space<vmem>>) offsets(%dma_start3A_47 : memref<128xi32, #tpu.memory_space<vmem>>) semaphore(%arg23 : memref<!tpu.dma_semaphore, #tpu.memory_space<semaphore_mem>>)
    %scan3A = arith.constant 0 : i32
    %scan3A_51 = arith.constant 0 : i32
    %scan3A_52 = arith.constant 13 : i32
    %scan3A_53 = arith.addi %scan3A_51, %scan3A_52 : i32
    %scan3A_54 = arith.constant 1 : i32
    scf.for %scan3A_60 = %scan3A_51 to %scan3A_53 step %scan3A_54  : i32 {
      %mul3A_61 = arith.constant 6 : i32
      %mul3A_62 = arith.muli %scan3A_60, %mul3A_61 : i32
      %add3A_63 = arith.constant 0 : i32
      %add3A_64 = arith.addi %mul3A_62, %add3A_63 : i32
      %dma_wait3A = arith.constant 0 : i32
      %dma_wait3A_65 = tpu.memref_slice %arg6[%add3A_64, %dma_wait3A] : memref<78x128xi32, #tpu.memory_space<vmem>> -> memref<1x128xi32, #tpu.memory_space<vmem>>
      %dma_wait3A_66 = tpu.memref_squeeze %dma_wait3A_65 : memref<1x128xi32, #tpu.memory_space<vmem>> -> memref<128xi32, #tpu.memory_space<vmem>>
      %dma_wait3A_67 = arith.constant 0 : i32
      %dma_wait3A_68 = arith.constant 0 : i32
      %dma_wait3A_69 = tpu.memref_slice %arg11[%dma_wait3A_67, %dma_wait3A_68] : memref<10240x16xf32, #tpu.memory_space<vmem_shared>> -> memref<10240x16xf32, #tpu.memory_space<vmem_shared>>
      tpu.wait_indirect_dma semaphore(%arg18 : memref<!tpu.dma_semaphore, #tpu.memory_space<semaphore_mem>>) src(%dma_wait3A_69 : memref<10240x16xf32, #tpu.memory_space<vmem_shared>>) dst(%arg12 : memref<128x16xf32, #tpu.memory_space<vmem>>)
      %dma_start3A_70 = arith.constant 0 : i32
      %dma_start3A_71 = tpu.memref_slice %arg7[%add3A_64, %dma_start3A_70] : memref<78x128xi32, #tpu.memory_space<vmem>> -> memref<1x128xi32, #tpu.memory_space<vmem>>
      %dma_start3A_72 = tpu.memref_squeeze %dma_start3A_71 : memref<1x128xi32, #tpu.memory_space<vmem>> -> memref<128xi32, #tpu.memory_space<vmem>>
      %dma_start3A_73 = arith.constant 0 : i32
      %dma_start3A_74 = arith.constant 0 : i32
      %dma_start3A_75 = tpu.memref_slice %arg10[%dma_start3A_73, %dma_start3A_74] : memref<10240x16xf32, #tpu.memory_space<vmem_shared>> -> memref<10240x16xf32, #tpu.memory_space<vmem_shared>>
      tpu.enqueue_indirect_dma source(%arg12 : memref<128x16xf32, #tpu.memory_space<vmem>>) target(%dma_start3A_75 : memref<10240x16xf32, #tpu.memory_space<vmem_shared>>) offsets(%dma_start3A_72 : memref<128xi32, #tpu.memory_space<vmem>>) semaphore(%arg24 : memref<!tpu.dma_semaphore, #tpu.memory_space<semaphore_mem>>) {add = true}
      %mul3A_76 = arith.constant 6 : i32
      %mul3A_77 = arith.muli %scan3A_60, %mul3A_76 : i32
      %add3A_78 = arith.constant 1 : i32
      %add3A_79 = arith.addi %mul3A_77, %add3A_78 : i32
      %dma_wait3A_80 = arith.constant 0 : i32
      %dma_wait3A_81 = tpu.memref_slice %arg6[%add3A_79, %dma_wait3A_80] : memref<78x128xi32, #tpu.memory_space<vmem>> -> memref<1x128xi32, #tpu.memory_space<vmem>>
      %dma_wait3A_82 = tpu.memref_squeeze %dma_wait3A_81 : memref<1x128xi32, #tpu.memory_space<vmem>> -> memref<128xi32, #tpu.memory_space<vmem>>
      %dma_wait3A_83 = arith.constant 0 : i32
      %dma_wait3A_84 = arith.constant 0 : i32
      %dma_wait3A_85 = tpu.memref_slice %arg11[%dma_wait3A_83, %dma_wait3A_84] : memref<10240x16xf32, #tpu.memory_space<vmem_shared>> -> memref<10240x16xf32, #tpu.memory_space<vmem_shared>>
      tpu.wait_indirect_dma semaphore(%arg19 : memref<!tpu.dma_semaphore, #tpu.memory_space<semaphore_mem>>) src(%dma_wait3A_85 : memref<10240x16xf32, #tpu.memory_space<vmem_shared>>) dst(%arg13 : memref<128x16xf32, #tpu.memory_space<vmem>>)
      %dma_start3A_86 = arith.constant 0 : i32
      %dma_start3A_87 = tpu.memref_slice %arg7[%add3A_79, %dma_start3A_86] : memref<78x128xi32, #tpu.memory_space<vmem>> -> memref<1x128xi32, #tpu.memory_space<vmem>>
      %dma_start3A_88 = tpu.memref_squeeze %dma_start3A_87 : memref<1x128xi32, #tpu.memory_space<vmem>> -> memref<128xi32, #tpu.memory_space<vmem>>
      %dma_start3A_89 = arith.constant 0 : i32
      %dma_start3A_90 = arith.constant 0 : i32
      %dma_start3A_91 = tpu.memref_slice %arg10[%dma_start3A_89, %dma_start3A_90] : memref<10240x16xf32, #tpu.memory_space<vmem_shared>> -> memref<10240x16xf32, #tpu.memory_space<vmem_shared>>
      tpu.enqueue_indirect_dma source(%arg13 : memref<128x16xf32, #tpu.memory_space<vmem>>) target(%dma_start3A_91 : memref<10240x16xf32, #tpu.memory_space<vmem_shared>>) offsets(%dma_start3A_88 : memref<128xi32, #tpu.memory_space<vmem>>) semaphore(%arg25 : memref<!tpu.dma_semaphore, #tpu.memory_space<semaphore_mem>>) {add = true}
      %mul3A_92 = arith.constant 6 : i32
      %mul3A_93 = arith.muli %scan3A_60, %mul3A_92 : i32
      %add3A_94 = arith.constant 2 : i32
      %add3A_95 = arith.addi %mul3A_93, %add3A_94 : i32
      %dma_wait3A_96 = arith.constant 0 : i32
      %dma_wait3A_97 = tpu.memref_slice %arg6[%add3A_95, %dma_wait3A_96] : memref<78x128xi32, #tpu.memory_space<vmem>> -> memref<1x128xi32, #tpu.memory_space<vmem>>
      %dma_wait3A_98 = tpu.memref_squeeze %dma_wait3A_97 : memref<1x128xi32, #tpu.memory_space<vmem>> -> memref<128xi32, #tpu.memory_space<vmem>>
      %dma_wait3A_99 = arith.constant 0 : i32
      %dma_wait3A_100 = arith.constant 0 : i32
      %dma_wait3A_101 = tpu.memref_slice %arg11[%dma_wait3A_99, %dma_wait3A_100] : memref<10240x16xf32, #tpu.memory_space<vmem_shared>> -> memref<10240x16xf32, #tpu.memory_space<vmem_shared>>
      tpu.wait_indirect_dma semaphore(%arg20 : memref<!tpu.dma_semaphore, #tpu.memory_space<semaphore_mem>>) src(%dma_wait3A_101 : memref<10240x16xf32, #tpu.memory_space<vmem_shared>>) dst(%arg14 : memref<128x16xf32, #tpu.memory_space<vmem>>)
      %dma_start3A_102 = arith.constant 0 : i32
      %dma_start3A_103 = tpu.memref_slice %arg7[%add3A_95, %dma_start3A_102] : memref<78x128xi32, #tpu.memory_space<vmem>> -> memref<1x128xi32, #tpu.memory_space<vmem>>
      %dma_start3A_104 = tpu.memref_squeeze %dma_start3A_103 : memref<1x128xi32, #tpu.memory_space<vmem>> -> memref<128xi32, #tpu.memory_space<vmem>>
      %dma_start3A_105 = arith.constant 0 : i32
      %dma_start3A_106 = arith.constant 0 : i32
      %dma_start3A_107 = tpu.memref_slice %arg10[%dma_start3A_105, %dma_start3A_106] : memref<10240x16xf32, #tpu.memory_space<vmem_shared>> -> memref<10240x16xf32, #tpu.memory_space<vmem_shared>>
      tpu.enqueue_indirect_dma source(%arg14 : memref<128x16xf32, #tpu.memory_space<vmem>>) target(%dma_start3A_107 : memref<10240x16xf32, #tpu.memory_space<vmem_shared>>) offsets(%dma_start3A_104 : memref<128xi32, #tpu.memory_space<vmem>>) semaphore(%arg26 : memref<!tpu.dma_semaphore, #tpu.memory_space<semaphore_mem>>) {add = true}
      %mul3A_108 = arith.constant 6 : i32
      %mul3A_109 = arith.muli %scan3A_60, %mul3A_108 : i32
      %add3A_110 = arith.constant 3 : i32
      %add3A_111 = arith.addi %mul3A_109, %add3A_110 : i32
      %dma_wait3A_112 = arith.constant 0 : i32
      %dma_wait3A_113 = tpu.memref_slice %arg6[%add3A_111, %dma_wait3A_112] : memref<78x128xi32, #tpu.memory_space<vmem>> -> memref<1x128xi32, #tpu.memory_space<vmem>>
      %dma_wait3A_114 = tpu.memref_squeeze %dma_wait3A_113 : memref<1x128xi32, #tpu.memory_space<vmem>> -> memref<128xi32, #tpu.memory_space<vmem>>
      %dma_wait3A_115 = arith.constant 0 : i32
      %dma_wait3A_116 = arith.constant 0 : i32
      %dma_wait3A_117 = tpu.memref_slice %arg11[%dma_wait3A_115, %dma_wait3A_116] : memref<10240x16xf32, #tpu.memory_space<vmem_shared>> -> memref<10240x16xf32, #tpu.memory_space<vmem_shared>>
      tpu.wait_indirect_dma semaphore(%arg21 : memref<!tpu.dma_semaphore, #tpu.memory_space<semaphore_mem>>) src(%dma_wait3A_117 : memref<10240x16xf32, #tpu.memory_space<vmem_shared>>) dst(%arg15 : memref<128x16xf32, #tpu.memory_space<vmem>>)
      %dma_start3A_118 = arith.constant 0 : i32
      %dma_start3A_119 = tpu.memref_slice %arg7[%add3A_111, %dma_start3A_118] : memref<78x128xi32, #tpu.memory_space<vmem>> -> memref<1x128xi32, #tpu.memory_space<vmem>>
      %dma_start3A_120 = tpu.memref_squeeze %dma_start3A_119 : memref<1x128xi32, #tpu.memory_space<vmem>> -> memref<128xi32, #tpu.memory_space<vmem>>
      %dma_start3A_121 = arith.constant 0 : i32
      %dma_start3A_122 = arith.constant 0 : i32
      %dma_start3A_123 = tpu.memref_slice %arg10[%dma_start3A_121, %dma_start3A_122] : memref<10240x16xf32, #tpu.memory_space<vmem_shared>> -> memref<10240x16xf32, #tpu.memory_space<vmem_shared>>
      tpu.enqueue_indirect_dma source(%arg15 : memref<128x16xf32, #tpu.memory_space<vmem>>) target(%dma_start3A_123 : memref<10240x16xf32, #tpu.memory_space<vmem_shared>>) offsets(%dma_start3A_120 : memref<128xi32, #tpu.memory_space<vmem>>) semaphore(%arg27 : memref<!tpu.dma_semaphore, #tpu.memory_space<semaphore_mem>>) {add = true}
      %mul3A_124 = arith.constant 6 : i32
      %mul3A_125 = arith.muli %scan3A_60, %mul3A_124 : i32
      %add3A_126 = arith.constant 4 : i32
      %add3A_127 = arith.addi %mul3A_125, %add3A_126 : i32
      %dma_wait3A_128 = arith.constant 0 : i32
      %dma_wait3A_129 = tpu.memref_slice %arg6[%add3A_127, %dma_wait3A_128] : memref<78x128xi32, #tpu.memory_space<vmem>> -> memref<1x128xi32, #tpu.memory_space<vmem>>
      %dma_wait3A_130 = tpu.memref_squeeze %dma_wait3A_129 : memref<1x128xi32, #tpu.memory_space<vmem>> -> memref<128xi32, #tpu.memory_space<vmem>>
      %dma_wait3A_131 = arith.constant 0 : i32
      %dma_wait3A_132 = arith.constant 0 : i32
      %dma_wait3A_133 = tpu.memref_slice %arg11[%dma_wait3A_131, %dma_wait3A_132] : memref<10240x16xf32, #tpu.memory_space<vmem_shared>> -> memref<10240x16xf32, #tpu.memory_space<vmem_shared>>
      tpu.wait_indirect_dma semaphore(%arg22 : memref<!tpu.dma_semaphore, #tpu.memory_space<semaphore_mem>>) src(%dma_wait3A_133 : memref<10240x16xf32, #tpu.memory_space<vmem_shared>>) dst(%arg16 : memref<128x16xf32, #tpu.memory_space<vmem>>)
      %dma_start3A_134 = arith.constant 0 : i32
      %dma_start3A_135 = tpu.memref_slice %arg7[%add3A_127, %dma_start3A_134] : memref<78x128xi32, #tpu.memory_space<vmem>> -> memref<1x128xi32, #tpu.memory_space<vmem>>
      %dma_start3A_136 = tpu.memref_squeeze %dma_start3A_135 : memref<1x128xi32, #tpu.memory_space<vmem>> -> memref<128xi32, #tpu.memory_space<vmem>>
      %dma_start3A_137 = arith.constant 0 : i32
      %dma_start3A_138 = arith.constant 0 : i32
      %dma_start3A_139 = tpu.memref_slice %arg10[%dma_start3A_137, %dma_start3A_138] : memref<10240x16xf32, #tpu.memory_space<vmem_shared>> -> memref<10240x16xf32, #tpu.memory_space<vmem_shared>>
      tpu.enqueue_indirect_dma source(%arg16 : memref<128x16xf32, #tpu.memory_space<vmem>>) target(%dma_start3A_139 : memref<10240x16xf32, #tpu.memory_space<vmem_shared>>) offsets(%dma_start3A_136 : memref<128xi32, #tpu.memory_space<vmem>>) semaphore(%arg28 : memref<!tpu.dma_semaphore, #tpu.memory_space<semaphore_mem>>) {add = true}
      %mul3A_140 = arith.constant 6 : i32
      %mul3A_141 = arith.muli %scan3A_60, %mul3A_140 : i32
      %add3A_142 = arith.constant 5 : i32
      %add3A_143 = arith.addi %mul3A_141, %add3A_142 : i32
      %dma_wait3A_144 = arith.constant 0 : i32
      %dma_wait3A_145 = tpu.memref_slice %arg6[%add3A_143, %dma_wait3A_144] : memref<78x128xi32, #tpu.memory_space<vmem>> -> memref<1x128xi32, #tpu.memory_space<vmem>>
      %dma_wait3A_146 = tpu.memref_squeeze %dma_wait3A_145 : memref<1x128xi32, #tpu.memory_space<vmem>> -> memref<128xi32, #tpu.memory_space<vmem>>
      %dma_wait3A_147 = arith.constant 0 : i32
      %dma_wait3A_148 = arith.constant 0 : i32
      %dma_wait3A_149 = tpu.memref_slice %arg11[%dma_wait3A_147, %dma_wait3A_148] : memref<10240x16xf32, #tpu.memory_space<vmem_shared>> -> memref<10240x16xf32, #tpu.memory_space<vmem_shared>>
      tpu.wait_indirect_dma semaphore(%arg23 : memref<!tpu.dma_semaphore, #tpu.memory_space<semaphore_mem>>) src(%dma_wait3A_149 : memref<10240x16xf32, #tpu.memory_space<vmem_shared>>) dst(%arg17 : memref<128x16xf32, #tpu.memory_space<vmem>>)
      %dma_start3A_150 = arith.constant 0 : i32
      %dma_start3A_151 = tpu.memref_slice %arg7[%add3A_143, %dma_start3A_150] : memref<78x128xi32, #tpu.memory_space<vmem>> -> memref<1x128xi32, #tpu.memory_space<vmem>>
      %dma_start3A_152 = tpu.memref_squeeze %dma_start3A_151 : memref<1x128xi32, #tpu.memory_space<vmem>> -> memref<128xi32, #tpu.memory_space<vmem>>
      %dma_start3A_153 = arith.constant 0 : i32
      %dma_start3A_154 = arith.constant 0 : i32
      %dma_start3A_155 = tpu.memref_slice %arg10[%dma_start3A_153, %dma_start3A_154] : memref<10240x16xf32, #tpu.memory_space<vmem_shared>> -> memref<10240x16xf32, #tpu.memory_space<vmem_shared>>
      tpu.enqueue_indirect_dma source(%arg17 : memref<128x16xf32, #tpu.memory_space<vmem>>) target(%dma_start3A_155 : memref<10240x16xf32, #tpu.memory_space<vmem_shared>>) offsets(%dma_start3A_152 : memref<128xi32, #tpu.memory_space<vmem>>) semaphore(%arg29 : memref<!tpu.dma_semaphore, #tpu.memory_space<semaphore_mem>>) {add = true}
      %mul3A_156 = arith.constant 6 : i32
      %mul3A_157 = arith.muli %scan3A_60, %mul3A_156 : i32
      %add3A_158 = arith.constant 0 : i32
      %add3A_159 = arith.addi %mul3A_157, %add3A_158 : i32
      %dma_wait3A_160 = arith.constant 0 : i32
      %dma_wait3A_161 = tpu.memref_slice %arg7[%add3A_159, %dma_wait3A_160] : memref<78x128xi32, #tpu.memory_space<vmem>> -> memref<1x128xi32, #tpu.memory_space<vmem>>
      %dma_wait3A_162 = tpu.memref_squeeze %dma_wait3A_161 : memref<1x128xi32, #tpu.memory_space<vmem>> -> memref<128xi32, #tpu.memory_space<vmem>>
      %dma_wait3A_163 = arith.constant 0 : i32
      %dma_wait3A_164 = arith.constant 0 : i32
      %dma_wait3A_165 = tpu.memref_slice %arg10[%dma_wait3A_163, %dma_wait3A_164] : memref<10240x16xf32, #tpu.memory_space<vmem_shared>> -> memref<10240x16xf32, #tpu.memory_space<vmem_shared>>
      tpu.wait_indirect_dma semaphore(%arg24 : memref<!tpu.dma_semaphore, #tpu.memory_space<semaphore_mem>>) src(%arg12 : memref<128x16xf32, #tpu.memory_space<vmem>>) dst(%dma_wait3A_165 : memref<10240x16xf32, #tpu.memory_space<vmem_shared>>)
      %add3A_166 = arith.constant 1 : i32
      %add3A_167 = arith.addi %scan3A_60, %add3A_166 : i32
      %lt3A = arith.constant 13 : i32
      %lt3A_168 = arith.cmpi slt, %add3A_167, %lt3A : i32
      %convert_element_type3A_169 = arith.extui %lt3A_168 : i1 to i32
      %cond3A_170 = arith.constant 0 : i32
      %cond3A_171 = arith.cmpi ne, %convert_element_type3A_169, %cond3A_170 : i32
      scf.if %cond3A_171 {
        %add3A_257 = arith.constant 6 : i32
        %add3A_258 = arith.addi %add3A_159, %add3A_257 : i32
        %dma_start3A_259 = arith.constant 0 : i32
        %dma_start3A_260 = tpu.memref_slice %arg6[%add3A_258, %dma_start3A_259] : memref<78x128xi32, #tpu.memory_space<vmem>> -> memref<1x128xi32, #tpu.memory_space<vmem>>
        %dma_start3A_261 = tpu.memref_squeeze %dma_start3A_260 : memref<1x128xi32, #tpu.memory_space<vmem>> -> memref<128xi32, #tpu.memory_space<vmem>>
        %dma_start3A_262 = arith.constant 0 : i32
        %dma_start3A_263 = arith.constant 0 : i32
        %dma_start3A_264 = tpu.memref_slice %arg11[%dma_start3A_262, %dma_start3A_263] : memref<10240x16xf32, #tpu.memory_space<vmem_shared>> -> memref<10240x16xf32, #tpu.memory_space<vmem_shared>>
        tpu.enqueue_indirect_dma source(%dma_start3A_264 : memref<10240x16xf32, #tpu.memory_space<vmem_shared>>) target(%arg12 : memref<128x16xf32, #tpu.memory_space<vmem>>) offsets(%dma_start3A_261 : memref<128xi32, #tpu.memory_space<vmem>>) semaphore(%arg18 : memref<!tpu.dma_semaphore, #tpu.memory_space<semaphore_mem>>)
      } else {
      }
      %mul3A_172 = arith.constant 6 : i32
      %mul3A_173 = arith.muli %scan3A_60, %mul3A_172 : i32
      %add3A_174 = arith.constant 1 : i32
      %add3A_175 = arith.addi %mul3A_173, %add3A_174 : i32
      %dma_wait3A_176 = arith.constant 0 : i32
      %dma_wait3A_177 = tpu.memref_slice %arg7[%add3A_175, %dma_wait3A_176] : memref<78x128xi32, #tpu.memory_space<vmem>> -> memref<1x128xi32, #tpu.memory_space<vmem>>
      %dma_wait3A_178 = tpu.memref_squeeze %dma_wait3A_177 : memref<1x128xi32, #tpu.memory_space<vmem>> -> memref<128xi32, #tpu.memory_space<vmem>>
      %dma_wait3A_179 = arith.constant 0 : i32
      %dma_wait3A_180 = arith.constant 0 : i32
      %dma_wait3A_181 = tpu.memref_slice %arg10[%dma_wait3A_179, %dma_wait3A_180] : memref<10240x16xf32, #tpu.memory_space<vmem_shared>> -> memref<10240x16xf32, #tpu.memory_space<vmem_shared>>
      tpu.wait_indirect_dma semaphore(%arg25 : memref<!tpu.dma_semaphore, #tpu.memory_space<semaphore_mem>>) src(%arg13 : memref<128x16xf32, #tpu.memory_space<vmem>>) dst(%dma_wait3A_181 : memref<10240x16xf32, #tpu.memory_space<vmem_shared>>)
      %add3A_182 = arith.constant 1 : i32
      %add3A_183 = arith.addi %scan3A_60, %add3A_182 : i32
      %lt3A_184 = arith.constant 13 : i32
      %lt3A_185 = arith.cmpi slt, %add3A_183, %lt3A_184 : i32
      %convert_element_type3A_186 = arith.extui %lt3A_185 : i1 to i32
      %cond3A_187 = arith.constant 0 : i32
      %cond3A_188 = arith.cmpi ne, %convert_element_type3A_186, %cond3A_187 : i32
      scf.if %cond3A_188 {
        %add3A_257 = arith.constant 6 : i32
        %add3A_258 = arith.addi %add3A_175, %add3A_257 : i32
        %dma_start3A_259 = arith.constant 0 : i32
        %dma_start3A_260 = tpu.memref_slice %arg6[%add3A_258, %dma_start3A_259] : memref<78x128xi32, #tpu.memory_space<vmem>> -> memref<1x128xi32, #tpu.memory_space<vmem>>
        %dma_start3A_261 = tpu.memref_squeeze %dma_start3A_260 : memref<1x128xi32, #tpu.memory_space<vmem>> -> memref<128xi32, #tpu.memory_space<vmem>>
        %dma_start3A_262 = arith.constant 0 : i32
        %dma_start3A_263 = arith.constant 0 : i32
        %dma_start3A_264 = tpu.memref_slice %arg11[%dma_start3A_262, %dma_start3A_263] : memref<10240x16xf32, #tpu.memory_space<vmem_shared>> -> memref<10240x16xf32, #tpu.memory_space<vmem_shared>>
        tpu.enqueue_indirect_dma source(%dma_start3A_264 : memref<10240x16xf32, #tpu.memory_space<vmem_shared>>) target(%arg13 : memref<128x16xf32, #tpu.memory_space<vmem>>) offsets(%dma_start3A_261 : memref<128xi32, #tpu.memory_space<vmem>>) semaphore(%arg19 : memref<!tpu.dma_semaphore, #tpu.memory_space<semaphore_mem>>)
      } else {
      }
      %mul3A_189 = arith.constant 6 : i32
      %mul3A_190 = arith.muli %scan3A_60, %mul3A_189 : i32
      %add3A_191 = arith.constant 2 : i32
      %add3A_192 = arith.addi %mul3A_190, %add3A_191 : i32
      %dma_wait3A_193 = arith.constant 0 : i32
      %dma_wait3A_194 = tpu.memref_slice %arg7[%add3A_192, %dma_wait3A_193] : memref<78x128xi32, #tpu.memory_space<vmem>> -> memref<1x128xi32, #tpu.memory_space<vmem>>
      %dma_wait3A_195 = tpu.memref_squeeze %dma_wait3A_194 : memref<1x128xi32, #tpu.memory_space<vmem>> -> memref<128xi32, #tpu.memory_space<vmem>>
      %dma_wait3A_196 = arith.constant 0 : i32
      %dma_wait3A_197 = arith.constant 0 : i32
      %dma_wait3A_198 = tpu.memref_slice %arg10[%dma_wait3A_196, %dma_wait3A_197] : memref<10240x16xf32, #tpu.memory_space<vmem_shared>> -> memref<10240x16xf32, #tpu.memory_space<vmem_shared>>
      tpu.wait_indirect_dma semaphore(%arg26 : memref<!tpu.dma_semaphore, #tpu.memory_space<semaphore_mem>>) src(%arg14 : memref<128x16xf32, #tpu.memory_space<vmem>>) dst(%dma_wait3A_198 : memref<10240x16xf32, #tpu.memory_space<vmem_shared>>)
      %add3A_199 = arith.constant 1 : i32
      %add3A_200 = arith.addi %scan3A_60, %add3A_199 : i32
      %lt3A_201 = arith.constant 13 : i32
      %lt3A_202 = arith.cmpi slt, %add3A_200, %lt3A_201 : i32
      %convert_element_type3A_203 = arith.extui %lt3A_202 : i1 to i32
      %cond3A_204 = arith.constant 0 : i32
      %cond3A_205 = arith.cmpi ne, %convert_element_type3A_203, %cond3A_204 : i32
      scf.if %cond3A_205 {
        %add3A_257 = arith.constant 6 : i32
        %add3A_258 = arith.addi %add3A_192, %add3A_257 : i32
        %dma_start3A_259 = arith.constant 0 : i32
        %dma_start3A_260 = tpu.memref_slice %arg6[%add3A_258, %dma_start3A_259] : memref<78x128xi32, #tpu.memory_space<vmem>> -> memref<1x128xi32, #tpu.memory_space<vmem>>
        %dma_start3A_261 = tpu.memref_squeeze %dma_start3A_260 : memref<1x128xi32, #tpu.memory_space<vmem>> -> memref<128xi32, #tpu.memory_space<vmem>>
        %dma_start3A_262 = arith.constant 0 : i32
        %dma_start3A_263 = arith.constant 0 : i32
        %dma_start3A_264 = tpu.memref_slice %arg11[%dma_start3A_262, %dma_start3A_263] : memref<10240x16xf32, #tpu.memory_space<vmem_shared>> -> memref<10240x16xf32, #tpu.memory_space<vmem_shared>>
        tpu.enqueue_indirect_dma source(%dma_start3A_264 : memref<10240x16xf32, #tpu.memory_space<vmem_shared>>) target(%arg14 : memref<128x16xf32, #tpu.memory_space<vmem>>) offsets(%dma_start3A_261 : memref<128xi32, #tpu.memory_space<vmem>>) semaphore(%arg20 : memref<!tpu.dma_semaphore, #tpu.memory_space<semaphore_mem>>)
      } else {
      }
      %mul3A_206 = arith.constant 6 : i32
      %mul3A_207 = arith.muli %scan3A_60, %mul3A_206 : i32
      %add3A_208 = arith.constant 3 : i32
      %add3A_209 = arith.addi %mul3A_207, %add3A_208 : i32
      %dma_wait3A_210 = arith.constant 0 : i32
      %dma_wait3A_211 = tpu.memref_slice %arg7[%add3A_209, %dma_wait3A_210] : memref<78x128xi32, #tpu.memory_space<vmem>> -> memref<1x128xi32, #tpu.memory_space<vmem>>
      %dma_wait3A_212 = tpu.memref_squeeze %dma_wait3A_211 : memref<1x128xi32, #tpu.memory_space<vmem>> -> memref<128xi32, #tpu.memory_space<vmem>>
      %dma_wait3A_213 = arith.constant 0 : i32
      %dma_wait3A_214 = arith.constant 0 : i32
      %dma_wait3A_215 = tpu.memref_slice %arg10[%dma_wait3A_213, %dma_wait3A_214] : memref<10240x16xf32, #tpu.memory_space<vmem_shared>> -> memref<10240x16xf32, #tpu.memory_space<vmem_shared>>
      tpu.wait_indirect_dma semaphore(%arg27 : memref<!tpu.dma_semaphore, #tpu.memory_space<semaphore_mem>>) src(%arg15 : memref<128x16xf32, #tpu.memory_space<vmem>>) dst(%dma_wait3A_215 : memref<10240x16xf32, #tpu.memory_space<vmem_shared>>)
      %add3A_216 = arith.constant 1 : i32
      %add3A_217 = arith.addi %scan3A_60, %add3A_216 : i32
      %lt3A_218 = arith.constant 13 : i32
      %lt3A_219 = arith.cmpi slt, %add3A_217, %lt3A_218 : i32
      %convert_element_type3A_220 = arith.extui %lt3A_219 : i1 to i32
      %cond3A_221 = arith.constant 0 : i32
      %cond3A_222 = arith.cmpi ne, %convert_element_type3A_220, %cond3A_221 : i32
      scf.if %cond3A_222 {
        %add3A_257 = arith.constant 6 : i32
        %add3A_258 = arith.addi %add3A_209, %add3A_257 : i32
        %dma_start3A_259 = arith.constant 0 : i32
        %dma_start3A_260 = tpu.memref_slice %arg6[%add3A_258, %dma_start3A_259] : memref<78x128xi32, #tpu.memory_space<vmem>> -> memref<1x128xi32, #tpu.memory_space<vmem>>
        %dma_start3A_261 = tpu.memref_squeeze %dma_start3A_260 : memref<1x128xi32, #tpu.memory_space<vmem>> -> memref<128xi32, #tpu.memory_space<vmem>>
        %dma_start3A_262 = arith.constant 0 : i32
        %dma_start3A_263 = arith.constant 0 : i32
        %dma_start3A_264 = tpu.memref_slice %arg11[%dma_start3A_262, %dma_start3A_263] : memref<10240x16xf32, #tpu.memory_space<vmem_shared>> -> memref<10240x16xf32, #tpu.memory_space<vmem_shared>>
        tpu.enqueue_indirect_dma source(%dma_start3A_264 : memref<10240x16xf32, #tpu.memory_space<vmem_shared>>) target(%arg15 : memref<128x16xf32, #tpu.memory_space<vmem>>) offsets(%dma_start3A_261 : memref<128xi32, #tpu.memory_space<vmem>>) semaphore(%arg21 : memref<!tpu.dma_semaphore, #tpu.memory_space<semaphore_mem>>)
      } else {
      }
      %mul3A_223 = arith.constant 6 : i32
      %mul3A_224 = arith.muli %scan3A_60, %mul3A_223 : i32
      %add3A_225 = arith.constant 4 : i32
      %add3A_226 = arith.addi %mul3A_224, %add3A_225 : i32
      %dma_wait3A_227 = arith.constant 0 : i32
      %dma_wait3A_228 = tpu.memref_slice %arg7[%add3A_226, %dma_wait3A_227] : memref<78x128xi32, #tpu.memory_space<vmem>> -> memref<1x128xi32, #tpu.memory_space<vmem>>
      %dma_wait3A_229 = tpu.memref_squeeze %dma_wait3A_228 : memref<1x128xi32, #tpu.memory_space<vmem>> -> memref<128xi32, #tpu.memory_space<vmem>>
      %dma_wait3A_230 = arith.constant 0 : i32
      %dma_wait3A_231 = arith.constant 0 : i32
      %dma_wait3A_232 = tpu.memref_slice %arg10[%dma_wait3A_230, %dma_wait3A_231] : memref<10240x16xf32, #tpu.memory_space<vmem_shared>> -> memref<10240x16xf32, #tpu.memory_space<vmem_shared>>
      tpu.wait_indirect_dma semaphore(%arg28 : memref<!tpu.dma_semaphore, #tpu.memory_space<semaphore_mem>>) src(%arg16 : memref<128x16xf32, #tpu.memory_space<vmem>>) dst(%dma_wait3A_232 : memref<10240x16xf32, #tpu.memory_space<vmem_shared>>)
      %add3A_233 = arith.constant 1 : i32
      %add3A_234 = arith.addi %scan3A_60, %add3A_233 : i32
      %lt3A_235 = arith.constant 13 : i32
      %lt3A_236 = arith.cmpi slt, %add3A_234, %lt3A_235 : i32
      %convert_element_type3A_237 = arith.extui %lt3A_236 : i1 to i32
      %cond3A_238 = arith.constant 0 : i32
      %cond3A_239 = arith.cmpi ne, %convert_element_type3A_237, %cond3A_238 : i32
      scf.if %cond3A_239 {
        %add3A_257 = arith.constant 6 : i32
        %add3A_258 = arith.addi %add3A_226, %add3A_257 : i32
        %dma_start3A_259 = arith.constant 0 : i32
        %dma_start3A_260 = tpu.memref_slice %arg6[%add3A_258, %dma_start3A_259] : memref<78x128xi32, #tpu.memory_space<vmem>> -> memref<1x128xi32, #tpu.memory_space<vmem>>
        %dma_start3A_261 = tpu.memref_squeeze %dma_start3A_260 : memref<1x128xi32, #tpu.memory_space<vmem>> -> memref<128xi32, #tpu.memory_space<vmem>>
        %dma_start3A_262 = arith.constant 0 : i32
        %dma_start3A_263 = arith.constant 0 : i32
        %dma_start3A_264 = tpu.memref_slice %arg11[%dma_start3A_262, %dma_start3A_263] : memref<10240x16xf32, #tpu.memory_space<vmem_shared>> -> memref<10240x16xf32, #tpu.memory_space<vmem_shared>>
        tpu.enqueue_indirect_dma source(%dma_start3A_264 : memref<10240x16xf32, #tpu.memory_space<vmem_shared>>) target(%arg16 : memref<128x16xf32, #tpu.memory_space<vmem>>) offsets(%dma_start3A_261 : memref<128xi32, #tpu.memory_space<vmem>>) semaphore(%arg22 : memref<!tpu.dma_semaphore, #tpu.memory_space<semaphore_mem>>)
      } else {
      }
      %mul3A_240 = arith.constant 6 : i32
      %mul3A_241 = arith.muli %scan3A_60, %mul3A_240 : i32
      %add3A_242 = arith.constant 5 : i32
      %add3A_243 = arith.addi %mul3A_241, %add3A_242 : i32
      %dma_wait3A_244 = arith.constant 0 : i32
      %dma_wait3A_245 = tpu.memref_slice %arg7[%add3A_243, %dma_wait3A_244] : memref<78x128xi32, #tpu.memory_space<vmem>> -> memref<1x128xi32, #tpu.memory_space<vmem>>
      %dma_wait3A_246 = tpu.memref_squeeze %dma_wait3A_245 : memref<1x128xi32, #tpu.memory_space<vmem>> -> memref<128xi32, #tpu.memory_space<vmem>>
      %dma_wait3A_247 = arith.constant 0 : i32
      %dma_wait3A_248 = arith.constant 0 : i32
      %dma_wait3A_249 = tpu.memref_slice %arg10[%dma_wait3A_247, %dma_wait3A_248] : memref<10240x16xf32, #tpu.memory_space<vmem_shared>> -> memref<10240x16xf32, #tpu.memory_space<vmem_shared>>
      tpu.wait_indirect_dma semaphore(%arg29 : memref<!tpu.dma_semaphore, #tpu.memory_space<semaphore_mem>>) src(%arg17 : memref<128x16xf32, #tpu.memory_space<vmem>>) dst(%dma_wait3A_249 : memref<10240x16xf32, #tpu.memory_space<vmem_shared>>)
      %add3A_250 = arith.constant 1 : i32
      %add3A_251 = arith.addi %scan3A_60, %add3A_250 : i32
      %lt3A_252 = arith.constant 13 : i32
      %lt3A_253 = arith.cmpi slt, %add3A_251, %lt3A_252 : i32
      %convert_element_type3A_254 = arith.extui %lt3A_253 : i1 to i32
      %cond3A_255 = arith.constant 0 : i32
      %cond3A_256 = arith.cmpi ne, %convert_element_type3A_254, %cond3A_255 : i32
      scf.if %cond3A_256 {
        %add3A_257 = arith.constant 6 : i32
        %add3A_258 = arith.addi %add3A_243, %add3A_257 : i32
        %dma_start3A_259 = arith.constant 0 : i32
        %dma_start3A_260 = tpu.memref_slice %arg6[%add3A_258, %dma_start3A_259] : memref<78x128xi32, #tpu.memory_space<vmem>> -> memref<1x128xi32, #tpu.memory_space<vmem>>
        %dma_start3A_261 = tpu.memref_squeeze %dma_start3A_260 : memref<1x128xi32, #tpu.memory_space<vmem>> -> memref<128xi32, #tpu.memory_space<vmem>>
        %dma_start3A_262 = arith.constant 0 : i32
        %dma_start3A_263 = arith.constant 0 : i32
        %dma_start3A_264 = tpu.memref_slice %arg11[%dma_start3A_262, %dma_start3A_263] : memref<10240x16xf32, #tpu.memory_space<vmem_shared>> -> memref<10240x16xf32, #tpu.memory_space<vmem_shared>>
        tpu.enqueue_indirect_dma source(%dma_start3A_264 : memref<10240x16xf32, #tpu.memory_space<vmem_shared>>) target(%arg17 : memref<128x16xf32, #tpu.memory_space<vmem>>) offsets(%dma_start3A_261 : memref<128xi32, #tpu.memory_space<vmem>>) semaphore(%arg23 : memref<!tpu.dma_semaphore, #tpu.memory_space<semaphore_mem>>)
      } else {
      }
    }
    %scan3A_55 = arith.constant 13 : i32
    %convert_element_type3A_56 = arith.extui %eq3A_1 : i1 to i32
    %cond3A_57 = arith.constant 0 : i32
    %cond3A_58 = arith.cmpi ne, %convert_element_type3A_56, %cond3A_57 : i32
    scf.if %cond3A_58 {
      %dma_start3A_60 = arith.constant 0 : i32
      %dma_start3A_61 = arith.constant 0 : i32
      %dma_start3A_62 = tpu.memref_slice %arg8[%dma_start3A_60, %dma_start3A_61] : memref<4x128xi32, #tpu.memory_space<vmem>> -> memref<1x128xi32, #tpu.memory_space<vmem>>
      %dma_start3A_63 = tpu.memref_squeeze %dma_start3A_62 : memref<1x128xi32, #tpu.memory_space<vmem>> -> memref<128xi32, #tpu.memory_space<vmem>>
      %dma_start3A_64 = arith.constant 0 : i32
      %dma_start3A_65 = arith.constant 0 : i32
      %dma_start3A_66 = tpu.memref_slice %arg11[%dma_start3A_64, %dma_start3A_65] : memref<10240x16xf32, #tpu.memory_space<vmem_shared>> -> memref<10240x16xf32, #tpu.memory_space<vmem_shared>>
      tpu.enqueue_indirect_dma source(%dma_start3A_66 : memref<10240x16xf32, #tpu.memory_space<vmem_shared>>) target(%arg12 : memref<128x16xf32, #tpu.memory_space<vmem>>) offsets(%dma_start3A_63 : memref<128xi32, #tpu.memory_space<vmem>>) semaphore(%arg18 : memref<!tpu.dma_semaphore, #tpu.memory_space<semaphore_mem>>)
      %dma_wait3A = arith.constant 0 : i32
      %dma_wait3A_67 = arith.constant 0 : i32
      %dma_wait3A_68 = tpu.memref_slice %arg8[%dma_wait3A, %dma_wait3A_67] : memref<4x128xi32, #tpu.memory_space<vmem>> -> memref<1x128xi32, #tpu.memory_space<vmem>>
      %dma_wait3A_69 = tpu.memref_squeeze %dma_wait3A_68 : memref<1x128xi32, #tpu.memory_space<vmem>> -> memref<128xi32, #tpu.memory_space<vmem>>
      %dma_wait3A_70 = arith.constant 0 : i32
      %dma_wait3A_71 = arith.constant 0 : i32
      %dma_wait3A_72 = tpu.memref_slice %arg11[%dma_wait3A_70, %dma_wait3A_71] : memref<10240x16xf32, #tpu.memory_space<vmem_shared>> -> memref<10240x16xf32, #tpu.memory_space<vmem_shared>>
      tpu.wait_indirect_dma semaphore(%arg18 : memref<!tpu.dma_semaphore, #tpu.memory_space<semaphore_mem>>) src(%dma_wait3A_72 : memref<10240x16xf32, #tpu.memory_space<vmem_shared>>) dst(%arg12 : memref<128x16xf32, #tpu.memory_space<vmem>>)
      %run_scoped3A_73 = arith.constant 0 : i32
      "tpu.region"() ({
        %run_scoped3A_119 = tpu.sem_alloc : memref<!tpu.dma_semaphore, #tpu.memory_space<semaphore_mem>>
        %dma_start3A_120 = arith.constant 0 : i32
        %dma_start3A_121 = tpu.memref_slice %arg9[%run_scoped3A_73, %dma_start3A_120] : memref<4x128xi32, #tpu.memory_space<vmem>> -> memref<1x128xi32, #tpu.memory_space<vmem>>
        %dma_start3A_122 = tpu.memref_squeeze %dma_start3A_121 : memref<1x128xi32, #tpu.memory_space<vmem>> -> memref<128xi32, #tpu.memory_space<vmem>>
        %dma_start3A_123 = arith.constant 0 : i32
        %dma_start3A_124 = arith.constant 0 : i32
        %dma_start3A_125 = tpu.memref_slice %arg10[%dma_start3A_123, %dma_start3A_124] : memref<10240x16xf32, #tpu.memory_space<vmem_shared>> -> memref<10240x16xf32, #tpu.memory_space<vmem_shared>>
        tpu.enqueue_indirect_dma source(%arg12 : memref<128x16xf32, #tpu.memory_space<vmem>>) target(%dma_start3A_125 : memref<10240x16xf32, #tpu.memory_space<vmem_shared>>) offsets(%dma_start3A_122 : memref<128xi32, #tpu.memory_space<vmem>>) semaphore(%run_scoped3A_119 : memref<!tpu.dma_semaphore, #tpu.memory_space<semaphore_mem>>) {add = true}
        %dma_wait3A_126 = arith.constant 0 : i32
        %dma_wait3A_127 = tpu.memref_slice %arg9[%run_scoped3A_73, %dma_wait3A_126] : memref<4x128xi32, #tpu.memory_space<vmem>> -> memref<1x128xi32, #tpu.memory_space<vmem>>
        %dma_wait3A_128 = tpu.memref_squeeze %dma_wait3A_127 : memref<1x128xi32, #tpu.memory_space<vmem>> -> memref<128xi32, #tpu.memory_space<vmem>>
        %dma_wait3A_129 = arith.constant 0 : i32
        %dma_wait3A_130 = arith.constant 0 : i32
        %dma_wait3A_131 = tpu.memref_slice %arg10[%dma_wait3A_129, %dma_wait3A_130] : memref<10240x16xf32, #tpu.memory_space<vmem_shared>> -> memref<10240x16xf32, #tpu.memory_space<vmem_shared>>
        tpu.wait_indirect_dma semaphore(%run_scoped3A_119 : memref<!tpu.dma_semaphore, #tpu.memory_space<semaphore_mem>>) src(%arg12 : memref<128x16xf32, #tpu.memory_space<vmem>>) dst(%dma_wait3A_131 : memref<10240x16xf32, #tpu.memory_space<vmem_shared>>)
        tpu.yield
      }) : () -> ()
      %dma_start3A_74 = arith.constant 1 : i32
      %dma_start3A_75 = arith.constant 0 : i32
      %dma_start3A_76 = tpu.memref_slice %arg8[%dma_start3A_74, %dma_start3A_75] : memref<4x128xi32, #tpu.memory_space<vmem>> -> memref<1x128xi32, #tpu.memory_space<vmem>>
      %dma_start3A_77 = tpu.memref_squeeze %dma_start3A_76 : memref<1x128xi32, #tpu.memory_space<vmem>> -> memref<128xi32, #tpu.memory_space<vmem>>
      %dma_start3A_78 = arith.constant 0 : i32
      %dma_start3A_79 = arith.constant 0 : i32
      %dma_start3A_80 = tpu.memref_slice %arg11[%dma_start3A_78, %dma_start3A_79] : memref<10240x16xf32, #tpu.memory_space<vmem_shared>> -> memref<10240x16xf32, #tpu.memory_space<vmem_shared>>
      tpu.enqueue_indirect_dma source(%dma_start3A_80 : memref<10240x16xf32, #tpu.memory_space<vmem_shared>>) target(%arg12 : memref<128x16xf32, #tpu.memory_space<vmem>>) offsets(%dma_start3A_77 : memref<128xi32, #tpu.memory_space<vmem>>) semaphore(%arg18 : memref<!tpu.dma_semaphore, #tpu.memory_space<semaphore_mem>>)
      %dma_wait3A_81 = arith.constant 1 : i32
      %dma_wait3A_82 = arith.constant 0 : i32
      %dma_wait3A_83 = tpu.memref_slice %arg8[%dma_wait3A_81, %dma_wait3A_82] : memref<4x128xi32, #tpu.memory_space<vmem>> -> memref<1x128xi32, #tpu.memory_space<vmem>>
      %dma_wait3A_84 = tpu.memref_squeeze %dma_wait3A_83 : memref<1x128xi32, #tpu.memory_space<vmem>> -> memref<128xi32, #tpu.memory_space<vmem>>
      %dma_wait3A_85 = arith.constant 0 : i32
      %dma_wait3A_86 = arith.constant 0 : i32
      %dma_wait3A_87 = tpu.memref_slice %arg11[%dma_wait3A_85, %dma_wait3A_86] : memref<10240x16xf32, #tpu.memory_space<vmem_shared>> -> memref<10240x16xf32, #tpu.memory_space<vmem_shared>>
      tpu.wait_indirect_dma semaphore(%arg18 : memref<!tpu.dma_semaphore, #tpu.memory_space<semaphore_mem>>) src(%dma_wait3A_87 : memref<10240x16xf32, #tpu.memory_space<vmem_shared>>) dst(%arg12 : memref<128x16xf32, #tpu.memory_space<vmem>>)
      %run_scoped3A_88 = arith.constant 1 : i32
      "tpu.region"() ({
        %run_scoped3A_119 = tpu.sem_alloc : memref<!tpu.dma_semaphore, #tpu.memory_space<semaphore_mem>>
        %dma_start3A_120 = arith.constant 0 : i32
        %dma_start3A_121 = tpu.memref_slice %arg9[%run_scoped3A_88, %dma_start3A_120] : memref<4x128xi32, #tpu.memory_space<vmem>> -> memref<1x128xi32, #tpu.memory_space<vmem>>
        %dma_start3A_122 = tpu.memref_squeeze %dma_start3A_121 : memref<1x128xi32, #tpu.memory_space<vmem>> -> memref<128xi32, #tpu.memory_space<vmem>>
        %dma_start3A_123 = arith.constant 0 : i32
        %dma_start3A_124 = arith.constant 0 : i32
        %dma_start3A_125 = tpu.memref_slice %arg10[%dma_start3A_123, %dma_start3A_124] : memref<10240x16xf32, #tpu.memory_space<vmem_shared>> -> memref<10240x16xf32, #tpu.memory_space<vmem_shared>>
        tpu.enqueue_indirect_dma source(%arg12 : memref<128x16xf32, #tpu.memory_space<vmem>>) target(%dma_start3A_125 : memref<10240x16xf32, #tpu.memory_space<vmem_shared>>) offsets(%dma_start3A_122 : memref<128xi32, #tpu.memory_space<vmem>>) semaphore(%run_scoped3A_119 : memref<!tpu.dma_semaphore, #tpu.memory_space<semaphore_mem>>) {add = true}
        %dma_wait3A_126 = arith.constant 0 : i32
        %dma_wait3A_127 = tpu.memref_slice %arg9[%run_scoped3A_88, %dma_wait3A_126] : memref<4x128xi32, #tpu.memory_space<vmem>> -> memref<1x128xi32, #tpu.memory_space<vmem>>
        %dma_wait3A_128 = tpu.memref_squeeze %dma_wait3A_127 : memref<1x128xi32, #tpu.memory_space<vmem>> -> memref<128xi32, #tpu.memory_space<vmem>>
        %dma_wait3A_129 = arith.constant 0 : i32
        %dma_wait3A_130 = arith.constant 0 : i32
        %dma_wait3A_131 = tpu.memref_slice %arg10[%dma_wait3A_129, %dma_wait3A_130] : memref<10240x16xf32, #tpu.memory_space<vmem_shared>> -> memref<10240x16xf32, #tpu.memory_space<vmem_shared>>
        tpu.wait_indirect_dma semaphore(%run_scoped3A_119 : memref<!tpu.dma_semaphore, #tpu.memory_space<semaphore_mem>>) src(%arg12 : memref<128x16xf32, #tpu.memory_space<vmem>>) dst(%dma_wait3A_131 : memref<10240x16xf32, #tpu.memory_space<vmem_shared>>)
        tpu.yield
      }) : () -> ()
      %dma_start3A_89 = arith.constant 2 : i32
      %dma_start3A_90 = arith.constant 0 : i32
      %dma_start3A_91 = tpu.memref_slice %arg8[%dma_start3A_89, %dma_start3A_90] : memref<4x128xi32, #tpu.memory_space<vmem>> -> memref<1x128xi32, #tpu.memory_space<vmem>>
      %dma_start3A_92 = tpu.memref_squeeze %dma_start3A_91 : memref<1x128xi32, #tpu.memory_space<vmem>> -> memref<128xi32, #tpu.memory_space<vmem>>
      %dma_start3A_93 = arith.constant 0 : i32
      %dma_start3A_94 = arith.constant 0 : i32
      %dma_start3A_95 = tpu.memref_slice %arg11[%dma_start3A_93, %dma_start3A_94] : memref<10240x16xf32, #tpu.memory_space<vmem_shared>> -> memref<10240x16xf32, #tpu.memory_space<vmem_shared>>
      tpu.enqueue_indirect_dma source(%dma_start3A_95 : memref<10240x16xf32, #tpu.memory_space<vmem_shared>>) target(%arg12 : memref<128x16xf32, #tpu.memory_space<vmem>>) offsets(%dma_start3A_92 : memref<128xi32, #tpu.memory_space<vmem>>) semaphore(%arg18 : memref<!tpu.dma_semaphore, #tpu.memory_space<semaphore_mem>>)
      %dma_wait3A_96 = arith.constant 2 : i32
      %dma_wait3A_97 = arith.constant 0 : i32
      %dma_wait3A_98 = tpu.memref_slice %arg8[%dma_wait3A_96, %dma_wait3A_97] : memref<4x128xi32, #tpu.memory_space<vmem>> -> memref<1x128xi32, #tpu.memory_space<vmem>>
      %dma_wait3A_99 = tpu.memref_squeeze %dma_wait3A_98 : memref<1x128xi32, #tpu.memory_space<vmem>> -> memref<128xi32, #tpu.memory_space<vmem>>
      %dma_wait3A_100 = arith.constant 0 : i32
      %dma_wait3A_101 = arith.constant 0 : i32
      %dma_wait3A_102 = tpu.memref_slice %arg11[%dma_wait3A_100, %dma_wait3A_101] : memref<10240x16xf32, #tpu.memory_space<vmem_shared>> -> memref<10240x16xf32, #tpu.memory_space<vmem_shared>>
      tpu.wait_indirect_dma semaphore(%arg18 : memref<!tpu.dma_semaphore, #tpu.memory_space<semaphore_mem>>) src(%dma_wait3A_102 : memref<10240x16xf32, #tpu.memory_space<vmem_shared>>) dst(%arg12 : memref<128x16xf32, #tpu.memory_space<vmem>>)
      %run_scoped3A_103 = arith.constant 2 : i32
      "tpu.region"() ({
        %run_scoped3A_119 = tpu.sem_alloc : memref<!tpu.dma_semaphore, #tpu.memory_space<semaphore_mem>>
        %dma_start3A_120 = arith.constant 0 : i32
        %dma_start3A_121 = tpu.memref_slice %arg9[%run_scoped3A_103, %dma_start3A_120] : memref<4x128xi32, #tpu.memory_space<vmem>> -> memref<1x128xi32, #tpu.memory_space<vmem>>
        %dma_start3A_122 = tpu.memref_squeeze %dma_start3A_121 : memref<1x128xi32, #tpu.memory_space<vmem>> -> memref<128xi32, #tpu.memory_space<vmem>>
        %dma_start3A_123 = arith.constant 0 : i32
        %dma_start3A_124 = arith.constant 0 : i32
        %dma_start3A_125 = tpu.memref_slice %arg10[%dma_start3A_123, %dma_start3A_124] : memref<10240x16xf32, #tpu.memory_space<vmem_shared>> -> memref<10240x16xf32, #tpu.memory_space<vmem_shared>>
        tpu.enqueue_indirect_dma source(%arg12 : memref<128x16xf32, #tpu.memory_space<vmem>>) target(%dma_start3A_125 : memref<10240x16xf32, #tpu.memory_space<vmem_shared>>) offsets(%dma_start3A_122 : memref<128xi32, #tpu.memory_space<vmem>>) semaphore(%run_scoped3A_119 : memref<!tpu.dma_semaphore, #tpu.memory_space<semaphore_mem>>) {add = true}
        %dma_wait3A_126 = arith.constant 0 : i32
        %dma_wait3A_127 = tpu.memref_slice %arg9[%run_scoped3A_103, %dma_wait3A_126] : memref<4x128xi32, #tpu.memory_space<vmem>> -> memref<1x128xi32, #tpu.memory_space<vmem>>
        %dma_wait3A_128 = tpu.memref_squeeze %dma_wait3A_127 : memref<1x128xi32, #tpu.memory_space<vmem>> -> memref<128xi32, #tpu.memory_space<vmem>>
        %dma_wait3A_129 = arith.constant 0 : i32
        %dma_wait3A_130 = arith.constant 0 : i32
        %dma_wait3A_131 = tpu.memref_slice %arg10[%dma_wait3A_129, %dma_wait3A_130] : memref<10240x16xf32, #tpu.memory_space<vmem_shared>> -> memref<10240x16xf32, #tpu.memory_space<vmem_shared>>
        tpu.wait_indirect_dma semaphore(%run_scoped3A_119 : memref<!tpu.dma_semaphore, #tpu.memory_space<semaphore_mem>>) src(%arg12 : memref<128x16xf32, #tpu.memory_space<vmem>>) dst(%dma_wait3A_131 : memref<10240x16xf32, #tpu.memory_space<vmem_shared>>)
        tpu.yield
      }) : () -> ()
      %dma_start3A_104 = arith.constant 3 : i32
      %dma_start3A_105 = arith.constant 0 : i32
      %dma_start3A_106 = tpu.memref_slice %arg8[%dma_start3A_104, %dma_start3A_105] : memref<4x128xi32, #tpu.memory_space<vmem>> -> memref<1x128xi32, #tpu.memory_space<vmem>>
      %dma_start3A_107 = tpu.memref_squeeze %dma_start3A_106 : memref<1x128xi32, #tpu.memory_space<vmem>> -> memref<128xi32, #tpu.memory_space<vmem>>
      %dma_start3A_108 = arith.constant 0 : i32
      %dma_start3A_109 = arith.constant 0 : i32
      %dma_start3A_110 = tpu.memref_slice %arg11[%dma_start3A_108, %dma_start3A_109] : memref<10240x16xf32, #tpu.memory_space<vmem_shared>> -> memref<10240x16xf32, #tpu.memory_space<vmem_shared>>
      tpu.enqueue_indirect_dma source(%dma_start3A_110 : memref<10240x16xf32, #tpu.memory_space<vmem_shared>>) target(%arg12 : memref<128x16xf32, #tpu.memory_space<vmem>>) offsets(%dma_start3A_107 : memref<128xi32, #tpu.memory_space<vmem>>) semaphore(%arg18 : memref<!tpu.dma_semaphore, #tpu.memory_space<semaphore_mem>>)
      %dma_wait3A_111 = arith.constant 3 : i32
      %dma_wait3A_112 = arith.constant 0 : i32
      %dma_wait3A_113 = tpu.memref_slice %arg8[%dma_wait3A_111, %dma_wait3A_112] : memref<4x128xi32, #tpu.memory_space<vmem>> -> memref<1x128xi32, #tpu.memory_space<vmem>>
      %dma_wait3A_114 = tpu.memref_squeeze %dma_wait3A_113 : memref<1x128xi32, #tpu.memory_space<vmem>> -> memref<128xi32, #tpu.memory_space<vmem>>
      %dma_wait3A_115 = arith.constant 0 : i32
      %dma_wait3A_116 = arith.constant 0 : i32
      %dma_wait3A_117 = tpu.memref_slice %arg11[%dma_wait3A_115, %dma_wait3A_116] : memref<10240x16xf32, #tpu.memory_space<vmem_shared>> -> memref<10240x16xf32, #tpu.memory_space<vmem_shared>>
      tpu.wait_indirect_dma semaphore(%arg18 : memref<!tpu.dma_semaphore, #tpu.memory_space<semaphore_mem>>) src(%dma_wait3A_117 : memref<10240x16xf32, #tpu.memory_space<vmem_shared>>) dst(%arg12 : memref<128x16xf32, #tpu.memory_space<vmem>>)
      %run_scoped3A_118 = arith.constant 3 : i32
      "tpu.region"() ({
        %run_scoped3A_119 = tpu.sem_alloc : memref<!tpu.dma_semaphore, #tpu.memory_space<semaphore_mem>>
        %dma_start3A_120 = arith.constant 0 : i32
        %dma_start3A_121 = tpu.memref_slice %arg9[%run_scoped3A_118, %dma_start3A_120] : memref<4x128xi32, #tpu.memory_space<vmem>> -> memref<1x128xi32, #tpu.memory_space<vmem>>
        %dma_start3A_122 = tpu.memref_squeeze %dma_start3A_121 : memref<1x128xi32, #tpu.memory_space<vmem>> -> memref<128xi32, #tpu.memory_space<vmem>>
        %dma_start3A_123 = arith.constant 0 : i32
        %dma_start3A_124 = arith.constant 0 : i32
        %dma_start3A_125 = tpu.memref_slice %arg10[%dma_start3A_123, %dma_start3A_124] : memref<10240x16xf32, #tpu.memory_space<vmem_shared>> -> memref<10240x16xf32, #tpu.memory_space<vmem_shared>>
        tpu.enqueue_indirect_dma source(%arg12 : memref<128x16xf32, #tpu.memory_space<vmem>>) target(%dma_start3A_125 : memref<10240x16xf32, #tpu.memory_space<vmem_shared>>) offsets(%dma_start3A_122 : memref<128xi32, #tpu.memory_space<vmem>>) semaphore(%run_scoped3A_119 : memref<!tpu.dma_semaphore, #tpu.memory_space<semaphore_mem>>) {add = true}
        %dma_wait3A_126 = arith.constant 0 : i32
        %dma_wait3A_127 = tpu.memref_slice %arg9[%run_scoped3A_118, %dma_wait3A_126] : memref<4x128xi32, #tpu.memory_space<vmem>> -> memref<1x128xi32, #tpu.memory_space<vmem>>
        %dma_wait3A_128 = tpu.memref_squeeze %dma_wait3A_127 : memref<1x128xi32, #tpu.memory_space<vmem>> -> memref<128xi32, #tpu.memory_space<vmem>>
        %dma_wait3A_129 = arith.constant 0 : i32
        %dma_wait3A_130 = arith.constant 0 : i32
        %dma_wait3A_131 = tpu.memref_slice %arg10[%dma_wait3A_129, %dma_wait3A_130] : memref<10240x16xf32, #tpu.memory_space<vmem_shared>> -> memref<10240x16xf32, #tpu.memory_space<vmem_shared>>
        tpu.wait_indirect_dma semaphore(%run_scoped3A_119 : memref<!tpu.dma_semaphore, #tpu.memory_space<semaphore_mem>>) src(%arg12 : memref<128x16xf32, #tpu.memory_space<vmem>>) dst(%dma_wait3A_131 : memref<10240x16xf32, #tpu.memory_space<vmem_shared>>)
        tpu.yield
      }) : () -> ()
    } else {
    }
    %barrier3A_59 = arith.constant 0 : index
    tpu.barrier barrier_id(%barrier3A_59)
    "tpu.region"() ({
      %run_scoped3A_60 = tpu.sem_alloc : memref<!tpu.dma_semaphore, #tpu.memory_space<semaphore_mem>>
      %dma_start3A_61 = arith.constant 0 : i32
      %dma_start3A_62 = tpu.memref_slice %arg5[%arg0, %mul3A_3, %dma_start3A_61] : memref<2x10240x16xf32, #tpu.memory_space<hbm>> -> memref<1x640x16xf32, #tpu.memory_space<hbm>>
      %dma_start3A_63 = tpu.memref_squeeze %dma_start3A_62 : memref<1x640x16xf32, #tpu.memory_space<hbm>> -> memref<640x16xf32, #tpu.memory_space<hbm>>
      %dma_start3A_64 = arith.constant 0 : i32
      %dma_start3A_65 = tpu.memref_slice %arg10[%mul3A_3, %dma_start3A_64] : memref<10240x16xf32, #tpu.memory_space<vmem_shared>> -> memref<640x16xf32, #tpu.memory_space<vmem_shared>>
      tpu.enqueue_dma source(%dma_start3A_65 : memref<640x16xf32, #tpu.memory_space<vmem_shared>>) target(%dma_start3A_63 : memref<640x16xf32, #tpu.memory_space<hbm>>) target_semaphore(%run_scoped3A_60 : memref<!tpu.dma_semaphore, #tpu.memory_space<semaphore_mem>>)
      %dma_wait3A = arith.constant 0 : i32
      %dma_wait3A_66 = tpu.memref_slice %arg5[%arg0, %mul3A_3, %dma_wait3A] : memref<2x10240x16xf32, #tpu.memory_space<hbm>> -> memref<1x640x16xf32, #tpu.memory_space<hbm>>
      %dma_wait3A_67 = tpu.memref_squeeze %dma_wait3A_66 : memref<1x640x16xf32, #tpu.memory_space<hbm>> -> memref<640x16xf32, #tpu.memory_space<hbm>>
      %dma_wait3A_68 = arith.constant 0 : i32
      %dma_wait3A_69 = tpu.memref_slice %arg10[%mul3A_3, %dma_wait3A_68] : memref<10240x16xf32, #tpu.memory_space<vmem_shared>> -> memref<640x16xf32, #tpu.memory_space<vmem_shared>>
      tpu.wait_dma2 semaphore(%run_scoped3A_60 : memref<!tpu.dma_semaphore, #tpu.memory_space<semaphore_mem>>) src(%dma_wait3A_69 : memref<640x16xf32, #tpu.memory_space<vmem_shared>>) dst(%dma_wait3A_67 : memref<640x16xf32, #tpu.memory_space<hbm>>)
      tpu.yield
    }) : () -> ()
    return
  }
}

#map = affine_map<(d0, d1) -> (0, 0)>
#map1 = affine_map<(d0, d1) -> (0, 0, 0)>
module attributes {stable_mosaic.version = 14 : i64} {
  func.func @k(%arg0: i32, %arg1: i32, %arg2: memref<10240x16xf32, #tpu.memory_space<hbm>>, %arg3: memref<2x2500x128xi32, #tpu.memory_space<hbm>>, %arg4: memref<10240x16xf32, #tpu.memory_space<hbm>>, %arg5: memref<2x10240x16xf32, #tpu.memory_space<hbm>>, %arg6: memref<78x128xi32, #tpu.memory_space<vmem>>, %arg7: memref<78x128xi32, #tpu.memory_space<vmem>>, %arg8: memref<4x128xi32, #tpu.memory_space<vmem>>, %arg9: memref<4x128xi32, #tpu.memory_space<vmem>>, %arg10: memref<10240x16xf32, #tpu.memory_space<vmem_shared>>, %arg11: memref<10240x16xf32, #tpu.memory_space<vmem_shared>>, %arg12: memref<128x16xf32, #tpu.memory_space<vmem>>, %arg13: memref<128x16xf32, #tpu.memory_space<vmem>>, %arg14: memref<128x16xf32, #tpu.memory_space<vmem>>, %arg15: memref<128x16xf32, #tpu.memory_space<vmem>>, %arg16: memref<128x16xf32, #tpu.memory_space<vmem>>, %arg17: memref<128x16xf32, #tpu.memory_space<vmem>>, %arg18: memref<!tpu.dma_semaphore, #tpu.memory_space<semaphore_mem>>, %arg19: memref<!tpu.dma_semaphore, #tpu.memory_space<semaphore_mem>>, %arg20: memref<!tpu.dma_semaphore, #tpu.memory_space<semaphore_mem>>, %arg21: memref<!tpu.dma_semaphore, #tpu.memory_space<semaphore_mem>>, %arg22: memref<!tpu.dma_semaphore, #tpu.memory_space<semaphore_mem>>, %arg23: memref<!tpu.dma_semaphore, #tpu.memory_space<semaphore_mem>>, %arg24: memref<!tpu.dma_semaphore, #tpu.memory_space<semaphore_mem>>, %arg25: memref<!tpu.dma_semaphore, #tpu.memory_space<semaphore_mem>>, %arg26: memref<!tpu.dma_semaphore, #tpu.memory_space<semaphore_mem>>, %arg27: memref<!tpu.dma_semaphore, #tpu.memory_space<semaphore_mem>>, %arg28: memref<!tpu.dma_semaphore, #tpu.memory_space<semaphore_mem>>, %arg29: memref<!tpu.dma_semaphore, #tpu.memory_space<semaphore_mem>>) attributes {dimension_semantics = [#tpu.dimension_semantics<core_parallel>, #tpu.dimension_semantics<subcore_parallel>], iteration_bounds = array<i64: 2, 16>, scalar_prefetch = 0 : i64, scratch_operands = 24 : i64, tpu.core_type = #tpu.core_type<sc_vector_subcore>, window_params = [{transform_indices = #map}, {transform_indices = #map1}, {transform_indices = #map}, {transform_indices = #map1}]} {
    %mul3A = arith.constant 16 : i32
    %mul3A_0 = arith.muli %arg0, %mul3A : i32
    %add3A = arith.addi %mul3A_0, %arg1 : i32
    %eq3A = arith.constant 31 : i32
    %eq3A_1 = arith.cmpi eq, %add3A, %eq3A : i32
    %mul3A_2 = arith.constant 640 : i32
    %mul3A_3 = arith.muli %arg1, %mul3A_2 : i32
    "tpu.region"() ({
      %run_scoped3A_60 = tpu.sem_alloc : memref<!tpu.dma_semaphore, #tpu.memory_space<semaphore_mem>>
      %dma_start3A_61 = arith.constant 0 : i32
      %dma_start3A_62 = tpu.memref_slice %arg10[%mul3A_3, %dma_start3A_61] : memref<10240x16xf32, #tpu.memory_space<vmem_shared>> -> memref<640x16xf32, #tpu.memory_space<vmem_shared>>
      %dma_start3A_63 = arith.constant 0 : i32
      %dma_start3A_64 = tpu.memref_slice %arg4[%mul3A_3, %dma_start3A_63] : memref<10240x16xf32, #tpu.memory_space<hbm>> -> memref<640x16xf32, #tpu.memory_space<hbm>>
      tpu.enqueue_dma source(%dma_start3A_64 : memref<640x16xf32, #tpu.memory_space<hbm>>) target(%dma_start3A_62 : memref<640x16xf32, #tpu.memory_space<vmem_shared>>) target_semaphore(%run_scoped3A_60 : memref<!tpu.dma_semaphore, #tpu.memory_space<semaphore_mem>>)
      %dma_wait3A = arith.constant 0 : i32
      %dma_wait3A_65 = tpu.memref_slice %arg10[%mul3A_3, %dma_wait3A] : memref<10240x16xf32, #tpu.memory_space<vmem_shared>> -> memref<640x16xf32, #tpu.memory_space<vmem_shared>>
      %dma_wait3A_66 = arith.constant 0 : i32
      %dma_wait3A_67 = tpu.memref_slice %arg4[%mul3A_3, %dma_wait3A_66] : memref<10240x16xf32, #tpu.memory_space<hbm>> -> memref<640x16xf32, #tpu.memory_space<hbm>>
      tpu.wait_dma2 semaphore(%run_scoped3A_60 : memref<!tpu.dma_semaphore, #tpu.memory_space<semaphore_mem>>) src(%dma_wait3A_67 : memref<640x16xf32, #tpu.memory_space<hbm>>) dst(%dma_wait3A_65 : memref<640x16xf32, #tpu.memory_space<vmem_shared>>)
      tpu.yield
    }) : () -> ()
    "tpu.region"() ({
      %run_scoped3A_60 = tpu.sem_alloc : memref<!tpu.dma_semaphore, #tpu.memory_space<semaphore_mem>>
      %dma_start3A_61 = arith.constant 0 : i32
      %dma_start3A_62 = tpu.memref_slice %arg11[%mul3A_3, %dma_start3A_61] : memref<10240x16xf32, #tpu.memory_space<vmem_shared>> -> memref<640x16xf32, #tpu.memory_space<vmem_shared>>
      %dma_start3A_63 = arith.constant 0 : i32
      %dma_start3A_64 = tpu.memref_slice %arg2[%mul3A_3, %dma_start3A_63] : memref<10240x16xf32, #tpu.memory_space<hbm>> -> memref<640x16xf32, #tpu.memory_space<hbm>>
      tpu.enqueue_dma source(%dma_start3A_64 : memref<640x16xf32, #tpu.memory_space<hbm>>) target(%dma_start3A_62 : memref<640x16xf32, #tpu.memory_space<vmem_shared>>) target_semaphore(%run_scoped3A_60 : memref<!tpu.dma_semaphore, #tpu.memory_space<semaphore_mem>>)
      %dma_wait3A = arith.constant 0 : i32
      %dma_wait3A_65 = tpu.memref_slice %arg11[%mul3A_3, %dma_wait3A] : memref<10240x16xf32, #tpu.memory_space<vmem_shared>> -> memref<640x16xf32, #tpu.memory_space<vmem_shared>>
      %dma_wait3A_66 = arith.constant 0 : i32
      %dma_wait3A_67 = tpu.memref_slice %arg2[%mul3A_3, %dma_wait3A_66] : memref<10240x16xf32, #tpu.memory_space<hbm>> -> memref<640x16xf32, #tpu.memory_space<hbm>>
      tpu.wait_dma2 semaphore(%run_scoped3A_60 : memref<!tpu.dma_semaphore, #tpu.memory_space<semaphore_mem>>) src(%dma_wait3A_67 : memref<640x16xf32, #tpu.memory_space<hbm>>) dst(%dma_wait3A_65 : memref<640x16xf32, #tpu.memory_space<vmem_shared>>)
      tpu.yield
    }) : () -> ()
    %mul3A_4 = arith.constant 78 : i32
    %mul3A_5 = arith.muli %add3A, %mul3A_4 : i32
    %run_scoped3A = arith.constant 0 : i32
    "tpu.region"() ({
      %run_scoped3A_60 = tpu.sem_alloc : memref<!tpu.dma_semaphore, #tpu.memory_space<semaphore_mem>>
      %dma_start3A_61 = arith.constant 0 : i32
      %dma_start3A_62 = tpu.memref_slice %arg3[%run_scoped3A, %mul3A_5, %dma_start3A_61] : memref<2x2500x128xi32, #tpu.memory_space<hbm>> -> memref<1x78x128xi32, #tpu.memory_space<hbm>>
      %dma_start3A_63 = tpu.memref_squeeze %dma_start3A_62 : memref<1x78x128xi32, #tpu.memory_space<hbm>> -> memref<78x128xi32, #tpu.memory_space<hbm>>
      %dma_start3A_64 = arith.constant 0 : i32
      %dma_start3A_65 = tpu.memref_slice %arg3[%run_scoped3A, %mul3A_5, %dma_start3A_64] : memref<2x2500x128xi32, #tpu.memory_space<hbm>> -> memref<1x78x128xi32, #tpu.memory_space<hbm>>
      %dma_start3A_66 = tpu.memref_squeeze %dma_start3A_65 : memref<1x78x128xi32, #tpu.memory_space<hbm>> -> memref<78x128xi32, #tpu.memory_space<hbm>>
      tpu.enqueue_dma source(%dma_start3A_66 : memref<78x128xi32, #tpu.memory_space<hbm>>) target(%arg6 : memref<78x128xi32, #tpu.memory_space<vmem>>) target_semaphore(%run_scoped3A_60 : memref<!tpu.dma_semaphore, #tpu.memory_space<semaphore_mem>>)
      %dma_wait3A = arith.constant 0 : i32
      %dma_wait3A_67 = tpu.memref_slice %arg3[%run_scoped3A, %mul3A_5, %dma_wait3A] : memref<2x2500x128xi32, #tpu.memory_space<hbm>> -> memref<1x78x128xi32, #tpu.memory_space<hbm>>
      %dma_wait3A_68 = tpu.memref_squeeze %dma_wait3A_67 : memref<1x78x128xi32, #tpu.memory_space<hbm>> -> memref<78x128xi32, #tpu.memory_space<hbm>>
      %dma_wait3A_69 = arith.constant 0 : i32
      %dma_wait3A_70 = tpu.memref_slice %arg3[%run_scoped3A, %mul3A_5, %dma_wait3A_69] : memref<2x2500x128xi32, #tpu.memory_space<hbm>> -> memref<1x78x128xi32, #tpu.memory_space<hbm>>
      %dma_wait3A_71 = tpu.memref_squeeze %dma_wait3A_70 : memref<1x78x128xi32, #tpu.memory_space<hbm>> -> memref<78x128xi32, #tpu.memory_space<hbm>>
      tpu.wait_dma2 semaphore(%run_scoped3A_60 : memref<!tpu.dma_semaphore, #tpu.memory_space<semaphore_mem>>) src(%dma_wait3A_71 : memref<78x128xi32, #tpu.memory_space<hbm>>) dst(%arg6 : memref<78x128xi32, #tpu.memory_space<vmem>>)
      tpu.yield
    }) : () -> ()
    %mul3A_6 = arith.constant 78 : i32
    %mul3A_7 = arith.muli %add3A, %mul3A_6 : i32
    %run_scoped3A_8 = arith.constant 1 : i32
    "tpu.region"() ({
      %run_scoped3A_60 = tpu.sem_alloc : memref<!tpu.dma_semaphore, #tpu.memory_space<semaphore_mem>>
      %dma_start3A_61 = arith.constant 0 : i32
      %dma_start3A_62 = tpu.memref_slice %arg3[%run_scoped3A_8, %mul3A_7, %dma_start3A_61] : memref<2x2500x128xi32, #tpu.memory_space<hbm>> -> memref<1x78x128xi32, #tpu.memory_space<hbm>>
      %dma_start3A_63 = tpu.memref_squeeze %dma_start3A_62 : memref<1x78x128xi32, #tpu.memory_space<hbm>> -> memref<78x128xi32, #tpu.memory_space<hbm>>
      %dma_start3A_64 = arith.constant 0 : i32
      %dma_start3A_65 = tpu.memref_slice %arg3[%run_scoped3A_8, %mul3A_7, %dma_start3A_64] : memref<2x2500x128xi32, #tpu.memory_space<hbm>> -> memref<1x78x128xi32, #tpu.memory_space<hbm>>
      %dma_start3A_66 = tpu.memref_squeeze %dma_start3A_65 : memref<1x78x128xi32, #tpu.memory_space<hbm>> -> memref<78x128xi32, #tpu.memory_space<hbm>>
      tpu.enqueue_dma source(%dma_start3A_66 : memref<78x128xi32, #tpu.memory_space<hbm>>) target(%arg7 : memref<78x128xi32, #tpu.memory_space<vmem>>) target_semaphore(%run_scoped3A_60 : memref<!tpu.dma_semaphore, #tpu.memory_space<semaphore_mem>>)
      %dma_wait3A = arith.constant 0 : i32
      %dma_wait3A_67 = tpu.memref_slice %arg3[%run_scoped3A_8, %mul3A_7, %dma_wait3A] : memref<2x2500x128xi32, #tpu.memory_space<hbm>> -> memref<1x78x128xi32, #tpu.memory_space<hbm>>
      %dma_wait3A_68 = tpu.memref_squeeze %dma_wait3A_67 : memref<1x78x128xi32, #tpu.memory_space<hbm>> -> memref<78x128xi32, #tpu.memory_space<hbm>>
      %dma_wait3A_69 = arith.constant 0 : i32
      %dma_wait3A_70 = tpu.memref_slice %arg3[%run_scoped3A_8, %mul3A_7, %dma_wait3A_69] : memref<2x2500x128xi32, #tpu.memory_space<hbm>> -> memref<1x78x128xi32, #tpu.memory_space<hbm>>
      %dma_wait3A_71 = tpu.memref_squeeze %dma_wait3A_70 : memref<1x78x128xi32, #tpu.memory_space<hbm>> -> memref<78x128xi32, #tpu.memory_space<hbm>>
      tpu.wait_dma2 semaphore(%run_scoped3A_60 : memref<!tpu.dma_semaphore, #tpu.memory_space<semaphore_mem>>) src(%dma_wait3A_71 : memref<78x128xi32, #tpu.memory_space<hbm>>) dst(%arg7 : memref<78x128xi32, #tpu.memory_space<vmem>>)
      tpu.yield
    }) : () -> ()
    %convert_element_type3A = arith.extui %eq3A_1 : i1 to i32
    %cond3A = arith.constant 0 : i32
    %cond3A_9 = arith.cmpi ne, %convert_element_type3A, %cond3A : i32
    scf.if %cond3A_9 {
      %run_scoped3A_60 = arith.constant 0 : i32
      "tpu.region"() ({
        %run_scoped3A_62 = tpu.sem_alloc : memref<!tpu.dma_semaphore, #tpu.memory_space<semaphore_mem>>
        %dma_start3A_63 = arith.constant 2496 : i32
        %dma_start3A_64 = arith.constant 0 : i32
        %dma_start3A_65 = tpu.memref_slice %arg3[%run_scoped3A_60, %dma_start3A_63, %dma_start3A_64] : memref<2x2500x128xi32, #tpu.memory_space<hbm>> -> memref<1x4x128xi32, #tpu.memory_space<hbm>>
        %dma_start3A_66 = tpu.memref_squeeze %dma_start3A_65 : memref<1x4x128xi32, #tpu.memory_space<hbm>> -> memref<4x128xi32, #tpu.memory_space<hbm>>
        %dma_start3A_67 = arith.constant 2496 : i32
        %dma_start3A_68 = arith.constant 0 : i32
        %dma_start3A_69 = tpu.memref_slice %arg3[%run_scoped3A_60, %dma_start3A_67, %dma_start3A_68] : memref<2x2500x128xi32, #tpu.memory_space<hbm>> -> memref<1x4x128xi32, #tpu.memory_space<hbm>>
        %dma_start3A_70 = tpu.memref_squeeze %dma_start3A_69 : memref<1x4x128xi32, #tpu.memory_space<hbm>> -> memref<4x128xi32, #tpu.memory_space<hbm>>
        tpu.enqueue_dma source(%dma_start3A_70 : memref<4x128xi32, #tpu.memory_space<hbm>>) target(%arg8 : memref<4x128xi32, #tpu.memory_space<vmem>>) target_semaphore(%run_scoped3A_62 : memref<!tpu.dma_semaphore, #tpu.memory_space<semaphore_mem>>)
        %dma_wait3A = arith.constant 2496 : i32
        %dma_wait3A_71 = arith.constant 0 : i32
        %dma_wait3A_72 = tpu.memref_slice %arg3[%run_scoped3A_60, %dma_wait3A, %dma_wait3A_71] : memref<2x2500x128xi32, #tpu.memory_space<hbm>> -> memref<1x4x128xi32, #tpu.memory_space<hbm>>
        %dma_wait3A_73 = tpu.memref_squeeze %dma_wait3A_72 : memref<1x4x128xi32, #tpu.memory_space<hbm>> -> memref<4x128xi32, #tpu.memory_space<hbm>>
        %dma_wait3A_74 = arith.constant 2496 : i32
        %dma_wait3A_75 = arith.constant 0 : i32
        %dma_wait3A_76 = tpu.memref_slice %arg3[%run_scoped3A_60, %dma_wait3A_74, %dma_wait3A_75] : memref<2x2500x128xi32, #tpu.memory_space<hbm>> -> memref<1x4x128xi32, #tpu.memory_space<hbm>>
        %dma_wait3A_77 = tpu.memref_squeeze %dma_wait3A_76 : memref<1x4x128xi32, #tpu.memory_space<hbm>> -> memref<4x128xi32, #tpu.memory_space<hbm>>
        tpu.wait_dma2 semaphore(%run_scoped3A_62 : memref<!tpu.dma_semaphore, #tpu.memory_space<semaphore_mem>>) src(%dma_wait3A_77 : memref<4x128xi32, #tpu.memory_space<hbm>>) dst(%arg8 : memref<4x128xi32, #tpu.memory_space<vmem>>)
        tpu.yield
      }) : () -> ()
      %run_scoped3A_61 = arith.constant 1 : i32
      "tpu.region"() ({
        %run_scoped3A_62 = tpu.sem_alloc : memref<!tpu.dma_semaphore, #tpu.memory_space<semaphore_mem>>
        %dma_start3A_63 = arith.constant 2496 : i32
        %dma_start3A_64 = arith.constant 0 : i32
        %dma_start3A_65 = tpu.memref_slice %arg3[%run_scoped3A_61, %dma_start3A_63, %dma_start3A_64] : memref<2x2500x128xi32, #tpu.memory_space<hbm>> -> memref<1x4x128xi32, #tpu.memory_space<hbm>>
        %dma_start3A_66 = tpu.memref_squeeze %dma_start3A_65 : memref<1x4x128xi32, #tpu.memory_space<hbm>> -> memref<4x128xi32, #tpu.memory_space<hbm>>
        %dma_start3A_67 = arith.constant 2496 : i32
        %dma_start3A_68 = arith.constant 0 : i32
        %dma_start3A_69 = tpu.memref_slice %arg3[%run_scoped3A_61, %dma_start3A_67, %dma_start3A_68] : memref<2x2500x128xi32, #tpu.memory_space<hbm>> -> memref<1x4x128xi32, #tpu.memory_space<hbm>>
        %dma_start3A_70 = tpu.memref_squeeze %dma_start3A_69 : memref<1x4x128xi32, #tpu.memory_space<hbm>> -> memref<4x128xi32, #tpu.memory_space<hbm>>
        tpu.enqueue_dma source(%dma_start3A_70 : memref<4x128xi32, #tpu.memory_space<hbm>>) target(%arg9 : memref<4x128xi32, #tpu.memory_space<vmem>>) target_semaphore(%run_scoped3A_62 : memref<!tpu.dma_semaphore, #tpu.memory_space<semaphore_mem>>)
        %dma_wait3A = arith.constant 2496 : i32
        %dma_wait3A_71 = arith.constant 0 : i32
        %dma_wait3A_72 = tpu.memref_slice %arg3[%run_scoped3A_61, %dma_wait3A, %dma_wait3A_71] : memref<2x2500x128xi32, #tpu.memory_space<hbm>> -> memref<1x4x128xi32, #tpu.memory_space<hbm>>
        %dma_wait3A_73 = tpu.memref_squeeze %dma_wait3A_72 : memref<1x4x128xi32, #tpu.memory_space<hbm>> -> memref<4x128xi32, #tpu.memory_space<hbm>>
        %dma_wait3A_74 = arith.constant 2496 : i32
        %dma_wait3A_75 = arith.constant 0 : i32
        %dma_wait3A_76 = tpu.memref_slice %arg3[%run_scoped3A_61, %dma_wait3A_74, %dma_wait3A_75] : memref<2x2500x128xi32, #tpu.memory_space<hbm>> -> memref<1x4x128xi32, #tpu.memory_space<hbm>>
        %dma_wait3A_77 = tpu.memref_squeeze %dma_wait3A_76 : memref<1x4x128xi32, #tpu.memory_space<hbm>> -> memref<4x128xi32, #tpu.memory_space<hbm>>
        tpu.wait_dma2 semaphore(%run_scoped3A_62 : memref<!tpu.dma_semaphore, #tpu.memory_space<semaphore_mem>>) src(%dma_wait3A_77 : memref<4x128xi32, #tpu.memory_space<hbm>>) dst(%arg9 : memref<4x128xi32, #tpu.memory_space<vmem>>)
        tpu.yield
      }) : () -> ()
    } else {
    }
    %barrier3A = arith.constant 0 : index
    tpu.barrier barrier_id(%barrier3A)
    %dma_start3A = arith.constant 0 : i32
    %dma_start3A_10 = arith.constant 0 : i32
    %dma_start3A_11 = tpu.memref_slice %arg6[%dma_start3A, %dma_start3A_10] : memref<78x128xi32, #tpu.memory_space<vmem>> -> memref<1x128xi32, #tpu.memory_space<vmem>>
    %dma_start3A_12 = tpu.memref_squeeze %dma_start3A_11 : memref<1x128xi32, #tpu.memory_space<vmem>> -> memref<128xi32, #tpu.memory_space<vmem>>
    %dma_start3A_13 = arith.constant 0 : i32
    %dma_start3A_14 = arith.constant 0 : i32
    %dma_start3A_15 = tpu.memref_slice %arg11[%dma_start3A_13, %dma_start3A_14] : memref<10240x16xf32, #tpu.memory_space<vmem_shared>> -> memref<10240x16xf32, #tpu.memory_space<vmem_shared>>
    tpu.enqueue_indirect_dma source(%dma_start3A_15 : memref<10240x16xf32, #tpu.memory_space<vmem_shared>>) target(%arg12 : memref<128x16xf32, #tpu.memory_space<vmem>>) offsets(%dma_start3A_12 : memref<128xi32, #tpu.memory_space<vmem>>) semaphore(%arg18 : memref<!tpu.dma_semaphore, #tpu.memory_space<semaphore_mem>>)
    %dma_start3A_16 = arith.constant 1 : i32
    %dma_start3A_17 = arith.constant 0 : i32
    %dma_start3A_18 = tpu.memref_slice %arg6[%dma_start3A_16, %dma_start3A_17] : memref<78x128xi32, #tpu.memory_space<vmem>> -> memref<1x128xi32, #tpu.memory_space<vmem>>
    %dma_start3A_19 = tpu.memref_squeeze %dma_start3A_18 : memref<1x128xi32, #tpu.memory_space<vmem>> -> memref<128xi32, #tpu.memory_space<vmem>>
    %dma_start3A_20 = arith.constant 0 : i32
    %dma_start3A_21 = arith.constant 0 : i32
    %dma_start3A_22 = tpu.memref_slice %arg11[%dma_start3A_20, %dma_start3A_21] : memref<10240x16xf32, #tpu.memory_space<vmem_shared>> -> memref<10240x16xf32, #tpu.memory_space<vmem_shared>>
    tpu.enqueue_indirect_dma source(%dma_start3A_22 : memref<10240x16xf32, #tpu.memory_space<vmem_shared>>) target(%arg13 : memref<128x16xf32, #tpu.memory_space<vmem>>) offsets(%dma_start3A_19 : memref<128xi32, #tpu.memory_space<vmem>>) semaphore(%arg19 : memref<!tpu.dma_semaphore, #tpu.memory_space<semaphore_mem>>)
    %dma_start3A_23 = arith.constant 2 : i32
    %dma_start3A_24 = arith.constant 0 : i32
    %dma_start3A_25 = tpu.memref_slice %arg6[%dma_start3A_23, %dma_start3A_24] : memref<78x128xi32, #tpu.memory_space<vmem>> -> memref<1x128xi32, #tpu.memory_space<vmem>>
    %dma_start3A_26 = tpu.memref_squeeze %dma_start3A_25 : memref<1x128xi32, #tpu.memory_space<vmem>> -> memref<128xi32, #tpu.memory_space<vmem>>
    %dma_start3A_27 = arith.constant 0 : i32
    %dma_start3A_28 = arith.constant 0 : i32
    %dma_start3A_29 = tpu.memref_slice %arg11[%dma_start3A_27, %dma_start3A_28] : memref<10240x16xf32, #tpu.memory_space<vmem_shared>> -> memref<10240x16xf32, #tpu.memory_space<vmem_shared>>
    tpu.enqueue_indirect_dma source(%dma_start3A_29 : memref<10240x16xf32, #tpu.memory_space<vmem_shared>>) target(%arg14 : memref<128x16xf32, #tpu.memory_space<vmem>>) offsets(%dma_start3A_26 : memref<128xi32, #tpu.memory_space<vmem>>) semaphore(%arg20 : memref<!tpu.dma_semaphore, #tpu.memory_space<semaphore_mem>>)
    %dma_start3A_30 = arith.constant 3 : i32
    %dma_start3A_31 = arith.constant 0 : i32
    %dma_start3A_32 = tpu.memref_slice %arg6[%dma_start3A_30, %dma_start3A_31] : memref<78x128xi32, #tpu.memory_space<vmem>> -> memref<1x128xi32, #tpu.memory_space<vmem>>
    %dma_start3A_33 = tpu.memref_squeeze %dma_start3A_32 : memref<1x128xi32, #tpu.memory_space<vmem>> -> memref<128xi32, #tpu.memory_space<vmem>>
    %dma_start3A_34 = arith.constant 0 : i32
    %dma_start3A_35 = arith.constant 0 : i32
    %dma_start3A_36 = tpu.memref_slice %arg11[%dma_start3A_34, %dma_start3A_35] : memref<10240x16xf32, #tpu.memory_space<vmem_shared>> -> memref<10240x16xf32, #tpu.memory_space<vmem_shared>>
    tpu.enqueue_indirect_dma source(%dma_start3A_36 : memref<10240x16xf32, #tpu.memory_space<vmem_shared>>) target(%arg15 : memref<128x16xf32, #tpu.memory_space<vmem>>) offsets(%dma_start3A_33 : memref<128xi32, #tpu.memory_space<vmem>>) semaphore(%arg21 : memref<!tpu.dma_semaphore, #tpu.memory_space<semaphore_mem>>)
    %dma_start3A_37 = arith.constant 4 : i32
    %dma_start3A_38 = arith.constant 0 : i32
    %dma_start3A_39 = tpu.memref_slice %arg6[%dma_start3A_37, %dma_start3A_38] : memref<78x128xi32, #tpu.memory_space<vmem>> -> memref<1x128xi32, #tpu.memory_space<vmem>>
    %dma_start3A_40 = tpu.memref_squeeze %dma_start3A_39 : memref<1x128xi32, #tpu.memory_space<vmem>> -> memref<128xi32, #tpu.memory_space<vmem>>
    %dma_start3A_41 = arith.constant 0 : i32
    %dma_start3A_42 = arith.constant 0 : i32
    %dma_start3A_43 = tpu.memref_slice %arg11[%dma_start3A_41, %dma_start3A_42] : memref<10240x16xf32, #tpu.memory_space<vmem_shared>> -> memref<10240x16xf32, #tpu.memory_space<vmem_shared>>
    tpu.enqueue_indirect_dma source(%dma_start3A_43 : memref<10240x16xf32, #tpu.memory_space<vmem_shared>>) target(%arg16 : memref<128x16xf32, #tpu.memory_space<vmem>>) offsets(%dma_start3A_40 : memref<128xi32, #tpu.memory_space<vmem>>) semaphore(%arg22 : memref<!tpu.dma_semaphore, #tpu.memory_space<semaphore_mem>>)
    %dma_start3A_44 = arith.constant 5 : i32
    %dma_start3A_45 = arith.constant 0 : i32
    %dma_start3A_46 = tpu.memref_slice %arg6[%dma_start3A_44, %dma_start3A_45] : memref<78x128xi32, #tpu.memory_space<vmem>> -> memref<1x128xi32, #tpu.memory_space<vmem>>
    %dma_start3A_47 = tpu.memref_squeeze %dma_start3A_46 : memref<1x128xi32, #tpu.memory_space<vmem>> -> memref<128xi32, #tpu.memory_space<vmem>>
    %dma_start3A_48 = arith.constant 0 : i32
    %dma_start3A_49 = arith.constant 0 : i32
    %dma_start3A_50 = tpu.memref_slice %arg11[%dma_start3A_48, %dma_start3A_49] : memref<10240x16xf32, #tpu.memory_space<vmem_shared>> -> memref<10240x16xf32, #tpu.memory_space<vmem_shared>>
    tpu.enqueue_indirect_dma source(%dma_start3A_50 : memref<10240x16xf32, #tpu.memory_space<vmem_shared>>) target(%arg17 : memref<128x16xf32, #tpu.memory_space<vmem>>) offsets(%dma_start3A_47 : memref<128xi32, #tpu.memory_space<vmem>>) semaphore(%arg23 : memref<!tpu.dma_semaphore, #tpu.memory_space<semaphore_mem>>)
    %scan3A = arith.constant 0 : i32
    %scan3A_51 = arith.constant 0 : i32
    %scan3A_52 = arith.constant 13 : i32
    %scan3A_53 = arith.addi %scan3A_51, %scan3A_52 : i32
    %scan3A_54 = arith.constant 1 : i32
    scf.for %scan3A_60 = %scan3A_51 to %scan3A_53 step %scan3A_54  : i32 {
      %mul3A_61 = arith.constant 6 : i32
      %mul3A_62 = arith.muli %scan3A_60, %mul3A_61 : i32
      %add3A_63 = arith.constant 0 : i32
      %add3A_64 = arith.addi %mul3A_62, %add3A_63 : i32
      %dma_wait3A = arith.constant 0 : i32
      %dma_wait3A_65 = tpu.memref_slice %arg6[%add3A_64, %dma_wait3A] : memref<78x128xi32, #tpu.memory_space<vmem>> -> memref<1x128xi32, #tpu.memory_space<vmem>>
      %dma_wait3A_66 = tpu.memref_squeeze %dma_wait3A_65 : memref<1x128xi32, #tpu.memory_space<vmem>> -> memref<128xi32, #tpu.memory_space<vmem>>
      %dma_wait3A_67 = arith.constant 0 : i32
      %dma_wait3A_68 = arith.constant 0 : i32
      %dma_wait3A_69 = tpu.memref_slice %arg11[%dma_wait3A_67, %dma_wait3A_68] : memref<10240x16xf32, #tpu.memory_space<vmem_shared>> -> memref<10240x16xf32, #tpu.memory_space<vmem_shared>>
      tpu.wait_indirect_dma semaphore(%arg18 : memref<!tpu.dma_semaphore, #tpu.memory_space<semaphore_mem>>) src(%dma_wait3A_69 : memref<10240x16xf32, #tpu.memory_space<vmem_shared>>) dst(%arg12 : memref<128x16xf32, #tpu.memory_space<vmem>>)
      %dma_start3A_70 = arith.constant 0 : i32
      %dma_start3A_71 = tpu.memref_slice %arg7[%add3A_64, %dma_start3A_70] : memref<78x128xi32, #tpu.memory_space<vmem>> -> memref<1x128xi32, #tpu.memory_space<vmem>>
      %dma_start3A_72 = tpu.memref_squeeze %dma_start3A_71 : memref<1x128xi32, #tpu.memory_space<vmem>> -> memref<128xi32, #tpu.memory_space<vmem>>
      %dma_start3A_73 = arith.constant 0 : i32
      %dma_start3A_74 = arith.constant 0 : i32
      %dma_start3A_75 = tpu.memref_slice %arg10[%dma_start3A_73, %dma_start3A_74] : memref<10240x16xf32, #tpu.memory_space<vmem_shared>> -> memref<10240x16xf32, #tpu.memory_space<vmem_shared>>
      tpu.enqueue_indirect_dma source(%arg12 : memref<128x16xf32, #tpu.memory_space<vmem>>) target(%dma_start3A_75 : memref<10240x16xf32, #tpu.memory_space<vmem_shared>>) offsets(%dma_start3A_72 : memref<128xi32, #tpu.memory_space<vmem>>) semaphore(%arg24 : memref<!tpu.dma_semaphore, #tpu.memory_space<semaphore_mem>>) {add = true}
      %mul3A_76 = arith.constant 6 : i32
      %mul3A_77 = arith.muli %scan3A_60, %mul3A_76 : i32
      %add3A_78 = arith.constant 1 : i32
      %add3A_79 = arith.addi %mul3A_77, %add3A_78 : i32
      %dma_wait3A_80 = arith.constant 0 : i32
      %dma_wait3A_81 = tpu.memref_slice %arg6[%add3A_79, %dma_wait3A_80] : memref<78x128xi32, #tpu.memory_space<vmem>> -> memref<1x128xi32, #tpu.memory_space<vmem>>
      %dma_wait3A_82 = tpu.memref_squeeze %dma_wait3A_81 : memref<1x128xi32, #tpu.memory_space<vmem>> -> memref<128xi32, #tpu.memory_space<vmem>>
      %dma_wait3A_83 = arith.constant 0 : i32
      %dma_wait3A_84 = arith.constant 0 : i32
      %dma_wait3A_85 = tpu.memref_slice %arg11[%dma_wait3A_83, %dma_wait3A_84] : memref<10240x16xf32, #tpu.memory_space<vmem_shared>> -> memref<10240x16xf32, #tpu.memory_space<vmem_shared>>
      tpu.wait_indirect_dma semaphore(%arg19 : memref<!tpu.dma_semaphore, #tpu.memory_space<semaphore_mem>>) src(%dma_wait3A_85 : memref<10240x16xf32, #tpu.memory_space<vmem_shared>>) dst(%arg13 : memref<128x16xf32, #tpu.memory_space<vmem>>)
      %dma_start3A_86 = arith.constant 0 : i32
      %dma_start3A_87 = tpu.memref_slice %arg7[%add3A_79, %dma_start3A_86] : memref<78x128xi32, #tpu.memory_space<vmem>> -> memref<1x128xi32, #tpu.memory_space<vmem>>
      %dma_start3A_88 = tpu.memref_squeeze %dma_start3A_87 : memref<1x128xi32, #tpu.memory_space<vmem>> -> memref<128xi32, #tpu.memory_space<vmem>>
      %dma_start3A_89 = arith.constant 0 : i32
      %dma_start3A_90 = arith.constant 0 : i32
      %dma_start3A_91 = tpu.memref_slice %arg10[%dma_start3A_89, %dma_start3A_90] : memref<10240x16xf32, #tpu.memory_space<vmem_shared>> -> memref<10240x16xf32, #tpu.memory_space<vmem_shared>>
      tpu.enqueue_indirect_dma source(%arg13 : memref<128x16xf32, #tpu.memory_space<vmem>>) target(%dma_start3A_91 : memref<10240x16xf32, #tpu.memory_space<vmem_shared>>) offsets(%dma_start3A_88 : memref<128xi32, #tpu.memory_space<vmem>>) semaphore(%arg25 : memref<!tpu.dma_semaphore, #tpu.memory_space<semaphore_mem>>) {add = true}
      %mul3A_92 = arith.constant 6 : i32
      %mul3A_93 = arith.muli %scan3A_60, %mul3A_92 : i32
      %add3A_94 = arith.constant 2 : i32
      %add3A_95 = arith.addi %mul3A_93, %add3A_94 : i32
      %dma_wait3A_96 = arith.constant 0 : i32
      %dma_wait3A_97 = tpu.memref_slice %arg6[%add3A_95, %dma_wait3A_96] : memref<78x128xi32, #tpu.memory_space<vmem>> -> memref<1x128xi32, #tpu.memory_space<vmem>>
      %dma_wait3A_98 = tpu.memref_squeeze %dma_wait3A_97 : memref<1x128xi32, #tpu.memory_space<vmem>> -> memref<128xi32, #tpu.memory_space<vmem>>
      %dma_wait3A_99 = arith.constant 0 : i32
      %dma_wait3A_100 = arith.constant 0 : i32
      %dma_wait3A_101 = tpu.memref_slice %arg11[%dma_wait3A_99, %dma_wait3A_100] : memref<10240x16xf32, #tpu.memory_space<vmem_shared>> -> memref<10240x16xf32, #tpu.memory_space<vmem_shared>>
      tpu.wait_indirect_dma semaphore(%arg20 : memref<!tpu.dma_semaphore, #tpu.memory_space<semaphore_mem>>) src(%dma_wait3A_101 : memref<10240x16xf32, #tpu.memory_space<vmem_shared>>) dst(%arg14 : memref<128x16xf32, #tpu.memory_space<vmem>>)
      %dma_start3A_102 = arith.constant 0 : i32
      %dma_start3A_103 = tpu.memref_slice %arg7[%add3A_95, %dma_start3A_102] : memref<78x128xi32, #tpu.memory_space<vmem>> -> memref<1x128xi32, #tpu.memory_space<vmem>>
      %dma_start3A_104 = tpu.memref_squeeze %dma_start3A_103 : memref<1x128xi32, #tpu.memory_space<vmem>> -> memref<128xi32, #tpu.memory_space<vmem>>
      %dma_start3A_105 = arith.constant 0 : i32
      %dma_start3A_106 = arith.constant 0 : i32
      %dma_start3A_107 = tpu.memref_slice %arg10[%dma_start3A_105, %dma_start3A_106] : memref<10240x16xf32, #tpu.memory_space<vmem_shared>> -> memref<10240x16xf32, #tpu.memory_space<vmem_shared>>
      tpu.enqueue_indirect_dma source(%arg14 : memref<128x16xf32, #tpu.memory_space<vmem>>) target(%dma_start3A_107 : memref<10240x16xf32, #tpu.memory_space<vmem_shared>>) offsets(%dma_start3A_104 : memref<128xi32, #tpu.memory_space<vmem>>) semaphore(%arg26 : memref<!tpu.dma_semaphore, #tpu.memory_space<semaphore_mem>>) {add = true}
      %mul3A_108 = arith.constant 6 : i32
      %mul3A_109 = arith.muli %scan3A_60, %mul3A_108 : i32
      %add3A_110 = arith.constant 3 : i32
      %add3A_111 = arith.addi %mul3A_109, %add3A_110 : i32
      %dma_wait3A_112 = arith.constant 0 : i32
      %dma_wait3A_113 = tpu.memref_slice %arg6[%add3A_111, %dma_wait3A_112] : memref<78x128xi32, #tpu.memory_space<vmem>> -> memref<1x128xi32, #tpu.memory_space<vmem>>
      %dma_wait3A_114 = tpu.memref_squeeze %dma_wait3A_113 : memref<1x128xi32, #tpu.memory_space<vmem>> -> memref<128xi32, #tpu.memory_space<vmem>>
      %dma_wait3A_115 = arith.constant 0 : i32
      %dma_wait3A_116 = arith.constant 0 : i32
      %dma_wait3A_117 = tpu.memref_slice %arg11[%dma_wait3A_115, %dma_wait3A_116] : memref<10240x16xf32, #tpu.memory_space<vmem_shared>> -> memref<10240x16xf32, #tpu.memory_space<vmem_shared>>
      tpu.wait_indirect_dma semaphore(%arg21 : memref<!tpu.dma_semaphore, #tpu.memory_space<semaphore_mem>>) src(%dma_wait3A_117 : memref<10240x16xf32, #tpu.memory_space<vmem_shared>>) dst(%arg15 : memref<128x16xf32, #tpu.memory_space<vmem>>)
      %dma_start3A_118 = arith.constant 0 : i32
      %dma_start3A_119 = tpu.memref_slice %arg7[%add3A_111, %dma_start3A_118] : memref<78x128xi32, #tpu.memory_space<vmem>> -> memref<1x128xi32, #tpu.memory_space<vmem>>
      %dma_start3A_120 = tpu.memref_squeeze %dma_start3A_119 : memref<1x128xi32, #tpu.memory_space<vmem>> -> memref<128xi32, #tpu.memory_space<vmem>>
      %dma_start3A_121 = arith.constant 0 : i32
      %dma_start3A_122 = arith.constant 0 : i32
      %dma_start3A_123 = tpu.memref_slice %arg10[%dma_start3A_121, %dma_start3A_122] : memref<10240x16xf32, #tpu.memory_space<vmem_shared>> -> memref<10240x16xf32, #tpu.memory_space<vmem_shared>>
      tpu.enqueue_indirect_dma source(%arg15 : memref<128x16xf32, #tpu.memory_space<vmem>>) target(%dma_start3A_123 : memref<10240x16xf32, #tpu.memory_space<vmem_shared>>) offsets(%dma_start3A_120 : memref<128xi32, #tpu.memory_space<vmem>>) semaphore(%arg27 : memref<!tpu.dma_semaphore, #tpu.memory_space<semaphore_mem>>) {add = true}
      %mul3A_124 = arith.constant 6 : i32
      %mul3A_125 = arith.muli %scan3A_60, %mul3A_124 : i32
      %add3A_126 = arith.constant 4 : i32
      %add3A_127 = arith.addi %mul3A_125, %add3A_126 : i32
      %dma_wait3A_128 = arith.constant 0 : i32
      %dma_wait3A_129 = tpu.memref_slice %arg6[%add3A_127, %dma_wait3A_128] : memref<78x128xi32, #tpu.memory_space<vmem>> -> memref<1x128xi32, #tpu.memory_space<vmem>>
      %dma_wait3A_130 = tpu.memref_squeeze %dma_wait3A_129 : memref<1x128xi32, #tpu.memory_space<vmem>> -> memref<128xi32, #tpu.memory_space<vmem>>
      %dma_wait3A_131 = arith.constant 0 : i32
      %dma_wait3A_132 = arith.constant 0 : i32
      %dma_wait3A_133 = tpu.memref_slice %arg11[%dma_wait3A_131, %dma_wait3A_132] : memref<10240x16xf32, #tpu.memory_space<vmem_shared>> -> memref<10240x16xf32, #tpu.memory_space<vmem_shared>>
      tpu.wait_indirect_dma semaphore(%arg22 : memref<!tpu.dma_semaphore, #tpu.memory_space<semaphore_mem>>) src(%dma_wait3A_133 : memref<10240x16xf32, #tpu.memory_space<vmem_shared>>) dst(%arg16 : memref<128x16xf32, #tpu.memory_space<vmem>>)
      %dma_start3A_134 = arith.constant 0 : i32
      %dma_start3A_135 = tpu.memref_slice %arg7[%add3A_127, %dma_start3A_134] : memref<78x128xi32, #tpu.memory_space<vmem>> -> memref<1x128xi32, #tpu.memory_space<vmem>>
      %dma_start3A_136 = tpu.memref_squeeze %dma_start3A_135 : memref<1x128xi32, #tpu.memory_space<vmem>> -> memref<128xi32, #tpu.memory_space<vmem>>
      %dma_start3A_137 = arith.constant 0 : i32
      %dma_start3A_138 = arith.constant 0 : i32
      %dma_start3A_139 = tpu.memref_slice %arg10[%dma_start3A_137, %dma_start3A_138] : memref<10240x16xf32, #tpu.memory_space<vmem_shared>> -> memref<10240x16xf32, #tpu.memory_space<vmem_shared>>
      tpu.enqueue_indirect_dma source(%arg16 : memref<128x16xf32, #tpu.memory_space<vmem>>) target(%dma_start3A_139 : memref<10240x16xf32, #tpu.memory_space<vmem_shared>>) offsets(%dma_start3A_136 : memref<128xi32, #tpu.memory_space<vmem>>) semaphore(%arg28 : memref<!tpu.dma_semaphore, #tpu.memory_space<semaphore_mem>>) {add = true}
      %mul3A_140 = arith.constant 6 : i32
      %mul3A_141 = arith.muli %scan3A_60, %mul3A_140 : i32
      %add3A_142 = arith.constant 5 : i32
      %add3A_143 = arith.addi %mul3A_141, %add3A_142 : i32
      %dma_wait3A_144 = arith.constant 0 : i32
      %dma_wait3A_145 = tpu.memref_slice %arg6[%add3A_143, %dma_wait3A_144] : memref<78x128xi32, #tpu.memory_space<vmem>> -> memref<1x128xi32, #tpu.memory_space<vmem>>
      %dma_wait3A_146 = tpu.memref_squeeze %dma_wait3A_145 : memref<1x128xi32, #tpu.memory_space<vmem>> -> memref<128xi32, #tpu.memory_space<vmem>>
      %dma_wait3A_147 = arith.constant 0 : i32
      %dma_wait3A_148 = arith.constant 0 : i32
      %dma_wait3A_149 = tpu.memref_slice %arg11[%dma_wait3A_147, %dma_wait3A_148] : memref<10240x16xf32, #tpu.memory_space<vmem_shared>> -> memref<10240x16xf32, #tpu.memory_space<vmem_shared>>
      tpu.wait_indirect_dma semaphore(%arg23 : memref<!tpu.dma_semaphore, #tpu.memory_space<semaphore_mem>>) src(%dma_wait3A_149 : memref<10240x16xf32, #tpu.memory_space<vmem_shared>>) dst(%arg17 : memref<128x16xf32, #tpu.memory_space<vmem>>)
      %dma_start3A_150 = arith.constant 0 : i32
      %dma_start3A_151 = tpu.memref_slice %arg7[%add3A_143, %dma_start3A_150] : memref<78x128xi32, #tpu.memory_space<vmem>> -> memref<1x128xi32, #tpu.memory_space<vmem>>
      %dma_start3A_152 = tpu.memref_squeeze %dma_start3A_151 : memref<1x128xi32, #tpu.memory_space<vmem>> -> memref<128xi32, #tpu.memory_space<vmem>>
      %dma_start3A_153 = arith.constant 0 : i32
      %dma_start3A_154 = arith.constant 0 : i32
      %dma_start3A_155 = tpu.memref_slice %arg10[%dma_start3A_153, %dma_start3A_154] : memref<10240x16xf32, #tpu.memory_space<vmem_shared>> -> memref<10240x16xf32, #tpu.memory_space<vmem_shared>>
      tpu.enqueue_indirect_dma source(%arg17 : memref<128x16xf32, #tpu.memory_space<vmem>>) target(%dma_start3A_155 : memref<10240x16xf32, #tpu.memory_space<vmem_shared>>) offsets(%dma_start3A_152 : memref<128xi32, #tpu.memory_space<vmem>>) semaphore(%arg29 : memref<!tpu.dma_semaphore, #tpu.memory_space<semaphore_mem>>) {add = true}
      %mul3A_156 = arith.constant 6 : i32
      %mul3A_157 = arith.muli %scan3A_60, %mul3A_156 : i32
      %add3A_158 = arith.constant 0 : i32
      %add3A_159 = arith.addi %mul3A_157, %add3A_158 : i32
      %dma_wait3A_160 = arith.constant 0 : i32
      %dma_wait3A_161 = tpu.memref_slice %arg7[%add3A_159, %dma_wait3A_160] : memref<78x128xi32, #tpu.memory_space<vmem>> -> memref<1x128xi32, #tpu.memory_space<vmem>>
      %dma_wait3A_162 = tpu.memref_squeeze %dma_wait3A_161 : memref<1x128xi32, #tpu.memory_space<vmem>> -> memref<128xi32, #tpu.memory_space<vmem>>
      %dma_wait3A_163 = arith.constant 0 : i32
      %dma_wait3A_164 = arith.constant 0 : i32
      %dma_wait3A_165 = tpu.memref_slice %arg10[%dma_wait3A_163, %dma_wait3A_164] : memref<10240x16xf32, #tpu.memory_space<vmem_shared>> -> memref<10240x16xf32, #tpu.memory_space<vmem_shared>>
      tpu.wait_indirect_dma semaphore(%arg24 : memref<!tpu.dma_semaphore, #tpu.memory_space<semaphore_mem>>) src(%arg12 : memref<128x16xf32, #tpu.memory_space<vmem>>) dst(%dma_wait3A_165 : memref<10240x16xf32, #tpu.memory_space<vmem_shared>>)
      %add3A_166 = arith.constant 1 : i32
      %add3A_167 = arith.addi %scan3A_60, %add3A_166 : i32
      %lt3A = arith.constant 13 : i32
      %lt3A_168 = arith.cmpi slt, %add3A_167, %lt3A : i32
      %convert_element_type3A_169 = arith.extui %lt3A_168 : i1 to i32
      %cond3A_170 = arith.constant 0 : i32
      %cond3A_171 = arith.cmpi ne, %convert_element_type3A_169, %cond3A_170 : i32
      scf.if %cond3A_171 {
        %add3A_257 = arith.constant 6 : i32
        %add3A_258 = arith.addi %add3A_159, %add3A_257 : i32
        %dma_start3A_259 = arith.constant 0 : i32
        %dma_start3A_260 = tpu.memref_slice %arg6[%add3A_258, %dma_start3A_259] : memref<78x128xi32, #tpu.memory_space<vmem>> -> memref<1x128xi32, #tpu.memory_space<vmem>>
        %dma_start3A_261 = tpu.memref_squeeze %dma_start3A_260 : memref<1x128xi32, #tpu.memory_space<vmem>> -> memref<128xi32, #tpu.memory_space<vmem>>
        %dma_start3A_262 = arith.constant 0 : i32
        %dma_start3A_263 = arith.constant 0 : i32
        %dma_start3A_264 = tpu.memref_slice %arg11[%dma_start3A_262, %dma_start3A_263] : memref<10240x16xf32, #tpu.memory_space<vmem_shared>> -> memref<10240x16xf32, #tpu.memory_space<vmem_shared>>
        tpu.enqueue_indirect_dma source(%dma_start3A_264 : memref<10240x16xf32, #tpu.memory_space<vmem_shared>>) target(%arg12 : memref<128x16xf32, #tpu.memory_space<vmem>>) offsets(%dma_start3A_261 : memref<128xi32, #tpu.memory_space<vmem>>) semaphore(%arg18 : memref<!tpu.dma_semaphore, #tpu.memory_space<semaphore_mem>>)
      } else {
      }
      %mul3A_172 = arith.constant 6 : i32
      %mul3A_173 = arith.muli %scan3A_60, %mul3A_172 : i32
      %add3A_174 = arith.constant 1 : i32
      %add3A_175 = arith.addi %mul3A_173, %add3A_174 : i32
      %dma_wait3A_176 = arith.constant 0 : i32
      %dma_wait3A_177 = tpu.memref_slice %arg7[%add3A_175, %dma_wait3A_176] : memref<78x128xi32, #tpu.memory_space<vmem>> -> memref<1x128xi32, #tpu.memory_space<vmem>>
      %dma_wait3A_178 = tpu.memref_squeeze %dma_wait3A_177 : memref<1x128xi32, #tpu.memory_space<vmem>> -> memref<128xi32, #tpu.memory_space<vmem>>
      %dma_wait3A_179 = arith.constant 0 : i32
      %dma_wait3A_180 = arith.constant 0 : i32
      %dma_wait3A_181 = tpu.memref_slice %arg10[%dma_wait3A_179, %dma_wait3A_180] : memref<10240x16xf32, #tpu.memory_space<vmem_shared>> -> memref<10240x16xf32, #tpu.memory_space<vmem_shared>>
      tpu.wait_indirect_dma semaphore(%arg25 : memref<!tpu.dma_semaphore, #tpu.memory_space<semaphore_mem>>) src(%arg13 : memref<128x16xf32, #tpu.memory_space<vmem>>) dst(%dma_wait3A_181 : memref<10240x16xf32, #tpu.memory_space<vmem_shared>>)
      %add3A_182 = arith.constant 1 : i32
      %add3A_183 = arith.addi %scan3A_60, %add3A_182 : i32
      %lt3A_184 = arith.constant 13 : i32
      %lt3A_185 = arith.cmpi slt, %add3A_183, %lt3A_184 : i32
      %convert_element_type3A_186 = arith.extui %lt3A_185 : i1 to i32
      %cond3A_187 = arith.constant 0 : i32
      %cond3A_188 = arith.cmpi ne, %convert_element_type3A_186, %cond3A_187 : i32
      scf.if %cond3A_188 {
        %add3A_257 = arith.constant 6 : i32
        %add3A_258 = arith.addi %add3A_175, %add3A_257 : i32
        %dma_start3A_259 = arith.constant 0 : i32
        %dma_start3A_260 = tpu.memref_slice %arg6[%add3A_258, %dma_start3A_259] : memref<78x128xi32, #tpu.memory_space<vmem>> -> memref<1x128xi32, #tpu.memory_space<vmem>>
        %dma_start3A_261 = tpu.memref_squeeze %dma_start3A_260 : memref<1x128xi32, #tpu.memory_space<vmem>> -> memref<128xi32, #tpu.memory_space<vmem>>
        %dma_start3A_262 = arith.constant 0 : i32
        %dma_start3A_263 = arith.constant 0 : i32
        %dma_start3A_264 = tpu.memref_slice %arg11[%dma_start3A_262, %dma_start3A_263] : memref<10240x16xf32, #tpu.memory_space<vmem_shared>> -> memref<10240x16xf32, #tpu.memory_space<vmem_shared>>
        tpu.enqueue_indirect_dma source(%dma_start3A_264 : memref<10240x16xf32, #tpu.memory_space<vmem_shared>>) target(%arg13 : memref<128x16xf32, #tpu.memory_space<vmem>>) offsets(%dma_start3A_261 : memref<128xi32, #tpu.memory_space<vmem>>) semaphore(%arg19 : memref<!tpu.dma_semaphore, #tpu.memory_space<semaphore_mem>>)
      } else {
      }
      %mul3A_189 = arith.constant 6 : i32
      %mul3A_190 = arith.muli %scan3A_60, %mul3A_189 : i32
      %add3A_191 = arith.constant 2 : i32
      %add3A_192 = arith.addi %mul3A_190, %add3A_191 : i32
      %dma_wait3A_193 = arith.constant 0 : i32
      %dma_wait3A_194 = tpu.memref_slice %arg7[%add3A_192, %dma_wait3A_193] : memref<78x128xi32, #tpu.memory_space<vmem>> -> memref<1x128xi32, #tpu.memory_space<vmem>>
      %dma_wait3A_195 = tpu.memref_squeeze %dma_wait3A_194 : memref<1x128xi32, #tpu.memory_space<vmem>> -> memref<128xi32, #tpu.memory_space<vmem>>
      %dma_wait3A_196 = arith.constant 0 : i32
      %dma_wait3A_197 = arith.constant 0 : i32
      %dma_wait3A_198 = tpu.memref_slice %arg10[%dma_wait3A_196, %dma_wait3A_197] : memref<10240x16xf32, #tpu.memory_space<vmem_shared>> -> memref<10240x16xf32, #tpu.memory_space<vmem_shared>>
      tpu.wait_indirect_dma semaphore(%arg26 : memref<!tpu.dma_semaphore, #tpu.memory_space<semaphore_mem>>) src(%arg14 : memref<128x16xf32, #tpu.memory_space<vmem>>) dst(%dma_wait3A_198 : memref<10240x16xf32, #tpu.memory_space<vmem_shared>>)
      %add3A_199 = arith.constant 1 : i32
      %add3A_200 = arith.addi %scan3A_60, %add3A_199 : i32
      %lt3A_201 = arith.constant 13 : i32
      %lt3A_202 = arith.cmpi slt, %add3A_200, %lt3A_201 : i32
      %convert_element_type3A_203 = arith.extui %lt3A_202 : i1 to i32
      %cond3A_204 = arith.constant 0 : i32
      %cond3A_205 = arith.cmpi ne, %convert_element_type3A_203, %cond3A_204 : i32
      scf.if %cond3A_205 {
        %add3A_257 = arith.constant 6 : i32
        %add3A_258 = arith.addi %add3A_192, %add3A_257 : i32
        %dma_start3A_259 = arith.constant 0 : i32
        %dma_start3A_260 = tpu.memref_slice %arg6[%add3A_258, %dma_start3A_259] : memref<78x128xi32, #tpu.memory_space<vmem>> -> memref<1x128xi32, #tpu.memory_space<vmem>>
        %dma_start3A_261 = tpu.memref_squeeze %dma_start3A_260 : memref<1x128xi32, #tpu.memory_space<vmem>> -> memref<128xi32, #tpu.memory_space<vmem>>
        %dma_start3A_262 = arith.constant 0 : i32
        %dma_start3A_263 = arith.constant 0 : i32
        %dma_start3A_264 = tpu.memref_slice %arg11[%dma_start3A_262, %dma_start3A_263] : memref<10240x16xf32, #tpu.memory_space<vmem_shared>> -> memref<10240x16xf32, #tpu.memory_space<vmem_shared>>
        tpu.enqueue_indirect_dma source(%dma_start3A_264 : memref<10240x16xf32, #tpu.memory_space<vmem_shared>>) target(%arg14 : memref<128x16xf32, #tpu.memory_space<vmem>>) offsets(%dma_start3A_261 : memref<128xi32, #tpu.memory_space<vmem>>) semaphore(%arg20 : memref<!tpu.dma_semaphore, #tpu.memory_space<semaphore_mem>>)
      } else {
      }
      %mul3A_206 = arith.constant 6 : i32
      %mul3A_207 = arith.muli %scan3A_60, %mul3A_206 : i32
      %add3A_208 = arith.constant 3 : i32
      %add3A_209 = arith.addi %mul3A_207, %add3A_208 : i32
      %dma_wait3A_210 = arith.constant 0 : i32
      %dma_wait3A_211 = tpu.memref_slice %arg7[%add3A_209, %dma_wait3A_210] : memref<78x128xi32, #tpu.memory_space<vmem>> -> memref<1x128xi32, #tpu.memory_space<vmem>>
      %dma_wait3A_212 = tpu.memref_squeeze %dma_wait3A_211 : memref<1x128xi32, #tpu.memory_space<vmem>> -> memref<128xi32, #tpu.memory_space<vmem>>
      %dma_wait3A_213 = arith.constant 0 : i32
      %dma_wait3A_214 = arith.constant 0 : i32
      %dma_wait3A_215 = tpu.memref_slice %arg10[%dma_wait3A_213, %dma_wait3A_214] : memref<10240x16xf32, #tpu.memory_space<vmem_shared>> -> memref<10240x16xf32, #tpu.memory_space<vmem_shared>>
      tpu.wait_indirect_dma semaphore(%arg27 : memref<!tpu.dma_semaphore, #tpu.memory_space<semaphore_mem>>) src(%arg15 : memref<128x16xf32, #tpu.memory_space<vmem>>) dst(%dma_wait3A_215 : memref<10240x16xf32, #tpu.memory_space<vmem_shared>>)
      %add3A_216 = arith.constant 1 : i32
      %add3A_217 = arith.addi %scan3A_60, %add3A_216 : i32
      %lt3A_218 = arith.constant 13 : i32
      %lt3A_219 = arith.cmpi slt, %add3A_217, %lt3A_218 : i32
      %convert_element_type3A_220 = arith.extui %lt3A_219 : i1 to i32
      %cond3A_221 = arith.constant 0 : i32
      %cond3A_222 = arith.cmpi ne, %convert_element_type3A_220, %cond3A_221 : i32
      scf.if %cond3A_222 {
        %add3A_257 = arith.constant 6 : i32
        %add3A_258 = arith.addi %add3A_209, %add3A_257 : i32
        %dma_start3A_259 = arith.constant 0 : i32
        %dma_start3A_260 = tpu.memref_slice %arg6[%add3A_258, %dma_start3A_259] : memref<78x128xi32, #tpu.memory_space<vmem>> -> memref<1x128xi32, #tpu.memory_space<vmem>>
        %dma_start3A_261 = tpu.memref_squeeze %dma_start3A_260 : memref<1x128xi32, #tpu.memory_space<vmem>> -> memref<128xi32, #tpu.memory_space<vmem>>
        %dma_start3A_262 = arith.constant 0 : i32
        %dma_start3A_263 = arith.constant 0 : i32
        %dma_start3A_264 = tpu.memref_slice %arg11[%dma_start3A_262, %dma_start3A_263] : memref<10240x16xf32, #tpu.memory_space<vmem_shared>> -> memref<10240x16xf32, #tpu.memory_space<vmem_shared>>
        tpu.enqueue_indirect_dma source(%dma_start3A_264 : memref<10240x16xf32, #tpu.memory_space<vmem_shared>>) target(%arg15 : memref<128x16xf32, #tpu.memory_space<vmem>>) offsets(%dma_start3A_261 : memref<128xi32, #tpu.memory_space<vmem>>) semaphore(%arg21 : memref<!tpu.dma_semaphore, #tpu.memory_space<semaphore_mem>>)
      } else {
      }
      %mul3A_223 = arith.constant 6 : i32
      %mul3A_224 = arith.muli %scan3A_60, %mul3A_223 : i32
      %add3A_225 = arith.constant 4 : i32
      %add3A_226 = arith.addi %mul3A_224, %add3A_225 : i32
      %dma_wait3A_227 = arith.constant 0 : i32
      %dma_wait3A_228 = tpu.memref_slice %arg7[%add3A_226, %dma_wait3A_227] : memref<78x128xi32, #tpu.memory_space<vmem>> -> memref<1x128xi32, #tpu.memory_space<vmem>>
      %dma_wait3A_229 = tpu.memref_squeeze %dma_wait3A_228 : memref<1x128xi32, #tpu.memory_space<vmem>> -> memref<128xi32, #tpu.memory_space<vmem>>
      %dma_wait3A_230 = arith.constant 0 : i32
      %dma_wait3A_231 = arith.constant 0 : i32
      %dma_wait3A_232 = tpu.memref_slice %arg10[%dma_wait3A_230, %dma_wait3A_231] : memref<10240x16xf32, #tpu.memory_space<vmem_shared>> -> memref<10240x16xf32, #tpu.memory_space<vmem_shared>>
      tpu.wait_indirect_dma semaphore(%arg28 : memref<!tpu.dma_semaphore, #tpu.memory_space<semaphore_mem>>) src(%arg16 : memref<128x16xf32, #tpu.memory_space<vmem>>) dst(%dma_wait3A_232 : memref<10240x16xf32, #tpu.memory_space<vmem_shared>>)
      %add3A_233 = arith.constant 1 : i32
      %add3A_234 = arith.addi %scan3A_60, %add3A_233 : i32
      %lt3A_235 = arith.constant 13 : i32
      %lt3A_236 = arith.cmpi slt, %add3A_234, %lt3A_235 : i32
      %convert_element_type3A_237 = arith.extui %lt3A_236 : i1 to i32
      %cond3A_238 = arith.constant 0 : i32
      %cond3A_239 = arith.cmpi ne, %convert_element_type3A_237, %cond3A_238 : i32
      scf.if %cond3A_239 {
        %add3A_257 = arith.constant 6 : i32
        %add3A_258 = arith.addi %add3A_226, %add3A_257 : i32
        %dma_start3A_259 = arith.constant 0 : i32
        %dma_start3A_260 = tpu.memref_slice %arg6[%add3A_258, %dma_start3A_259] : memref<78x128xi32, #tpu.memory_space<vmem>> -> memref<1x128xi32, #tpu.memory_space<vmem>>
        %dma_start3A_261 = tpu.memref_squeeze %dma_start3A_260 : memref<1x128xi32, #tpu.memory_space<vmem>> -> memref<128xi32, #tpu.memory_space<vmem>>
        %dma_start3A_262 = arith.constant 0 : i32
        %dma_start3A_263 = arith.constant 0 : i32
        %dma_start3A_264 = tpu.memref_slice %arg11[%dma_start3A_262, %dma_start3A_263] : memref<10240x16xf32, #tpu.memory_space<vmem_shared>> -> memref<10240x16xf32, #tpu.memory_space<vmem_shared>>
        tpu.enqueue_indirect_dma source(%dma_start3A_264 : memref<10240x16xf32, #tpu.memory_space<vmem_shared>>) target(%arg16 : memref<128x16xf32, #tpu.memory_space<vmem>>) offsets(%dma_start3A_261 : memref<128xi32, #tpu.memory_space<vmem>>) semaphore(%arg22 : memref<!tpu.dma_semaphore, #tpu.memory_space<semaphore_mem>>)
      } else {
      }
      %mul3A_240 = arith.constant 6 : i32
      %mul3A_241 = arith.muli %scan3A_60, %mul3A_240 : i32
      %add3A_242 = arith.constant 5 : i32
      %add3A_243 = arith.addi %mul3A_241, %add3A_242 : i32
      %dma_wait3A_244 = arith.constant 0 : i32
      %dma_wait3A_245 = tpu.memref_slice %arg7[%add3A_243, %dma_wait3A_244] : memref<78x128xi32, #tpu.memory_space<vmem>> -> memref<1x128xi32, #tpu.memory_space<vmem>>
      %dma_wait3A_246 = tpu.memref_squeeze %dma_wait3A_245 : memref<1x128xi32, #tpu.memory_space<vmem>> -> memref<128xi32, #tpu.memory_space<vmem>>
      %dma_wait3A_247 = arith.constant 0 : i32
      %dma_wait3A_248 = arith.constant 0 : i32
      %dma_wait3A_249 = tpu.memref_slice %arg10[%dma_wait3A_247, %dma_wait3A_248] : memref<10240x16xf32, #tpu.memory_space<vmem_shared>> -> memref<10240x16xf32, #tpu.memory_space<vmem_shared>>
      tpu.wait_indirect_dma semaphore(%arg29 : memref<!tpu.dma_semaphore, #tpu.memory_space<semaphore_mem>>) src(%arg17 : memref<128x16xf32, #tpu.memory_space<vmem>>) dst(%dma_wait3A_249 : memref<10240x16xf32, #tpu.memory_space<vmem_shared>>)
      %add3A_250 = arith.constant 1 : i32
      %add3A_251 = arith.addi %scan3A_60, %add3A_250 : i32
      %lt3A_252 = arith.constant 13 : i32
      %lt3A_253 = arith.cmpi slt, %add3A_251, %lt3A_252 : i32
      %convert_element_type3A_254 = arith.extui %lt3A_253 : i1 to i32
      %cond3A_255 = arith.constant 0 : i32
      %cond3A_256 = arith.cmpi ne, %convert_element_type3A_254, %cond3A_255 : i32
      scf.if %cond3A_256 {
        %add3A_257 = arith.constant 6 : i32
        %add3A_258 = arith.addi %add3A_243, %add3A_257 : i32
        %dma_start3A_259 = arith.constant 0 : i32
        %dma_start3A_260 = tpu.memref_slice %arg6[%add3A_258, %dma_start3A_259] : memref<78x128xi32, #tpu.memory_space<vmem>> -> memref<1x128xi32, #tpu.memory_space<vmem>>
        %dma_start3A_261 = tpu.memref_squeeze %dma_start3A_260 : memref<1x128xi32, #tpu.memory_space<vmem>> -> memref<128xi32, #tpu.memory_space<vmem>>
        %dma_start3A_262 = arith.constant 0 : i32
        %dma_start3A_263 = arith.constant 0 : i32
        %dma_start3A_264 = tpu.memref_slice %arg11[%dma_start3A_262, %dma_start3A_263] : memref<10240x16xf32, #tpu.memory_space<vmem_shared>> -> memref<10240x16xf32, #tpu.memory_space<vmem_shared>>
        tpu.enqueue_indirect_dma source(%dma_start3A_264 : memref<10240x16xf32, #tpu.memory_space<vmem_shared>>) target(%arg17 : memref<128x16xf32, #tpu.memory_space<vmem>>) offsets(%dma_start3A_261 : memref<128xi32, #tpu.memory_space<vmem>>) semaphore(%arg23 : memref<!tpu.dma_semaphore, #tpu.memory_space<semaphore_mem>>)
      } else {
      }
    }
    %scan3A_55 = arith.constant 13 : i32
    %convert_element_type3A_56 = arith.extui %eq3A_1 : i1 to i32
    %cond3A_57 = arith.constant 0 : i32
    %cond3A_58 = arith.cmpi ne, %convert_element_type3A_56, %cond3A_57 : i32
    scf.if %cond3A_58 {
      %dma_start3A_60 = arith.constant 0 : i32
      %dma_start3A_61 = arith.constant 0 : i32
      %dma_start3A_62 = tpu.memref_slice %arg8[%dma_start3A_60, %dma_start3A_61] : memref<4x128xi32, #tpu.memory_space<vmem>> -> memref<1x128xi32, #tpu.memory_space<vmem>>
      %dma_start3A_63 = tpu.memref_squeeze %dma_start3A_62 : memref<1x128xi32, #tpu.memory_space<vmem>> -> memref<128xi32, #tpu.memory_space<vmem>>
      %dma_start3A_64 = arith.constant 0 : i32
      %dma_start3A_65 = arith.constant 0 : i32
      %dma_start3A_66 = tpu.memref_slice %arg11[%dma_start3A_64, %dma_start3A_65] : memref<10240x16xf32, #tpu.memory_space<vmem_shared>> -> memref<10240x16xf32, #tpu.memory_space<vmem_shared>>
      tpu.enqueue_indirect_dma source(%dma_start3A_66 : memref<10240x16xf32, #tpu.memory_space<vmem_shared>>) target(%arg12 : memref<128x16xf32, #tpu.memory_space<vmem>>) offsets(%dma_start3A_63 : memref<128xi32, #tpu.memory_space<vmem>>) semaphore(%arg18 : memref<!tpu.dma_semaphore, #tpu.memory_space<semaphore_mem>>)
      %dma_wait3A = arith.constant 0 : i32
      %dma_wait3A_67 = arith.constant 0 : i32
      %dma_wait3A_68 = tpu.memref_slice %arg8[%dma_wait3A, %dma_wait3A_67] : memref<4x128xi32, #tpu.memory_space<vmem>> -> memref<1x128xi32, #tpu.memory_space<vmem>>
      %dma_wait3A_69 = tpu.memref_squeeze %dma_wait3A_68 : memref<1x128xi32, #tpu.memory_space<vmem>> -> memref<128xi32, #tpu.memory_space<vmem>>
      %dma_wait3A_70 = arith.constant 0 : i32
      %dma_wait3A_71 = arith.constant 0 : i32
      %dma_wait3A_72 = tpu.memref_slice %arg11[%dma_wait3A_70, %dma_wait3A_71] : memref<10240x16xf32, #tpu.memory_space<vmem_shared>> -> memref<10240x16xf32, #tpu.memory_space<vmem_shared>>
      tpu.wait_indirect_dma semaphore(%arg18 : memref<!tpu.dma_semaphore, #tpu.memory_space<semaphore_mem>>) src(%dma_wait3A_72 : memref<10240x16xf32, #tpu.memory_space<vmem_shared>>) dst(%arg12 : memref<128x16xf32, #tpu.memory_space<vmem>>)
      %run_scoped3A_73 = arith.constant 0 : i32
      "tpu.region"() ({
        %run_scoped3A_119 = tpu.sem_alloc : memref<!tpu.dma_semaphore, #tpu.memory_space<semaphore_mem>>
        %dma_start3A_120 = arith.constant 0 : i32
        %dma_start3A_121 = tpu.memref_slice %arg9[%run_scoped3A_73, %dma_start3A_120] : memref<4x128xi32, #tpu.memory_space<vmem>> -> memref<1x128xi32, #tpu.memory_space<vmem>>
        %dma_start3A_122 = tpu.memref_squeeze %dma_start3A_121 : memref<1x128xi32, #tpu.memory_space<vmem>> -> memref<128xi32, #tpu.memory_space<vmem>>
        %dma_start3A_123 = arith.constant 0 : i32
        %dma_start3A_124 = arith.constant 0 : i32
        %dma_start3A_125 = tpu.memref_slice %arg10[%dma_start3A_123, %dma_start3A_124] : memref<10240x16xf32, #tpu.memory_space<vmem_shared>> -> memref<10240x16xf32, #tpu.memory_space<vmem_shared>>
        tpu.enqueue_indirect_dma source(%arg12 : memref<128x16xf32, #tpu.memory_space<vmem>>) target(%dma_start3A_125 : memref<10240x16xf32, #tpu.memory_space<vmem_shared>>) offsets(%dma_start3A_122 : memref<128xi32, #tpu.memory_space<vmem>>) semaphore(%run_scoped3A_119 : memref<!tpu.dma_semaphore, #tpu.memory_space<semaphore_mem>>) {add = true}
        %dma_wait3A_126 = arith.constant 0 : i32
        %dma_wait3A_127 = tpu.memref_slice %arg9[%run_scoped3A_73, %dma_wait3A_126] : memref<4x128xi32, #tpu.memory_space<vmem>> -> memref<1x128xi32, #tpu.memory_space<vmem>>
        %dma_wait3A_128 = tpu.memref_squeeze %dma_wait3A_127 : memref<1x128xi32, #tpu.memory_space<vmem>> -> memref<128xi32, #tpu.memory_space<vmem>>
        %dma_wait3A_129 = arith.constant 0 : i32
        %dma_wait3A_130 = arith.constant 0 : i32
        %dma_wait3A_131 = tpu.memref_slice %arg10[%dma_wait3A_129, %dma_wait3A_130] : memref<10240x16xf32, #tpu.memory_space<vmem_shared>> -> memref<10240x16xf32, #tpu.memory_space<vmem_shared>>
        tpu.wait_indirect_dma semaphore(%run_scoped3A_119 : memref<!tpu.dma_semaphore, #tpu.memory_space<semaphore_mem>>) src(%arg12 : memref<128x16xf32, #tpu.memory_space<vmem>>) dst(%dma_wait3A_131 : memref<10240x16xf32, #tpu.memory_space<vmem_shared>>)
        tpu.yield
      }) : () -> ()
      %dma_start3A_74 = arith.constant 1 : i32
      %dma_start3A_75 = arith.constant 0 : i32
      %dma_start3A_76 = tpu.memref_slice %arg8[%dma_start3A_74, %dma_start3A_75] : memref<4x128xi32, #tpu.memory_space<vmem>> -> memref<1x128xi32, #tpu.memory_space<vmem>>
      %dma_start3A_77 = tpu.memref_squeeze %dma_start3A_76 : memref<1x128xi32, #tpu.memory_space<vmem>> -> memref<128xi32, #tpu.memory_space<vmem>>
      %dma_start3A_78 = arith.constant 0 : i32
      %dma_start3A_79 = arith.constant 0 : i32
      %dma_start3A_80 = tpu.memref_slice %arg11[%dma_start3A_78, %dma_start3A_79] : memref<10240x16xf32, #tpu.memory_space<vmem_shared>> -> memref<10240x16xf32, #tpu.memory_space<vmem_shared>>
      tpu.enqueue_indirect_dma source(%dma_start3A_80 : memref<10240x16xf32, #tpu.memory_space<vmem_shared>>) target(%arg12 : memref<128x16xf32, #tpu.memory_space<vmem>>) offsets(%dma_start3A_77 : memref<128xi32, #tpu.memory_space<vmem>>) semaphore(%arg18 : memref<!tpu.dma_semaphore, #tpu.memory_space<semaphore_mem>>)
      %dma_wait3A_81 = arith.constant 1 : i32
      %dma_wait3A_82 = arith.constant 0 : i32
      %dma_wait3A_83 = tpu.memref_slice %arg8[%dma_wait3A_81, %dma_wait3A_82] : memref<4x128xi32, #tpu.memory_space<vmem>> -> memref<1x128xi32, #tpu.memory_space<vmem>>
      %dma_wait3A_84 = tpu.memref_squeeze %dma_wait3A_83 : memref<1x128xi32, #tpu.memory_space<vmem>> -> memref<128xi32, #tpu.memory_space<vmem>>
      %dma_wait3A_85 = arith.constant 0 : i32
      %dma_wait3A_86 = arith.constant 0 : i32
      %dma_wait3A_87 = tpu.memref_slice %arg11[%dma_wait3A_85, %dma_wait3A_86] : memref<10240x16xf32, #tpu.memory_space<vmem_shared>> -> memref<10240x16xf32, #tpu.memory_space<vmem_shared>>
      tpu.wait_indirect_dma semaphore(%arg18 : memref<!tpu.dma_semaphore, #tpu.memory_space<semaphore_mem>>) src(%dma_wait3A_87 : memref<10240x16xf32, #tpu.memory_space<vmem_shared>>) dst(%arg12 : memref<128x16xf32, #tpu.memory_space<vmem>>)
      %run_scoped3A_88 = arith.constant 1 : i32
      "tpu.region"() ({
        %run_scoped3A_119 = tpu.sem_alloc : memref<!tpu.dma_semaphore, #tpu.memory_space<semaphore_mem>>
        %dma_start3A_120 = arith.constant 0 : i32
        %dma_start3A_121 = tpu.memref_slice %arg9[%run_scoped3A_88, %dma_start3A_120] : memref<4x128xi32, #tpu.memory_space<vmem>> -> memref<1x128xi32, #tpu.memory_space<vmem>>
        %dma_start3A_122 = tpu.memref_squeeze %dma_start3A_121 : memref<1x128xi32, #tpu.memory_space<vmem>> -> memref<128xi32, #tpu.memory_space<vmem>>
        %dma_start3A_123 = arith.constant 0 : i32
        %dma_start3A_124 = arith.constant 0 : i32
        %dma_start3A_125 = tpu.memref_slice %arg10[%dma_start3A_123, %dma_start3A_124] : memref<10240x16xf32, #tpu.memory_space<vmem_shared>> -> memref<10240x16xf32, #tpu.memory_space<vmem_shared>>
        tpu.enqueue_indirect_dma source(%arg12 : memref<128x16xf32, #tpu.memory_space<vmem>>) target(%dma_start3A_125 : memref<10240x16xf32, #tpu.memory_space<vmem_shared>>) offsets(%dma_start3A_122 : memref<128xi32, #tpu.memory_space<vmem>>) semaphore(%run_scoped3A_119 : memref<!tpu.dma_semaphore, #tpu.memory_space<semaphore_mem>>) {add = true}
        %dma_wait3A_126 = arith.constant 0 : i32
        %dma_wait3A_127 = tpu.memref_slice %arg9[%run_scoped3A_88, %dma_wait3A_126] : memref<4x128xi32, #tpu.memory_space<vmem>> -> memref<1x128xi32, #tpu.memory_space<vmem>>
        %dma_wait3A_128 = tpu.memref_squeeze %dma_wait3A_127 : memref<1x128xi32, #tpu.memory_space<vmem>> -> memref<128xi32, #tpu.memory_space<vmem>>
        %dma_wait3A_129 = arith.constant 0 : i32
        %dma_wait3A_130 = arith.constant 0 : i32
        %dma_wait3A_131 = tpu.memref_slice %arg10[%dma_wait3A_129, %dma_wait3A_130] : memref<10240x16xf32, #tpu.memory_space<vmem_shared>> -> memref<10240x16xf32, #tpu.memory_space<vmem_shared>>
        tpu.wait_indirect_dma semaphore(%run_scoped3A_119 : memref<!tpu.dma_semaphore, #tpu.memory_space<semaphore_mem>>) src(%arg12 : memref<128x16xf32, #tpu.memory_space<vmem>>) dst(%dma_wait3A_131 : memref<10240x16xf32, #tpu.memory_space<vmem_shared>>)
        tpu.yield
      }) : () -> ()
      %dma_start3A_89 = arith.constant 2 : i32
      %dma_start3A_90 = arith.constant 0 : i32
      %dma_start3A_91 = tpu.memref_slice %arg8[%dma_start3A_89, %dma_start3A_90] : memref<4x128xi32, #tpu.memory_space<vmem>> -> memref<1x128xi32, #tpu.memory_space<vmem>>
      %dma_start3A_92 = tpu.memref_squeeze %dma_start3A_91 : memref<1x128xi32, #tpu.memory_space<vmem>> -> memref<128xi32, #tpu.memory_space<vmem>>
      %dma_start3A_93 = arith.constant 0 : i32
      %dma_start3A_94 = arith.constant 0 : i32
      %dma_start3A_95 = tpu.memref_slice %arg11[%dma_start3A_93, %dma_start3A_94] : memref<10240x16xf32, #tpu.memory_space<vmem_shared>> -> memref<10240x16xf32, #tpu.memory_space<vmem_shared>>
      tpu.enqueue_indirect_dma source(%dma_start3A_95 : memref<10240x16xf32, #tpu.memory_space<vmem_shared>>) target(%arg12 : memref<128x16xf32, #tpu.memory_space<vmem>>) offsets(%dma_start3A_92 : memref<128xi32, #tpu.memory_space<vmem>>) semaphore(%arg18 : memref<!tpu.dma_semaphore, #tpu.memory_space<semaphore_mem>>)
      %dma_wait3A_96 = arith.constant 2 : i32
      %dma_wait3A_97 = arith.constant 0 : i32
      %dma_wait3A_98 = tpu.memref_slice %arg8[%dma_wait3A_96, %dma_wait3A_97] : memref<4x128xi32, #tpu.memory_space<vmem>> -> memref<1x128xi32, #tpu.memory_space<vmem>>
      %dma_wait3A_99 = tpu.memref_squeeze %dma_wait3A_98 : memref<1x128xi32, #tpu.memory_space<vmem>> -> memref<128xi32, #tpu.memory_space<vmem>>
      %dma_wait3A_100 = arith.constant 0 : i32
      %dma_wait3A_101 = arith.constant 0 : i32
      %dma_wait3A_102 = tpu.memref_slice %arg11[%dma_wait3A_100, %dma_wait3A_101] : memref<10240x16xf32, #tpu.memory_space<vmem_shared>> -> memref<10240x16xf32, #tpu.memory_space<vmem_shared>>
      tpu.wait_indirect_dma semaphore(%arg18 : memref<!tpu.dma_semaphore, #tpu.memory_space<semaphore_mem>>) src(%dma_wait3A_102 : memref<10240x16xf32, #tpu.memory_space<vmem_shared>>) dst(%arg12 : memref<128x16xf32, #tpu.memory_space<vmem>>)
      %run_scoped3A_103 = arith.constant 2 : i32
      "tpu.region"() ({
        %run_scoped3A_119 = tpu.sem_alloc : memref<!tpu.dma_semaphore, #tpu.memory_space<semaphore_mem>>
        %dma_start3A_120 = arith.constant 0 : i32
        %dma_start3A_121 = tpu.memref_slice %arg9[%run_scoped3A_103, %dma_start3A_120] : memref<4x128xi32, #tpu.memory_space<vmem>> -> memref<1x128xi32, #tpu.memory_space<vmem>>
        %dma_start3A_122 = tpu.memref_squeeze %dma_start3A_121 : memref<1x128xi32, #tpu.memory_space<vmem>> -> memref<128xi32, #tpu.memory_space<vmem>>
        %dma_start3A_123 = arith.constant 0 : i32
        %dma_start3A_124 = arith.constant 0 : i32
        %dma_start3A_125 = tpu.memref_slice %arg10[%dma_start3A_123, %dma_start3A_124] : memref<10240x16xf32, #tpu.memory_space<vmem_shared>> -> memref<10240x16xf32, #tpu.memory_space<vmem_shared>>
        tpu.enqueue_indirect_dma source(%arg12 : memref<128x16xf32, #tpu.memory_space<vmem>>) target(%dma_start3A_125 : memref<10240x16xf32, #tpu.memory_space<vmem_shared>>) offsets(%dma_start3A_122 : memref<128xi32, #tpu.memory_space<vmem>>) semaphore(%run_scoped3A_119 : memref<!tpu.dma_semaphore, #tpu.memory_space<semaphore_mem>>) {add = true}
        %dma_wait3A_126 = arith.constant 0 : i32
        %dma_wait3A_127 = tpu.memref_slice %arg9[%run_scoped3A_103, %dma_wait3A_126] : memref<4x128xi32, #tpu.memory_space<vmem>> -> memref<1x128xi32, #tpu.memory_space<vmem>>
        %dma_wait3A_128 = tpu.memref_squeeze %dma_wait3A_127 : memref<1x128xi32, #tpu.memory_space<vmem>> -> memref<128xi32, #tpu.memory_space<vmem>>
        %dma_wait3A_129 = arith.constant 0 : i32
        %dma_wait3A_130 = arith.constant 0 : i32
        %dma_wait3A_131 = tpu.memref_slice %arg10[%dma_wait3A_129, %dma_wait3A_130] : memref<10240x16xf32, #tpu.memory_space<vmem_shared>> -> memref<10240x16xf32, #tpu.memory_space<vmem_shared>>
        tpu.wait_indirect_dma semaphore(%run_scoped3A_119 : memref<!tpu.dma_semaphore, #tpu.memory_space<semaphore_mem>>) src(%arg12 : memref<128x16xf32, #tpu.memory_space<vmem>>) dst(%dma_wait3A_131 : memref<10240x16xf32, #tpu.memory_space<vmem_shared>>)
        tpu.yield
      }) : () -> ()
      %dma_start3A_104 = arith.constant 3 : i32
      %dma_start3A_105 = arith.constant 0 : i32
      %dma_start3A_106 = tpu.memref_slice %arg8[%dma_start3A_104, %dma_start3A_105] : memref<4x128xi32, #tpu.memory_space<vmem>> -> memref<1x128xi32, #tpu.memory_space<vmem>>
      %dma_start3A_107 = tpu.memref_squeeze %dma_start3A_106 : memref<1x128xi32, #tpu.memory_space<vmem>> -> memref<128xi32, #tpu.memory_space<vmem>>
      %dma_start3A_108 = arith.constant 0 : i32
      %dma_start3A_109 = arith.constant 0 : i32
      %dma_start3A_110 = tpu.memref_slice %arg11[%dma_start3A_108, %dma_start3A_109] : memref<10240x16xf32, #tpu.memory_space<vmem_shared>> -> memref<10240x16xf32, #tpu.memory_space<vmem_shared>>
      tpu.enqueue_indirect_dma source(%dma_start3A_110 : memref<10240x16xf32, #tpu.memory_space<vmem_shared>>) target(%arg12 : memref<128x16xf32, #tpu.memory_space<vmem>>) offsets(%dma_start3A_107 : memref<128xi32, #tpu.memory_space<vmem>>) semaphore(%arg18 : memref<!tpu.dma_semaphore, #tpu.memory_space<semaphore_mem>>)
      %dma_wait3A_111 = arith.constant 3 : i32
      %dma_wait3A_112 = arith.constant 0 : i32
      %dma_wait3A_113 = tpu.memref_slice %arg8[%dma_wait3A_111, %dma_wait3A_112] : memref<4x128xi32, #tpu.memory_space<vmem>> -> memref<1x128xi32, #tpu.memory_space<vmem>>
      %dma_wait3A_114 = tpu.memref_squeeze %dma_wait3A_113 : memref<1x128xi32, #tpu.memory_space<vmem>> -> memref<128xi32, #tpu.memory_space<vmem>>
      %dma_wait3A_115 = arith.constant 0 : i32
      %dma_wait3A_116 = arith.constant 0 : i32
      %dma_wait3A_117 = tpu.memref_slice %arg11[%dma_wait3A_115, %dma_wait3A_116] : memref<10240x16xf32, #tpu.memory_space<vmem_shared>> -> memref<10240x16xf32, #tpu.memory_space<vmem_shared>>
      tpu.wait_indirect_dma semaphore(%arg18 : memref<!tpu.dma_semaphore, #tpu.memory_space<semaphore_mem>>) src(%dma_wait3A_117 : memref<10240x16xf32, #tpu.memory_space<vmem_shared>>) dst(%arg12 : memref<128x16xf32, #tpu.memory_space<vmem>>)
      %run_scoped3A_118 = arith.constant 3 : i32
      "tpu.region"() ({
        %run_scoped3A_119 = tpu.sem_alloc : memref<!tpu.dma_semaphore, #tpu.memory_space<semaphore_mem>>
        %dma_start3A_120 = arith.constant 0 : i32
        %dma_start3A_121 = tpu.memref_slice %arg9[%run_scoped3A_118, %dma_start3A_120] : memref<4x128xi32, #tpu.memory_space<vmem>> -> memref<1x128xi32, #tpu.memory_space<vmem>>
        %dma_start3A_122 = tpu.memref_squeeze %dma_start3A_121 : memref<1x128xi32, #tpu.memory_space<vmem>> -> memref<128xi32, #tpu.memory_space<vmem>>
        %dma_start3A_123 = arith.constant 0 : i32
        %dma_start3A_124 = arith.constant 0 : i32
        %dma_start3A_125 = tpu.memref_slice %arg10[%dma_start3A_123, %dma_start3A_124] : memref<10240x16xf32, #tpu.memory_space<vmem_shared>> -> memref<10240x16xf32, #tpu.memory_space<vmem_shared>>
        tpu.enqueue_indirect_dma source(%arg12 : memref<128x16xf32, #tpu.memory_space<vmem>>) target(%dma_start3A_125 : memref<10240x16xf32, #tpu.memory_space<vmem_shared>>) offsets(%dma_start3A_122 : memref<128xi32, #tpu.memory_space<vmem>>) semaphore(%run_scoped3A_119 : memref<!tpu.dma_semaphore, #tpu.memory_space<semaphore_mem>>) {add = true}
        %dma_wait3A_126 = arith.constant 0 : i32
        %dma_wait3A_127 = tpu.memref_slice %arg9[%run_scoped3A_118, %dma_wait3A_126] : memref<4x128xi32, #tpu.memory_space<vmem>> -> memref<1x128xi32, #tpu.memory_space<vmem>>
        %dma_wait3A_128 = tpu.memref_squeeze %dma_wait3A_127 : memref<1x128xi32, #tpu.memory_space<vmem>> -> memref<128xi32, #tpu.memory_space<vmem>>
        %dma_wait3A_129 = arith.constant 0 : i32
        %dma_wait3A_130 = arith.constant 0 : i32
        %dma_wait3A_131 = tpu.memref_slice %arg10[%dma_wait3A_129, %dma_wait3A_130] : memref<10240x16xf32, #tpu.memory_space<vmem_shared>> -> memref<10240x16xf32, #tpu.memory_space<vmem_shared>>
        tpu.wait_indirect_dma semaphore(%run_scoped3A_119 : memref<!tpu.dma_semaphore, #tpu.memory_space<semaphore_mem>>) src(%arg12 : memref<128x16xf32, #tpu.memory_space<vmem>>) dst(%dma_wait3A_131 : memref<10240x16xf32, #tpu.memory_space<vmem_shared>>)
        tpu.yield
      }) : () -> ()
    } else {
    }
    %barrier3A_59 = arith.constant 0 : index
    tpu.barrier barrier_id(%barrier3A_59)
    "tpu.region"() ({
      %run_scoped3A_60 = tpu.sem_alloc : memref<!tpu.dma_semaphore, #tpu.memory_space<semaphore_mem>>
      %dma_start3A_61 = arith.constant 0 : i32
      %dma_start3A_62 = tpu.memref_slice %arg5[%arg0, %mul3A_3, %dma_start3A_61] : memref<2x10240x16xf32, #tpu.memory_space<hbm>> -> memref<1x640x16xf32, #tpu.memory_space<hbm>>
      %dma_start3A_63 = tpu.memref_squeeze %dma_start3A_62 : memref<1x640x16xf32, #tpu.memory_space<hbm>> -> memref<640x16xf32, #tpu.memory_space<hbm>>
      %dma_start3A_64 = arith.constant 0 : i32
      %dma_start3A_65 = tpu.memref_slice %arg10[%mul3A_3, %dma_start3A_64] : memref<10240x16xf32, #tpu.memory_space<vmem_shared>> -> memref<640x16xf32, #tpu.memory_space<vmem_shared>>
      tpu.enqueue_dma source(%dma_start3A_65 : memref<640x16xf32, #tpu.memory_space<vmem_shared>>) target(%dma_start3A_63 : memref<640x16xf32, #tpu.memory_space<hbm>>) target_semaphore(%run_scoped3A_60 : memref<!tpu.dma_semaphore, #tpu.memory_space<semaphore_mem>>)
      %dma_wait3A = arith.constant 0 : i32
      %dma_wait3A_66 = tpu.memref_slice %arg5[%arg0, %mul3A_3, %dma_wait3A] : memref<2x10240x16xf32, #tpu.memory_space<hbm>> -> memref<1x640x16xf32, #tpu.memory_space<hbm>>
      %dma_wait3A_67 = tpu.memref_squeeze %dma_wait3A_66 : memref<1x640x16xf32, #tpu.memory_space<hbm>> -> memref<640x16xf32, #tpu.memory_space<hbm>>
      %dma_wait3A_68 = arith.constant 0 : i32
      %dma_wait3A_69 = tpu.memref_slice %arg10[%mul3A_3, %dma_wait3A_68] : memref<10240x16xf32, #tpu.memory_space<vmem_shared>> -> memref<640x16xf32, #tpu.memory_space<vmem_shared>>
      tpu.wait_dma2 semaphore(%run_scoped3A_60 : memref<!tpu.dma_semaphore, #tpu.memory_space<semaphore_mem>>) src(%dma_wait3A_69 : memref<640x16xf32, #tpu.memory_space<vmem_shared>>) dst(%dma_wait3A_67 : memref<640x16xf32, #tpu.memory_space<hbm>>)
      tpu.yield
    }) : () -> ()
    return
  }
}

#map = affine_map<(d0, d1) -> (0, 0)>
#map1 = affine_map<(d0, d1) -> (0, 0, 0)>
module attributes {stable_mosaic.version = 14 : i64} {
  func.func @k(%arg0: i32, %arg1: i32, %arg2: memref<2x320000xi32, #tpu.memory_space<hbm>>, %arg3: memref<2x10240x16xf32, #tpu.memory_space<hbm>>, %arg4: memref<9984xi32, #tpu.memory_space<vmem>>, %arg5: memref<78x128xi32, #tpu.memory_space<vmem>>, %arg6: memref<512xi32, #tpu.memory_space<vmem>>, %arg7: memref<4x128xi32, #tpu.memory_space<vmem>>, %arg8: memref<128xf32, #tpu.memory_space<vmem>>, %arg9: memref<640xf32, #tpu.memory_space<vmem>>, %arg10: memref<640x16xf32, #tpu.memory_space<vmem>>, %arg11: memref<10240xf32, #tpu.memory_space<vmem_shared>>, %arg12: memref<!tpu.dma_semaphore, #tpu.memory_space<semaphore_mem>>, %arg13: memref<!tpu.dma_semaphore, #tpu.memory_space<semaphore_mem>>, %arg14: memref<!tpu.dma_semaphore, #tpu.memory_space<semaphore_mem>>, %arg15: memref<!tpu.dma_semaphore, #tpu.memory_space<semaphore_mem>>, %arg16: memref<!tpu.dma_semaphore, #tpu.memory_space<semaphore_mem>>, %arg17: memref<!tpu.dma_semaphore, #tpu.memory_space<semaphore_mem>>) attributes {dimension_semantics = [#tpu.dimension_semantics<core_parallel>, #tpu.dimension_semantics<subcore_parallel>], iteration_bounds = array<i64: 2, 16>, scalar_prefetch = 0 : i64, scratch_operands = 14 : i64, tpu.core_type = #tpu.core_type<sc_vector_subcore>, window_params = [{transform_indices = #map}, {transform_indices = #map1}]} {
    %mul3A = arith.constant 16 : i32
    %mul3A_0 = arith.muli %arg0, %mul3A : i32
    %add3A = arith.addi %mul3A_0, %arg1 : i32
    %eq3A = arith.constant 31 : i32
    %eq3A_1 = arith.cmpi eq, %add3A, %eq3A : i32
    %mul3A_2 = arith.constant 640 : i32
    %mul3A_3 = arith.muli %arg1, %mul3A_2 : i32
    %mul3A_4 = arith.constant 78 : i32
    %mul3A_5 = arith.muli %add3A, %mul3A_4 : i32
    %mul3A_6 = arith.constant 128 : i32
    %mul3A_7 = arith.muli %mul3A_5, %mul3A_6 : i32
    %run_scoped3A = arith.constant 1 : i32
    "tpu.region"() ({
      %run_scoped3A_85 = tpu.sem_alloc : memref<!tpu.dma_semaphore, #tpu.memory_space<semaphore_mem>>
      %dma_start3A = tpu.memref_slice %arg2[%run_scoped3A, %mul3A_7] : memref<2x320000xi32, #tpu.memory_space<hbm>> -> memref<1x9984xi32, #tpu.memory_space<hbm>>
      %dma_start3A_86 = tpu.memref_squeeze %dma_start3A : memref<1x9984xi32, #tpu.memory_space<hbm>> -> memref<9984xi32, #tpu.memory_space<hbm>>
      %dma_start3A_87 = tpu.memref_slice %arg2[%run_scoped3A, %mul3A_7] : memref<2x320000xi32, #tpu.memory_space<hbm>> -> memref<1x9984xi32, #tpu.memory_space<hbm>>
      %dma_start3A_88 = tpu.memref_squeeze %dma_start3A_87 : memref<1x9984xi32, #tpu.memory_space<hbm>> -> memref<9984xi32, #tpu.memory_space<hbm>>
      tpu.enqueue_dma source(%dma_start3A_88 : memref<9984xi32, #tpu.memory_space<hbm>>) target(%arg4 : memref<9984xi32, #tpu.memory_space<vmem>>) target_semaphore(%run_scoped3A_85 : memref<!tpu.dma_semaphore, #tpu.memory_space<semaphore_mem>>)
      %dma_wait3A = tpu.memref_slice %arg2[%run_scoped3A, %mul3A_7] : memref<2x320000xi32, #tpu.memory_space<hbm>> -> memref<1x9984xi32, #tpu.memory_space<hbm>>
      %dma_wait3A_89 = tpu.memref_squeeze %dma_wait3A : memref<1x9984xi32, #tpu.memory_space<hbm>> -> memref<9984xi32, #tpu.memory_space<hbm>>
      %dma_wait3A_90 = tpu.memref_slice %arg2[%run_scoped3A, %mul3A_7] : memref<2x320000xi32, #tpu.memory_space<hbm>> -> memref<1x9984xi32, #tpu.memory_space<hbm>>
      %dma_wait3A_91 = tpu.memref_squeeze %dma_wait3A_90 : memref<1x9984xi32, #tpu.memory_space<hbm>> -> memref<9984xi32, #tpu.memory_space<hbm>>
      tpu.wait_dma2 semaphore(%run_scoped3A_85 : memref<!tpu.dma_semaphore, #tpu.memory_space<semaphore_mem>>) src(%dma_wait3A_91 : memref<9984xi32, #tpu.memory_space<hbm>>) dst(%arg4 : memref<9984xi32, #tpu.memory_space<vmem>>)
      tpu.yield
    }) : () -> ()
    %convert_element_type3A = arith.extui %eq3A_1 : i1 to i32
    %cond3A = arith.constant 0 : i32
    %cond3A_8 = arith.cmpi ne, %convert_element_type3A, %cond3A : i32
    scf.if %cond3A_8 {
      %run_scoped3A_85 = arith.constant 1 : i32
      "tpu.region"() ({
        %run_scoped3A_86 = tpu.sem_alloc : memref<!tpu.dma_semaphore, #tpu.memory_space<semaphore_mem>>
        %dma_start3A = arith.constant 319488 : i32
        %dma_start3A_87 = tpu.memref_slice %arg2[%run_scoped3A_85, %dma_start3A] : memref<2x320000xi32, #tpu.memory_space<hbm>> -> memref<1x512xi32, #tpu.memory_space<hbm>>
        %dma_start3A_88 = tpu.memref_squeeze %dma_start3A_87 : memref<1x512xi32, #tpu.memory_space<hbm>> -> memref<512xi32, #tpu.memory_space<hbm>>
        %dma_start3A_89 = arith.constant 319488 : i32
        %dma_start3A_90 = tpu.memref_slice %arg2[%run_scoped3A_85, %dma_start3A_89] : memref<2x320000xi32, #tpu.memory_space<hbm>> -> memref<1x512xi32, #tpu.memory_space<hbm>>
        %dma_start3A_91 = tpu.memref_squeeze %dma_start3A_90 : memref<1x512xi32, #tpu.memory_space<hbm>> -> memref<512xi32, #tpu.memory_space<hbm>>
        tpu.enqueue_dma source(%dma_start3A_91 : memref<512xi32, #tpu.memory_space<hbm>>) target(%arg6 : memref<512xi32, #tpu.memory_space<vmem>>) target_semaphore(%run_scoped3A_86 : memref<!tpu.dma_semaphore, #tpu.memory_space<semaphore_mem>>)
        %dma_wait3A = arith.constant 319488 : i32
        %dma_wait3A_92 = tpu.memref_slice %arg2[%run_scoped3A_85, %dma_wait3A] : memref<2x320000xi32, #tpu.memory_space<hbm>> -> memref<1x512xi32, #tpu.memory_space<hbm>>
        %dma_wait3A_93 = tpu.memref_squeeze %dma_wait3A_92 : memref<1x512xi32, #tpu.memory_space<hbm>> -> memref<512xi32, #tpu.memory_space<hbm>>
        %dma_wait3A_94 = arith.constant 319488 : i32
        %dma_wait3A_95 = tpu.memref_slice %arg2[%run_scoped3A_85, %dma_wait3A_94] : memref<2x320000xi32, #tpu.memory_space<hbm>> -> memref<1x512xi32, #tpu.memory_space<hbm>>
        %dma_wait3A_96 = tpu.memref_squeeze %dma_wait3A_95 : memref<1x512xi32, #tpu.memory_space<hbm>> -> memref<512xi32, #tpu.memory_space<hbm>>
        tpu.wait_dma2 semaphore(%run_scoped3A_86 : memref<!tpu.dma_semaphore, #tpu.memory_space<semaphore_mem>>) src(%dma_wait3A_96 : memref<512xi32, #tpu.memory_space<hbm>>) dst(%arg6 : memref<512xi32, #tpu.memory_space<vmem>>)
        tpu.yield
      }) : () -> ()
    } else {
    }
    %broadcast_in_dim3A = arith.constant 1.000000e+00 : f32
    %broadcast_in_dim3A_9 = vector.broadcast %broadcast_in_dim3A : f32 to vector<16xf32>
    %swap3A = arith.constant 0 : index
    %swap3A_10 = tpu.vector_load %arg8[%swap3A] {strides = array<i32>} : memref<128xf32, #tpu.memory_space<vmem>>, vector<16xf32>,
    %swap3A_11 = vector.shape_cast %swap3A_10 : vector<16xf32> to vector<16xf32>
    %swap3A_12 = vector.shape_cast %broadcast_in_dim3A_9 : vector<16xf32> to vector<16xf32>
    tpu.vector_store %arg8[%swap3A], %swap3A_12 {strides = array<i32>} : memref<128xf32, #tpu.memory_space<vmem>>, vector<16xf32>,
    %broadcast_in_dim3A_13 = arith.constant 1.000000e+00 : f32
    %broadcast_in_dim3A_14 = vector.broadcast %broadcast_in_dim3A_13 : f32 to vector<16xf32>
    %swap3A_15 = arith.constant 16 : index
    %swap3A_16 = tpu.vector_load %arg8[%swap3A_15] {strides = array<i32>} : memref<128xf32, #tpu.memory_space<vmem>>, vector<16xf32>,
    %swap3A_17 = vector.shape_cast %swap3A_16 : vector<16xf32> to vector<16xf32>
    %swap3A_18 = vector.shape_cast %broadcast_in_dim3A_14 : vector<16xf32> to vector<16xf32>
    tpu.vector_store %arg8[%swap3A_15], %swap3A_18 {strides = array<i32>} : memref<128xf32, #tpu.memory_space<vmem>>, vector<16xf32>,
    %broadcast_in_dim3A_19 = arith.constant 1.000000e+00 : f32
    %broadcast_in_dim3A_20 = vector.broadcast %broadcast_in_dim3A_19 : f32 to vector<16xf32>
    %swap3A_21 = arith.constant 32 : index
    %swap3A_22 = tpu.vector_load %arg8[%swap3A_21] {strides = array<i32>} : memref<128xf32, #tpu.memory_space<vmem>>, vector<16xf32>,
    %swap3A_23 = vector.shape_cast %swap3A_22 : vector<16xf32> to vector<16xf32>
    %swap3A_24 = vector.shape_cast %broadcast_in_dim3A_20 : vector<16xf32> to vector<16xf32>
    tpu.vector_store %arg8[%swap3A_21], %swap3A_24 {strides = array<i32>} : memref<128xf32, #tpu.memory_space<vmem>>, vector<16xf32>,
    %broadcast_in_dim3A_25 = arith.constant 1.000000e+00 : f32
    %broadcast_in_dim3A_26 = vector.broadcast %broadcast_in_dim3A_25 : f32 to vector<16xf32>
    %swap3A_27 = arith.constant 48 : index
    %swap3A_28 = tpu.vector_load %arg8[%swap3A_27] {strides = array<i32>} : memref<128xf32, #tpu.memory_space<vmem>>, vector<16xf32>,
    %swap3A_29 = vector.shape_cast %swap3A_28 : vector<16xf32> to vector<16xf32>
    %swap3A_30 = vector.shape_cast %broadcast_in_dim3A_26 : vector<16xf32> to vector<16xf32>
    tpu.vector_store %arg8[%swap3A_27], %swap3A_30 {strides = array<i32>} : memref<128xf32, #tpu.memory_space<vmem>>, vector<16xf32>,
    %broadcast_in_dim3A_31 = arith.constant 1.000000e+00 : f32
    %broadcast_in_dim3A_32 = vector.broadcast %broadcast_in_dim3A_31 : f32 to vector<16xf32>
    %swap3A_33 = arith.constant 64 : index
    %swap3A_34 = tpu.vector_load %arg8[%swap3A_33] {strides = array<i32>} : memref<128xf32, #tpu.memory_space<vmem>>, vector<16xf32>,
    %swap3A_35 = vector.shape_cast %swap3A_34 : vector<16xf32> to vector<16xf32>
    %swap3A_36 = vector.shape_cast %broadcast_in_dim3A_32 : vector<16xf32> to vector<16xf32>
    tpu.vector_store %arg8[%swap3A_33], %swap3A_36 {strides = array<i32>} : memref<128xf32, #tpu.memory_space<vmem>>, vector<16xf32>,
    %broadcast_in_dim3A_37 = arith.constant 1.000000e+00 : f32
    %broadcast_in_dim3A_38 = vector.broadcast %broadcast_in_dim3A_37 : f32 to vector<16xf32>
    %swap3A_39 = arith.constant 80 : index
    %swap3A_40 = tpu.vector_load %arg8[%swap3A_39] {strides = array<i32>} : memref<128xf32, #tpu.memory_space<vmem>>, vector<16xf32>,
    %swap3A_41 = vector.shape_cast %swap3A_40 : vector<16xf32> to vector<16xf32>
    %swap3A_42 = vector.shape_cast %broadcast_in_dim3A_38 : vector<16xf32> to vector<16xf32>
    tpu.vector_store %arg8[%swap3A_39], %swap3A_42 {strides = array<i32>} : memref<128xf32, #tpu.memory_space<vmem>>, vector<16xf32>,
    %broadcast_in_dim3A_43 = arith.constant 1.000000e+00 : f32
    %broadcast_in_dim3A_44 = vector.broadcast %broadcast_in_dim3A_43 : f32 to vector<16xf32>
    %swap3A_45 = arith.constant 96 : index
    %swap3A_46 = tpu.vector_load %arg8[%swap3A_45] {strides = array<i32>} : memref<128xf32, #tpu.memory_space<vmem>>, vector<16xf32>,
    %swap3A_47 = vector.shape_cast %swap3A_46 : vector<16xf32> to vector<16xf32>
    %swap3A_48 = vector.shape_cast %broadcast_in_dim3A_44 : vector<16xf32> to vector<16xf32>
    tpu.vector_store %arg8[%swap3A_45], %swap3A_48 {strides = array<i32>} : memref<128xf32, #tpu.memory_space<vmem>>, vector<16xf32>,
    %broadcast_in_dim3A_49 = arith.constant 1.000000e+00 : f32
    %broadcast_in_dim3A_50 = vector.broadcast %broadcast_in_dim3A_49 : f32 to vector<16xf32>
    %swap3A_51 = arith.constant 112 : index
    %swap3A_52 = tpu.vector_load %arg8[%swap3A_51] {strides = array<i32>} : memref<128xf32, #tpu.memory_space<vmem>>, vector<16xf32>,
    %swap3A_53 = vector.shape_cast %swap3A_52 : vector<16xf32> to vector<16xf32>
    %swap3A_54 = vector.shape_cast %broadcast_in_dim3A_50 : vector<16xf32> to vector<16xf32>
    tpu.vector_store %arg8[%swap3A_51], %swap3A_54 {strides = array<i32>} : memref<128xf32, #tpu.memory_space<vmem>>, vector<16xf32>,
    %scan3A = arith.constant 0 : i32
    %scan3A_55 = arith.constant 0 : i32
    %scan3A_56 = arith.constant 40 : i32
    %scan3A_57 = arith.addi %scan3A_55, %scan3A_56 : i32
    %scan3A_58 = arith.constant 1 : i32
    scf.for %scan3A_85 = %scan3A_55 to %scan3A_57 step %scan3A_58  : i32 {
      %broadcast_in_dim3A_86 = arith.constant 0.000000e+00 : f32
      %broadcast_in_dim3A_87 = vector.broadcast %broadcast_in_dim3A_86 : f32 to vector<16xf32>
      %mul3A_88 = arith.constant 16 : i32
      %mul3A_89 = arith.muli %scan3A_85, %mul3A_88 : i32
      %swap3A_90 = arith.index_cast %mul3A_89 : i32 to index
      %swap3A_91 = tpu.vector_load %arg9[%swap3A_90] {strides = array<i32>} : memref<640xf32, #tpu.memory_space<vmem>>, vector<16xf32>,
      %swap3A_92 = vector.shape_cast %swap3A_91 : vector<16xf32> to vector<16xf32>
      %swap3A_93 = vector.shape_cast %broadcast_in_dim3A_87 : vector<16xf32> to vector<16xf32>
      tpu.vector_store %arg9[%swap3A_90], %swap3A_93 {strides = array<i32>} : memref<640xf32, #tpu.memory_space<vmem>>, vector<16xf32>,
    }
    %scan3A_59 = arith.constant 40 : i32
    "tpu.region"() ({
      %run_scoped3A_85 = tpu.sem_alloc : memref<!tpu.dma_semaphore, #tpu.memory_space<semaphore_mem>>
      %dma_start3A = tpu.memref_slice %arg11[%mul3A_3] : memref<10240xf32, #tpu.memory_space<vmem_shared>> -> memref<640xf32, #tpu.memory_space<vmem_shared>>
      %dma_start3A_86 = tpu.memref_slice %arg11[%mul3A_3] : memref<10240xf32, #tpu.memory_space<vmem_shared>> -> memref<640xf32, #tpu.memory_space<vmem_shared>>
      tpu.enqueue_dma source(%arg9 : memref<640xf32, #tpu.memory_space<vmem>>) target(%dma_start3A_86 : memref<640xf32, #tpu.memory_space<vmem_shared>>) target_semaphore(%run_scoped3A_85 : memref<!tpu.dma_semaphore, #tpu.memory_space<semaphore_mem>>)
      %dma_wait3A = tpu.memref_slice %arg11[%mul3A_3] : memref<10240xf32, #tpu.memory_space<vmem_shared>> -> memref<640xf32, #tpu.memory_space<vmem_shared>>
      %dma_wait3A_87 = tpu.memref_slice %arg11[%mul3A_3] : memref<10240xf32, #tpu.memory_space<vmem_shared>> -> memref<640xf32, #tpu.memory_space<vmem_shared>>
      tpu.wait_dma2 semaphore(%run_scoped3A_85 : memref<!tpu.dma_semaphore, #tpu.memory_space<semaphore_mem>>) src(%arg9 : memref<640xf32, #tpu.memory_space<vmem>>) dst(%dma_wait3A_87 : memref<640xf32, #tpu.memory_space<vmem_shared>>)
      tpu.yield
    }) : () -> ()
    %scan3A_60 = arith.constant 0 : i32
    %scan3A_61 = arith.constant 0 : i32
    %scan3A_62 = arith.constant 78 : i32
    %scan3A_63 = arith.addi %scan3A_61, %scan3A_62 : i32
    %scan3A_64 = arith.constant 1 : i32
    scf.for %scan3A_85 = %scan3A_61 to %scan3A_63 step %scan3A_64  : i32 {
      %mul3A_86 = arith.constant 128 : i32
      %mul3A_87 = arith.muli %scan3A_85, %mul3A_86 : i32
      %add3A_88 = arith.constant 0 : i32
      %add3A_89 = arith.addi %mul3A_87, %add3A_88 : i32
      %get3A = arith.index_cast %add3A_89 : i32 to index
      %get3A_90 = tpu.vector_load %arg4[%get3A] {strides = array<i32>} : memref<9984xi32, #tpu.memory_space<vmem>>, vector<16xi32>,
      %get3A_91 = vector.shape_cast %get3A_90 : vector<16xi32> to vector<16xi32>
      %swap3A_92 = arith.index_cast %scan3A_85 : i32 to index
      %swap3A_93 = arith.constant 0 : index
      %swap3A_94 = tpu.vector_load %arg5[%swap3A_92, %swap3A_93] {strides = array<i32>} : memref<78x128xi32, #tpu.memory_space<vmem>>, vector<1x16xi32>,
      %swap3A_95 = vector.shape_cast %swap3A_94 : vector<1x16xi32> to vector<16xi32>
      %swap3A_96 = vector.shape_cast %get3A_91 : vector<16xi32> to vector<1x16xi32>
      tpu.vector_store %arg5[%swap3A_92, %swap3A_93], %swap3A_96 {strides = array<i32>} : memref<78x128xi32, #tpu.memory_space<vmem>>, vector<1x16xi32>,
      %mul3A_97 = arith.constant 128 : i32
      %mul3A_98 = arith.muli %scan3A_85, %mul3A_97 : i32
      %add3A_99 = arith.constant 16 : i32
      %add3A_100 = arith.addi %mul3A_98, %add3A_99 : i32
      %get3A_101 = arith.index_cast %add3A_100 : i32 to index
      %get3A_102 = tpu.vector_load %arg4[%get3A_101] {strides = array<i32>} : memref<9984xi32, #tpu.memory_space<vmem>>, vector<16xi32>,
      %get3A_103 = vector.shape_cast %get3A_102 : vector<16xi32> to vector<16xi32>
      %swap3A_104 = arith.index_cast %scan3A_85 : i32 to index
      %swap3A_105 = arith.constant 16 : index
      %swap3A_106 = tpu.vector_load %arg5[%swap3A_104, %swap3A_105] {strides = array<i32>} : memref<78x128xi32, #tpu.memory_space<vmem>>, vector<1x16xi32>,
      %swap3A_107 = vector.shape_cast %swap3A_106 : vector<1x16xi32> to vector<16xi32>
      %swap3A_108 = vector.shape_cast %get3A_103 : vector<16xi32> to vector<1x16xi32>
      tpu.vector_store %arg5[%swap3A_104, %swap3A_105], %swap3A_108 {strides = array<i32>} : memref<78x128xi32, #tpu.memory_space<vmem>>, vector<1x16xi32>,
      %mul3A_109 = arith.constant 128 : i32
      %mul3A_110 = arith.muli %scan3A_85, %mul3A_109 : i32
      %add3A_111 = arith.constant 32 : i32
      %add3A_112 = arith.addi %mul3A_110, %add3A_111 : i32
      %get3A_113 = arith.index_cast %add3A_112 : i32 to index
      %get3A_114 = tpu.vector_load %arg4[%get3A_113] {strides = array<i32>} : memref<9984xi32, #tpu.memory_space<vmem>>, vector<16xi32>,
      %get3A_115 = vector.shape_cast %get3A_114 : vector<16xi32> to vector<16xi32>
      %swap3A_116 = arith.index_cast %scan3A_85 : i32 to index
      %swap3A_117 = arith.constant 32 : index
      %swap3A_118 = tpu.vector_load %arg5[%swap3A_116, %swap3A_117] {strides = array<i32>} : memref<78x128xi32, #tpu.memory_space<vmem>>, vector<1x16xi32>,
      %swap3A_119 = vector.shape_cast %swap3A_118 : vector<1x16xi32> to vector<16xi32>
      %swap3A_120 = vector.shape_cast %get3A_115 : vector<16xi32> to vector<1x16xi32>
      tpu.vector_store %arg5[%swap3A_116, %swap3A_117], %swap3A_120 {strides = array<i32>} : memref<78x128xi32, #tpu.memory_space<vmem>>, vector<1x16xi32>,
      %mul3A_121 = arith.constant 128 : i32
      %mul3A_122 = arith.muli %scan3A_85, %mul3A_121 : i32
      %add3A_123 = arith.constant 48 : i32
      %add3A_124 = arith.addi %mul3A_122, %add3A_123 : i32
      %get3A_125 = arith.index_cast %add3A_124 : i32 to index
      %get3A_126 = tpu.vector_load %arg4[%get3A_125] {strides = array<i32>} : memref<9984xi32, #tpu.memory_space<vmem>>, vector<16xi32>,
      %get3A_127 = vector.shape_cast %get3A_126 : vector<16xi32> to vector<16xi32>
      %swap3A_128 = arith.index_cast %scan3A_85 : i32 to index
      %swap3A_129 = arith.constant 48 : index
      %swap3A_130 = tpu.vector_load %arg5[%swap3A_128, %swap3A_129] {strides = array<i32>} : memref<78x128xi32, #tpu.memory_space<vmem>>, vector<1x16xi32>,
      %swap3A_131 = vector.shape_cast %swap3A_130 : vector<1x16xi32> to vector<16xi32>
      %swap3A_132 = vector.shape_cast %get3A_127 : vector<16xi32> to vector<1x16xi32>
      tpu.vector_store %arg5[%swap3A_128, %swap3A_129], %swap3A_132 {strides = array<i32>} : memref<78x128xi32, #tpu.memory_space<vmem>>, vector<1x16xi32>,
      %mul3A_133 = arith.constant 128 : i32
      %mul3A_134 = arith.muli %scan3A_85, %mul3A_133 : i32
      %add3A_135 = arith.constant 64 : i32
      %add3A_136 = arith.addi %mul3A_134, %add3A_135 : i32
      %get3A_137 = arith.index_cast %add3A_136 : i32 to index
      %get3A_138 = tpu.vector_load %arg4[%get3A_137] {strides = array<i32>} : memref<9984xi32, #tpu.memory_space<vmem>>, vector<16xi32>,
      %get3A_139 = vector.shape_cast %get3A_138 : vector<16xi32> to vector<16xi32>
      %swap3A_140 = arith.index_cast %scan3A_85 : i32 to index
      %swap3A_141 = arith.constant 64 : index
      %swap3A_142 = tpu.vector_load %arg5[%swap3A_140, %swap3A_141] {strides = array<i32>} : memref<78x128xi32, #tpu.memory_space<vmem>>, vector<1x16xi32>,
      %swap3A_143 = vector.shape_cast %swap3A_142 : vector<1x16xi32> to vector<16xi32>
      %swap3A_144 = vector.shape_cast %get3A_139 : vector<16xi32> to vector<1x16xi32>
      tpu.vector_store %arg5[%swap3A_140, %swap3A_141], %swap3A_144 {strides = array<i32>} : memref<78x128xi32, #tpu.memory_space<vmem>>, vector<1x16xi32>,
      %mul3A_145 = arith.constant 128 : i32
      %mul3A_146 = arith.muli %scan3A_85, %mul3A_145 : i32
      %add3A_147 = arith.constant 80 : i32
      %add3A_148 = arith.addi %mul3A_146, %add3A_147 : i32
      %get3A_149 = arith.index_cast %add3A_148 : i32 to index
      %get3A_150 = tpu.vector_load %arg4[%get3A_149] {strides = array<i32>} : memref<9984xi32, #tpu.memory_space<vmem>>, vector<16xi32>,
      %get3A_151 = vector.shape_cast %get3A_150 : vector<16xi32> to vector<16xi32>
      %swap3A_152 = arith.index_cast %scan3A_85 : i32 to index
      %swap3A_153 = arith.constant 80 : index
      %swap3A_154 = tpu.vector_load %arg5[%swap3A_152, %swap3A_153] {strides = array<i32>} : memref<78x128xi32, #tpu.memory_space<vmem>>, vector<1x16xi32>,
      %swap3A_155 = vector.shape_cast %swap3A_154 : vector<1x16xi32> to vector<16xi32>
      %swap3A_156 = vector.shape_cast %get3A_151 : vector<16xi32> to vector<1x16xi32>
      tpu.vector_store %arg5[%swap3A_152, %swap3A_153], %swap3A_156 {strides = array<i32>} : memref<78x128xi32, #tpu.memory_space<vmem>>, vector<1x16xi32>,
      %mul3A_157 = arith.constant 128 : i32
      %mul3A_158 = arith.muli %scan3A_85, %mul3A_157 : i32
      %add3A_159 = arith.constant 96 : i32
      %add3A_160 = arith.addi %mul3A_158, %add3A_159 : i32
      %get3A_161 = arith.index_cast %add3A_160 : i32 to index
      %get3A_162 = tpu.vector_load %arg4[%get3A_161] {strides = array<i32>} : memref<9984xi32, #tpu.memory_space<vmem>>, vector<16xi32>,
      %get3A_163 = vector.shape_cast %get3A_162 : vector<16xi32> to vector<16xi32>
      %swap3A_164 = arith.index_cast %scan3A_85 : i32 to index
      %swap3A_165 = arith.constant 96 : index
      %swap3A_166 = tpu.vector_load %arg5[%swap3A_164, %swap3A_165] {strides = array<i32>} : memref<78x128xi32, #tpu.memory_space<vmem>>, vector<1x16xi32>,
      %swap3A_167 = vector.shape_cast %swap3A_166 : vector<1x16xi32> to vector<16xi32>
      %swap3A_168 = vector.shape_cast %get3A_163 : vector<16xi32> to vector<1x16xi32>
      tpu.vector_store %arg5[%swap3A_164, %swap3A_165], %swap3A_168 {strides = array<i32>} : memref<78x128xi32, #tpu.memory_space<vmem>>, vector<1x16xi32>,
      %mul3A_169 = arith.constant 128 : i32
      %mul3A_170 = arith.muli %scan3A_85, %mul3A_169 : i32
      %add3A_171 = arith.constant 112 : i32
      %add3A_172 = arith.addi %mul3A_170, %add3A_171 : i32
      %get3A_173 = arith.index_cast %add3A_172 : i32 to index
      %get3A_174 = tpu.vector_load %arg4[%get3A_173] {strides = array<i32>} : memref<9984xi32, #tpu.memory_space<vmem>>, vector<16xi32>,
      %get3A_175 = vector.shape_cast %get3A_174 : vector<16xi32> to vector<16xi32>
      %swap3A_176 = arith.index_cast %scan3A_85 : i32 to index
      %swap3A_177 = arith.constant 112 : index
      %swap3A_178 = tpu.vector_load %arg5[%swap3A_176, %swap3A_177] {strides = array<i32>} : memref<78x128xi32, #tpu.memory_space<vmem>>, vector<1x16xi32>,
      %swap3A_179 = vector.shape_cast %swap3A_178 : vector<1x16xi32> to vector<16xi32>
      %swap3A_180 = vector.shape_cast %get3A_175 : vector<16xi32> to vector<1x16xi32>
      tpu.vector_store %arg5[%swap3A_176, %swap3A_177], %swap3A_180 {strides = array<i32>} : memref<78x128xi32, #tpu.memory_space<vmem>>, vector<1x16xi32>,
    }
    %scan3A_65 = arith.constant 78 : i32
    %convert_element_type3A_66 = arith.extui %eq3A_1 : i1 to i32
    %cond3A_67 = arith.constant 0 : i32
    %cond3A_68 = arith.cmpi ne, %convert_element_type3A_66, %cond3A_67 : i32
    scf.if %cond3A_68 {
      %scan3A_85 = arith.constant 0 : i32
      %scan3A_86 = arith.constant 0 : i32
      %scan3A_87 = arith.constant 4 : i32
      %scan3A_88 = arith.addi %scan3A_86, %scan3A_87 : i32
      %scan3A_89 = arith.constant 1 : i32
      scf.for %scan3A_91 = %scan3A_86 to %scan3A_88 step %scan3A_89  : i32 {
        %mul3A_92 = arith.constant 128 : i32
        %mul3A_93 = arith.muli %scan3A_91, %mul3A_92 : i32
        %add3A_94 = arith.constant 0 : i32
        %add3A_95 = arith.addi %mul3A_93, %add3A_94 : i32
        %get3A = arith.index_cast %add3A_95 : i32 to index
        %get3A_96 = tpu.vector_load %arg6[%get3A] {strides = array<i32>} : memref<512xi32, #tpu.memory_space<vmem>>, vector<16xi32>,
        %get3A_97 = vector.shape_cast %get3A_96 : vector<16xi32> to vector<16xi32>
        %swap3A_98 = arith.index_cast %scan3A_91 : i32 to index
        %swap3A_99 = arith.constant 0 : index
        %swap3A_100 = tpu.vector_load %arg7[%swap3A_98, %swap3A_99] {strides = array<i32>} : memref<4x128xi32, #tpu.memory_space<vmem>>, vector<1x16xi32>,
        %swap3A_101 = vector.shape_cast %swap3A_100 : vector<1x16xi32> to vector<16xi32>
        %swap3A_102 = vector.shape_cast %get3A_97 : vector<16xi32> to vector<1x16xi32>
        tpu.vector_store %arg7[%swap3A_98, %swap3A_99], %swap3A_102 {strides = array<i32>} : memref<4x128xi32, #tpu.memory_space<vmem>>, vector<1x16xi32>,
        %mul3A_103 = arith.constant 128 : i32
        %mul3A_104 = arith.muli %scan3A_91, %mul3A_103 : i32
        %add3A_105 = arith.constant 16 : i32
        %add3A_106 = arith.addi %mul3A_104, %add3A_105 : i32
        %get3A_107 = arith.index_cast %add3A_106 : i32 to index
        %get3A_108 = tpu.vector_load %arg6[%get3A_107] {strides = array<i32>} : memref<512xi32, #tpu.memory_space<vmem>>, vector<16xi32>,
        %get3A_109 = vector.shape_cast %get3A_108 : vector<16xi32> to vector<16xi32>
        %swap3A_110 = arith.index_cast %scan3A_91 : i32 to index
        %swap3A_111 = arith.constant 16 : index
        %swap3A_112 = tpu.vector_load %arg7[%swap3A_110, %swap3A_111] {strides = array<i32>} : memref<4x128xi32, #tpu.memory_space<vmem>>, vector<1x16xi32>,
        %swap3A_113 = vector.shape_cast %swap3A_112 : vector<1x16xi32> to vector<16xi32>
        %swap3A_114 = vector.shape_cast %get3A_109 : vector<16xi32> to vector<1x16xi32>
        tpu.vector_store %arg7[%swap3A_110, %swap3A_111], %swap3A_114 {strides = array<i32>} : memref<4x128xi32, #tpu.memory_space<vmem>>, vector<1x16xi32>,
        %mul3A_115 = arith.constant 128 : i32
        %mul3A_116 = arith.muli %scan3A_91, %mul3A_115 : i32
        %add3A_117 = arith.constant 32 : i32
        %add3A_118 = arith.addi %mul3A_116, %add3A_117 : i32
        %get3A_119 = arith.index_cast %add3A_118 : i32 to index
        %get3A_120 = tpu.vector_load %arg6[%get3A_119] {strides = array<i32>} : memref<512xi32, #tpu.memory_space<vmem>>, vector<16xi32>,
        %get3A_121 = vector.shape_cast %get3A_120 : vector<16xi32> to vector<16xi32>
        %swap3A_122 = arith.index_cast %scan3A_91 : i32 to index
        %swap3A_123 = arith.constant 32 : index
        %swap3A_124 = tpu.vector_load %arg7[%swap3A_122, %swap3A_123] {strides = array<i32>} : memref<4x128xi32, #tpu.memory_space<vmem>>, vector<1x16xi32>,
        %swap3A_125 = vector.shape_cast %swap3A_124 : vector<1x16xi32> to vector<16xi32>
        %swap3A_126 = vector.shape_cast %get3A_121 : vector<16xi32> to vector<1x16xi32>
        tpu.vector_store %arg7[%swap3A_122, %swap3A_123], %swap3A_126 {strides = array<i32>} : memref<4x128xi32, #tpu.memory_space<vmem>>, vector<1x16xi32>,
        %mul3A_127 = arith.constant 128 : i32
        %mul3A_128 = arith.muli %scan3A_91, %mul3A_127 : i32
        %add3A_129 = arith.constant 48 : i32
        %add3A_130 = arith.addi %mul3A_128, %add3A_129 : i32
        %get3A_131 = arith.index_cast %add3A_130 : i32 to index
        %get3A_132 = tpu.vector_load %arg6[%get3A_131] {strides = array<i32>} : memref<512xi32, #tpu.memory_space<vmem>>, vector<16xi32>,
        %get3A_133 = vector.shape_cast %get3A_132 : vector<16xi32> to vector<16xi32>
        %swap3A_134 = arith.index_cast %scan3A_91 : i32 to index
        %swap3A_135 = arith.constant 48 : index
        %swap3A_136 = tpu.vector_load %arg7[%swap3A_134, %swap3A_135] {strides = array<i32>} : memref<4x128xi32, #tpu.memory_space<vmem>>, vector<1x16xi32>,
        %swap3A_137 = vector.shape_cast %swap3A_136 : vector<1x16xi32> to vector<16xi32>
        %swap3A_138 = vector.shape_cast %get3A_133 : vector<16xi32> to vector<1x16xi32>
        tpu.vector_store %arg7[%swap3A_134, %swap3A_135], %swap3A_138 {strides = array<i32>} : memref<4x128xi32, #tpu.memory_space<vmem>>, vector<1x16xi32>,
        %mul3A_139 = arith.constant 128 : i32
        %mul3A_140 = arith.muli %scan3A_91, %mul3A_139 : i32
        %add3A_141 = arith.constant 64 : i32
        %add3A_142 = arith.addi %mul3A_140, %add3A_141 : i32
        %get3A_143 = arith.index_cast %add3A_142 : i32 to index
        %get3A_144 = tpu.vector_load %arg6[%get3A_143] {strides = array<i32>} : memref<512xi32, #tpu.memory_space<vmem>>, vector<16xi32>,
        %get3A_145 = vector.shape_cast %get3A_144 : vector<16xi32> to vector<16xi32>
        %swap3A_146 = arith.index_cast %scan3A_91 : i32 to index
        %swap3A_147 = arith.constant 64 : index
        %swap3A_148 = tpu.vector_load %arg7[%swap3A_146, %swap3A_147] {strides = array<i32>} : memref<4x128xi32, #tpu.memory_space<vmem>>, vector<1x16xi32>,
        %swap3A_149 = vector.shape_cast %swap3A_148 : vector<1x16xi32> to vector<16xi32>
        %swap3A_150 = vector.shape_cast %get3A_145 : vector<16xi32> to vector<1x16xi32>
        tpu.vector_store %arg7[%swap3A_146, %swap3A_147], %swap3A_150 {strides = array<i32>} : memref<4x128xi32, #tpu.memory_space<vmem>>, vector<1x16xi32>,
        %mul3A_151 = arith.constant 128 : i32
        %mul3A_152 = arith.muli %scan3A_91, %mul3A_151 : i32
        %add3A_153 = arith.constant 80 : i32
        %add3A_154 = arith.addi %mul3A_152, %add3A_153 : i32
        %get3A_155 = arith.index_cast %add3A_154 : i32 to index
        %get3A_156 = tpu.vector_load %arg6[%get3A_155] {strides = array<i32>} : memref<512xi32, #tpu.memory_space<vmem>>, vector<16xi32>,
        %get3A_157 = vector.shape_cast %get3A_156 : vector<16xi32> to vector<16xi32>
        %swap3A_158 = arith.index_cast %scan3A_91 : i32 to index
        %swap3A_159 = arith.constant 80 : index
        %swap3A_160 = tpu.vector_load %arg7[%swap3A_158, %swap3A_159] {strides = array<i32>} : memref<4x128xi32, #tpu.memory_space<vmem>>, vector<1x16xi32>,
        %swap3A_161 = vector.shape_cast %swap3A_160 : vector<1x16xi32> to vector<16xi32>
        %swap3A_162 = vector.shape_cast %get3A_157 : vector<16xi32> to vector<1x16xi32>
        tpu.vector_store %arg7[%swap3A_158, %swap3A_159], %swap3A_162 {strides = array<i32>} : memref<4x128xi32, #tpu.memory_space<vmem>>, vector<1x16xi32>,
        %mul3A_163 = arith.constant 128 : i32
        %mul3A_164 = arith.muli %scan3A_91, %mul3A_163 : i32
        %add3A_165 = arith.constant 96 : i32
        %add3A_166 = arith.addi %mul3A_164, %add3A_165 : i32
        %get3A_167 = arith.index_cast %add3A_166 : i32 to index
        %get3A_168 = tpu.vector_load %arg6[%get3A_167] {strides = array<i32>} : memref<512xi32, #tpu.memory_space<vmem>>, vector<16xi32>,
        %get3A_169 = vector.shape_cast %get3A_168 : vector<16xi32> to vector<16xi32>
        %swap3A_170 = arith.index_cast %scan3A_91 : i32 to index
        %swap3A_171 = arith.constant 96 : index
        %swap3A_172 = tpu.vector_load %arg7[%swap3A_170, %swap3A_171] {strides = array<i32>} : memref<4x128xi32, #tpu.memory_space<vmem>>, vector<1x16xi32>,
        %swap3A_173 = vector.shape_cast %swap3A_172 : vector<1x16xi32> to vector<16xi32>
        %swap3A_174 = vector.shape_cast %get3A_169 : vector<16xi32> to vector<1x16xi32>
        tpu.vector_store %arg7[%swap3A_170, %swap3A_171], %swap3A_174 {strides = array<i32>} : memref<4x128xi32, #tpu.memory_space<vmem>>, vector<1x16xi32>,
        %mul3A_175 = arith.constant 128 : i32
        %mul3A_176 = arith.muli %scan3A_91, %mul3A_175 : i32
        %add3A_177 = arith.constant 112 : i32
        %add3A_178 = arith.addi %mul3A_176, %add3A_177 : i32
        %get3A_179 = arith.index_cast %add3A_178 : i32 to index
        %get3A_180 = tpu.vector_load %arg6[%get3A_179] {strides = array<i32>} : memref<512xi32, #tpu.memory_space<vmem>>, vector<16xi32>,
        %get3A_181 = vector.shape_cast %get3A_180 : vector<16xi32> to vector<16xi32>
        %swap3A_182 = arith.index_cast %scan3A_91 : i32 to index
        %swap3A_183 = arith.constant 112 : index
        %swap3A_184 = tpu.vector_load %arg7[%swap3A_182, %swap3A_183] {strides = array<i32>} : memref<4x128xi32, #tpu.memory_space<vmem>>, vector<1x16xi32>,
        %swap3A_185 = vector.shape_cast %swap3A_184 : vector<1x16xi32> to vector<16xi32>
        %swap3A_186 = vector.shape_cast %get3A_181 : vector<16xi32> to vector<1x16xi32>
        tpu.vector_store %arg7[%swap3A_182, %swap3A_183], %swap3A_186 {strides = array<i32>} : memref<4x128xi32, #tpu.memory_space<vmem>>, vector<1x16xi32>,
      }
      %scan3A_90 = arith.constant 4 : i32
    } else {
    }
    %barrier3A = arith.constant 0 : index
    tpu.barrier barrier_id(%barrier3A)
    %scan3A_69 = arith.constant 0 : i32
    %scan3A_70 = arith.constant 0 : i32
    %scan3A_71 = arith.constant 13 : i32
    %scan3A_72 = arith.addi %scan3A_70, %scan3A_71 : i32
    %scan3A_73 = arith.constant 1 : i32
    scf.for %scan3A_85 = %scan3A_70 to %scan3A_72 step %scan3A_73  : i32 {
      %mul3A_86 = arith.constant 6 : i32
      %mul3A_87 = arith.muli %scan3A_85, %mul3A_86 : i32
      %add3A_88 = arith.constant 0 : i32
      %add3A_89 = arith.addi %mul3A_87, %add3A_88 : i32
      %dma_start3A = arith.constant 0 : i32
      %dma_start3A_90 = tpu.memref_slice %arg5[%add3A_89, %dma_start3A] : memref<78x128xi32, #tpu.memory_space<vmem>> -> memref<1x128xi32, #tpu.memory_space<vmem>>
      %dma_start3A_91 = tpu.memref_squeeze %dma_start3A_90 : memref<1x128xi32, #tpu.memory_space<vmem>> -> memref<128xi32, #tpu.memory_space<vmem>>
      %dma_start3A_92 = arith.constant 0 : i32
      %dma_start3A_93 = tpu.memref_slice %arg11[%dma_start3A_92] : memref<10240xf32, #tpu.memory_space<vmem_shared>> -> memref<10240xf32, #tpu.memory_space<vmem_shared>>
      tpu.enqueue_indirect_dma source(%arg8 : memref<128xf32, #tpu.memory_space<vmem>>) target(%dma_start3A_93 : memref<10240xf32, #tpu.memory_space<vmem_shared>>) offsets(%dma_start3A_91 : memref<128xi32, #tpu.memory_space<vmem>>) semaphore(%arg12 : memref<!tpu.dma_semaphore, #tpu.memory_space<semaphore_mem>>) {add = true}
      %mul3A_94 = arith.constant 6 : i32
      %mul3A_95 = arith.muli %scan3A_85, %mul3A_94 : i32
      %add3A_96 = arith.constant 1 : i32
      %add3A_97 = arith.addi %mul3A_95, %add3A_96 : i32
      %dma_start3A_98 = arith.constant 0 : i32
      %dma_start3A_99 = tpu.memref_slice %arg5[%add3A_97, %dma_start3A_98] : memref<78x128xi32, #tpu.memory_space<vmem>> -> memref<1x128xi32, #tpu.memory_space<vmem>>
      %dma_start3A_100 = tpu.memref_squeeze %dma_start3A_99 : memref<1x128xi32, #tpu.memory_space<vmem>> -> memref<128xi32, #tpu.memory_space<vmem>>
      %dma_start3A_101 = arith.constant 0 : i32
      %dma_start3A_102 = tpu.memref_slice %arg11[%dma_start3A_101] : memref<10240xf32, #tpu.memory_space<vmem_shared>> -> memref<10240xf32, #tpu.memory_space<vmem_shared>>
      tpu.enqueue_indirect_dma source(%arg8 : memref<128xf32, #tpu.memory_space<vmem>>) target(%dma_start3A_102 : memref<10240xf32, #tpu.memory_space<vmem_shared>>) offsets(%dma_start3A_100 : memref<128xi32, #tpu.memory_space<vmem>>) semaphore(%arg13 : memref<!tpu.dma_semaphore, #tpu.memory_space<semaphore_mem>>) {add = true}
      %mul3A_103 = arith.constant 6 : i32
      %mul3A_104 = arith.muli %scan3A_85, %mul3A_103 : i32
      %add3A_105 = arith.constant 2 : i32
      %add3A_106 = arith.addi %mul3A_104, %add3A_105 : i32
      %dma_start3A_107 = arith.constant 0 : i32
      %dma_start3A_108 = tpu.memref_slice %arg5[%add3A_106, %dma_start3A_107] : memref<78x128xi32, #tpu.memory_space<vmem>> -> memref<1x128xi32, #tpu.memory_space<vmem>>
      %dma_start3A_109 = tpu.memref_squeeze %dma_start3A_108 : memref<1x128xi32, #tpu.memory_space<vmem>> -> memref<128xi32, #tpu.memory_space<vmem>>
      %dma_start3A_110 = arith.constant 0 : i32
      %dma_start3A_111 = tpu.memref_slice %arg11[%dma_start3A_110] : memref<10240xf32, #tpu.memory_space<vmem_shared>> -> memref<10240xf32, #tpu.memory_space<vmem_shared>>
      tpu.enqueue_indirect_dma source(%arg8 : memref<128xf32, #tpu.memory_space<vmem>>) target(%dma_start3A_111 : memref<10240xf32, #tpu.memory_space<vmem_shared>>) offsets(%dma_start3A_109 : memref<128xi32, #tpu.memory_space<vmem>>) semaphore(%arg14 : memref<!tpu.dma_semaphore, #tpu.memory_space<semaphore_mem>>) {add = true}
      %mul3A_112 = arith.constant 6 : i32
      %mul3A_113 = arith.muli %scan3A_85, %mul3A_112 : i32
      %add3A_114 = arith.constant 3 : i32
      %add3A_115 = arith.addi %mul3A_113, %add3A_114 : i32
      %dma_start3A_116 = arith.constant 0 : i32
      %dma_start3A_117 = tpu.memref_slice %arg5[%add3A_115, %dma_start3A_116] : memref<78x128xi32, #tpu.memory_space<vmem>> -> memref<1x128xi32, #tpu.memory_space<vmem>>
      %dma_start3A_118 = tpu.memref_squeeze %dma_start3A_117 : memref<1x128xi32, #tpu.memory_space<vmem>> -> memref<128xi32, #tpu.memory_space<vmem>>
      %dma_start3A_119 = arith.constant 0 : i32
      %dma_start3A_120 = tpu.memref_slice %arg11[%dma_start3A_119] : memref<10240xf32, #tpu.memory_space<vmem_shared>> -> memref<10240xf32, #tpu.memory_space<vmem_shared>>
      tpu.enqueue_indirect_dma source(%arg8 : memref<128xf32, #tpu.memory_space<vmem>>) target(%dma_start3A_120 : memref<10240xf32, #tpu.memory_space<vmem_shared>>) offsets(%dma_start3A_118 : memref<128xi32, #tpu.memory_space<vmem>>) semaphore(%arg15 : memref<!tpu.dma_semaphore, #tpu.memory_space<semaphore_mem>>) {add = true}
      %mul3A_121 = arith.constant 6 : i32
      %mul3A_122 = arith.muli %scan3A_85, %mul3A_121 : i32
      %add3A_123 = arith.constant 4 : i32
      %add3A_124 = arith.addi %mul3A_122, %add3A_123 : i32
      %dma_start3A_125 = arith.constant 0 : i32
      %dma_start3A_126 = tpu.memref_slice %arg5[%add3A_124, %dma_start3A_125] : memref<78x128xi32, #tpu.memory_space<vmem>> -> memref<1x128xi32, #tpu.memory_space<vmem>>
      %dma_start3A_127 = tpu.memref_squeeze %dma_start3A_126 : memref<1x128xi32, #tpu.memory_space<vmem>> -> memref<128xi32, #tpu.memory_space<vmem>>
      %dma_start3A_128 = arith.constant 0 : i32
      %dma_start3A_129 = tpu.memref_slice %arg11[%dma_start3A_128] : memref<10240xf32, #tpu.memory_space<vmem_shared>> -> memref<10240xf32, #tpu.memory_space<vmem_shared>>
      tpu.enqueue_indirect_dma source(%arg8 : memref<128xf32, #tpu.memory_space<vmem>>) target(%dma_start3A_129 : memref<10240xf32, #tpu.memory_space<vmem_shared>>) offsets(%dma_start3A_127 : memref<128xi32, #tpu.memory_space<vmem>>) semaphore(%arg16 : memref<!tpu.dma_semaphore, #tpu.memory_space<semaphore_mem>>) {add = true}
      %mul3A_130 = arith.constant 6 : i32
      %mul3A_131 = arith.muli %scan3A_85, %mul3A_130 : i32
      %add3A_132 = arith.constant 5 : i32
      %add3A_133 = arith.addi %mul3A_131, %add3A_132 : i32
      %dma_start3A_134 = arith.constant 0 : i32
      %dma_start3A_135 = tpu.memref_slice %arg5[%add3A_133, %dma_start3A_134] : memref<78x128xi32, #tpu.memory_space<vmem>> -> memref<1x128xi32, #tpu.memory_space<vmem>>
      %dma_start3A_136 = tpu.memref_squeeze %dma_start3A_135 : memref<1x128xi32, #tpu.memory_space<vmem>> -> memref<128xi32, #tpu.memory_space<vmem>>
      %dma_start3A_137 = arith.constant 0 : i32
      %dma_start3A_138 = tpu.memref_slice %arg11[%dma_start3A_137] : memref<10240xf32, #tpu.memory_space<vmem_shared>> -> memref<10240xf32, #tpu.memory_space<vmem_shared>>
      tpu.enqueue_indirect_dma source(%arg8 : memref<128xf32, #tpu.memory_space<vmem>>) target(%dma_start3A_138 : memref<10240xf32, #tpu.memory_space<vmem_shared>>) offsets(%dma_start3A_136 : memref<128xi32, #tpu.memory_space<vmem>>) semaphore(%arg17 : memref<!tpu.dma_semaphore, #tpu.memory_space<semaphore_mem>>) {add = true}
      %mul3A_139 = arith.constant 6 : i32
      %mul3A_140 = arith.muli %scan3A_85, %mul3A_139 : i32
      %add3A_141 = arith.constant 0 : i32
      %add3A_142 = arith.addi %mul3A_140, %add3A_141 : i32
      %dma_wait3A = arith.constant 0 : i32
      %dma_wait3A_143 = tpu.memref_slice %arg5[%add3A_142, %dma_wait3A] : memref<78x128xi32, #tpu.memory_space<vmem>> -> memref<1x128xi32, #tpu.memory_space<vmem>>
      %dma_wait3A_144 = tpu.memref_squeeze %dma_wait3A_143 : memref<1x128xi32, #tpu.memory_space<vmem>> -> memref<128xi32, #tpu.memory_space<vmem>>
      %dma_wait3A_145 = arith.constant 0 : i32
      %dma_wait3A_146 = tpu.memref_slice %arg11[%dma_wait3A_145] : memref<10240xf32, #tpu.memory_space<vmem_shared>> -> memref<10240xf32, #tpu.memory_space<vmem_shared>>
      tpu.wait_indirect_dma semaphore(%arg12 : memref<!tpu.dma_semaphore, #tpu.memory_space<semaphore_mem>>) src(%arg8 : memref<128xf32, #tpu.memory_space<vmem>>) dst(%dma_wait3A_146 : memref<10240xf32, #tpu.memory_space<vmem_shared>>)
      %mul3A_147 = arith.constant 6 : i32
      %mul3A_148 = arith.muli %scan3A_85, %mul3A_147 : i32
      %add3A_149 = arith.constant 1 : i32
      %add3A_150 = arith.addi %mul3A_148, %add3A_149 : i32
      %dma_wait3A_151 = arith.constant 0 : i32
      %dma_wait3A_152 = tpu.memref_slice %arg5[%add3A_150, %dma_wait3A_151] : memref<78x128xi32, #tpu.memory_space<vmem>> -> memref<1x128xi32, #tpu.memory_space<vmem>>
      %dma_wait3A_153 = tpu.memref_squeeze %dma_wait3A_152 : memref<1x128xi32, #tpu.memory_space<vmem>> -> memref<128xi32, #tpu.memory_space<vmem>>
      %dma_wait3A_154 = arith.constant 0 : i32
      %dma_wait3A_155 = tpu.memref_slice %arg11[%dma_wait3A_154] : memref<10240xf32, #tpu.memory_space<vmem_shared>> -> memref<10240xf32, #tpu.memory_space<vmem_shared>>
      tpu.wait_indirect_dma semaphore(%arg13 : memref<!tpu.dma_semaphore, #tpu.memory_space<semaphore_mem>>) src(%arg8 : memref<128xf32, #tpu.memory_space<vmem>>) dst(%dma_wait3A_155 : memref<10240xf32, #tpu.memory_space<vmem_shared>>)
      %mul3A_156 = arith.constant 6 : i32
      %mul3A_157 = arith.muli %scan3A_85, %mul3A_156 : i32
      %add3A_158 = arith.constant 2 : i32
      %add3A_159 = arith.addi %mul3A_157, %add3A_158 : i32
      %dma_wait3A_160 = arith.constant 0 : i32
      %dma_wait3A_161 = tpu.memref_slice %arg5[%add3A_159, %dma_wait3A_160] : memref<78x128xi32, #tpu.memory_space<vmem>> -> memref<1x128xi32, #tpu.memory_space<vmem>>
      %dma_wait3A_162 = tpu.memref_squeeze %dma_wait3A_161 : memref<1x128xi32, #tpu.memory_space<vmem>> -> memref<128xi32, #tpu.memory_space<vmem>>
      %dma_wait3A_163 = arith.constant 0 : i32
      %dma_wait3A_164 = tpu.memref_slice %arg11[%dma_wait3A_163] : memref<10240xf32, #tpu.memory_space<vmem_shared>> -> memref<10240xf32, #tpu.memory_space<vmem_shared>>
      tpu.wait_indirect_dma semaphore(%arg14 : memref<!tpu.dma_semaphore, #tpu.memory_space<semaphore_mem>>) src(%arg8 : memref<128xf32, #tpu.memory_space<vmem>>) dst(%dma_wait3A_164 : memref<10240xf32, #tpu.memory_space<vmem_shared>>)
      %mul3A_165 = arith.constant 6 : i32
      %mul3A_166 = arith.muli %scan3A_85, %mul3A_165 : i32
      %add3A_167 = arith.constant 3 : i32
      %add3A_168 = arith.addi %mul3A_166, %add3A_167 : i32
      %dma_wait3A_169 = arith.constant 0 : i32
      %dma_wait3A_170 = tpu.memref_slice %arg5[%add3A_168, %dma_wait3A_169] : memref<78x128xi32, #tpu.memory_space<vmem>> -> memref<1x128xi32, #tpu.memory_space<vmem>>
      %dma_wait3A_171 = tpu.memref_squeeze %dma_wait3A_170 : memref<1x128xi32, #tpu.memory_space<vmem>> -> memref<128xi32, #tpu.memory_space<vmem>>
      %dma_wait3A_172 = arith.constant 0 : i32
      %dma_wait3A_173 = tpu.memref_slice %arg11[%dma_wait3A_172] : memref<10240xf32, #tpu.memory_space<vmem_shared>> -> memref<10240xf32, #tpu.memory_space<vmem_shared>>
      tpu.wait_indirect_dma semaphore(%arg15 : memref<!tpu.dma_semaphore, #tpu.memory_space<semaphore_mem>>) src(%arg8 : memref<128xf32, #tpu.memory_space<vmem>>) dst(%dma_wait3A_173 : memref<10240xf32, #tpu.memory_space<vmem_shared>>)
      %mul3A_174 = arith.constant 6 : i32
      %mul3A_175 = arith.muli %scan3A_85, %mul3A_174 : i32
      %add3A_176 = arith.constant 4 : i32
      %add3A_177 = arith.addi %mul3A_175, %add3A_176 : i32
      %dma_wait3A_178 = arith.constant 0 : i32
      %dma_wait3A_179 = tpu.memref_slice %arg5[%add3A_177, %dma_wait3A_178] : memref<78x128xi32, #tpu.memory_space<vmem>> -> memref<1x128xi32, #tpu.memory_space<vmem>>
      %dma_wait3A_180 = tpu.memref_squeeze %dma_wait3A_179 : memref<1x128xi32, #tpu.memory_space<vmem>> -> memref<128xi32, #tpu.memory_space<vmem>>
      %dma_wait3A_181 = arith.constant 0 : i32
      %dma_wait3A_182 = tpu.memref_slice %arg11[%dma_wait3A_181] : memref<10240xf32, #tpu.memory_space<vmem_shared>> -> memref<10240xf32, #tpu.memory_space<vmem_shared>>
      tpu.wait_indirect_dma semaphore(%arg16 : memref<!tpu.dma_semaphore, #tpu.memory_space<semaphore_mem>>) src(%arg8 : memref<128xf32, #tpu.memory_space<vmem>>) dst(%dma_wait3A_182 : memref<10240xf32, #tpu.memory_space<vmem_shared>>)
      %mul3A_183 = arith.constant 6 : i32
      %mul3A_184 = arith.muli %scan3A_85, %mul3A_183 : i32
      %add3A_185 = arith.constant 5 : i32
      %add3A_186 = arith.addi %mul3A_184, %add3A_185 : i32
      %dma_wait3A_187 = arith.constant 0 : i32
      %dma_wait3A_188 = tpu.memref_slice %arg5[%add3A_186, %dma_wait3A_187] : memref<78x128xi32, #tpu.memory_space<vmem>> -> memref<1x128xi32, #tpu.memory_space<vmem>>
      %dma_wait3A_189 = tpu.memref_squeeze %dma_wait3A_188 : memref<1x128xi32, #tpu.memory_space<vmem>> -> memref<128xi32, #tpu.memory_space<vmem>>
      %dma_wait3A_190 = arith.constant 0 : i32
      %dma_wait3A_191 = tpu.memref_slice %arg11[%dma_wait3A_190] : memref<10240xf32, #tpu.memory_space<vmem_shared>> -> memref<10240xf32, #tpu.memory_space<vmem_shared>>
      tpu.wait_indirect_dma semaphore(%arg17 : memref<!tpu.dma_semaphore, #tpu.memory_space<semaphore_mem>>) src(%arg8 : memref<128xf32, #tpu.memory_space<vmem>>) dst(%dma_wait3A_191 : memref<10240xf32, #tpu.memory_space<vmem_shared>>)
    }
    %scan3A_74 = arith.constant 13 : i32
    %convert_element_type3A_75 = arith.extui %eq3A_1 : i1 to i32
    %cond3A_76 = arith.constant 0 : i32
    %cond3A_77 = arith.cmpi ne, %convert_element_type3A_75, %cond3A_76 : i32
    scf.if %cond3A_77 {
      %run_scoped3A_85 = arith.constant 0 : i32
      "tpu.region"() ({
        %run_scoped3A_89 = tpu.sem_alloc : memref<!tpu.dma_semaphore, #tpu.memory_space<semaphore_mem>>
        %dma_start3A = arith.constant 0 : i32
        %dma_start3A_90 = tpu.memref_slice %arg7[%run_scoped3A_85, %dma_start3A] : memref<4x128xi32, #tpu.memory_space<vmem>> -> memref<1x128xi32, #tpu.memory_space<vmem>>
        %dma_start3A_91 = tpu.memref_squeeze %dma_start3A_90 : memref<1x128xi32, #tpu.memory_space<vmem>> -> memref<128xi32, #tpu.memory_space<vmem>>
        %dma_start3A_92 = arith.constant 0 : i32
        %dma_start3A_93 = tpu.memref_slice %arg11[%dma_start3A_92] : memref<10240xf32, #tpu.memory_space<vmem_shared>> -> memref<10240xf32, #tpu.memory_space<vmem_shared>>
        tpu.enqueue_indirect_dma source(%arg8 : memref<128xf32, #tpu.memory_space<vmem>>) target(%dma_start3A_93 : memref<10240xf32, #tpu.memory_space<vmem_shared>>) offsets(%dma_start3A_91 : memref<128xi32, #tpu.memory_space<vmem>>) semaphore(%run_scoped3A_89 : memref<!tpu.dma_semaphore, #tpu.memory_space<semaphore_mem>>) {add = true}
        %dma_wait3A = arith.constant 0 : i32
        %dma_wait3A_94 = tpu.memref_slice %arg7[%run_scoped3A_85, %dma_wait3A] : memref<4x128xi32, #tpu.memory_space<vmem>> -> memref<1x128xi32, #tpu.memory_space<vmem>>
        %dma_wait3A_95 = tpu.memref_squeeze %dma_wait3A_94 : memref<1x128xi32, #tpu.memory_space<vmem>> -> memref<128xi32, #tpu.memory_space<vmem>>
        %dma_wait3A_96 = arith.constant 0 : i32
        %dma_wait3A_97 = tpu.memref_slice %arg11[%dma_wait3A_96] : memref<10240xf32, #tpu.memory_space<vmem_shared>> -> memref<10240xf32, #tpu.memory_space<vmem_shared>>
        tpu.wait_indirect_dma semaphore(%run_scoped3A_89 : memref<!tpu.dma_semaphore, #tpu.memory_space<semaphore_mem>>) src(%arg8 : memref<128xf32, #tpu.memory_space<vmem>>) dst(%dma_wait3A_97 : memref<10240xf32, #tpu.memory_space<vmem_shared>>)
        tpu.yield
      }) : () -> ()
      %run_scoped3A_86 = arith.constant 1 : i32
      "tpu.region"() ({
        %run_scoped3A_89 = tpu.sem_alloc : memref<!tpu.dma_semaphore, #tpu.memory_space<semaphore_mem>>
        %dma_start3A = arith.constant 0 : i32
        %dma_start3A_90 = tpu.memref_slice %arg7[%run_scoped3A_86, %dma_start3A] : memref<4x128xi32, #tpu.memory_space<vmem>> -> memref<1x128xi32, #tpu.memory_space<vmem>>
        %dma_start3A_91 = tpu.memref_squeeze %dma_start3A_90 : memref<1x128xi32, #tpu.memory_space<vmem>> -> memref<128xi32, #tpu.memory_space<vmem>>
        %dma_start3A_92 = arith.constant 0 : i32
        %dma_start3A_93 = tpu.memref_slice %arg11[%dma_start3A_92] : memref<10240xf32, #tpu.memory_space<vmem_shared>> -> memref<10240xf32, #tpu.memory_space<vmem_shared>>
        tpu.enqueue_indirect_dma source(%arg8 : memref<128xf32, #tpu.memory_space<vmem>>) target(%dma_start3A_93 : memref<10240xf32, #tpu.memory_space<vmem_shared>>) offsets(%dma_start3A_91 : memref<128xi32, #tpu.memory_space<vmem>>) semaphore(%run_scoped3A_89 : memref<!tpu.dma_semaphore, #tpu.memory_space<semaphore_mem>>) {add = true}
        %dma_wait3A = arith.constant 0 : i32
        %dma_wait3A_94 = tpu.memref_slice %arg7[%run_scoped3A_86, %dma_wait3A] : memref<4x128xi32, #tpu.memory_space<vmem>> -> memref<1x128xi32, #tpu.memory_space<vmem>>
        %dma_wait3A_95 = tpu.memref_squeeze %dma_wait3A_94 : memref<1x128xi32, #tpu.memory_space<vmem>> -> memref<128xi32, #tpu.memory_space<vmem>>
        %dma_wait3A_96 = arith.constant 0 : i32
        %dma_wait3A_97 = tpu.memref_slice %arg11[%dma_wait3A_96] : memref<10240xf32, #tpu.memory_space<vmem_shared>> -> memref<10240xf32, #tpu.memory_space<vmem_shared>>
        tpu.wait_indirect_dma semaphore(%run_scoped3A_89 : memref<!tpu.dma_semaphore, #tpu.memory_space<semaphore_mem>>) src(%arg8 : memref<128xf32, #tpu.memory_space<vmem>>) dst(%dma_wait3A_97 : memref<10240xf32, #tpu.memory_space<vmem_shared>>)
        tpu.yield
      }) : () -> ()
      %run_scoped3A_87 = arith.constant 2 : i32
      "tpu.region"() ({
        %run_scoped3A_89 = tpu.sem_alloc : memref<!tpu.dma_semaphore, #tpu.memory_space<semaphore_mem>>
        %dma_start3A = arith.constant 0 : i32
        %dma_start3A_90 = tpu.memref_slice %arg7[%run_scoped3A_87, %dma_start3A] : memref<4x128xi32, #tpu.memory_space<vmem>> -> memref<1x128xi32, #tpu.memory_space<vmem>>
        %dma_start3A_91 = tpu.memref_squeeze %dma_start3A_90 : memref<1x128xi32, #tpu.memory_space<vmem>> -> memref<128xi32, #tpu.memory_space<vmem>>
        %dma_start3A_92 = arith.constant 0 : i32
        %dma_start3A_93 = tpu.memref_slice %arg11[%dma_start3A_92] : memref<10240xf32, #tpu.memory_space<vmem_shared>> -> memref<10240xf32, #tpu.memory_space<vmem_shared>>
        tpu.enqueue_indirect_dma source(%arg8 : memref<128xf32, #tpu.memory_space<vmem>>) target(%dma_start3A_93 : memref<10240xf32, #tpu.memory_space<vmem_shared>>) offsets(%dma_start3A_91 : memref<128xi32, #tpu.memory_space<vmem>>) semaphore(%run_scoped3A_89 : memref<!tpu.dma_semaphore, #tpu.memory_space<semaphore_mem>>) {add = true}
        %dma_wait3A = arith.constant 0 : i32
        %dma_wait3A_94 = tpu.memref_slice %arg7[%run_scoped3A_87, %dma_wait3A] : memref<4x128xi32, #tpu.memory_space<vmem>> -> memref<1x128xi32, #tpu.memory_space<vmem>>
        %dma_wait3A_95 = tpu.memref_squeeze %dma_wait3A_94 : memref<1x128xi32, #tpu.memory_space<vmem>> -> memref<128xi32, #tpu.memory_space<vmem>>
        %dma_wait3A_96 = arith.constant 0 : i32
        %dma_wait3A_97 = tpu.memref_slice %arg11[%dma_wait3A_96] : memref<10240xf32, #tpu.memory_space<vmem_shared>> -> memref<10240xf32, #tpu.memory_space<vmem_shared>>
        tpu.wait_indirect_dma semaphore(%run_scoped3A_89 : memref<!tpu.dma_semaphore, #tpu.memory_space<semaphore_mem>>) src(%arg8 : memref<128xf32, #tpu.memory_space<vmem>>) dst(%dma_wait3A_97 : memref<10240xf32, #tpu.memory_space<vmem_shared>>)
        tpu.yield
      }) : () -> ()
      %run_scoped3A_88 = arith.constant 3 : i32
      "tpu.region"() ({
        %run_scoped3A_89 = tpu.sem_alloc : memref<!tpu.dma_semaphore, #tpu.memory_space<semaphore_mem>>
        %dma_start3A = arith.constant 0 : i32
        %dma_start3A_90 = tpu.memref_slice %arg7[%run_scoped3A_88, %dma_start3A] : memref<4x128xi32, #tpu.memory_space<vmem>> -> memref<1x128xi32, #tpu.memory_space<vmem>>
        %dma_start3A_91 = tpu.memref_squeeze %dma_start3A_90 : memref<1x128xi32, #tpu.memory_space<vmem>> -> memref<128xi32, #tpu.memory_space<vmem>>
        %dma_start3A_92 = arith.constant 0 : i32
        %dma_start3A_93 = tpu.memref_slice %arg11[%dma_start3A_92] : memref<10240xf32, #tpu.memory_space<vmem_shared>> -> memref<10240xf32, #tpu.memory_space<vmem_shared>>
        tpu.enqueue_indirect_dma source(%arg8 : memref<128xf32, #tpu.memory_space<vmem>>) target(%dma_start3A_93 : memref<10240xf32, #tpu.memory_space<vmem_shared>>) offsets(%dma_start3A_91 : memref<128xi32, #tpu.memory_space<vmem>>) semaphore(%run_scoped3A_89 : memref<!tpu.dma_semaphore, #tpu.memory_space<semaphore_mem>>) {add = true}
        %dma_wait3A = arith.constant 0 : i32
        %dma_wait3A_94 = tpu.memref_slice %arg7[%run_scoped3A_88, %dma_wait3A] : memref<4x128xi32, #tpu.memory_space<vmem>> -> memref<1x128xi32, #tpu.memory_space<vmem>>
        %dma_wait3A_95 = tpu.memref_squeeze %dma_wait3A_94 : memref<1x128xi32, #tpu.memory_space<vmem>> -> memref<128xi32, #tpu.memory_space<vmem>>
        %dma_wait3A_96 = arith.constant 0 : i32
        %dma_wait3A_97 = tpu.memref_slice %arg11[%dma_wait3A_96] : memref<10240xf32, #tpu.memory_space<vmem_shared>> -> memref<10240xf32, #tpu.memory_space<vmem_shared>>
        tpu.wait_indirect_dma semaphore(%run_scoped3A_89 : memref<!tpu.dma_semaphore, #tpu.memory_space<semaphore_mem>>) src(%arg8 : memref<128xf32, #tpu.memory_space<vmem>>) dst(%dma_wait3A_97 : memref<10240xf32, #tpu.memory_space<vmem_shared>>)
        tpu.yield
      }) : () -> ()
    } else {
    }
    %barrier3A_78 = arith.constant 0 : index
    tpu.barrier barrier_id(%barrier3A_78)
    "tpu.region"() ({
      %run_scoped3A_85 = tpu.sem_alloc : memref<!tpu.dma_semaphore, #tpu.memory_space<semaphore_mem>>
      %dma_start3A = tpu.memref_slice %arg11[%mul3A_3] : memref<10240xf32, #tpu.memory_space<vmem_shared>> -> memref<640xf32, #tpu.memory_space<vmem_shared>>
      %dma_start3A_86 = tpu.memref_slice %arg11[%mul3A_3] : memref<10240xf32, #tpu.memory_space<vmem_shared>> -> memref<640xf32, #tpu.memory_space<vmem_shared>>
      tpu.enqueue_dma source(%dma_start3A_86 : memref<640xf32, #tpu.memory_space<vmem_shared>>) target(%arg9 : memref<640xf32, #tpu.memory_space<vmem>>) target_semaphore(%run_scoped3A_85 : memref<!tpu.dma_semaphore, #tpu.memory_space<semaphore_mem>>)
      %dma_wait3A = tpu.memref_slice %arg11[%mul3A_3] : memref<10240xf32, #tpu.memory_space<vmem_shared>> -> memref<640xf32, #tpu.memory_space<vmem_shared>>
      %dma_wait3A_87 = tpu.memref_slice %arg11[%mul3A_3] : memref<10240xf32, #tpu.memory_space<vmem_shared>> -> memref<640xf32, #tpu.memory_space<vmem_shared>>
      tpu.wait_dma2 semaphore(%run_scoped3A_85 : memref<!tpu.dma_semaphore, #tpu.memory_space<semaphore_mem>>) src(%dma_wait3A_87 : memref<640xf32, #tpu.memory_space<vmem_shared>>) dst(%arg9 : memref<640xf32, #tpu.memory_space<vmem>>)
      tpu.yield
    }) : () -> ()
    %scan3A_79 = arith.constant 0 : i32
    %scan3A_80 = arith.constant 0 : i32
    %scan3A_81 = arith.constant 40 : i32
    %scan3A_82 = arith.addi %scan3A_80, %scan3A_81 : i32
    %scan3A_83 = arith.constant 1 : i32
    scf.for %scan3A_85 = %scan3A_80 to %scan3A_82 step %scan3A_83  : i32 {
      %mul3A_86 = arith.constant 16 : i32
      %mul3A_87 = arith.muli %scan3A_85, %mul3A_86 : i32
      %get3A = arith.index_cast %mul3A_87 : i32 to index
      %get3A_88 = tpu.vector_load %arg9[%get3A] {strides = array<i32>} : memref<640xf32, #tpu.memory_space<vmem>>, vector<16xf32>,
      %get3A_89 = vector.shape_cast %get3A_88 : vector<16xf32> to vector<16xf32>
      %slice3A = vector.extract_strided_slice %get3A_89 {offsets = [0], sizes = [1], strides = [1]} : vector<16xf32> to vector<1xf32>
      %squeeze3A = vector.extract %slice3A[0] : f32 from vector<1xf32>
      %broadcast_in_dim3A_90 = vector.broadcast %squeeze3A : f32 to vector<16xf32>
      %mul3A_91 = arith.constant 16 : i32
      %mul3A_92 = arith.muli %scan3A_85, %mul3A_91 : i32
      %add3A_93 = arith.constant 0 : i32
      %add3A_94 = arith.addi %mul3A_92, %add3A_93 : i32
      %swap3A_95 = arith.index_cast %add3A_94 : i32 to index
      %swap3A_96 = arith.constant 0 : index
      %swap3A_97 = tpu.vector_load %arg10[%swap3A_95, %swap3A_96] {strides = array<i32>} : memref<640x16xf32, #tpu.memory_space<vmem>>, vector<1x16xf32>,
      %swap3A_98 = vector.shape_cast %swap3A_97 : vector<1x16xf32> to vector<16xf32>
      %swap3A_99 = vector.shape_cast %broadcast_in_dim3A_90 : vector<16xf32> to vector<1x16xf32>
      tpu.vector_store %arg10[%swap3A_95, %swap3A_96], %swap3A_99 {strides = array<i32>} : memref<640x16xf32, #tpu.memory_space<vmem>>, vector<1x16xf32>,
      %slice3A_100 = vector.extract_strided_slice %get3A_89 {offsets = [1], sizes = [1], strides = [1]} : vector<16xf32> to vector<1xf32>
      %squeeze3A_101 = vector.extract %slice3A_100[0] : f32 from vector<1xf32>
      %broadcast_in_dim3A_102 = vector.broadcast %squeeze3A_101 : f32 to vector<16xf32>
      %mul3A_103 = arith.constant 16 : i32
      %mul3A_104 = arith.muli %scan3A_85, %mul3A_103 : i32
      %add3A_105 = arith.constant 1 : i32
      %add3A_106 = arith.addi %mul3A_104, %add3A_105 : i32
      %swap3A_107 = arith.index_cast %add3A_106 : i32 to index
      %swap3A_108 = arith.constant 0 : index
      %swap3A_109 = tpu.vector_load %arg10[%swap3A_107, %swap3A_108] {strides = array<i32>} : memref<640x16xf32, #tpu.memory_space<vmem>>, vector<1x16xf32>,
      %swap3A_110 = vector.shape_cast %swap3A_109 : vector<1x16xf32> to vector<16xf32>
      %swap3A_111 = vector.shape_cast %broadcast_in_dim3A_102 : vector<16xf32> to vector<1x16xf32>
      tpu.vector_store %arg10[%swap3A_107, %swap3A_108], %swap3A_111 {strides = array<i32>} : memref<640x16xf32, #tpu.memory_space<vmem>>, vector<1x16xf32>,
      %slice3A_112 = vector.extract_strided_slice %get3A_89 {offsets = [2], sizes = [1], strides = [1]} : vector<16xf32> to vector<1xf32>
      %squeeze3A_113 = vector.extract %slice3A_112[0] : f32 from vector<1xf32>
      %broadcast_in_dim3A_114 = vector.broadcast %squeeze3A_113 : f32 to vector<16xf32>
      %mul3A_115 = arith.constant 16 : i32
      %mul3A_116 = arith.muli %scan3A_85, %mul3A_115 : i32
      %add3A_117 = arith.constant 2 : i32
      %add3A_118 = arith.addi %mul3A_116, %add3A_117 : i32
      %swap3A_119 = arith.index_cast %add3A_118 : i32 to index
      %swap3A_120 = arith.constant 0 : index
      %swap3A_121 = tpu.vector_load %arg10[%swap3A_119, %swap3A_120] {strides = array<i32>} : memref<640x16xf32, #tpu.memory_space<vmem>>, vector<1x16xf32>,
      %swap3A_122 = vector.shape_cast %swap3A_121 : vector<1x16xf32> to vector<16xf32>
      %swap3A_123 = vector.shape_cast %broadcast_in_dim3A_114 : vector<16xf32> to vector<1x16xf32>
      tpu.vector_store %arg10[%swap3A_119, %swap3A_120], %swap3A_123 {strides = array<i32>} : memref<640x16xf32, #tpu.memory_space<vmem>>, vector<1x16xf32>,
      %slice3A_124 = vector.extract_strided_slice %get3A_89 {offsets = [3], sizes = [1], strides = [1]} : vector<16xf32> to vector<1xf32>
      %squeeze3A_125 = vector.extract %slice3A_124[0] : f32 from vector<1xf32>
      %broadcast_in_dim3A_126 = vector.broadcast %squeeze3A_125 : f32 to vector<16xf32>
      %mul3A_127 = arith.constant 16 : i32
      %mul3A_128 = arith.muli %scan3A_85, %mul3A_127 : i32
      %add3A_129 = arith.constant 3 : i32
      %add3A_130 = arith.addi %mul3A_128, %add3A_129 : i32
      %swap3A_131 = arith.index_cast %add3A_130 : i32 to index
      %swap3A_132 = arith.constant 0 : index
      %swap3A_133 = tpu.vector_load %arg10[%swap3A_131, %swap3A_132] {strides = array<i32>} : memref<640x16xf32, #tpu.memory_space<vmem>>, vector<1x16xf32>,
      %swap3A_134 = vector.shape_cast %swap3A_133 : vector<1x16xf32> to vector<16xf32>
      %swap3A_135 = vector.shape_cast %broadcast_in_dim3A_126 : vector<16xf32> to vector<1x16xf32>
      tpu.vector_store %arg10[%swap3A_131, %swap3A_132], %swap3A_135 {strides = array<i32>} : memref<640x16xf32, #tpu.memory_space<vmem>>, vector<1x16xf32>,
      %slice3A_136 = vector.extract_strided_slice %get3A_89 {offsets = [4], sizes = [1], strides = [1]} : vector<16xf32> to vector<1xf32>
      %squeeze3A_137 = vector.extract %slice3A_136[0] : f32 from vector<1xf32>
      %broadcast_in_dim3A_138 = vector.broadcast %squeeze3A_137 : f32 to vector<16xf32>
      %mul3A_139 = arith.constant 16 : i32
      %mul3A_140 = arith.muli %scan3A_85, %mul3A_139 : i32
      %add3A_141 = arith.constant 4 : i32
      %add3A_142 = arith.addi %mul3A_140, %add3A_141 : i32
      %swap3A_143 = arith.index_cast %add3A_142 : i32 to index
      %swap3A_144 = arith.constant 0 : index
      %swap3A_145 = tpu.vector_load %arg10[%swap3A_143, %swap3A_144] {strides = array<i32>} : memref<640x16xf32, #tpu.memory_space<vmem>>, vector<1x16xf32>,
      %swap3A_146 = vector.shape_cast %swap3A_145 : vector<1x16xf32> to vector<16xf32>
      %swap3A_147 = vector.shape_cast %broadcast_in_dim3A_138 : vector<16xf32> to vector<1x16xf32>
      tpu.vector_store %arg10[%swap3A_143, %swap3A_144], %swap3A_147 {strides = array<i32>} : memref<640x16xf32, #tpu.memory_space<vmem>>, vector<1x16xf32>,
      %slice3A_148 = vector.extract_strided_slice %get3A_89 {offsets = [5], sizes = [1], strides = [1]} : vector<16xf32> to vector<1xf32>
      %squeeze3A_149 = vector.extract %slice3A_148[0] : f32 from vector<1xf32>
      %broadcast_in_dim3A_150 = vector.broadcast %squeeze3A_149 : f32 to vector<16xf32>
      %mul3A_151 = arith.constant 16 : i32
      %mul3A_152 = arith.muli %scan3A_85, %mul3A_151 : i32
      %add3A_153 = arith.constant 5 : i32
      %add3A_154 = arith.addi %mul3A_152, %add3A_153 : i32
      %swap3A_155 = arith.index_cast %add3A_154 : i32 to index
      %swap3A_156 = arith.constant 0 : index
      %swap3A_157 = tpu.vector_load %arg10[%swap3A_155, %swap3A_156] {strides = array<i32>} : memref<640x16xf32, #tpu.memory_space<vmem>>, vector<1x16xf32>,
      %swap3A_158 = vector.shape_cast %swap3A_157 : vector<1x16xf32> to vector<16xf32>
      %swap3A_159 = vector.shape_cast %broadcast_in_dim3A_150 : vector<16xf32> to vector<1x16xf32>
      tpu.vector_store %arg10[%swap3A_155, %swap3A_156], %swap3A_159 {strides = array<i32>} : memref<640x16xf32, #tpu.memory_space<vmem>>, vector<1x16xf32>,
      %slice3A_160 = vector.extract_strided_slice %get3A_89 {offsets = [6], sizes = [1], strides = [1]} : vector<16xf32> to vector<1xf32>
      %squeeze3A_161 = vector.extract %slice3A_160[0] : f32 from vector<1xf32>
      %broadcast_in_dim3A_162 = vector.broadcast %squeeze3A_161 : f32 to vector<16xf32>
      %mul3A_163 = arith.constant 16 : i32
      %mul3A_164 = arith.muli %scan3A_85, %mul3A_163 : i32
      %add3A_165 = arith.constant 6 : i32
      %add3A_166 = arith.addi %mul3A_164, %add3A_165 : i32
      %swap3A_167 = arith.index_cast %add3A_166 : i32 to index
      %swap3A_168 = arith.constant 0 : index
      %swap3A_169 = tpu.vector_load %arg10[%swap3A_167, %swap3A_168] {strides = array<i32>} : memref<640x16xf32, #tpu.memory_space<vmem>>, vector<1x16xf32>,
      %swap3A_170 = vector.shape_cast %swap3A_169 : vector<1x16xf32> to vector<16xf32>
      %swap3A_171 = vector.shape_cast %broadcast_in_dim3A_162 : vector<16xf32> to vector<1x16xf32>
      tpu.vector_store %arg10[%swap3A_167, %swap3A_168], %swap3A_171 {strides = array<i32>} : memref<640x16xf32, #tpu.memory_space<vmem>>, vector<1x16xf32>,
      %slice3A_172 = vector.extract_strided_slice %get3A_89 {offsets = [7], sizes = [1], strides = [1]} : vector<16xf32> to vector<1xf32>
      %squeeze3A_173 = vector.extract %slice3A_172[0] : f32 from vector<1xf32>
      %broadcast_in_dim3A_174 = vector.broadcast %squeeze3A_173 : f32 to vector<16xf32>
      %mul3A_175 = arith.constant 16 : i32
      %mul3A_176 = arith.muli %scan3A_85, %mul3A_175 : i32
      %add3A_177 = arith.constant 7 : i32
      %add3A_178 = arith.addi %mul3A_176, %add3A_177 : i32
      %swap3A_179 = arith.index_cast %add3A_178 : i32 to index
      %swap3A_180 = arith.constant 0 : index
      %swap3A_181 = tpu.vector_load %arg10[%swap3A_179, %swap3A_180] {strides = array<i32>} : memref<640x16xf32, #tpu.memory_space<vmem>>, vector<1x16xf32>,
      %swap3A_182 = vector.shape_cast %swap3A_181 : vector<1x16xf32> to vector<16xf32>
      %swap3A_183 = vector.shape_cast %broadcast_in_dim3A_174 : vector<16xf32> to vector<1x16xf32>
      tpu.vector_store %arg10[%swap3A_179, %swap3A_180], %swap3A_183 {strides = array<i32>} : memref<640x16xf32, #tpu.memory_space<vmem>>, vector<1x16xf32>,
      %slice3A_184 = vector.extract_strided_slice %get3A_89 {offsets = [8], sizes = [1], strides = [1]} : vector<16xf32> to vector<1xf32>
      %squeeze3A_185 = vector.extract %slice3A_184[0] : f32 from vector<1xf32>
      %broadcast_in_dim3A_186 = vector.broadcast %squeeze3A_185 : f32 to vector<16xf32>
      %mul3A_187 = arith.constant 16 : i32
      %mul3A_188 = arith.muli %scan3A_85, %mul3A_187 : i32
      %add3A_189 = arith.constant 8 : i32
      %add3A_190 = arith.addi %mul3A_188, %add3A_189 : i32
      %swap3A_191 = arith.index_cast %add3A_190 : i32 to index
      %swap3A_192 = arith.constant 0 : index
      %swap3A_193 = tpu.vector_load %arg10[%swap3A_191, %swap3A_192] {strides = array<i32>} : memref<640x16xf32, #tpu.memory_space<vmem>>, vector<1x16xf32>,
      %swap3A_194 = vector.shape_cast %swap3A_193 : vector<1x16xf32> to vector<16xf32>
      %swap3A_195 = vector.shape_cast %broadcast_in_dim3A_186 : vector<16xf32> to vector<1x16xf32>
      tpu.vector_store %arg10[%swap3A_191, %swap3A_192], %swap3A_195 {strides = array<i32>} : memref<640x16xf32, #tpu.memory_space<vmem>>, vector<1x16xf32>,
      %slice3A_196 = vector.extract_strided_slice %get3A_89 {offsets = [9], sizes = [1], strides = [1]} : vector<16xf32> to vector<1xf32>
      %squeeze3A_197 = vector.extract %slice3A_196[0] : f32 from vector<1xf32>
      %broadcast_in_dim3A_198 = vector.broadcast %squeeze3A_197 : f32 to vector<16xf32>
      %mul3A_199 = arith.constant 16 : i32
      %mul3A_200 = arith.muli %scan3A_85, %mul3A_199 : i32
      %add3A_201 = arith.constant 9 : i32
      %add3A_202 = arith.addi %mul3A_200, %add3A_201 : i32
      %swap3A_203 = arith.index_cast %add3A_202 : i32 to index
      %swap3A_204 = arith.constant 0 : index
      %swap3A_205 = tpu.vector_load %arg10[%swap3A_203, %swap3A_204] {strides = array<i32>} : memref<640x16xf32, #tpu.memory_space<vmem>>, vector<1x16xf32>,
      %swap3A_206 = vector.shape_cast %swap3A_205 : vector<1x16xf32> to vector<16xf32>
      %swap3A_207 = vector.shape_cast %broadcast_in_dim3A_198 : vector<16xf32> to vector<1x16xf32>
      tpu.vector_store %arg10[%swap3A_203, %swap3A_204], %swap3A_207 {strides = array<i32>} : memref<640x16xf32, #tpu.memory_space<vmem>>, vector<1x16xf32>,
      %slice3A_208 = vector.extract_strided_slice %get3A_89 {offsets = [10], sizes = [1], strides = [1]} : vector<16xf32> to vector<1xf32>
      %squeeze3A_209 = vector.extract %slice3A_208[0] : f32 from vector<1xf32>
      %broadcast_in_dim3A_210 = vector.broadcast %squeeze3A_209 : f32 to vector<16xf32>
      %mul3A_211 = arith.constant 16 : i32
      %mul3A_212 = arith.muli %scan3A_85, %mul3A_211 : i32
      %add3A_213 = arith.constant 10 : i32
      %add3A_214 = arith.addi %mul3A_212, %add3A_213 : i32
      %swap3A_215 = arith.index_cast %add3A_214 : i32 to index
      %swap3A_216 = arith.constant 0 : index
      %swap3A_217 = tpu.vector_load %arg10[%swap3A_215, %swap3A_216] {strides = array<i32>} : memref<640x16xf32, #tpu.memory_space<vmem>>, vector<1x16xf32>,
      %swap3A_218 = vector.shape_cast %swap3A_217 : vector<1x16xf32> to vector<16xf32>
      %swap3A_219 = vector.shape_cast %broadcast_in_dim3A_210 : vector<16xf32> to vector<1x16xf32>
      tpu.vector_store %arg10[%swap3A_215, %swap3A_216], %swap3A_219 {strides = array<i32>} : memref<640x16xf32, #tpu.memory_space<vmem>>, vector<1x16xf32>,
      %slice3A_220 = vector.extract_strided_slice %get3A_89 {offsets = [11], sizes = [1], strides = [1]} : vector<16xf32> to vector<1xf32>
      %squeeze3A_221 = vector.extract %slice3A_220[0] : f32 from vector<1xf32>
      %broadcast_in_dim3A_222 = vector.broadcast %squeeze3A_221 : f32 to vector<16xf32>
      %mul3A_223 = arith.constant 16 : i32
      %mul3A_224 = arith.muli %scan3A_85, %mul3A_223 : i32
      %add3A_225 = arith.constant 11 : i32
      %add3A_226 = arith.addi %mul3A_224, %add3A_225 : i32
      %swap3A_227 = arith.index_cast %add3A_226 : i32 to index
      %swap3A_228 = arith.constant 0 : index
      %swap3A_229 = tpu.vector_load %arg10[%swap3A_227, %swap3A_228] {strides = array<i32>} : memref<640x16xf32, #tpu.memory_space<vmem>>, vector<1x16xf32>,
      %swap3A_230 = vector.shape_cast %swap3A_229 : vector<1x16xf32> to vector<16xf32>
      %swap3A_231 = vector.shape_cast %broadcast_in_dim3A_222 : vector<16xf32> to vector<1x16xf32>
      tpu.vector_store %arg10[%swap3A_227, %swap3A_228], %swap3A_231 {strides = array<i32>} : memref<640x16xf32, #tpu.memory_space<vmem>>, vector<1x16xf32>,
      %slice3A_232 = vector.extract_strided_slice %get3A_89 {offsets = [12], sizes = [1], strides = [1]} : vector<16xf32> to vector<1xf32>
      %squeeze3A_233 = vector.extract %slice3A_232[0] : f32 from vector<1xf32>
      %broadcast_in_dim3A_234 = vector.broadcast %squeeze3A_233 : f32 to vector<16xf32>
      %mul3A_235 = arith.constant 16 : i32
      %mul3A_236 = arith.muli %scan3A_85, %mul3A_235 : i32
      %add3A_237 = arith.constant 12 : i32
      %add3A_238 = arith.addi %mul3A_236, %add3A_237 : i32
      %swap3A_239 = arith.index_cast %add3A_238 : i32 to index
      %swap3A_240 = arith.constant 0 : index
      %swap3A_241 = tpu.vector_load %arg10[%swap3A_239, %swap3A_240] {strides = array<i32>} : memref<640x16xf32, #tpu.memory_space<vmem>>, vector<1x16xf32>,
      %swap3A_242 = vector.shape_cast %swap3A_241 : vector<1x16xf32> to vector<16xf32>
      %swap3A_243 = vector.shape_cast %broadcast_in_dim3A_234 : vector<16xf32> to vector<1x16xf32>
      tpu.vector_store %arg10[%swap3A_239, %swap3A_240], %swap3A_243 {strides = array<i32>} : memref<640x16xf32, #tpu.memory_space<vmem>>, vector<1x16xf32>,
      %slice3A_244 = vector.extract_strided_slice %get3A_89 {offsets = [13], sizes = [1], strides = [1]} : vector<16xf32> to vector<1xf32>
      %squeeze3A_245 = vector.extract %slice3A_244[0] : f32 from vector<1xf32>
      %broadcast_in_dim3A_246 = vector.broadcast %squeeze3A_245 : f32 to vector<16xf32>
      %mul3A_247 = arith.constant 16 : i32
      %mul3A_248 = arith.muli %scan3A_85, %mul3A_247 : i32
      %add3A_249 = arith.constant 13 : i32
      %add3A_250 = arith.addi %mul3A_248, %add3A_249 : i32
      %swap3A_251 = arith.index_cast %add3A_250 : i32 to index
      %swap3A_252 = arith.constant 0 : index
      %swap3A_253 = tpu.vector_load %arg10[%swap3A_251, %swap3A_252] {strides = array<i32>} : memref<640x16xf32, #tpu.memory_space<vmem>>, vector<1x16xf32>,
      %swap3A_254 = vector.shape_cast %swap3A_253 : vector<1x16xf32> to vector<16xf32>
      %swap3A_255 = vector.shape_cast %broadcast_in_dim3A_246 : vector<16xf32> to vector<1x16xf32>
      tpu.vector_store %arg10[%swap3A_251, %swap3A_252], %swap3A_255 {strides = array<i32>} : memref<640x16xf32, #tpu.memory_space<vmem>>, vector<1x16xf32>,
      %slice3A_256 = vector.extract_strided_slice %get3A_89 {offsets = [14], sizes = [1], strides = [1]} : vector<16xf32> to vector<1xf32>
      %squeeze3A_257 = vector.extract %slice3A_256[0] : f32 from vector<1xf32>
      %broadcast_in_dim3A_258 = vector.broadcast %squeeze3A_257 : f32 to vector<16xf32>
      %mul3A_259 = arith.constant 16 : i32
      %mul3A_260 = arith.muli %scan3A_85, %mul3A_259 : i32
      %add3A_261 = arith.constant 14 : i32
      %add3A_262 = arith.addi %mul3A_260, %add3A_261 : i32
      %swap3A_263 = arith.index_cast %add3A_262 : i32 to index
      %swap3A_264 = arith.constant 0 : index
      %swap3A_265 = tpu.vector_load %arg10[%swap3A_263, %swap3A_264] {strides = array<i32>} : memref<640x16xf32, #tpu.memory_space<vmem>>, vector<1x16xf32>,
      %swap3A_266 = vector.shape_cast %swap3A_265 : vector<1x16xf32> to vector<16xf32>
      %swap3A_267 = vector.shape_cast %broadcast_in_dim3A_258 : vector<16xf32> to vector<1x16xf32>
      tpu.vector_store %arg10[%swap3A_263, %swap3A_264], %swap3A_267 {strides = array<i32>} : memref<640x16xf32, #tpu.memory_space<vmem>>, vector<1x16xf32>,
      %slice3A_268 = vector.extract_strided_slice %get3A_89 {offsets = [15], sizes = [1], strides = [1]} : vector<16xf32> to vector<1xf32>
      %squeeze3A_269 = vector.extract %slice3A_268[0] : f32 from vector<1xf32>
      %broadcast_in_dim3A_270 = vector.broadcast %squeeze3A_269 : f32 to vector<16xf32>
      %mul3A_271 = arith.constant 16 : i32
      %mul3A_272 = arith.muli %scan3A_85, %mul3A_271 : i32
      %add3A_273 = arith.constant 15 : i32
      %add3A_274 = arith.addi %mul3A_272, %add3A_273 : i32
      %swap3A_275 = arith.index_cast %add3A_274 : i32 to index
      %swap3A_276 = arith.constant 0 : index
      %swap3A_277 = tpu.vector_load %arg10[%swap3A_275, %swap3A_276] {strides = array<i32>} : memref<640x16xf32, #tpu.memory_space<vmem>>, vector<1x16xf32>,
      %swap3A_278 = vector.shape_cast %swap3A_277 : vector<1x16xf32> to vector<16xf32>
      %swap3A_279 = vector.shape_cast %broadcast_in_dim3A_270 : vector<16xf32> to vector<1x16xf32>
      tpu.vector_store %arg10[%swap3A_275, %swap3A_276], %swap3A_279 {strides = array<i32>} : memref<640x16xf32, #tpu.memory_space<vmem>>, vector<1x16xf32>,
    }
    %scan3A_84 = arith.constant 40 : i32
    "tpu.region"() ({
      %run_scoped3A_85 = tpu.sem_alloc : memref<!tpu.dma_semaphore, #tpu.memory_space<semaphore_mem>>
      %dma_start3A = arith.constant 0 : i32
      %dma_start3A_86 = tpu.memref_slice %arg3[%arg0, %mul3A_3, %dma_start3A] : memref<2x10240x16xf32, #tpu.memory_space<hbm>> -> memref<1x640x16xf32, #tpu.memory_space<hbm>>
      %dma_start3A_87 = tpu.memref_squeeze %dma_start3A_86 : memref<1x640x16xf32, #tpu.memory_space<hbm>> -> memref<640x16xf32, #tpu.memory_space<hbm>>
      %dma_start3A_88 = arith.constant 0 : i32
      %dma_start3A_89 = tpu.memref_slice %arg3[%arg0, %mul3A_3, %dma_start3A_88] : memref<2x10240x16xf32, #tpu.memory_space<hbm>> -> memref<1x640x16xf32, #tpu.memory_space<hbm>>
      %dma_start3A_90 = tpu.memref_squeeze %dma_start3A_89 : memref<1x640x16xf32, #tpu.memory_space<hbm>> -> memref<640x16xf32, #tpu.memory_space<hbm>>
      tpu.enqueue_dma source(%arg10 : memref<640x16xf32, #tpu.memory_space<vmem>>) target(%dma_start3A_90 : memref<640x16xf32, #tpu.memory_space<hbm>>) target_semaphore(%run_scoped3A_85 : memref<!tpu.dma_semaphore, #tpu.memory_space<semaphore_mem>>)
      %dma_wait3A = arith.constant 0 : i32
      %dma_wait3A_91 = tpu.memref_slice %arg3[%arg0, %mul3A_3, %dma_wait3A] : memref<2x10240x16xf32, #tpu.memory_space<hbm>> -> memref<1x640x16xf32, #tpu.memory_space<hbm>>
      %dma_wait3A_92 = tpu.memref_squeeze %dma_wait3A_91 : memref<1x640x16xf32, #tpu.memory_space<hbm>> -> memref<640x16xf32, #tpu.memory_space<hbm>>
      %dma_wait3A_93 = arith.constant 0 : i32
      %dma_wait3A_94 = tpu.memref_slice %arg3[%arg0, %mul3A_3, %dma_wait3A_93] : memref<2x10240x16xf32, #tpu.memory_space<hbm>> -> memref<1x640x16xf32, #tpu.memory_space<hbm>>
      %dma_wait3A_95 = tpu.memref_squeeze %dma_wait3A_94 : memref<1x640x16xf32, #tpu.memory_space<hbm>> -> memref<640x16xf32, #tpu.memory_space<hbm>>
      tpu.wait_dma2 semaphore(%run_scoped3A_85 : memref<!tpu.dma_semaphore, #tpu.memory_space<semaphore_mem>>) src(%arg10 : memref<640x16xf32, #tpu.memory_space<vmem>>) dst(%dma_wait3A_95 : memref<640x16xf32, #tpu.memory_space<hbm>>)
      tpu.yield
    }) : () -> ()
    return
  }
}

module attributes {stable_mosaic.version = 14 : i64} {
  func.func @body(%arg0: memref<1280x128xf32, #tpu.memory_space<vmem>>, %arg1: memref<2x1280x128xf32, #tpu.memory_space<vmem>>, %arg2: memref<1280x128xf32, #tpu.memory_space<vmem>>, %arg3: memref<1280x128xf32, #tpu.memory_space<vmem>>) attributes {dimension_semantics = [], scalar_prefetch = 0 : i64, scratch_operands = 0 : i64, tpu.core_type = #tpu.core_type<tc>} {
    %get3A = arith.constant 0 : index
    %get3A_0 = arith.constant 0 : index
    %get3A_1 = arith.constant 0 : index
    %get3A_2 = vector.load %arg1[%get3A, %get3A_0, %get3A_1] : memref<2x1280x128xf32, #tpu.memory_space<vmem>>, vector<1x1280x128xf32>
    %get3A_3 = vector.shape_cast %get3A_2 : vector<1x1280x128xf32> to vector<1280x128xf32>
    %get3A_4 = arith.constant 1 : index
    %get3A_5 = arith.constant 0 : index
    %get3A_6 = arith.constant 0 : index
    %get3A_7 = vector.load %arg1[%get3A_4, %get3A_5, %get3A_6] : memref<2x1280x128xf32, #tpu.memory_space<vmem>>, vector<1x1280x128xf32>
    %get3A_8 = vector.shape_cast %get3A_7 : vector<1x1280x128xf32> to vector<1280x128xf32>
    %add3A = arith.addf %get3A_3, %get3A_8 : vector<1280x128xf32>
    %add3A_9 = arith.constant 1.000000e+00 : f32
    %add3A_10 = vector.broadcast %add3A_9 : f32 to vector<1280x128xf32>
    %add3A_11 = arith.addf %add3A, %add3A_10 : vector<1280x128xf32>
    %rsqrt3A = math.rsqrt %add3A_11 : vector<1280x128xf32>
    %get3A_12 = arith.constant 0 : index
    %get3A_13 = arith.constant 0 : index
    %get3A_14 = vector.load %arg0[%get3A_12, %get3A_13] : memref<1280x128xf32, #tpu.memory_space<vmem>>, vector<1280x128xf32>
    %mul3A = arith.mulf %rsqrt3A, %get3A_14 : vector<1280x128xf32>
    %swap3A = arith.constant 0 : index
    %swap3A_15 = arith.constant 0 : index
    %swap3A_16 = vector.load %arg2[%swap3A, %swap3A_15] : memref<1280x128xf32, #tpu.memory_space<vmem>>, vector<1280x128xf32>
    tpu.vector_store %arg2[%swap3A, %swap3A_15], %mul3A {strides = array<i32>} : memref<1280x128xf32, #tpu.memory_space<vmem>>, vector<1280x128xf32>,
    %swap3A_17 = arith.constant 0 : index
    %swap3A_18 = arith.constant 0 : index
    %swap3A_19 = vector.load %arg3[%swap3A_17, %swap3A_18] : memref<1280x128xf32, #tpu.memory_space<vmem>>, vector<1280x128xf32>
    tpu.vector_store %arg3[%swap3A_17, %swap3A_18], %rsqrt3A {strides = array<i32>} : memref<1280x128xf32, #tpu.memory_space<vmem>>, vector<1280x128xf32>,
    return
  }
}

module attributes {stable_mosaic.version = 14 : i64} {
  func.func @body(%arg0: memref<1250x8x128xf32, #tpu.memory_space<vmem>>, %arg1: memref<128x16xf32, #tpu.memory_space<vmem>>, %arg2: memref<1280x128xf32, #tpu.memory_space<vmem>>) attributes {dimension_semantics = [], scalar_prefetch = 0 : i64, scratch_operands = 0 : i64, tpu.core_type = #tpu.core_type<tc>} {
    %get3A = arith.constant 0 : index
    %get3A_0 = arith.constant 0 : index
    %get3A_1 = arith.constant 0 : index
    %get3A_2 = vector.load %arg0[%get3A, %get3A_0, %get3A_1] : memref<1250x8x128xf32, #tpu.memory_space<vmem>>, vector<1250x1x128xf32>
    %get3A_3 = vector.shape_cast %get3A_2 : vector<1250x1x128xf32> to vector<1250x128xf32>
    %get3A_4 = arith.constant 0 : index
    %get3A_5 = arith.constant 0 : index
    %get3A_6 = vector.load %arg1[%get3A_4, %get3A_5] : memref<128x16xf32, #tpu.memory_space<vmem>>, vector<128x16xf32>
    %dot_general3A = arith.constant dense<0.000000e+00> : vector<1250x16xf32>
    %dot_general3A_7 = tpu.matmul %get3A_3, %get3A_6, %dot_general3A {dimension_numbers = #tpu.dot_dimension_numbers<[1], [0], [0], [1], [0, 0, 1, 1], [], []>, transpose_lhs_hint = false} : vector<1250x128xf32>, vector<128x16xf32>, vector<1250x16xf32> -> vector<1250x16xf32>
    %get3A_8 = arith.constant 0 : index
    %get3A_9 = arith.constant 1 : index
    %get3A_10 = arith.constant 0 : index
    %get3A_11 = vector.load %arg0[%get3A_8, %get3A_9, %get3A_10] : memref<1250x8x128xf32, #tpu.memory_space<vmem>>, vector<1250x1x128xf32>
    %get3A_12 = vector.shape_cast %get3A_11 : vector<1250x1x128xf32> to vector<1250x128xf32>
    %get3A_13 = arith.constant 0 : index
    %get3A_14 = arith.constant 0 : index
    %get3A_15 = vector.load %arg1[%get3A_13, %get3A_14] : memref<128x16xf32, #tpu.memory_space<vmem>>, vector<128x16xf32>
    %dot_general3A_16 = arith.constant dense<0.000000e+00> : vector<1250x16xf32>
    %dot_general3A_17 = tpu.matmul %get3A_12, %get3A_15, %dot_general3A_16 {dimension_numbers = #tpu.dot_dimension_numbers<[1], [0], [0], [1], [0, 0, 1, 1], [], []>, transpose_lhs_hint = false} : vector<1250x128xf32>, vector<128x16xf32>, vector<1250x16xf32> -> vector<1250x16xf32>
    %get3A_18 = arith.constant 0 : index
    %get3A_19 = arith.constant 2 : index
    %get3A_20 = arith.constant 0 : index
    %get3A_21 = vector.load %arg0[%get3A_18, %get3A_19, %get3A_20] : memref<1250x8x128xf32, #tpu.memory_space<vmem>>, vector<1250x1x128xf32>
    %get3A_22 = vector.shape_cast %get3A_21 : vector<1250x1x128xf32> to vector<1250x128xf32>
    %get3A_23 = arith.constant 0 : index
    %get3A_24 = arith.constant 0 : index
    %get3A_25 = vector.load %arg1[%get3A_23, %get3A_24] : memref<128x16xf32, #tpu.memory_space<vmem>>, vector<128x16xf32>
    %dot_general3A_26 = arith.constant dense<0.000000e+00> : vector<1250x16xf32>
    %dot_general3A_27 = tpu.matmul %get3A_22, %get3A_25, %dot_general3A_26 {dimension_numbers = #tpu.dot_dimension_numbers<[1], [0], [0], [1], [0, 0, 1, 1], [], []>, transpose_lhs_hint = false} : vector<1250x128xf32>, vector<128x16xf32>, vector<1250x16xf32> -> vector<1250x16xf32>
    %get3A_28 = arith.constant 0 : index
    %get3A_29 = arith.constant 3 : index
    %get3A_30 = arith.constant 0 : index
    %get3A_31 = vector.load %arg0[%get3A_28, %get3A_29, %get3A_30] : memref<1250x8x128xf32, #tpu.memory_space<vmem>>, vector<1250x1x128xf32>
    %get3A_32 = vector.shape_cast %get3A_31 : vector<1250x1x128xf32> to vector<1250x128xf32>
    %get3A_33 = arith.constant 0 : index
    %get3A_34 = arith.constant 0 : index
    %get3A_35 = vector.load %arg1[%get3A_33, %get3A_34] : memref<128x16xf32, #tpu.memory_space<vmem>>, vector<128x16xf32>
    %dot_general3A_36 = arith.constant dense<0.000000e+00> : vector<1250x16xf32>
    %dot_general3A_37 = tpu.matmul %get3A_32, %get3A_35, %dot_general3A_36 {dimension_numbers = #tpu.dot_dimension_numbers<[1], [0], [0], [1], [0, 0, 1, 1], [], []>, transpose_lhs_hint = false} : vector<1250x128xf32>, vector<128x16xf32>, vector<1250x16xf32> -> vector<1250x16xf32>
    %get3A_38 = arith.constant 0 : index
    %get3A_39 = arith.constant 4 : index
    %get3A_40 = arith.constant 0 : index
    %get3A_41 = vector.load %arg0[%get3A_38, %get3A_39, %get3A_40] : memref<1250x8x128xf32, #tpu.memory_space<vmem>>, vector<1250x1x128xf32>
    %get3A_42 = vector.shape_cast %get3A_41 : vector<1250x1x128xf32> to vector<1250x128xf32>
    %get3A_43 = arith.constant 0 : index
    %get3A_44 = arith.constant 0 : index
    %get3A_45 = vector.load %arg1[%get3A_43, %get3A_44] : memref<128x16xf32, #tpu.memory_space<vmem>>, vector<128x16xf32>
    %dot_general3A_46 = arith.constant dense<0.000000e+00> : vector<1250x16xf32>
    %dot_general3A_47 = tpu.matmul %get3A_42, %get3A_45, %dot_general3A_46 {dimension_numbers = #tpu.dot_dimension_numbers<[1], [0], [0], [1], [0, 0, 1, 1], [], []>, transpose_lhs_hint = false} : vector<1250x128xf32>, vector<128x16xf32>, vector<1250x16xf32> -> vector<1250x16xf32>
    %get3A_48 = arith.constant 0 : index
    %get3A_49 = arith.constant 5 : index
    %get3A_50 = arith.constant 0 : index
    %get3A_51 = vector.load %arg0[%get3A_48, %get3A_49, %get3A_50] : memref<1250x8x128xf32, #tpu.memory_space<vmem>>, vector<1250x1x128xf32>
    %get3A_52 = vector.shape_cast %get3A_51 : vector<1250x1x128xf32> to vector<1250x128xf32>
    %get3A_53 = arith.constant 0 : index
    %get3A_54 = arith.constant 0 : index
    %get3A_55 = vector.load %arg1[%get3A_53, %get3A_54] : memref<128x16xf32, #tpu.memory_space<vmem>>, vector<128x16xf32>
    %dot_general3A_56 = arith.constant dense<0.000000e+00> : vector<1250x16xf32>
    %dot_general3A_57 = tpu.matmul %get3A_52, %get3A_55, %dot_general3A_56 {dimension_numbers = #tpu.dot_dimension_numbers<[1], [0], [0], [1], [0, 0, 1, 1], [], []>, transpose_lhs_hint = false} : vector<1250x128xf32>, vector<128x16xf32>, vector<1250x16xf32> -> vector<1250x16xf32>
    %get3A_58 = arith.constant 0 : index
    %get3A_59 = arith.constant 6 : index
    %get3A_60 = arith.constant 0 : index
    %get3A_61 = vector.load %arg0[%get3A_58, %get3A_59, %get3A_60] : memref<1250x8x128xf32, #tpu.memory_space<vmem>>, vector<1250x1x128xf32>
    %get3A_62 = vector.shape_cast %get3A_61 : vector<1250x1x128xf32> to vector<1250x128xf32>
    %get3A_63 = arith.constant 0 : index
    %get3A_64 = arith.constant 0 : index
    %get3A_65 = vector.load %arg1[%get3A_63, %get3A_64] : memref<128x16xf32, #tpu.memory_space<vmem>>, vector<128x16xf32>
    %dot_general3A_66 = arith.constant dense<0.000000e+00> : vector<1250x16xf32>
    %dot_general3A_67 = tpu.matmul %get3A_62, %get3A_65, %dot_general3A_66 {dimension_numbers = #tpu.dot_dimension_numbers<[1], [0], [0], [1], [0, 0, 1, 1], [], []>, transpose_lhs_hint = false} : vector<1250x128xf32>, vector<128x16xf32>, vector<1250x16xf32> -> vector<1250x16xf32>
    %get3A_68 = arith.constant 0 : index
    %get3A_69 = arith.constant 7 : index
    %get3A_70 = arith.constant 0 : index
    %get3A_71 = vector.load %arg0[%get3A_68, %get3A_69, %get3A_70] : memref<1250x8x128xf32, #tpu.memory_space<vmem>>, vector<1250x1x128xf32>
    %get3A_72 = vector.shape_cast %get3A_71 : vector<1250x1x128xf32> to vector<1250x128xf32>
    %get3A_73 = arith.constant 0 : index
    %get3A_74 = arith.constant 0 : index
    %get3A_75 = vector.load %arg1[%get3A_73, %get3A_74] : memref<128x16xf32, #tpu.memory_space<vmem>>, vector<128x16xf32>
    %dot_general3A_76 = arith.constant dense<0.000000e+00> : vector<1250x16xf32>
    %dot_general3A_77 = tpu.matmul %get3A_72, %get3A_75, %dot_general3A_76 {dimension_numbers = #tpu.dot_dimension_numbers<[1], [0], [0], [1], [0, 0, 1, 1], [], []>, transpose_lhs_hint = false} : vector<1250x128xf32>, vector<128x16xf32>, vector<1250x16xf32> -> vector<1250x16xf32>
    %concatenate3A = tpu.concatenate %dot_general3A_7, %dot_general3A_17, %dot_general3A_27, %dot_general3A_37, %dot_general3A_47, %dot_general3A_57, %dot_general3A_67, %dot_general3A_77 in 1 : vector<1250x16xf32>, vector<1250x16xf32>, vector<1250x16xf32>, vector<1250x16xf32>, vector<1250x16xf32>, vector<1250x16xf32>, vector<1250x16xf32>, vector<1250x16xf32> -> vector<1250x128xf32>
    %swap3A = arith.constant 0 : index
    %swap3A_78 = arith.constant 0 : index
    %swap3A_79 = vector.load %arg2[%swap3A, %swap3A_78] : memref<1280x128xf32, #tpu.memory_space<vmem>>, vector<1250x128xf32>
    tpu.vector_store %arg2[%swap3A, %swap3A_78], %concatenate3A {strides = array<i32>} : memref<1280x128xf32, #tpu.memory_space<vmem>>, vector<1250x128xf32>,
    %broadcast_in_dim3A = arith.constant 0.000000e+00 : f32
    %broadcast_in_dim3A_80 = vector.broadcast %broadcast_in_dim3A : f32 to vector<30x128xf32>
    %swap3A_81 = arith.constant 1250 : index
    %swap3A_82 = arith.constant 0 : index
    %swap3A_83 = vector.load %arg2[%swap3A_81, %swap3A_82] : memref<1280x128xf32, #tpu.memory_space<vmem>>, vector<30x128xf32>
    tpu.vector_store %arg2[%swap3A_81, %swap3A_82], %broadcast_in_dim3A_80 {strides = array<i32>} : memref<1280x128xf32, #tpu.memory_space<vmem>>, vector<30x128xf32>,
    return
  }
}

module attributes {stable_mosaic.version = 14 : i64} {
  func.func @body(%arg0: memref<2x1280x128xf32, #tpu.memory_space<vmem>>, %arg1: memref<1280x128xf32, #tpu.memory_space<vmem>>, %arg2: memref<1280x128xf32, #tpu.memory_space<vmem>>, %arg3: memref<1x128xf32, #tpu.memory_space<vmem>>, %arg4: memref<1280x128xf32, #tpu.memory_space<vmem>>) attributes {dimension_semantics = [], scalar_prefetch = 0 : i64, scratch_operands = 0 : i64, tpu.core_type = #tpu.core_type<tc>} {
    %get3A = arith.constant 0 : index
    %get3A_0 = arith.constant 0 : index
    %get3A_1 = vector.load %arg2[%get3A, %get3A_0] : memref<1280x128xf32, #tpu.memory_space<vmem>>, vector<1280x128xf32>
    %get3A_2 = arith.constant 0 : index
    %get3A_3 = arith.constant 0 : index
    %get3A_4 = arith.constant 0 : index
    %get3A_5 = vector.load %arg0[%get3A_2, %get3A_3, %get3A_4] : memref<2x1280x128xf32, #tpu.memory_space<vmem>>, vector<1x1280x128xf32>
    %get3A_6 = vector.shape_cast %get3A_5 : vector<1x1280x128xf32> to vector<1280x128xf32>
    %get3A_7 = arith.constant 1 : index
    %get3A_8 = arith.constant 0 : index
    %get3A_9 = arith.constant 0 : index
    %get3A_10 = vector.load %arg0[%get3A_7, %get3A_8, %get3A_9] : memref<2x1280x128xf32, #tpu.memory_space<vmem>>, vector<1x1280x128xf32>
    %get3A_11 = vector.shape_cast %get3A_10 : vector<1x1280x128xf32> to vector<1280x128xf32>
    %add3A = arith.addf %get3A_6, %get3A_11 : vector<1280x128xf32>
    %get3A_12 = arith.constant 0 : index
    %get3A_13 = arith.constant 0 : index
    %get3A_14 = vector.load %arg1[%get3A_12, %get3A_13] : memref<1280x128xf32, #tpu.memory_space<vmem>>, vector<1280x128xf32>
    %add3A_15 = arith.addf %add3A, %get3A_14 : vector<1280x128xf32>
    %mul3A = arith.mulf %get3A_1, %add3A_15 : vector<1280x128xf32>
    %get3A_16 = arith.constant 0 : index
    %get3A_17 = arith.constant 0 : index
    %get3A_18 = vector.load %arg3[%get3A_16, %get3A_17] : memref<1x128xf32, #tpu.memory_space<vmem>>, vector<1x128xf32>
    %add3A_19 = vector.broadcast %get3A_18 : vector<1x128xf32> to vector<1280x128xf32>
    %add3A_20 = arith.addf %mul3A, %add3A_19 : vector<1280x128xf32>
    %max3A = arith.constant 0.000000e+00 : f32
    %max3A_21 = vector.broadcast %max3A : f32 to vector<1280x128xf32>
    %max3A_22 = arith.maximumf %add3A_20, %max3A_21 : vector<1280x128xf32>
    %mul3A_23 = arith.mulf %get3A_1, %max3A_22 : vector<1280x128xf32>
    %swap3A = arith.constant 0 : index
    %swap3A_24 = arith.constant 0 : index
    %swap3A_25 = vector.load %arg4[%swap3A, %swap3A_24] : memref<1280x128xf32, #tpu.memory_space<vmem>>, vector<1280x128xf32>
    tpu.vector_store %arg4[%swap3A, %swap3A_24], %mul3A_23 {strides = array<i32>} : memref<1280x128xf32, #tpu.memory_space<vmem>>, vector<1280x128xf32>,
    return
  }
}

module attributes {stable_mosaic.version = 14 : i64} {
  func.func @body(%arg0: memref<2x1280x128xf32, #tpu.memory_space<vmem>>, %arg1: memref<1280x128xf32, #tpu.memory_space<vmem>>, %arg2: memref<1280x128xf32, #tpu.memory_space<vmem>>, %arg3: memref<16x128xf32, #tpu.memory_space<vmem>>, %arg4: memref<1x128xf32, #tpu.memory_space<vmem>>, %arg5: memref<1250x8x128xf32, #tpu.memory_space<vmem>>) attributes {dimension_semantics = [], scalar_prefetch = 0 : i64, scratch_operands = 0 : i64, tpu.core_type = #tpu.core_type<tc>} {
    %get3A = arith.constant 0 : index
    %get3A_0 = arith.constant 0 : index
    %get3A_1 = vector.load %arg2[%get3A, %get3A_0] : memref<1280x128xf32, #tpu.memory_space<vmem>>, vector<1280x128xf32>
    %get3A_2 = arith.constant 0 : index
    %get3A_3 = arith.constant 0 : index
    %get3A_4 = arith.constant 0 : index
    %get3A_5 = vector.load %arg0[%get3A_2, %get3A_3, %get3A_4] : memref<2x1280x128xf32, #tpu.memory_space<vmem>>, vector<1x1280x128xf32>
    %get3A_6 = vector.shape_cast %get3A_5 : vector<1x1280x128xf32> to vector<1280x128xf32>
    %get3A_7 = arith.constant 1 : index
    %get3A_8 = arith.constant 0 : index
    %get3A_9 = arith.constant 0 : index
    %get3A_10 = vector.load %arg0[%get3A_7, %get3A_8, %get3A_9] : memref<2x1280x128xf32, #tpu.memory_space<vmem>>, vector<1x1280x128xf32>
    %get3A_11 = vector.shape_cast %get3A_10 : vector<1x1280x128xf32> to vector<1280x128xf32>
    %add3A = arith.addf %get3A_6, %get3A_11 : vector<1280x128xf32>
    %get3A_12 = arith.constant 0 : index
    %get3A_13 = arith.constant 0 : index
    %get3A_14 = vector.load %arg1[%get3A_12, %get3A_13] : memref<1280x128xf32, #tpu.memory_space<vmem>>, vector<1280x128xf32>
    %add3A_15 = arith.addf %add3A, %get3A_14 : vector<1280x128xf32>
    %mul3A = arith.mulf %get3A_1, %add3A_15 : vector<1280x128xf32>
    %slice3A = vector.extract_strided_slice %mul3A {offsets = [0, 0], sizes = [1250, 128], strides = [1, 1]} : vector<1280x128xf32> to vector<1250x128xf32>
    %slice3A_16 = vector.extract_strided_slice %slice3A {offsets = [0, 0], sizes = [1250, 16], strides = [1, 1]} : vector<1250x128xf32> to vector<1250x16xf32>
    %get3A_17 = arith.constant 0 : index
    %get3A_18 = arith.constant 0 : index
    %get3A_19 = vector.load %arg3[%get3A_17, %get3A_18] : memref<16x128xf32, #tpu.memory_space<vmem>>, vector<16x128xf32>
    %dot_general3A = arith.constant dense<0.000000e+00> : vector<1250x128xf32>
    %dot_general3A_20 = tpu.matmul %slice3A_16, %get3A_19, %dot_general3A {dimension_numbers = #tpu.dot_dimension_numbers<[1], [0], [0], [1], [0, 0, 1, 1], [], []>, transpose_lhs_hint = false} : vector<1250x16xf32>, vector<16x128xf32>, vector<1250x128xf32> -> vector<1250x128xf32>
    %get3A_21 = arith.constant 0 : index
    %get3A_22 = arith.constant 0 : index
    %get3A_23 = vector.load %arg4[%get3A_21, %get3A_22] : memref<1x128xf32, #tpu.memory_space<vmem>>, vector<1x128xf32>
    %add3A_24 = vector.broadcast %get3A_23 : vector<1x128xf32> to vector<1250x128xf32>
    %add3A_25 = arith.addf %dot_general3A_20, %add3A_24 : vector<1250x128xf32>
    %swap3A = arith.constant 0 : index
    %swap3A_26 = arith.constant 0 : index
    %swap3A_27 = arith.constant 0 : index
    %swap3A_28 = vector.load %arg5[%swap3A, %swap3A_26, %swap3A_27] : memref<1250x8x128xf32, #tpu.memory_space<vmem>>, vector<1250x1x128xf32>
    %swap3A_29 = vector.shape_cast %swap3A_28 : vector<1250x1x128xf32> to vector<1250x128xf32>
    %swap3A_30 = vector.shape_cast %add3A_25 : vector<1250x128xf32> to vector<1250x1x128xf32>
    tpu.vector_store %arg5[%swap3A, %swap3A_26, %swap3A_27], %swap3A_30 {strides = array<i32>} : memref<1250x8x128xf32, #tpu.memory_space<vmem>>, vector<1250x1x128xf32>,
    %slice3A_31 = vector.extract_strided_slice %slice3A {offsets = [0, 16], sizes = [1250, 16], strides = [1, 1]} : vector<1250x128xf32> to vector<1250x16xf32>
    %get3A_32 = arith.constant 0 : index
    %get3A_33 = arith.constant 0 : index
    %get3A_34 = vector.load %arg3[%get3A_32, %get3A_33] : memref<16x128xf32, #tpu.memory_space<vmem>>, vector<16x128xf32>
    %dot_general3A_35 = arith.constant dense<0.000000e+00> : vector<1250x128xf32>
    %dot_general3A_36 = tpu.matmul %slice3A_31, %get3A_34, %dot_general3A_35 {dimension_numbers = #tpu.dot_dimension_numbers<[1], [0], [0], [1], [0, 0, 1, 1], [], []>, transpose_lhs_hint = false} : vector<1250x16xf32>, vector<16x128xf32>, vector<1250x128xf32> -> vector<1250x128xf32>
    %get3A_37 = arith.constant 0 : index
    %get3A_38 = arith.constant 0 : index
    %get3A_39 = vector.load %arg4[%get3A_37, %get3A_38] : memref<1x128xf32, #tpu.memory_space<vmem>>, vector<1x128xf32>
    %add3A_40 = vector.broadcast %get3A_39 : vector<1x128xf32> to vector<1250x128xf32>
    %add3A_41 = arith.addf %dot_general3A_36, %add3A_40 : vector<1250x128xf32>
    %swap3A_42 = arith.constant 0 : index
    %swap3A_43 = arith.constant 1 : index
    %swap3A_44 = arith.constant 0 : index
    %swap3A_45 = vector.load %arg5[%swap3A_42, %swap3A_43, %swap3A_44] : memref<1250x8x128xf32, #tpu.memory_space<vmem>>, vector<1250x1x128xf32>
    %swap3A_46 = vector.shape_cast %swap3A_45 : vector<1250x1x128xf32> to vector<1250x128xf32>
    %swap3A_47 = vector.shape_cast %add3A_41 : vector<1250x128xf32> to vector<1250x1x128xf32>
    tpu.vector_store %arg5[%swap3A_42, %swap3A_43, %swap3A_44], %swap3A_47 {strides = array<i32>} : memref<1250x8x128xf32, #tpu.memory_space<vmem>>, vector<1250x1x128xf32>,
    %slice3A_48 = vector.extract_strided_slice %slice3A {offsets = [0, 32], sizes = [1250, 16], strides = [1, 1]} : vector<1250x128xf32> to vector<1250x16xf32>
    %get3A_49 = arith.constant 0 : index
    %get3A_50 = arith.constant 0 : index
    %get3A_51 = vector.load %arg3[%get3A_49, %get3A_50] : memref<16x128xf32, #tpu.memory_space<vmem>>, vector<16x128xf32>
    %dot_general3A_52 = arith.constant dense<0.000000e+00> : vector<1250x128xf32>
    %dot_general3A_53 = tpu.matmul %slice3A_48, %get3A_51, %dot_general3A_52 {dimension_numbers = #tpu.dot_dimension_numbers<[1], [0], [0], [1], [0, 0, 1, 1], [], []>, transpose_lhs_hint = false} : vector<1250x16xf32>, vector<16x128xf32>, vector<1250x128xf32> -> vector<1250x128xf32>
    %get3A_54 = arith.constant 0 : index
    %get3A_55 = arith.constant 0 : index
    %get3A_56 = vector.load %arg4[%get3A_54, %get3A_55] : memref<1x128xf32, #tpu.memory_space<vmem>>, vector<1x128xf32>
    %add3A_57 = vector.broadcast %get3A_56 : vector<1x128xf32> to vector<1250x128xf32>
    %add3A_58 = arith.addf %dot_general3A_53, %add3A_57 : vector<1250x128xf32>
    %swap3A_59 = arith.constant 0 : index
    %swap3A_60 = arith.constant 2 : index
    %swap3A_61 = arith.constant 0 : index
    %swap3A_62 = vector.load %arg5[%swap3A_59, %swap3A_60, %swap3A_61] : memref<1250x8x128xf32, #tpu.memory_space<vmem>>, vector<1250x1x128xf32>
    %swap3A_63 = vector.shape_cast %swap3A_62 : vector<1250x1x128xf32> to vector<1250x128xf32>
    %swap3A_64 = vector.shape_cast %add3A_58 : vector<1250x128xf32> to vector<1250x1x128xf32>
    tpu.vector_store %arg5[%swap3A_59, %swap3A_60, %swap3A_61], %swap3A_64 {strides = array<i32>} : memref<1250x8x128xf32, #tpu.memory_space<vmem>>, vector<1250x1x128xf32>,
    %slice3A_65 = vector.extract_strided_slice %slice3A {offsets = [0, 48], sizes = [1250, 16], strides = [1, 1]} : vector<1250x128xf32> to vector<1250x16xf32>
    %get3A_66 = arith.constant 0 : index
    %get3A_67 = arith.constant 0 : index
    %get3A_68 = vector.load %arg3[%get3A_66, %get3A_67] : memref<16x128xf32, #tpu.memory_space<vmem>>, vector<16x128xf32>
    %dot_general3A_69 = arith.constant dense<0.000000e+00> : vector<1250x128xf32>
    %dot_general3A_70 = tpu.matmul %slice3A_65, %get3A_68, %dot_general3A_69 {dimension_numbers = #tpu.dot_dimension_numbers<[1], [0], [0], [1], [0, 0, 1, 1], [], []>, transpose_lhs_hint = false} : vector<1250x16xf32>, vector<16x128xf32>, vector<1250x128xf32> -> vector<1250x128xf32>
    %get3A_71 = arith.constant 0 : index
    %get3A_72 = arith.constant 0 : index
    %get3A_73 = vector.load %arg4[%get3A_71, %get3A_72] : memref<1x128xf32, #tpu.memory_space<vmem>>, vector<1x128xf32>
    %add3A_74 = vector.broadcast %get3A_73 : vector<1x128xf32> to vector<1250x128xf32>
    %add3A_75 = arith.addf %dot_general3A_70, %add3A_74 : vector<1250x128xf32>
    %swap3A_76 = arith.constant 0 : index
    %swap3A_77 = arith.constant 3 : index
    %swap3A_78 = arith.constant 0 : index
    %swap3A_79 = vector.load %arg5[%swap3A_76, %swap3A_77, %swap3A_78] : memref<1250x8x128xf32, #tpu.memory_space<vmem>>, vector<1250x1x128xf32>
    %swap3A_80 = vector.shape_cast %swap3A_79 : vector<1250x1x128xf32> to vector<1250x128xf32>
    %swap3A_81 = vector.shape_cast %add3A_75 : vector<1250x128xf32> to vector<1250x1x128xf32>
    tpu.vector_store %arg5[%swap3A_76, %swap3A_77, %swap3A_78], %swap3A_81 {strides = array<i32>} : memref<1250x8x128xf32, #tpu.memory_space<vmem>>, vector<1250x1x128xf32>,
    %slice3A_82 = vector.extract_strided_slice %slice3A {offsets = [0, 64], sizes = [1250, 16], strides = [1, 1]} : vector<1250x128xf32> to vector<1250x16xf32>
    %get3A_83 = arith.constant 0 : index
    %get3A_84 = arith.constant 0 : index
    %get3A_85 = vector.load %arg3[%get3A_83, %get3A_84] : memref<16x128xf32, #tpu.memory_space<vmem>>, vector<16x128xf32>
    %dot_general3A_86 = arith.constant dense<0.000000e+00> : vector<1250x128xf32>
    %dot_general3A_87 = tpu.matmul %slice3A_82, %get3A_85, %dot_general3A_86 {dimension_numbers = #tpu.dot_dimension_numbers<[1], [0], [0], [1], [0, 0, 1, 1], [], []>, transpose_lhs_hint = false} : vector<1250x16xf32>, vector<16x128xf32>, vector<1250x128xf32> -> vector<1250x128xf32>
    %get3A_88 = arith.constant 0 : index
    %get3A_89 = arith.constant 0 : index
    %get3A_90 = vector.load %arg4[%get3A_88, %get3A_89] : memref<1x128xf32, #tpu.memory_space<vmem>>, vector<1x128xf32>
    %add3A_91 = vector.broadcast %get3A_90 : vector<1x128xf32> to vector<1250x128xf32>
    %add3A_92 = arith.addf %dot_general3A_87, %add3A_91 : vector<1250x128xf32>
    %swap3A_93 = arith.constant 0 : index
    %swap3A_94 = arith.constant 4 : index
    %swap3A_95 = arith.constant 0 : index
    %swap3A_96 = vector.load %arg5[%swap3A_93, %swap3A_94, %swap3A_95] : memref<1250x8x128xf32, #tpu.memory_space<vmem>>, vector<1250x1x128xf32>
    %swap3A_97 = vector.shape_cast %swap3A_96 : vector<1250x1x128xf32> to vector<1250x128xf32>
    %swap3A_98 = vector.shape_cast %add3A_92 : vector<1250x128xf32> to vector<1250x1x128xf32>
    tpu.vector_store %arg5[%swap3A_93, %swap3A_94, %swap3A_95], %swap3A_98 {strides = array<i32>} : memref<1250x8x128xf32, #tpu.memory_space<vmem>>, vector<1250x1x128xf32>,
    %slice3A_99 = vector.extract_strided_slice %slice3A {offsets = [0, 80], sizes = [1250, 16], strides = [1, 1]} : vector<1250x128xf32> to vector<1250x16xf32>
    %get3A_100 = arith.constant 0 : index
    %get3A_101 = arith.constant 0 : index
    %get3A_102 = vector.load %arg3[%get3A_100, %get3A_101] : memref<16x128xf32, #tpu.memory_space<vmem>>, vector<16x128xf32>
    %dot_general3A_103 = arith.constant dense<0.000000e+00> : vector<1250x128xf32>
    %dot_general3A_104 = tpu.matmul %slice3A_99, %get3A_102, %dot_general3A_103 {dimension_numbers = #tpu.dot_dimension_numbers<[1], [0], [0], [1], [0, 0, 1, 1], [], []>, transpose_lhs_hint = false} : vector<1250x16xf32>, vector<16x128xf32>, vector<1250x128xf32> -> vector<1250x128xf32>
    %get3A_105 = arith.constant 0 : index
    %get3A_106 = arith.constant 0 : index
    %get3A_107 = vector.load %arg4[%get3A_105, %get3A_106] : memref<1x128xf32, #tpu.memory_space<vmem>>, vector<1x128xf32>
    %add3A_108 = vector.broadcast %get3A_107 : vector<1x128xf32> to vector<1250x128xf32>
    %add3A_109 = arith.addf %dot_general3A_104, %add3A_108 : vector<1250x128xf32>
    %swap3A_110 = arith.constant 0 : index
    %swap3A_111 = arith.constant 5 : index
    %swap3A_112 = arith.constant 0 : index
    %swap3A_113 = vector.load %arg5[%swap3A_110, %swap3A_111, %swap3A_112] : memref<1250x8x128xf32, #tpu.memory_space<vmem>>, vector<1250x1x128xf32>
    %swap3A_114 = vector.shape_cast %swap3A_113 : vector<1250x1x128xf32> to vector<1250x128xf32>
    %swap3A_115 = vector.shape_cast %add3A_109 : vector<1250x128xf32> to vector<1250x1x128xf32>
    tpu.vector_store %arg5[%swap3A_110, %swap3A_111, %swap3A_112], %swap3A_115 {strides = array<i32>} : memref<1250x8x128xf32, #tpu.memory_space<vmem>>, vector<1250x1x128xf32>,
    %slice3A_116 = vector.extract_strided_slice %slice3A {offsets = [0, 96], sizes = [1250, 16], strides = [1, 1]} : vector<1250x128xf32> to vector<1250x16xf32>
    %get3A_117 = arith.constant 0 : index
    %get3A_118 = arith.constant 0 : index
    %get3A_119 = vector.load %arg3[%get3A_117, %get3A_118] : memref<16x128xf32, #tpu.memory_space<vmem>>, vector<16x128xf32>
    %dot_general3A_120 = arith.constant dense<0.000000e+00> : vector<1250x128xf32>
    %dot_general3A_121 = tpu.matmul %slice3A_116, %get3A_119, %dot_general3A_120 {dimension_numbers = #tpu.dot_dimension_numbers<[1], [0], [0], [1], [0, 0, 1, 1], [], []>, transpose_lhs_hint = false} : vector<1250x16xf32>, vector<16x128xf32>, vector<1250x128xf32> -> vector<1250x128xf32>
    %get3A_122 = arith.constant 0 : index
    %get3A_123 = arith.constant 0 : index
    %get3A_124 = vector.load %arg4[%get3A_122, %get3A_123] : memref<1x128xf32, #tpu.memory_space<vmem>>, vector<1x128xf32>
    %add3A_125 = vector.broadcast %get3A_124 : vector<1x128xf32> to vector<1250x128xf32>
    %add3A_126 = arith.addf %dot_general3A_121, %add3A_125 : vector<1250x128xf32>
    %swap3A_127 = arith.constant 0 : index
    %swap3A_128 = arith.constant 6 : index
    %swap3A_129 = arith.constant 0 : index
    %swap3A_130 = vector.load %arg5[%swap3A_127, %swap3A_128, %swap3A_129] : memref<1250x8x128xf32, #tpu.memory_space<vmem>>, vector<1250x1x128xf32>
    %swap3A_131 = vector.shape_cast %swap3A_130 : vector<1250x1x128xf32> to vector<1250x128xf32>
    %swap3A_132 = vector.shape_cast %add3A_126 : vector<1250x128xf32> to vector<1250x1x128xf32>
    tpu.vector_store %arg5[%swap3A_127, %swap3A_128, %swap3A_129], %swap3A_132 {strides = array<i32>} : memref<1250x8x128xf32, #tpu.memory_space<vmem>>, vector<1250x1x128xf32>,
    %slice3A_133 = vector.extract_strided_slice %slice3A {offsets = [0, 112], sizes = [1250, 16], strides = [1, 1]} : vector<1250x128xf32> to vector<1250x16xf32>
    %get3A_134 = arith.constant 0 : index
    %get3A_135 = arith.constant 0 : index
    %get3A_136 = vector.load %arg3[%get3A_134, %get3A_135] : memref<16x128xf32, #tpu.memory_space<vmem>>, vector<16x128xf32>
    %dot_general3A_137 = arith.constant dense<0.000000e+00> : vector<1250x128xf32>
    %dot_general3A_138 = tpu.matmul %slice3A_133, %get3A_136, %dot_general3A_137 {dimension_numbers = #tpu.dot_dimension_numbers<[1], [0], [0], [1], [0, 0, 1, 1], [], []>, transpose_lhs_hint = false} : vector<1250x16xf32>, vector<16x128xf32>, vector<1250x128xf32> -> vector<1250x128xf32>
    %get3A_139 = arith.constant 0 : index
    %get3A_140 = arith.constant 0 : index
    %get3A_141 = vector.load %arg4[%get3A_139, %get3A_140] : memref<1x128xf32, #tpu.memory_space<vmem>>, vector<1x128xf32>
    %add3A_142 = vector.broadcast %get3A_141 : vector<1x128xf32> to vector<1250x128xf32>
    %add3A_143 = arith.addf %dot_general3A_138, %add3A_142 : vector<1250x128xf32>
    %swap3A_144 = arith.constant 0 : index
    %swap3A_145 = arith.constant 7 : index
    %swap3A_146 = arith.constant 0 : index
    %swap3A_147 = vector.load %arg5[%swap3A_144, %swap3A_145, %swap3A_146] : memref<1250x8x128xf32, #tpu.memory_space<vmem>>, vector<1250x1x128xf32>
    %swap3A_148 = vector.shape_cast %swap3A_147 : vector<1250x1x128xf32> to vector<1250x128xf32>
    %swap3A_149 = vector.shape_cast %add3A_143 : vector<1250x128xf32> to vector<1250x1x128xf32>
    tpu.vector_store %arg5[%swap3A_144, %swap3A_145, %swap3A_146], %swap3A_149 {strides = array<i32>} : memref<1250x8x128xf32, #tpu.memory_space<vmem>>, vector<1250x1x128xf32>,
    return
  }
}

</mosaic_0001>

<sc_bundles>
// kernel: kernel.12.cloned.1.call-start
scs
__scs_entry_jumppad:
0x0: {  	(pc) =	sbr.rel $0x88, $3  }
0x1: {  	(tag) =	ssettag $0x0;
	lr =	simm.s32 $0x1  }
0x2: {  	[smem:$0x3F9B] =	sst lr;
	_ =	strace $0xD0000000  }
0x3: {  	_ = 	snop  }
0x4: {  	_ = 	snop  }
0x5: {  	_ = 	snop  }
0x6: {  	_ = 	snop  }
0x7: {  	_ = 	snop  }
__scs_overlays_trampoline_lowered:
0x8: {  	[smem:$0x3FAA] =	sst s0  }
0x9: {  	[smem:$0x3FAB] =	sst s1  }
0xa: {  	[smem:$0x3FAC] =	sst s2  }
0xb: {  	[smem:$0x3FAD] =	sst s3  }
0xc: {  	[smem:$0x3FAE] =	sst s4  }
0xd: {  	[smem:$0x3FAF] =	sst s5  }
0xe: {  	[smem:$0x3FB0] =	sst s6  }
0xf: {  	[smem:$0x3FB1] =	sst s7  }
0x10: {  	[smem:$0x3FB2] =	sst s8  }
0x11: {  	[smem:$0x3FB3] =	sst s9;
	s0 =	simm.s32 @!p0 $0x0  }
0x12: {  	s1 =	sld [smem:$0x3F99];
	s0 =	simm.s32 @p0 $0x1  }
0x13: {  	[smem:$0x3FB4] =	sst s0;
	s0 =	simm.s32 @!p1 $0x0  }
0x14: {  	s2 =	sld [smem:$0x3F98];
	s0 =	simm.s32 @p1 $0x1  }
0x15: {  	[smem:$0x3FB5] =	sst s0;
	s0 =	simm.s32 @!p2 $0x0  }
0x16: {  	s3 =	sld [smem:$0x3FDB];
	s0 =	simm.s32 @p2 $0x1  }
0x17: {  	s4 =	simm.s32 $0x1BF5;
	[smem:$0x3FB7] =	sst s0  }
0x18: {  	s0 =	sld [smem:$0x3F9A];
	_ =	swait.ge [sflag:s4], $0x0  }
0x19: {  	s7 =	sld [smem:$0x3F9B]  }
0x1a: {  	s8 =	sadd.s32 $0xFFFFE003, lr  }
0x1b: {  	s9 =	sadd.s32 $0xFFFFFEF7, lr;
	s5 =	simm.s32 $0xFFFFFFFF;
	p2 =	slt.u32 s8, $0xFFFFF086  }
0x1c: {  	p1 =	slt.u32 s9, $0xF7A;
	s5 =	simm.s32 @!p2 $0x0  }
0x1d: {  	s5 =	simm.s32 @p1 $0x1;
	p0 =	seq.s32 s7, s2  }
0x1e: {  	s7 =	smul.u32 @!p0 $0xF7A, s2;
	p2 =	seq.s32 @!p0 s5, $0x0  }
0x1f: {  	s9 =	smul.u32 $0xF7A, s1;
	s8 =	simm.s32 @!p0 $0x1BF5;
	p2 =	por !p2, p0  }
0x20: {  	[sflag:s8] =	ssyncset.s32 @!p0 $0xFFFFF086;
	s6 =	sadd.s32 @!p0 s3, s7;
	s7 =	simm.s32 @!p0 $0x108  }
0x21: {  	s3 =	sadd.s32 s3, s9;
	s6 =	sadd.s32 @!p0 $0x88, s6;
	s7 =	simm.s32 @p2 $0x1082  }
0x22: {  	[simem:s7], [sflag:s8] =	dma.local @!p0 [hbm:s6], $0xF7A  }
0x23: {  	s9 =	sor.u32 $0xD0000000, s2;
	s6 =	simm.s32 $0x108;
	_ =	swait.ge @!p0 [sflag:s8], $0x0  }
0x24: {  	s3 =	sadd.s32 $0x88, s3;
	s6 =	simm.s32 @!p1 $0x1082;
	[sflag:s4] =	ssyncset.s32 $0xFFFFF086  }
0x25: {  	[simem:s6], [sflag:s4] =	dma.local [hbm:s3], $0xF7A  }
0x26: {  	[smem:$0x3F9B] =	sst s1;
	(tag) =	ssettag s2;
	_ =	strace s9  }
0x27: {  	s1 =	sld [smem:$0x3FAB]  }
0x28: {  	s2 =	sld [smem:$0x3FAC]  }
0x29: {  	s4 =	sld [smem:$0x3FAE]  }
0x2a: {  	p0 =	seq.s32 s5, $0x0;
	s5 =	sld [smem:$0x3FAF]  }
0x2b: {  	s6 =	sld [smem:$0x3FB0]  }
0x2c: {  	s7 =	sld [smem:$0x3FB1]  }
0x2d: {  	s3 =	simm.s32 $0x108;
	s8 =	sld [smem:$0x3FB2]  }
0x2e: {  	s3 =	simm.s32 @!p0 $0x1082;
	s9 =	sld [smem:$0x3FB3]  }
0x2f: {  	lr =	sadd.s32 s0, s3;
	s0 =	sld [smem:$0x3FAA]  }
0x30: {  	s3 =	sld [smem:$0x3FAD]  }
0x31: {  	[smem:$0x3FB6] =	sst s10  }
0x32: {  	s10 =	sld [smem:$0x3FB4];
	_ =	sdelay $0x3  }
0x33: {  	p0 =	seq.s32 s10, $0x1;
	s10 =	sld [smem:$0x3FB6];
	_ =	sdelay $0x3  }
0x34: {  	[smem:$0x3FB6] =	sst s10  }
0x35: {  	s10 =	sld [smem:$0x3FB5];
	_ =	sdelay $0x3  }
0x36: {  	p1 =	seq.s32 s10, $0x1;
	s10 =	sld [smem:$0x3FB6];
	_ =	sdelay $0x3  }
0x37: {  	[smem:$0x3FB6] =	sst s10  }
0x38: {  	s10 =	sld [smem:$0x3FB7]  }
0x39: {  	_ = 	snop;
	(pc) =	sbr.ind lr, $3  }
0x3a: {  	_ = 	snop  }
0x3b: {  	_ = 	snop  }
0x3c: {  	p2 =	seq.s32 s10, $0x1;
	s10 =	sld [smem:$0x3FB6]  }
0x3d: {  	_ =	shalt  }
0x3e: {  	_ =	shalt  }
0x3f: {  	_ =	shalt  }
0x40: {  	_ =	shalt  }
0x41: {  	_ =	shalt  }
0x42: {  	_ =	shalt  }
0x43: {  	_ =	shalt  }
0x44: {  	_ =	shalt  }
0x45: {  	_ =	shalt  }
0x46: {  	_ =	shalt  }
0x47: {  	_ =	shalt  }
0x48: {  	_ =	shalt  }
0x49: {  	_ =	shalt  }
0x4a: {  	_ =	shalt  }
0x4b: {  	_ =	shalt  }
0x4c: {  	_ =	shalt  }
0x4d: {  	_ =	shalt  }
0x4e: {  	_ =	shalt  }
0x4f: {  	_ =	shalt  }
0x50: {  	_ =	shalt  }
0x51: {  	_ =	shalt  }
0x52: {  	_ =	shalt  }
0x53: {  	_ =	shalt  }
0x54: {  	_ =	shalt  }
0x55: {  	_ =	shalt  }
0x56: {  	_ =	shalt  }
0x57: {  	_ =	shalt  }
0x58: {  	_ =	shalt  }
0x59: {  	_ =	shalt  }
0x5a: {  	_ =	shalt  }
0x5b: {  	_ =	shalt  }
0x5c: {  	_ =	shalt  }
0x5d: {  	_ =	shalt  }
0x5e: {  	_ =	shalt  }
0x5f: {  	_ =	shalt  }
0x60: {  	_ =	shalt  }
0x61: {  	_ =	shalt  }
0x62: {  	_ =	shalt  }
0x63: {  	_ =	shalt  }
0x64: {  	_ =	shalt  }
0x65: {  	_ =	shalt  }
0x66: {  	_ =	shalt  }
0x67: {  	_ =	shalt  }
0x68: {  	_ =	shalt  }
0x69: {  	_ =	shalt  }
0x6a: {  	_ =	shalt  }
0x6b: {  	_ =	shalt  }
0x6c: {  	_ =	shalt  }
0x6d: {  	_ =	shalt  }
0x6e: {  	_ =	shalt  }
0x6f: {  	_ =	shalt  }
0x70: {  	_ =	shalt  }
0x71: {  	_ =	shalt  }
0x72: {  	_ =	shalt  }
0x73: {  	_ =	shalt  }
0x74: {  	_ =	shalt  }
0x75: {  	_ =	shalt  }
0x76: {  	_ =	shalt  }
0x77: {  	_ =	shalt  }
0x78: {  	_ =	shalt  }
0x79: {  	_ =	shalt  }
0x7a: {  	_ =	shalt  }
0x7b: {  	_ =	shalt  }
0x7c: {  	_ =	shalt  }
0x7d: {  	_ =	shalt  }
0x7e: {  	_ =	shalt  }
0x7f: {  	_ =	shalt  }
0x80: {  	_ =	shalt  }
0x81: {  	_ =	shalt  }
0x82: {  	_ =	shalt  }
0x83: {  	_ =	shalt  }
0x84: {  	_ =	shalt  }
0x85: {  	_ =	shalt  }
0x86: {  	_ =	shalt  }
0x87: {  	_ =	shalt  }
.Lfunc_end0:
.L_simem_size_0:
called_computation.1_lowered:
.L_overlay_start_0:
0x88: {  	s2 =	sld [smem:$0x3FD9]  }
0x89: {  	s3 =	sld [smem:$0x3FFE];
	_ =	sdelay $0x1  }
0x8a: {  	s1 =	srdreg.scid  }
0x8b: {  	s0 =	sand.u32 $0x1, s1  }
0x8c: {  	s17 =	sshll.u32 s0, $0xA;
	s2 =	sadd.s32 s3, s2  }
0x8d: {  	s2 =	sadd.s32 s2, s17  }
0x8e: {  	[smem:$0x3FC2] =	sst s2  }
0x8f: {  	_ = 	snop  }
0x90: {  	s2 =	sld [smem:$0x3FD0];
	(tm) =	ssettm $0x1  }
0x91: {  	s18 =	sld [smem:$0x3FFB];
	_ =	sdelay $0x3  }
0x92: {  	_ =	strace s18  }
0x93: {  	s3 =	sld [smem:$0x3FFC];
	_ =	sdelay $0x3  }
0x94: {  	_ =	strace s3  }
0x95: {  	s3 =	sld [smem:$0x3FFD];
	_ =	sdelay $0x3  }
0x96: {  	_ =	strace s3  }
0x97: {  	_ =	strace $0x8FFFFFFF  }
0x98: {  	s19 =	sld [smem:$0x3FDB];
	_ =	sdelay $0x1  }
0x99: {  	s4 =	simm.s32 $_scs_section_size  }
0x9a: {  	s5 =	simm.s32 $_size__tile_overlayer_lowered;
	s6 =	simm.s32 $_tile_overlayer_lowered  }
0x9b: {  	s22 =	simm.s32 $0x1BFF;
	s21 =	sshll.u32 s6, $0x1;
	s3 =	sadd.s32 s4, s19  }
0x9c: {  	s7 =	simm.s32 $0x0;
	s20 =	sshll.u32 s5, $0x1;
	s5 =	sadd.s32 s21, s3  }
0x9d: {  	[timem:s7], [sflag:s22] =	dma.local [hbm:s5], s20  }
0x9e: {  	_ =	swait.ge [sflag:s22], s20  }
0x9f: {  	s4 =	ssub.s32 $0x0, s20;
	[sflag:s22] =	ssyncset.done $0x0  }
0xa0: {  	[sflag:s22] =	ssyncadd.s32 s4;
	_ =	sdelay $0x1  }
0xa1: {  	s23 =	simm.s32 $0x1B8B  }
0xa2: {  	_ =	swait.ge [sflag:s23], $0x1  }
0xa3: {  	[sflag:s23] =	ssyncset.done $0x0  }
0xa4: {  	s25 =	simm.s32 $0x1B8E;
	s24 =	sld [smem:$0x3FFE];
	[sflag:s23] =	ssyncadd.s32 $0xFFFFFFFF  }
0xa5: {  	s26 =	simm.s32 $execute0_lowered;
	[smem:$0x3FD2] =	sst s25  }
0xa6: {  	s5 =	sshll.u32 s26, $0x1;
	_ =	strace $0x80000049;
	[dreg:$0x1] =	wrdreg $0xFFFFFFFF  }
0xa7: {  	s28 =	simm.s32 $_size_execute0_lowered;
	s3 =	sadd.s32 s3, s5;
	[dreg:$0x0] =	wrdreg $0x0  }
0xa8: {  	s5 =	sshll.u32 s28, $0x1;
	[dreg:$0x2] =	wrdreg s3  }
0xa9: {  	[dreg:$0x3] =	wrdreg s5  }
0xaa: {  	[dreg:$0x4] =	wrdreg $0xC0  }
0xab: {  	_ =	task [dreg:s7], $0x5FFFF  }
0xac: {  	[dreg:$0x1] =	wrdreg $0xFFFFFFFF  }
0xad: {  	[dreg:$0x0] =	wrdreg $0x60  }
0xae: {  	[dreg:$0x2] =	wrdreg s24  }
0xaf: {  	[dreg:$0x3] =	wrdreg s2  }
0xb0: {  	[dreg:$0x4] =	wrdreg $0x52000  }
0xb1: {  	[dreg:$0x5] =	wrdreg $0x7A000  }
0xb2: {  	[dreg:$0x6] =	wrdreg $0x9  }
0xb3: {  	_ =	task.clear_ibuf [dreg:s7], $0x7FFFF;
	_ =	strace $0x90000049  }
0xb4: {  	s29 =	simm.s32 $0x9;
	_ =	strace $0x8000004B  }
0xb5: {  	_ =	swait.ge [sflag:s29], $0x1  }
0xb6: {  	[sflag:s29] =	ssyncadd.s32 $0xFFFFFFFF  }
0xb7: {  	_ =	strace $0x9000004B  }
0xb8: {  	_ =	sfence  }
0xb9: {  	s30 =	sld [smem:$0x0];
	_ =	sdelay $0x2  }
0xba: {  	s31 =	sshll.u32 s1, $0xD;
	s1 =	sshrl.u32 s1, $0x2  }
0xbb: {  	s3 =	sand.u32 $0x4000, s31;
	s1 =	sadd.s32 s1, s30  }
0xbc: {  	s0 =	sor.u32 s3, s0;
	s1 =	sshll.u32 s1, $0x11  }
0xbd: {  	s0 =	sor.u32 s1, s0  }
0xbe: {  	s0 =	sadd.s32 $0x8F2B, s0  }
0xbf: {  	[sflag:s0] =	ssyncadd.remote.s32 $0x1  }
0xc0: {  	_ =	sfence.sel $0xFFFF  }
0xc1: {  	[dreg:$0x0] =	wrdreg $0xFFFFFFFF;
	(pc) =	sbr.abs _section_cstart, $3  }
0xc2: {  	[dreg:$0x1] =	wrdreg $0xFFFFFFFF  }
0xc3: {  	_ =	task.clear_ibuf [dreg:s7], $0x2FFFF;
	_ =	strace $0x9FFFFFFF  }
0xc4: {  	(tm) =	ssettm $0x7FFFFFFF  }
0xc5: {  	_ =	shalt  }
tec
execute0_lowered:
.L_overlay_start_1:
0x0: {  	(tag) =	ssettag $0x1  }
0x1: {  	s0 =	rddreg [dreg:$0x0]  }
0x2: {  	s1 =	rddreg [dreg:$0x1]  }
0x3: {  	s2 =	rddreg [dreg:$0x2]  }
0x4: {  	s3 =	rddreg [dreg:$0x3]  }
0x5: {  	s13 =	stileid.u32;
	s5 =	srdreg.scid  }
0x6: {  	s4 =	simm.s32 $0x0;
	s15 =	simm.s32 $0xD;
	s18 =	simm.s32 $0x80  }
0x7: {  	s29 =	simm.s32 $0xCA00;
	s30 =	simm.s32 $0x1;
	s31 =	simm.s32 $0x2  }
0x8: {  	s17 =	simm.s32 $0x5;
	s28 =	simm.s32 $0x9;
	s8 =	smul.u32 $0x2800, s13  }
0x9: {  	s5 =	sand.u32 $0x1, s5;
	[smem:$0x7FF] =	sst s4;
	s20 =	sshll.u32 s13, $0x6  }
0xa: {  	s24 =	sadd.s32 $0x9C00, s1;
	s6 =	smul.u32 $0x28000, s5;
	_ =	strace $0x8000004A  }
0xb: {  	s9 =	sshll.u32 s5, $0x4;
	s5 =	ssub.s32 $0x2, s5;
	[dreg:$0x9] =	wrdreg s24  }
0xc: {  	s24 =	simm.s32 $0xBA00;
	s7 =	sshrl.u32 s8, $0x3;
	s9 =	sor.u32 s13, s9  }
0xd: {  	s10 =	sshrl.u32 s5, $0x1;
	s19 =	sadd.s32 s8, s2;
	s6 =	sadd.s32 s8, s6  }
0xe: {  	s11 =	smul.u32 $0x2700, s9;
	s12 =	sadd.s32 s7, s0;
	s5 =	ssub.s32 s5, s10  }
0xf: {  	s8 =	sadd.s32 s8, s3;
	p0 =	sne.s32 s9, $0x1F;
	s14 =	sshrl.u32 s19, $0x3  }
0x10: {  	s19 =	simm.s32 $0xA200;
	s9 =	simm.s32 $0xC;
	s10 =	simm.s32 $0x0  }
0x11: {  	s6 =	sshrl.u32 s6, $0x3;
	s22 =	sadd.s32 $0x7C00, s12;
	s23 =	sadd.s32 $0x2C00, s12  }
0x12: {  	s25 =	smax.u32 s5, $0x1;
	s26 =	sshrl.u32 s8, $0x3;
	[dreg:$0x5] =	wrdreg s22  }
0x13: {  	s5 =	simm.s32 $0xA;
	s8 =	simm.s32 $0xB;
	[dreg:$0x7] =	wrdreg s23  }
0x14: {  	s0 =	sadd.s32 s6, s0;
	s21 =	sshrl.u32 s11, $0x3;
	[dreg:$0xc] =	wrdreg s25  }
0x15: {  	s6 =	sor.u32 $0x1C0D, s20;
	[dreg:$0xd] =	wrdreg s26;
	s20 =	simm.s32 $0xAA00  }
0x16: {  	s22 =	simm.s32 $0xB200;
	s26 =	simm.s32 $0xC200;
	s7 =	sadd.s32 s1, s21  }
0x17: {  	s23 =	simm.s32 $0x7;
	s1 =	sadd.s32 $0x13840, s1;
	[dreg:$0x6] =	wrdreg s7  }
0x18: {  	s25 =	simm.s32 $0x8;
	s0 =	sadd.s32 $0xCC00, s0;
	[dreg:$0xa] =	wrdreg s1  }
0x19: {  	s21 =	simm.s32 $0x6;
	s7 =	sadd.s32 $0x9C40, s7;
	[dreg:$0xb] =	wrdreg s0  }
0x1a: {  	s0 =	simm.s32 $0x3;
	s1 =	simm.s32 $0x4;
	[dreg:$0x8] =	wrdreg s7  }
.LBB2_1:
0x1b: {  	s7 =	rddreg [dreg:$0x5]  }
0x1c: {  	[spmem:s14], [sflag:s6] =	dma.local [hbm:s7], $0x500  }
0x1d: {  	_ =	swait.ge [sflag:s15], $0x500  }
0x1e: {  	[sflag:s15] =	ssyncset.done $0x0;
	s16 =	rddreg [dreg:$0x7]  }
0x1f: {  	s11 =	rddreg [dreg:$0xd];
	[sflag:s15] =	ssyncadd.s32 $0xFFFFFB00  }
0x20: {  	[spmem:s11], [sflag:s6] =	dma.local [hbm:s16], $0x500  }
0x21: {  	_ =	swait.ge [sflag:s15], $0x500  }
0x22: {  	[sflag:s15] =	ssyncset.done $0x0  }
0x23: {  	s12 =	rddreg [dreg:$0x6];
	[sflag:s15] =	ssyncadd.s32 $0xFFFFFB00  }
0x24: {  	[tilespmem:s4], [sflag:$0xD] =	stream.linear.gather [hbm4b:s12+s4], $0x2700, $0x38;
	[tilespmem:$0xD200] =	vst v63  }
0x25: {  	_ =	swait.ge [sflag:s15], $0x2700  }
0x26: {  	[sflag:s15] =	ssyncset.done $0x0  }
0x27: {  	s16 =	simm.s32 $0x2700;
	s13 =	rddreg [dreg:$0x8];
	[sflag:s15] =	ssyncadd.s32 $0xFFFFD900  }
0x28: {  	[tilespmem:s16], [sflag:$0xD] =	stream.linear.gather [hbm4b:s13+s4], $0x2700, $0x38;
	[tilespmem:$0xD200] =	vst v63  }
0x29: {  	_ =	swait.ge [sflag:s15], $0x2700  }
0x2a: {  	s11 =	simm.s32 @!p0 $0x0;
	[sflag:s15] =	ssyncset.done $0x0  }
0x2b: {  	s12 =	simm.s32 @!p0 $0x4E00;
	s7 =	rddreg [dreg:$0x9];
	[sflag:s15] =	ssyncadd.s32 $0xFFFFD900  }
0x2c: {  	[tilespmem:s12], [sflag:$0xD] =	stream.linear.gather @!p0 [hbm4b:s7+s11], $0x200, $0x38;
	[tilespmem:$0xD200] =	vst v63  }
0x2d: {  	s12 =	simm.s32 @!p0 $0xD  }
0x2e: {  	_ =	swait.ge @!p0 [sflag:s12], $0x200  }
0x2f: {  	[sflag:s12] =	ssyncset.done @!p0 $0x0  }
0x30: {  	s13 =	simm.s32 @!p0 $0x5000;
	s7 =	rddreg [dreg:$0xa];
	[sflag:s12] =	ssyncadd.s32 @!p0 $0xFFFFFE00  }
0x31: {  	[tilespmem:s13], [sflag:$0xD] =	stream.linear.gather @!p0 [hbm4b:s7+s11], $0x200, $0x38;
	[tilespmem:$0xD200] =	vst v63  }
0x32: {  	_ =	swait.ge @!p0 [sflag:s12], $0x200  }
0x33: {  	[sflag:s12] =	ssyncset.done @!p0 $0x0  }
0x34: {  	[sflag:s12] =	ssyncadd.s32 @!p0 $0xFFFFFE00  }
0x35: {  	[bflag:$0x0] =	sbarrier.arrive $0xFFFF  }
0x36: {  	[tilespmem:s19], [sflag:$0x1] =	stream.indirect.gather [spmem:s3], $0x10, s4, s18, $0xb8;
	[tilespmem:$0xD200] =	vst v63  }
0x37: {  	_ = 	snop  }
0x38: {  	[tilespmem:s20], [sflag:$0x2] =	stream.indirect.gather [spmem:s3], $0x10, s18, s18, $0xb8;
	[tilespmem:$0xD200] =	vst v63  }
0x39: {  	s12 =	simm.s32 $0x100  }
0x3a: {  	[tilespmem:s22], [sflag:$0x3] =	stream.indirect.gather [spmem:s3], $0x10, s12, s18, $0xb8;
	[tilespmem:$0xD200] =	vst v63  }
0x3b: {  	s13 =	simm.s32 $0x180  }
0x3c: {  	[tilespmem:s24], [sflag:$0x4] =	stream.indirect.gather [spmem:s3], $0x10, s13, s18, $0xb8;
	[tilespmem:$0xD200] =	vst v63  }
0x3d: {  	s16 =	simm.s32 $0x200  }
0x3e: {  	[tilespmem:s26], [sflag:$0x5] =	stream.indirect.gather [spmem:s3], $0x10, s16, s18, $0xb8;
	[tilespmem:$0xD200] =	vst v63  }
0x3f: {  	s11 =	simm.s32 $0x280  }
0x40: {  	[tilespmem:s29], [sflag:$0x6] =	stream.indirect.gather [spmem:s3], $0x10, s11, s18, $0xb8;
	[tilespmem:$0xD200] =	vst v63  }
0x41: {  	_ =	swait.ge [sflag:s30], $0x800  }
0x42: {  	[sflag:s30] =	ssyncset.done $0x0  }
0x43: {  	s12 =	simm.s32 $0x2700;
	[sflag:s30] =	ssyncadd.s32 $0xFFFFF800  }
0x44: {  	[spmem:s2] =	stream.indirect.scatter.add.f32 [tilespmem:s19], [sflag:$0x7], $0x10, s12, s18, $0xb8;
	[tilespmem:$0xD200] =	vst v63  }
0x45: {  	_ =	swait.ge [sflag:s31], $0x800  }
0x46: {  	[sflag:s31] =	ssyncset.done $0x0  }
0x47: {  	s13 =	simm.s32 $0x2780;
	[sflag:s31] =	ssyncadd.s32 $0xFFFFF800  }
0x48: {  	[spmem:s2] =	stream.indirect.scatter.add.f32 [tilespmem:s20], [sflag:$0x8], $0x10, s13, s18, $0xb8;
	[tilespmem:$0xD200] =	vst v63  }
0x49: {  	_ =	swait.ge [sflag:s0], $0x800  }
0x4a: {  	[sflag:s0] =	ssyncset.done $0x0  }
0x4b: {  	s16 =	simm.s32 $0x2800;
	[sflag:s0] =	ssyncadd.s32 $0xFFFFF800  }
0x4c: {  	[spmem:s2] =	stream.indirect.scatter.add.f32 [tilespmem:s22], [sflag:$0x9], $0x10, s16, s18, $0xb8;
	[tilespmem:$0xD200] =	vst v63  }
0x4d: {  	_ =	swait.ge [sflag:s1], $0x800  }
0x4e: {  	[sflag:s1] =	ssyncset.done $0x0  }
0x4f: {  	s7 =	simm.s32 $0x2880;
	[sflag:s1] =	ssyncadd.s32 $0xFFFFF800  }
0x50: {  	[spmem:s2] =	stream.indirect.scatter.add.f32 [tilespmem:s24], [sflag:$0xA], $0x10, s7, s18, $0xb8;
	[tilespmem:$0xD200] =	vst v63  }
0x51: {  	_ =	swait.ge [sflag:s17], $0x800  }
0x52: {  	[sflag:s17] =	ssyncset.done $0x0  }
0x53: {  	s12 =	simm.s32 $0x2900;
	[sflag:s17] =	ssyncadd.s32 $0xFFFFF800  }
0x54: {  	[spmem:s2] =	stream.indirect.scatter.add.f32 [tilespmem:s26], [sflag:$0xB], $0x10, s12, s18, $0xb8;
	[tilespmem:$0xD200] =	vst v63  }
0x55: {  	_ =	swait.ge [sflag:s21], $0x800  }
0x56: {  	[sflag:s21] =	ssyncset.done $0x0  }
0x57: {  	s13 =	simm.s32 $0x2980;
	[sflag:s21] =	ssyncadd.s32 $0xFFFFF800  }
0x58: {  	[spmem:s2] =	stream.indirect.scatter.add.f32 [tilespmem:s29], [sflag:$0xC], $0x10, s13, s18, $0xb8;
	[tilespmem:$0xD200] =	vst v63  }
0x59: {  	_ =	swait.ge [sflag:s23], $0x800  }
0x5a: {  	[sflag:s23] =	ssyncset.done $0x0  }
0x5b: {  	s16 =	simm.s32 $0x300;
	[sflag:s23] =	ssyncadd.s32 $0xFFFFF800  }
0x5c: {  	[tilespmem:s19], [sflag:$0x1] =	stream.indirect.gather [spmem:s3], $0x10, s16, s18, $0xb8;
	[tilespmem:$0xD200] =	vst v63  }
0x5d: {  	_ =	swait.ge [sflag:s25], $0x800  }
0x5e: {  	[sflag:s25] =	ssyncset.done $0x0  }
0x5f: {  	s7 =	simm.s32 $0x380;
	[sflag:s25] =	ssyncadd.s32 $0xFFFFF800  }
0x60: {  	[tilespmem:s20], [sflag:$0x2] =	stream.indirect.gather [spmem:s3], $0x10, s7, s18, $0xb8;
	[tilespmem:$0xD200] =	vst v63  }
0x61: {  	_ =	swait.ge [sflag:s28], $0x800  }
0x62: {  	[sflag:s28] =	ssyncset.done $0x0  }
0x63: {  	s12 =	simm.s32 $0x400;
	[sflag:s28] =	ssyncadd.s32 $0xFFFFF800  }
0x64: {  	[tilespmem:s22], [sflag:$0x3] =	stream.indirect.gather [spmem:s3], $0x10, s12, s18, $0xb8;
	[tilespmem:$0xD200] =	vst v63  }
0x65: {  	_ =	swait.ge [sflag:s5], $0x800  }
0x66: {  	[sflag:s5] =	ssyncset.done $0x0  }
0x67: {  	s13 =	simm.s32 $0x480;
	[sflag:s5] =	ssyncadd.s32 $0xFFFFF800  }
0x68: {  	[tilespmem:s24], [sflag:$0x4] =	stream.indirect.gather [spmem:s3], $0x10, s13, s18, $0xb8;
	[tilespmem:$0xD200] =	vst v63  }
0x69: {  	_ =	swait.ge [sflag:s8], $0x800  }
0x6a: {  	[sflag:s8] =	ssyncset.done $0x0  }
0x6b: {  	s16 =	simm.s32 $0x500;
	[sflag:s8] =	ssyncadd.s32 $0xFFFFF800  }
0x6c: {  	[tilespmem:s26], [sflag:$0x5] =	stream.indirect.gather [spmem:s3], $0x10, s16, s18, $0xb8;
	[tilespmem:$0xD200] =	vst v63  }
0x6d: {  	_ =	swait.ge [sflag:s9], $0x800  }
0x6e: {  	[sflag:s9] =	ssyncset.done $0x0  }
0x6f: {  	s11 =	simm.s32 $0xC00;
	s12 =	simm.s32 $0x580;
	[sflag:s9] =	ssyncadd.s32 $0xFFFFF800  }
.LBB2_2:
0x70: {  	[tilespmem:s29], [sflag:$0x6] =	stream.indirect.gather [spmem:s3], $0x10, s12, s18, $0xb8;
	[tilespmem:$0xD200] =	vst v63  }
0x71: {  	s12 =	smov.u32 s11  }
0x72: {  	p1 =	sne.s32 s11, $0x8400;
	s11 =	sadd.s32 $0xC00, s11;
	_ =	swait.ge [sflag:s30], $0x800  }
0x73: {  	s12 =	sshra.s32 s12, $0x2;
	[sflag:s30] =	ssyncset.done $0x0  }
0x74: {  	s13 =	sadd.s32 $0x2700, s12;
	[sflag:s30] =	ssyncadd.s32 $0xFFFFF800  }
0x75: {  	[spmem:s2] =	stream.indirect.scatter.add.f32 [tilespmem:s19], [sflag:$0x7], $0x10, s13, s18, $0xb8;
	[tilespmem:$0xD200] =	vst v63  }
0x76: {  	_ =	swait.ge [sflag:s31], $0x800  }
0x77: {  	[sflag:s31] =	ssyncset.done $0x0  }
0x78: {  	s13 =	sadd.s32 $0x2780, s12;
	[sflag:s31] =	ssyncadd.s32 $0xFFFFF800  }
0x79: {  	[spmem:s2] =	stream.indirect.scatter.add.f32 [tilespmem:s20], [sflag:$0x8], $0x10, s13, s18, $0xb8;
	[tilespmem:$0xD200] =	vst v63  }
0x7a: {  	_ =	swait.ge [sflag:s0], $0x800  }
0x7b: {  	[sflag:s0] =	ssyncset.done $0x0  }
0x7c: {  	s13 =	sadd.s32 $0x2800, s12;
	[sflag:s0] =	ssyncadd.s32 $0xFFFFF800  }
0x7d: {  	[spmem:s2] =	stream.indirect.scatter.add.f32 [tilespmem:s22], [sflag:$0x9], $0x10, s13, s18, $0xb8;
	[tilespmem:$0xD200] =	vst v63  }
0x7e: {  	_ =	swait.ge [sflag:s1], $0x800  }
0x7f: {  	[sflag:s1] =	ssyncset.done $0x0  }
0x80: {  	s13 =	sadd.s32 $0x2880, s12;
	[sflag:s1] =	ssyncadd.s32 $0xFFFFF800  }
0x81: {  	[spmem:s2] =	stream.indirect.scatter.add.f32 [tilespmem:s24], [sflag:$0xA], $0x10, s13, s18, $0xb8;
	[tilespmem:$0xD200] =	vst v63  }
0x82: {  	_ =	swait.ge [sflag:s17], $0x800  }
0x83: {  	[sflag:s17] =	ssyncset.done $0x0  }
0x84: {  	s13 =	sadd.s32 $0x2900, s12;
	[sflag:s17] =	ssyncadd.s32 $0xFFFFF800  }
0x85: {  	[spmem:s2] =	stream.indirect.scatter.add.f32 [tilespmem:s26], [sflag:$0xB], $0x10, s13, s18, $0xb8;
	[tilespmem:$0xD200] =	vst v63  }
0x86: {  	_ =	swait.ge [sflag:s21], $0x800  }
0x87: {  	[sflag:s21] =	ssyncset.done $0x0  }
0x88: {  	s13 =	sadd.s32 $0x2980, s12;
	[sflag:s21] =	ssyncadd.s32 $0xFFFFF800  }
0x89: {  	[spmem:s2] =	stream.indirect.scatter.add.f32 [tilespmem:s29], [sflag:$0xC], $0x10, s13, s18, $0xb8;
	[tilespmem:$0xD200] =	vst v63  }
0x8a: {  	_ =	swait.ge [sflag:s23], $0x800  }
0x8b: {  	[sflag:s23] =	ssyncset.done $0x0  }
0x8c: {  	s13 =	sadd.s32 $0x300, s12;
	[sflag:s23] =	ssyncadd.s32 $0xFFFFF800  }
0x8d: {  	[tilespmem:s19], [sflag:$0x1] =	stream.indirect.gather [spmem:s3], $0x10, s13, s18, $0xb8;
	[tilespmem:$0xD200] =	vst v63  }
0x8e: {  	_ =	swait.ge [sflag:s25], $0x800  }
0x8f: {  	[sflag:s25] =	ssyncset.done $0x0  }
0x90: {  	s13 =	sadd.s32 $0x380, s12;
	[sflag:s25] =	ssyncadd.s32 $0xFFFFF800  }
0x91: {  	[tilespmem:s20], [sflag:$0x2] =	stream.indirect.gather [spmem:s3], $0x10, s13, s18, $0xb8;
	[tilespmem:$0xD200] =	vst v63  }
0x92: {  	_ =	swait.ge [sflag:s28], $0x800  }
0x93: {  	[sflag:s28] =	ssyncset.done $0x0  }
0x94: {  	s13 =	sadd.s32 $0x400, s12;
	[sflag:s28] =	ssyncadd.s32 $0xFFFFF800  }
0x95: {  	[tilespmem:s22], [sflag:$0x3] =	stream.indirect.gather [spmem:s3], $0x10, s13, s18, $0xb8;
	[tilespmem:$0xD200] =	vst v63  }
0x96: {  	_ =	swait.ge [sflag:s5], $0x800  }
0x97: {  	[sflag:s5] =	ssyncset.done $0x0  }
0x98: {  	s13 =	sadd.s32 $0x480, s12;
	[sflag:s5] =	ssyncadd.s32 $0xFFFFF800  }
0x99: {  	[tilespmem:s24], [sflag:$0x4] =	stream.indirect.gather [spmem:s3], $0x10, s13, s18, $0xb8;
	[tilespmem:$0xD200] =	vst v63  }
0x9a: {  	_ =	swait.ge [sflag:s8], $0x800  }
0x9b: {  	[sflag:s8] =	ssyncset.done $0x0  }
.Ltmp0:
0x9c: {  	s13 =	sadd.s32 $0x500, s12;
	[sflag:s8] =	ssyncadd.s32 $0xFFFFF800;
	(pc) =	sbr.rel @p1 .LBB2_2-.Ltmp0, $4  }
0x9d: {  	[tilespmem:s26], [sflag:$0x5] =	stream.indirect.gather [spmem:s3], $0x10, s13, s18, $0xb8;
	[tilespmem:$0xD200] =	vst v63  }
0x9e: {  	_ =	swait.ge [sflag:s9], $0x800  }
0x9f: {  	[sflag:s9] =	ssyncset.done $0x0  }
0xa0: {  	s12 =	sadd.s32 $0x580, s12;
	[sflag:s9] =	ssyncadd.s32 $0xFFFFF800  }
0xa1: {  	[tilespmem:s29], [sflag:$0x6] =	stream.indirect.gather [spmem:s3], $0x10, s12, s18, $0xb8;
	[tilespmem:$0xD200] =	vst v63  }
0xa2: {  	_ =	swait.ge [sflag:s30], $0x800  }
0xa3: {  	[sflag:s30] =	ssyncset.done $0x0  }
0xa4: {  	s7 =	simm.s32 $0x4B00;
	[sflag:s30] =	ssyncadd.s32 $0xFFFFF800  }
0xa5: {  	[spmem:s2] =	stream.indirect.scatter.add.f32 [tilespmem:s19], [sflag:$0x7], $0x10, s7, s18, $0xb8;
	[tilespmem:$0xD200] =	vst v63  }
0xa6: {  	_ =	swait.ge [sflag:s31], $0x800  }
0xa7: {  	[sflag:s31] =	ssyncset.done $0x0  }
0xa8: {  	s12 =	simm.s32 $0x4B80;
	[sflag:s31] =	ssyncadd.s32 $0xFFFFF800  }
0xa9: {  	[spmem:s2] =	stream.indirect.scatter.add.f32 [tilespmem:s20], [sflag:$0x8], $0x10, s12, s18, $0xb8;
	[tilespmem:$0xD200] =	vst v63  }
0xaa: {  	_ =	swait.ge [sflag:s0], $0x800  }
0xab: {  	[sflag:s0] =	ssyncset.done $0x0  }
0xac: {  	s13 =	simm.s32 $0x4C00;
	[sflag:s0] =	ssyncadd.s32 $0xFFFFF800  }
0xad: {  	[spmem:s2] =	stream.indirect.scatter.add.f32 [tilespmem:s22], [sflag:$0x9], $0x10, s13, s18, $0xb8;
	[tilespmem:$0xD200] =	vst v63  }
0xae: {  	_ =	swait.ge [sflag:s1], $0x800  }
0xaf: {  	[sflag:s1] =	ssyncset.done $0x0  }
0xb0: {  	s16 =	simm.s32 $0x4C80;
	[sflag:s1] =	ssyncadd.s32 $0xFFFFF800  }
0xb1: {  	[spmem:s2] =	stream.indirect.scatter.add.f32 [tilespmem:s24], [sflag:$0xA], $0x10, s16, s18, $0xb8;
	[tilespmem:$0xD200] =	vst v63  }
0xb2: {  	_ =	swait.ge [sflag:s17], $0x800  }
0xb3: {  	[sflag:s17] =	ssyncset.done $0x0  }
0xb4: {  	s11 =	simm.s32 $0x4D00;
	[sflag:s17] =	ssyncadd.s32 $0xFFFFF800  }
0xb5: {  	[spmem:s2] =	stream.indirect.scatter.add.f32 [tilespmem:s26], [sflag:$0xB], $0x10, s11, s18, $0xb8;
	[tilespmem:$0xD200] =	vst v63  }
0xb6: {  	_ =	swait.ge [sflag:s21], $0x800  }
0xb7: {  	[sflag:s21] =	ssyncset.done $0x0  }
0xb8: {  	s12 =	simm.s32 $0x4D80;
	[sflag:s21] =	ssyncadd.s32 $0xFFFFF800  }
0xb9: {  	[spmem:s2] =	stream.indirect.scatter.add.f32 [tilespmem:s29], [sflag:$0xC], $0x10, s12, s18, $0xb8;
	[tilespmem:$0xD200] =	vst v63  }
0xba: {  	_ =	swait.ge [sflag:s23], $0x800  }
0xbb: {  	[sflag:s23] =	ssyncset.done $0x0  }
0xbc: {  	[sflag:s23] =	ssyncadd.s32 $0xFFFFF800  }
0xbd: {  	_ =	swait.ge [sflag:s25], $0x800  }
0xbe: {  	[sflag:s25] =	ssyncset.done $0x0  }
0xbf: {  	[sflag:s25] =	ssyncadd.s32 $0xFFFFF800  }
0xc0: {  	_ =	swait.ge [sflag:s28], $0x800  }
0xc1: {  	[sflag:s28] =	ssyncset.done $0x0  }
0xc2: {  	[sflag:s28] =	ssyncadd.s32 $0xFFFFF800  }
0xc3: {  	_ =	swait.ge [sflag:s5], $0x800  }
0xc4: {  	[sflag:s5] =	ssyncset.done $0x0  }
0xc5: {  	[sflag:s5] =	ssyncadd.s32 $0xFFFFF800  }
0xc6: {  	_ =	swait.ge [sflag:s8], $0x800  }
0xc7: {  	[sflag:s8] =	ssyncset.done $0x0  }
0xc8: {  	[sflag:s8] =	ssyncadd.s32 $0xFFFFF800  }
0xc9: {  	_ =	swait.ge [sflag:s9], $0x800  }
0xca: {  	s13 =	simm.s32 @!p0 $0xA200;
	[sflag:s9] =	ssyncset.done $0x0  }
0xcb: {  	s11 =	simm.s32 @!p0 $0x80;
	s12 =	simm.s32 @!p0 $0x4E00;
	[sflag:s9] =	ssyncadd.s32 $0xFFFFF800  }
0xcc: {  	[tilespmem:s13], [sflag:$0x1] =	stream.indirect.gather @!p0 [spmem:s3], $0x10, s12, s11, $0xb8;
	[tilespmem:$0xD200] =	vst v63  }
0xcd: {  	s12 =	simm.s32 @!p0 $0x1  }
0xce: {  	_ =	swait.ge @!p0 [sflag:s12], $0x800  }
0xcf: {  	[sflag:s12] =	ssyncset.done @!p0 $0x0  }
0xd0: {  	s16 =	simm.s32 @!p0 $0x5000;
	[sflag:s12] =	ssyncadd.s32 @!p0 $0xFFFFF800  }
0xd1: {  	[spmem:s2] =	stream.indirect.scatter.add.f32 @!p0 [tilespmem:s13], [sflag:$0xD], $0x10, s16, s11, $0xb8;
	[tilespmem:$0xD200] =	vst v63  }
0xd2: {  	s16 =	simm.s32 @!p0 $0xD  }
0xd3: {  	_ =	swait.ge @!p0 [sflag:s16], $0x800  }
0xd4: {  	[sflag:s16] =	ssyncset.done @!p0 $0x0  }
0xd5: {  	s7 =	simm.s32 @!p0 $0x4E80;
	[sflag:s16] =	ssyncadd.s32 @!p0 $0xFFFFF800  }
0xd6: {  	[tilespmem:s13], [sflag:$0x1] =	stream.indirect.gather @!p0 [spmem:s3], $0x10, s7, s11, $0xb8;
	[tilespmem:$0xD200] =	vst v63  }
0xd7: {  	_ =	swait.ge @!p0 [sflag:s12], $0x800  }
0xd8: {  	[sflag:s12] =	ssyncset.done @!p0 $0x0  }
0xd9: {  	s7 =	simm.s32 @!p0 $0x5080;
	[sflag:s12] =	ssyncadd.s32 @!p0 $0xFFFFF800  }
0xda: {  	[spmem:s2] =	stream.indirect.scatter.add.f32 @!p0 [tilespmem:s13], [sflag:$0xD], $0x10, s7, s11, $0xb8;
	[tilespmem:$0xD200] =	vst v63  }
0xdb: {  	_ =	swait.ge @!p0 [sflag:s16], $0x800  }
0xdc: {  	[sflag:s16] =	ssyncset.done @!p0 $0x0  }
0xdd: {  	s7 =	simm.s32 @!p0 $0x4F00;
	[sflag:s16] =	ssyncadd.s32 @!p0 $0xFFFFF800  }
0xde: {  	[tilespmem:s13], [sflag:$0x1] =	stream.indirect.gather @!p0 [spmem:s3], $0x10, s7, s11, $0xb8;
	[tilespmem:$0xD200] =	vst v63  }
0xdf: {  	_ =	swait.ge @!p0 [sflag:s12], $0x800  }
0xe0: {  	[sflag:s12] =	ssyncset.done @!p0 $0x0  }
0xe1: {  	s7 =	simm.s32 @!p0 $0x5100;
	[sflag:s12] =	ssyncadd.s32 @!p0 $0xFFFFF800  }
0xe2: {  	[spmem:s2] =	stream.indirect.scatter.add.f32 @!p0 [tilespmem:s13], [sflag:$0xD], $0x10, s7, s11, $0xb8;
	[tilespmem:$0xD200] =	vst v63  }
0xe3: {  	_ =	swait.ge @!p0 [sflag:s16], $0x800  }
0xe4: {  	[sflag:s16] =	ssyncset.done @!p0 $0x0  }
0xe5: {  	s7 =	simm.s32 @!p0 $0x4F80;
	[sflag:s16] =	ssyncadd.s32 @!p0 $0xFFFFF800  }
0xe6: {  	[tilespmem:s13], [sflag:$0x1] =	stream.indirect.gather @!p0 [spmem:s3], $0x10, s7, s11, $0xb8;
	[tilespmem:$0xD200] =	vst v63  }
0xe7: {  	_ =	swait.ge @!p0 [sflag:s12], $0x800  }
0xe8: {  	[sflag:s12] =	ssyncset.done @!p0 $0x0  }
0xe9: {  	s7 =	simm.s32 @!p0 $0x5180;
	[sflag:s12] =	ssyncadd.s32 @!p0 $0xFFFFF800  }
0xea: {  	[spmem:s2] =	stream.indirect.scatter.add.f32 @!p0 [tilespmem:s13], [sflag:$0xD], $0x10, s7, s11, $0xb8;
	[tilespmem:$0xD200] =	vst v63  }
0xeb: {  	_ =	swait.ge @!p0 [sflag:s16], $0x800  }
0xec: {  	[sflag:s16] =	ssyncset.done @!p0 $0x0  }
0xed: {  	[sflag:s16] =	ssyncadd.s32 @!p0 $0xFFFFF800  }
0xee: {  	[bflag:$0x0] =	sbarrier.arrive $0xFFFF  }
0xef: {  	s13 =	rddreg [dreg:$0xb]  }
0xf0: {  	[hbm:s13], [sflag:s6] =	dma.local [spmem:s14], $0x500  }
0xf1: {  	_ =	swait.ge [sflag:s15], $0x500  }
0xf2: {  	s10 =	sadd.s32 $0x1, s10;
	s16 =	rddreg [dreg:$0xc]  }
0xf3: {  	p1 =	sne.s32 s10, s16  }
.Ltmp1:
0xf4: {  	_ = 	snop;
	(pc) =	sbr.rel @p1 .LBB2_1-.Ltmp1, $3  }
0xf5: {  	_ =	sdelay $0x1  }
0xf6: {  	[sflag:s15] =	ssyncset.done $0x0  }
0xf7: {  	[sflag:s15] =	ssyncadd.s32 $0xFFFFFB00  }
0xf8: {  	_ =	sfence.sel $0x180000  }
0xf9: {  	[bflag:$0x0] =	sbarrier.arrive $0xFFFF  }
0xfa: {  	_ =	strace $0x9000004A  }
0xfb: {  	s0 =	stileid.u32;
	[bflag:$0x2] =	sbarrier.arrive $0xFFFF  }
0xfc: {  	p0 =	sne.s32 s0, $0x0;
	s0 =	rddreg [dreg:$0x4]  }
0xfd: {  	s0 =	sadd.s32 @!p0 $0x100000, s0  }
0xfe: {  	[sflag:s0] =	ssyncadd.tile.s32 @!p0 $0x1;
	_ =	shalt  }
.Lfunc_end2:
_tile_overlayer_lowered:
.L_overlay_start_2:
0xff: {  	(tag) =	ssettag $0x2  }
0x100: {  	s0 =	rddreg [dreg:$0x0];
	s2 =	stileid.u32  }
0x101: {  	s1 =	rddreg [dreg:$0x1];
	p0 =	sne.s32 s2, $0x0  }
0x102: {  	s3 =	rddreg [dreg:$0x2];
	[bflag:$0x3] =	sbarrier.arrive $0xFFFF;
	s2 =	simm.s32 @!p0 $0x1C0D  }
0x103: {  	[timem:s3], [sflag:s2] =	dma.local @!p0 [hbm:s0], s1  }
0x104: {  	s0 =	simm.s32 @!p0 $0xD  }
0x105: {  	_ =	swait.ge @!p0 [sflag:s0], s1  }
0x106: {  	s1 =	ssub.s32 @!p0 $0x0, s1;
	[sflag:s0] =	ssyncset.done @!p0 $0x0  }
0x107: {  	[sflag:s0] =	ssyncadd.s32 @!p0 s1  }
0x108: {  	[bflag:$0x3] =	sbarrier.arrive $0xFFFF  }
0x109: {  	_ =	shalt  }

// kernel: kernel.15.cloned.1.call-start
scs
__scs_entry_jumppad:
0x0: {  	(pc) =	sbr.rel $0x88, $3  }
0x1: {  	(tag) =	ssettag $0x0;
	lr =	simm.s32 $0x1  }
0x2: {  	[smem:$0x3F9B] =	sst lr;
	_ =	strace $0xD0000000  }
0x3: {  	_ = 	snop  }
0x4: {  	_ = 	snop  }
0x5: {  	_ = 	snop  }
0x6: {  	_ = 	snop  }
0x7: {  	_ = 	snop  }
__scs_overlays_trampoline_lowered:
0x8: {  	[smem:$0x3FAA] =	sst s0  }
0x9: {  	[smem:$0x3FAB] =	sst s1  }
0xa: {  	[smem:$0x3FAC] =	sst s2  }
0xb: {  	[smem:$0x3FAD] =	sst s3  }
0xc: {  	[smem:$0x3FAE] =	sst s4  }
0xd: {  	[smem:$0x3FAF] =	sst s5  }
0xe: {  	[smem:$0x3FB0] =	sst s6  }
0xf: {  	[smem:$0x3FB1] =	sst s7  }
0x10: {  	[smem:$0x3FB2] =	sst s8  }
0x11: {  	[smem:$0x3FB3] =	sst s9;
	s0 =	simm.s32 @!p0 $0x0  }
0x12: {  	s1 =	sld [smem:$0x3F99];
	s0 =	simm.s32 @p0 $0x1  }
0x13: {  	[smem:$0x3FB4] =	sst s0;
	s0 =	simm.s32 @!p1 $0x0  }
0x14: {  	s2 =	sld [smem:$0x3F98];
	s0 =	simm.s32 @p1 $0x1  }
0x15: {  	[smem:$0x3FB5] =	sst s0;
	s0 =	simm.s32 @!p2 $0x0  }
0x16: {  	s3 =	sld [smem:$0x3FDB];
	s0 =	simm.s32 @p2 $0x1  }
0x17: {  	s4 =	simm.s32 $0x1BF5;
	[smem:$0x3FB7] =	sst s0  }
0x18: {  	s0 =	sld [smem:$0x3F9A];
	_ =	swait.ge [sflag:s4], $0x0  }
0x19: {  	s7 =	sld [smem:$0x3F9B]  }
0x1a: {  	s8 =	sadd.s32 $0xFFFFE003, lr  }
0x1b: {  	s9 =	sadd.s32 $0xFFFFFEF7, lr;
	s5 =	simm.s32 $0xFFFFFFFF;
	p2 =	slt.u32 s8, $0xFFFFF086  }
0x1c: {  	p1 =	slt.u32 s9, $0xF7A;
	s5 =	simm.s32 @!p2 $0x0  }
0x1d: {  	s5 =	simm.s32 @p1 $0x1;
	p0 =	seq.s32 s7, s2  }
0x1e: {  	s7 =	smul.u32 @!p0 $0xF7A, s2;
	p2 =	seq.s32 @!p0 s5, $0x0  }
0x1f: {  	s9 =	smul.u32 $0xF7A, s1;
	s8 =	simm.s32 @!p0 $0x1BF5;
	p2 =	por !p2, p0  }
0x20: {  	[sflag:s8] =	ssyncset.s32 @!p0 $0xFFFFF086;
	s6 =	sadd.s32 @!p0 s3, s7;
	s7 =	simm.s32 @!p0 $0x108  }
0x21: {  	s3 =	sadd.s32 s3, s9;
	s6 =	sadd.s32 @!p0 $0x88, s6;
	s7 =	simm.s32 @p2 $0x1082  }
0x22: {  	[simem:s7], [sflag:s8] =	dma.local @!p0 [hbm:s6], $0xF7A  }
0x23: {  	s9 =	sor.u32 $0xD0000000, s2;
	s6 =	simm.s32 $0x108;
	_ =	swait.ge @!p0 [sflag:s8], $0x0  }
0x24: {  	s3 =	sadd.s32 $0x88, s3;
	s6 =	simm.s32 @!p1 $0x1082;
	[sflag:s4] =	ssyncset.s32 $0xFFFFF086  }
0x25: {  	[simem:s6], [sflag:s4] =	dma.local [hbm:s3], $0xF7A  }
0x26: {  	[smem:$0x3F9B] =	sst s1;
	(tag) =	ssettag s2;
	_ =	strace s9  }
0x27: {  	s1 =	sld [smem:$0x3FAB]  }
0x28: {  	s2 =	sld [smem:$0x3FAC]  }
0x29: {  	s4 =	sld [smem:$0x3FAE]  }
0x2a: {  	p0 =	seq.s32 s5, $0x0;
	s5 =	sld [smem:$0x3FAF]  }
0x2b: {  	s6 =	sld [smem:$0x3FB0]  }
0x2c: {  	s7 =	sld [smem:$0x3FB1]  }
0x2d: {  	s3 =	simm.s32 $0x108;
	s8 =	sld [smem:$0x3FB2]  }
0x2e: {  	s3 =	simm.s32 @!p0 $0x1082;
	s9 =	sld [smem:$0x3FB3]  }
0x2f: {  	lr =	sadd.s32 s0, s3;
	s0 =	sld [smem:$0x3FAA]  }
0x30: {  	s3 =	sld [smem:$0x3FAD]  }
0x31: {  	[smem:$0x3FB6] =	sst s10  }
0x32: {  	s10 =	sld [smem:$0x3FB4];
	_ =	sdelay $0x3  }
0x33: {  	p0 =	seq.s32 s10, $0x1;
	s10 =	sld [smem:$0x3FB6];
	_ =	sdelay $0x3  }
0x34: {  	[smem:$0x3FB6] =	sst s10  }
0x35: {  	s10 =	sld [smem:$0x3FB5];
	_ =	sdelay $0x3  }
0x36: {  	p1 =	seq.s32 s10, $0x1;
	s10 =	sld [smem:$0x3FB6];
	_ =	sdelay $0x3  }
0x37: {  	[smem:$0x3FB6] =	sst s10  }
0x38: {  	s10 =	sld [smem:$0x3FB7]  }
0x39: {  	_ = 	snop;
	(pc) =	sbr.ind lr, $3  }
0x3a: {  	_ = 	snop  }
0x3b: {  	_ = 	snop  }
0x3c: {  	p2 =	seq.s32 s10, $0x1;
	s10 =	sld [smem:$0x3FB6]  }
0x3d: {  	_ =	shalt  }
0x3e: {  	_ =	shalt  }
0x3f: {  	_ =	shalt  }
0x40: {  	_ =	shalt  }
0x41: {  	_ =	shalt  }
0x42: {  	_ =	shalt  }
0x43: {  	_ =	shalt  }
0x44: {  	_ =	shalt  }
0x45: {  	_ =	shalt  }
0x46: {  	_ =	shalt  }
0x47: {  	_ =	shalt  }
0x48: {  	_ =	shalt  }
0x49: {  	_ =	shalt  }
0x4a: {  	_ =	shalt  }
0x4b: {  	_ =	shalt  }
0x4c: {  	_ =	shalt  }
0x4d: {  	_ =	shalt  }
0x4e: {  	_ =	shalt  }
0x4f: {  	_ =	shalt  }
0x50: {  	_ =	shalt  }
0x51: {  	_ =	shalt  }
0x52: {  	_ =	shalt  }
0x53: {  	_ =	shalt  }
0x54: {  	_ =	shalt  }
0x55: {  	_ =	shalt  }
0x56: {  	_ =	shalt  }
0x57: {  	_ =	shalt  }
0x58: {  	_ =	shalt  }
0x59: {  	_ =	shalt  }
0x5a: {  	_ =	shalt  }
0x5b: {  	_ =	shalt  }
0x5c: {  	_ =	shalt  }
0x5d: {  	_ =	shalt  }
0x5e: {  	_ =	shalt  }
0x5f: {  	_ =	shalt  }
0x60: {  	_ =	shalt  }
0x61: {  	_ =	shalt  }
0x62: {  	_ =	shalt  }
0x63: {  	_ =	shalt  }
0x64: {  	_ =	shalt  }
0x65: {  	_ =	shalt  }
0x66: {  	_ =	shalt  }
0x67: {  	_ =	shalt  }
0x68: {  	_ =	shalt  }
0x69: {  	_ =	shalt  }
0x6a: {  	_ =	shalt  }
0x6b: {  	_ =	shalt  }
0x6c: {  	_ =	shalt  }
0x6d: {  	_ =	shalt  }
0x6e: {  	_ =	shalt  }
0x6f: {  	_ =	shalt  }
0x70: {  	_ =	shalt  }
0x71: {  	_ =	shalt  }
0x72: {  	_ =	shalt  }
0x73: {  	_ =	shalt  }
0x74: {  	_ =	shalt  }
0x75: {  	_ =	shalt  }
0x76: {  	_ =	shalt  }
0x77: {  	_ =	shalt  }
0x78: {  	_ =	shalt  }
0x79: {  	_ =	shalt  }
0x7a: {  	_ =	shalt  }
0x7b: {  	_ =	shalt  }
0x7c: {  	_ =	shalt  }
0x7d: {  	_ =	shalt  }
0x7e: {  	_ =	shalt  }
0x7f: {  	_ =	shalt  }
0x80: {  	_ =	shalt  }
0x81: {  	_ =	shalt  }
0x82: {  	_ =	shalt  }
0x83: {  	_ =	shalt  }
0x84: {  	_ =	shalt  }
0x85: {  	_ =	shalt  }
0x86: {  	_ =	shalt  }
0x87: {  	_ =	shalt  }
.Lfunc_end0:
.L_simem_size_0:
called_computation.2_lowered:
.L_overlay_start_0:
0x88: {  	s2 =	sld [smem:$0x3FD9]  }
0x89: {  	s3 =	sld [smem:$0x3FFE];
	_ =	sdelay $0x1  }
0x8a: {  	s1 =	srdreg.scid  }
0x8b: {  	s0 =	sand.u32 $0x1, s1  }
0x8c: {  	s17 =	sshll.u32 s0, $0xA;
	s2 =	sadd.s32 s3, s2  }
0x8d: {  	s2 =	sadd.s32 s2, s17  }
0x8e: {  	[smem:$0x3FC2] =	sst s2  }
0x8f: {  	_ = 	snop  }
0x90: {  	s2 =	sld [smem:$0x3FD0];
	(tm) =	ssettm $0x1  }
0x91: {  	s18 =	sld [smem:$0x3FFB];
	_ =	sdelay $0x3  }
0x92: {  	_ =	strace s18  }
0x93: {  	s3 =	sld [smem:$0x3FFC];
	_ =	sdelay $0x3  }
0x94: {  	_ =	strace s3  }
0x95: {  	s3 =	sld [smem:$0x3FFD];
	_ =	sdelay $0x3  }
0x96: {  	_ =	strace s3  }
0x97: {  	_ =	strace $0x8FFFFFFF  }
0x98: {  	s19 =	sld [smem:$0x3FDB];
	_ =	sdelay $0x1  }
0x99: {  	s4 =	simm.s32 $_scs_section_size  }
0x9a: {  	s5 =	simm.s32 $_size__tile_overlayer_lowered;
	s6 =	simm.s32 $_tile_overlayer_lowered  }
0x9b: {  	s22 =	simm.s32 $0x1BFF;
	s21 =	sshll.u32 s6, $0x1;
	s3 =	sadd.s32 s4, s19  }
0x9c: {  	s7 =	simm.s32 $0x0;
	s20 =	sshll.u32 s5, $0x1;
	s5 =	sadd.s32 s21, s3  }
0x9d: {  	[timem:s7], [sflag:s22] =	dma.local [hbm:s5], s20  }
0x9e: {  	_ =	swait.ge [sflag:s22], s20  }
0x9f: {  	s4 =	ssub.s32 $0x0, s20;
	[sflag:s22] =	ssyncset.done $0x0  }
0xa0: {  	[sflag:s22] =	ssyncadd.s32 s4;
	_ =	sdelay $0x1  }
0xa1: {  	s23 =	simm.s32 $0x1B8B  }
0xa2: {  	_ =	swait.ge [sflag:s23], $0x1  }
0xa3: {  	[sflag:s23] =	ssyncset.done $0x0  }
0xa4: {  	s25 =	simm.s32 $0x1B8E;
	s24 =	sld [smem:$0x3FFE];
	[sflag:s23] =	ssyncadd.s32 $0xFFFFFFFF  }
0xa5: {  	s26 =	simm.s32 $execute0_lowered;
	[smem:$0x3FD2] =	sst s25  }
0xa6: {  	s5 =	sshll.u32 s26, $0x1;
	_ =	strace $0x8000004C;
	[dreg:$0x1] =	wrdreg $0xFFFFFFFF  }
0xa7: {  	s28 =	simm.s32 $_size_execute0_lowered;
	s3 =	sadd.s32 s3, s5;
	[dreg:$0x0] =	wrdreg $0x0  }
0xa8: {  	s5 =	sshll.u32 s28, $0x1;
	[dreg:$0x2] =	wrdreg s3  }
0xa9: {  	[dreg:$0x3] =	wrdreg s5  }
0xaa: {  	[dreg:$0x4] =	wrdreg $0xC0  }
0xab: {  	_ =	task [dreg:s7], $0x5FFFF  }
0xac: {  	[dreg:$0x1] =	wrdreg $0xFFFFFFFF  }
0xad: {  	[dreg:$0x0] =	wrdreg $0x60  }
0xae: {  	[dreg:$0x2] =	wrdreg s24  }
0xaf: {  	[dreg:$0x3] =	wrdreg s2  }
0xb0: {  	[dreg:$0x4] =	wrdreg $0x52000  }
0xb1: {  	[dreg:$0x5] =	wrdreg $0x7A000  }
0xb2: {  	[dreg:$0x6] =	wrdreg $0x9  }
0xb3: {  	_ =	task.clear_ibuf [dreg:s7], $0x7FFFF;
	_ =	strace $0x9000004C  }
0xb4: {  	s29 =	simm.s32 $0x9;
	_ =	strace $0x8000004E  }
0xb5: {  	_ =	swait.ge [sflag:s29], $0x1  }
0xb6: {  	[sflag:s29] =	ssyncadd.s32 $0xFFFFFFFF  }
0xb7: {  	_ =	strace $0x9000004E  }
0xb8: {  	_ =	sfence  }
0xb9: {  	s30 =	sld [smem:$0x0];
	_ =	sdelay $0x2  }
0xba: {  	s31 =	sshll.u32 s1, $0xD;
	s1 =	sshrl.u32 s1, $0x2  }
0xbb: {  	s3 =	sand.u32 $0x4000, s31;
	s1 =	sadd.s32 s1, s30  }
0xbc: {  	s0 =	sor.u32 s3, s0;
	s1 =	sshll.u32 s1, $0x11  }
0xbd: {  	s0 =	sor.u32 s1, s0  }
0xbe: {  	s0 =	sadd.s32 $0x8F2B, s0  }
0xbf: {  	[sflag:s0] =	ssyncadd.remote.s32 $0x1  }
0xc0: {  	_ =	sfence.sel $0xFFFF  }
0xc1: {  	[dreg:$0x0] =	wrdreg $0xFFFFFFFF;
	(pc) =	sbr.abs _section_cstart, $3  }
0xc2: {  	[dreg:$0x1] =	wrdreg $0xFFFFFFFF  }
0xc3: {  	_ =	task.clear_ibuf [dreg:s7], $0x2FFFF;
	_ =	strace $0x9FFFFFFF  }
0xc4: {  	(tm) =	ssettm $0x7FFFFFFF  }
0xc5: {  	_ =	shalt  }
tec
execute0_lowered:
.L_overlay_start_1:
0x0: {  	(tag) =	ssettag $0x1  }
0x1: {  	s0 =	rddreg [dreg:$0x0]  }
0x2: {  	s1 =	rddreg [dreg:$0x1]  }
0x3: {  	s2 =	rddreg [dreg:$0x2]  }
0x4: {  	s3 =	rddreg [dreg:$0x3]  }
0x5: {  	s13 =	stileid.u32;
	s5 =	srdreg.scid  }
0x6: {  	s4 =	simm.s32 $0x0;
	s15 =	simm.s32 $0xD;
	s18 =	simm.s32 $0x80  }
0x7: {  	s29 =	simm.s32 $0xCA00;
	s30 =	simm.s32 $0x1;
	s31 =	simm.s32 $0x2  }
0x8: {  	s17 =	simm.s32 $0x5;
	s28 =	simm.s32 $0x9;
	s8 =	smul.u32 $0x2800, s13  }
0x9: {  	s5 =	sand.u32 $0x1, s5;
	[smem:$0x7FF] =	sst s4;
	s20 =	sshll.u32 s13, $0x6  }
0xa: {  	s24 =	sadd.s32 $0x9C00, s1;
	s6 =	smul.u32 $0x28000, s5;
	_ =	strace $0x8000004D  }
0xb: {  	s9 =	sshll.u32 s5, $0x4;
	s5 =	ssub.s32 $0x2, s5;
	[dreg:$0x9] =	wrdreg s24  }
0xc: {  	s24 =	simm.s32 $0xBA00;
	s7 =	sshrl.u32 s8, $0x3;
	s9 =	sor.u32 s13, s9  }
0xd: {  	s10 =	sshrl.u32 s5, $0x1;
	s19 =	sadd.s32 s8, s2;
	s6 =	sadd.s32 s8, s6  }
0xe: {  	s11 =	smul.u32 $0x2700, s9;
	s12 =	sadd.s32 s7, s0;
	s5 =	ssub.s32 s5, s10  }
0xf: {  	s8 =	sadd.s32 s8, s3;
	p0 =	sne.s32 s9, $0x1F;
	s14 =	sshrl.u32 s19, $0x3  }
0x10: {  	s19 =	simm.s32 $0xA200;
	s9 =	simm.s32 $0xC;
	s10 =	simm.s32 $0x0  }
0x11: {  	s6 =	sshrl.u32 s6, $0x3;
	s22 =	sadd.s32 $0x7C00, s12;
	s23 =	sadd.s32 $0x2C00, s12  }
0x12: {  	s25 =	smax.u32 s5, $0x1;
	s26 =	sshrl.u32 s8, $0x3;
	[dreg:$0x5] =	wrdreg s22  }
0x13: {  	s5 =	simm.s32 $0xA;
	s8 =	simm.s32 $0xB;
	[dreg:$0x7] =	wrdreg s23  }
0x14: {  	s0 =	sadd.s32 s6, s0;
	s21 =	sshrl.u32 s11, $0x3;
	[dreg:$0xc] =	wrdreg s25  }
0x15: {  	s6 =	sor.u32 $0x1C0D, s20;
	[dreg:$0xd] =	wrdreg s26;
	s20 =	simm.s32 $0xAA00  }
0x16: {  	s22 =	simm.s32 $0xB200;
	s26 =	simm.s32 $0xC200;
	s7 =	sadd.s32 s1, s21  }
0x17: {  	s23 =	simm.s32 $0x7;
	s1 =	sadd.s32 $0x13840, s1;
	[dreg:$0x6] =	wrdreg s7  }
0x18: {  	s25 =	simm.s32 $0x8;
	s0 =	sadd.s32 $0xCC00, s0;
	[dreg:$0xa] =	wrdreg s1  }
0x19: {  	s21 =	simm.s32 $0x6;
	s7 =	sadd.s32 $0x9C40, s7;
	[dreg:$0xb] =	wrdreg s0  }
0x1a: {  	s0 =	simm.s32 $0x3;
	s1 =	simm.s32 $0x4;
	[dreg:$0x8] =	wrdreg s7  }
.LBB2_1:
0x1b: {  	s7 =	rddreg [dreg:$0x5]  }
0x1c: {  	[spmem:s14], [sflag:s6] =	dma.local [hbm:s7], $0x500  }
0x1d: {  	_ =	swait.ge [sflag:s15], $0x500  }
0x1e: {  	[sflag:s15] =	ssyncset.done $0x0;
	s16 =	rddreg [dreg:$0x7]  }
0x1f: {  	s11 =	rddreg [dreg:$0xd];
	[sflag:s15] =	ssyncadd.s32 $0xFFFFFB00  }
0x20: {  	[spmem:s11], [sflag:s6] =	dma.local [hbm:s16], $0x500  }
0x21: {  	_ =	swait.ge [sflag:s15], $0x500  }
0x22: {  	[sflag:s15] =	ssyncset.done $0x0  }
0x23: {  	s12 =	rddreg [dreg:$0x6];
	[sflag:s15] =	ssyncadd.s32 $0xFFFFFB00  }
0x24: {  	[tilespmem:s4], [sflag:$0xD] =	stream.linear.gather [hbm4b:s12+s4], $0x2700, $0x38;
	[tilespmem:$0xD200] =	vst v63  }
0x25: {  	_ =	swait.ge [sflag:s15], $0x2700  }
0x26: {  	[sflag:s15] =	ssyncset.done $0x0  }
0x27: {  	s16 =	simm.s32 $0x2700;
	s13 =	rddreg [dreg:$0x8];
	[sflag:s15] =	ssyncadd.s32 $0xFFFFD900  }
0x28: {  	[tilespmem:s16], [sflag:$0xD] =	stream.linear.gather [hbm4b:s13+s4], $0x2700, $0x38;
	[tilespmem:$0xD200] =	vst v63  }
0x29: {  	_ =	swait.ge [sflag:s15], $0x2700  }
0x2a: {  	s11 =	simm.s32 @!p0 $0x0;
	[sflag:s15] =	ssyncset.done $0x0  }
0x2b: {  	s12 =	simm.s32 @!p0 $0x4E00;
	s7 =	rddreg [dreg:$0x9];
	[sflag:s15] =	ssyncadd.s32 $0xFFFFD900  }
0x2c: {  	[tilespmem:s12], [sflag:$0xD] =	stream.linear.gather @!p0 [hbm4b:s7+s11], $0x200, $0x38;
	[tilespmem:$0xD200] =	vst v63  }
0x2d: {  	s12 =	simm.s32 @!p0 $0xD  }
0x2e: {  	_ =	swait.ge @!p0 [sflag:s12], $0x200  }
0x2f: {  	[sflag:s12] =	ssyncset.done @!p0 $0x0  }
0x30: {  	s13 =	simm.s32 @!p0 $0x5000;
	s7 =	rddreg [dreg:$0xa];
	[sflag:s12] =	ssyncadd.s32 @!p0 $0xFFFFFE00  }
0x31: {  	[tilespmem:s13], [sflag:$0xD] =	stream.linear.gather @!p0 [hbm4b:s7+s11], $0x200, $0x38;
	[tilespmem:$0xD200] =	vst v63  }
0x32: {  	_ =	swait.ge @!p0 [sflag:s12], $0x200  }
0x33: {  	[sflag:s12] =	ssyncset.done @!p0 $0x0  }
0x34: {  	[sflag:s12] =	ssyncadd.s32 @!p0 $0xFFFFFE00  }
0x35: {  	[bflag:$0x0] =	sbarrier.arrive $0xFFFF  }
0x36: {  	[tilespmem:s19], [sflag:$0x1] =	stream.indirect.gather [spmem:s3], $0x10, s4, s18, $0xb8;
	[tilespmem:$0xD200] =	vst v63  }
0x37: {  	_ = 	snop  }
0x38: {  	[tilespmem:s20], [sflag:$0x2] =	stream.indirect.gather [spmem:s3], $0x10, s18, s18, $0xb8;
	[tilespmem:$0xD200] =	vst v63  }
0x39: {  	s12 =	simm.s32 $0x100  }
0x3a: {  	[tilespmem:s22], [sflag:$0x3] =	stream.indirect.gather [spmem:s3], $0x10, s12, s18, $0xb8;
	[tilespmem:$0xD200] =	vst v63  }
0x3b: {  	s13 =	simm.s32 $0x180  }
0x3c: {  	[tilespmem:s24], [sflag:$0x4] =	stream.indirect.gather [spmem:s3], $0x10, s13, s18, $0xb8;
	[tilespmem:$0xD200] =	vst v63  }
0x3d: {  	s16 =	simm.s32 $0x200  }
0x3e: {  	[tilespmem:s26], [sflag:$0x5] =	stream.indirect.gather [spmem:s3], $0x10, s16, s18, $0xb8;
	[tilespmem:$0xD200] =	vst v63  }
0x3f: {  	s11 =	simm.s32 $0x280  }
0x40: {  	[tilespmem:s29], [sflag:$0x6] =	stream.indirect.gather [spmem:s3], $0x10, s11, s18, $0xb8;
	[tilespmem:$0xD200] =	vst v63  }
0x41: {  	_ =	swait.ge [sflag:s30], $0x800  }
0x42: {  	[sflag:s30] =	ssyncset.done $0x0  }
0x43: {  	s12 =	simm.s32 $0x2700;
	[sflag:s30] =	ssyncadd.s32 $0xFFFFF800  }
0x44: {  	[spmem:s2] =	stream.indirect.scatter.add.f32 [tilespmem:s19], [sflag:$0x7], $0x10, s12, s18, $0xb8;
	[tilespmem:$0xD200] =	vst v63  }
0x45: {  	_ =	swait.ge [sflag:s31], $0x800  }
0x46: {  	[sflag:s31] =	ssyncset.done $0x0  }
0x47: {  	s13 =	simm.s32 $0x2780;
	[sflag:s31] =	ssyncadd.s32 $0xFFFFF800  }
0x48: {  	[spmem:s2] =	stream.indirect.scatter.add.f32 [tilespmem:s20], [sflag:$0x8], $0x10, s13, s18, $0xb8;
	[tilespmem:$0xD200] =	vst v63  }
0x49: {  	_ =	swait.ge [sflag:s0], $0x800  }
0x4a: {  	[sflag:s0] =	ssyncset.done $0x0  }
0x4b: {  	s16 =	simm.s32 $0x2800;
	[sflag:s0] =	ssyncadd.s32 $0xFFFFF800  }
0x4c: {  	[spmem:s2] =	stream.indirect.scatter.add.f32 [tilespmem:s22], [sflag:$0x9], $0x10, s16, s18, $0xb8;
	[tilespmem:$0xD200] =	vst v63  }
0x4d: {  	_ =	swait.ge [sflag:s1], $0x800  }
0x4e: {  	[sflag:s1] =	ssyncset.done $0x0  }
0x4f: {  	s7 =	simm.s32 $0x2880;
	[sflag:s1] =	ssyncadd.s32 $0xFFFFF800  }
0x50: {  	[spmem:s2] =	stream.indirect.scatter.add.f32 [tilespmem:s24], [sflag:$0xA], $0x10, s7, s18, $0xb8;
	[tilespmem:$0xD200] =	vst v63  }
0x51: {  	_ =	swait.ge [sflag:s17], $0x800  }
0x52: {  	[sflag:s17] =	ssyncset.done $0x0  }
0x53: {  	s12 =	simm.s32 $0x2900;
	[sflag:s17] =	ssyncadd.s32 $0xFFFFF800  }
0x54: {  	[spmem:s2] =	stream.indirect.scatter.add.f32 [tilespmem:s26], [sflag:$0xB], $0x10, s12, s18, $0xb8;
	[tilespmem:$0xD200] =	vst v63  }
0x55: {  	_ =	swait.ge [sflag:s21], $0x800  }
0x56: {  	[sflag:s21] =	ssyncset.done $0x0  }
0x57: {  	s13 =	simm.s32 $0x2980;
	[sflag:s21] =	ssyncadd.s32 $0xFFFFF800  }
0x58: {  	[spmem:s2] =	stream.indirect.scatter.add.f32 [tilespmem:s29], [sflag:$0xC], $0x10, s13, s18, $0xb8;
	[tilespmem:$0xD200] =	vst v63  }
0x59: {  	_ =	swait.ge [sflag:s23], $0x800  }
0x5a: {  	[sflag:s23] =	ssyncset.done $0x0  }
0x5b: {  	s16 =	simm.s32 $0x300;
	[sflag:s23] =	ssyncadd.s32 $0xFFFFF800  }
0x5c: {  	[tilespmem:s19], [sflag:$0x1] =	stream.indirect.gather [spmem:s3], $0x10, s16, s18, $0xb8;
	[tilespmem:$0xD200] =	vst v63  }
0x5d: {  	_ =	swait.ge [sflag:s25], $0x800  }
0x5e: {  	[sflag:s25] =	ssyncset.done $0x0  }
0x5f: {  	s7 =	simm.s32 $0x380;
	[sflag:s25] =	ssyncadd.s32 $0xFFFFF800  }
0x60: {  	[tilespmem:s20], [sflag:$0x2] =	stream.indirect.gather [spmem:s3], $0x10, s7, s18, $0xb8;
	[tilespmem:$0xD200] =	vst v63  }
0x61: {  	_ =	swait.ge [sflag:s28], $0x800  }
0x62: {  	[sflag:s28] =	ssyncset.done $0x0  }
0x63: {  	s12 =	simm.s32 $0x400;
	[sflag:s28] =	ssyncadd.s32 $0xFFFFF800  }
0x64: {  	[tilespmem:s22], [sflag:$0x3] =	stream.indirect.gather [spmem:s3], $0x10, s12, s18, $0xb8;
	[tilespmem:$0xD200] =	vst v63  }
0x65: {  	_ =	swait.ge [sflag:s5], $0x800  }
0x66: {  	[sflag:s5] =	ssyncset.done $0x0  }
0x67: {  	s13 =	simm.s32 $0x480;
	[sflag:s5] =	ssyncadd.s32 $0xFFFFF800  }
0x68: {  	[tilespmem:s24], [sflag:$0x4] =	stream.indirect.gather [spmem:s3], $0x10, s13, s18, $0xb8;
	[tilespmem:$0xD200] =	vst v63  }
0x69: {  	_ =	swait.ge [sflag:s8], $0x800  }
0x6a: {  	[sflag:s8] =	ssyncset.done $0x0  }
0x6b: {  	s16 =	simm.s32 $0x500;
	[sflag:s8] =	ssyncadd.s32 $0xFFFFF800  }
0x6c: {  	[tilespmem:s26], [sflag:$0x5] =	stream.indirect.gather [spmem:s3], $0x10, s16, s18, $0xb8;
	[tilespmem:$0xD200] =	vst v63  }
0x6d: {  	_ =	swait.ge [sflag:s9], $0x800  }
0x6e: {  	[sflag:s9] =	ssyncset.done $0x0  }
0x6f: {  	s11 =	simm.s32 $0xC00;
	s12 =	simm.s32 $0x580;
	[sflag:s9] =	ssyncadd.s32 $0xFFFFF800  }
.LBB2_2:
0x70: {  	[tilespmem:s29], [sflag:$0x6] =	stream.indirect.gather [spmem:s3], $0x10, s12, s18, $0xb8;
	[tilespmem:$0xD200] =	vst v63  }
0x71: {  	s12 =	smov.u32 s11  }
0x72: {  	p1 =	sne.s32 s11, $0x8400;
	s11 =	sadd.s32 $0xC00, s11;
	_ =	swait.ge [sflag:s30], $0x800  }
0x73: {  	s12 =	sshra.s32 s12, $0x2;
	[sflag:s30] =	ssyncset.done $0x0  }
0x74: {  	s13 =	sadd.s32 $0x2700, s12;
	[sflag:s30] =	ssyncadd.s32 $0xFFFFF800  }
0x75: {  	[spmem:s2] =	stream.indirect.scatter.add.f32 [tilespmem:s19], [sflag:$0x7], $0x10, s13, s18, $0xb8;
	[tilespmem:$0xD200] =	vst v63  }
0x76: {  	_ =	swait.ge [sflag:s31], $0x800  }
0x77: {  	[sflag:s31] =	ssyncset.done $0x0  }
0x78: {  	s13 =	sadd.s32 $0x2780, s12;
	[sflag:s31] =	ssyncadd.s32 $0xFFFFF800  }
0x79: {  	[spmem:s2] =	stream.indirect.scatter.add.f32 [tilespmem:s20], [sflag:$0x8], $0x10, s13, s18, $0xb8;
	[tilespmem:$0xD200] =	vst v63  }
0x7a: {  	_ =	swait.ge [sflag:s0], $0x800  }
0x7b: {  	[sflag:s0] =	ssyncset.done $0x0  }
0x7c: {  	s13 =	sadd.s32 $0x2800, s12;
	[sflag:s0] =	ssyncadd.s32 $0xFFFFF800  }
0x7d: {  	[spmem:s2] =	stream.indirect.scatter.add.f32 [tilespmem:s22], [sflag:$0x9], $0x10, s13, s18, $0xb8;
	[tilespmem:$0xD200] =	vst v63  }
0x7e: {  	_ =	swait.ge [sflag:s1], $0x800  }
0x7f: {  	[sflag:s1] =	ssyncset.done $0x0  }
0x80: {  	s13 =	sadd.s32 $0x2880, s12;
	[sflag:s1] =	ssyncadd.s32 $0xFFFFF800  }
0x81: {  	[spmem:s2] =	stream.indirect.scatter.add.f32 [tilespmem:s24], [sflag:$0xA], $0x10, s13, s18, $0xb8;
	[tilespmem:$0xD200] =	vst v63  }
0x82: {  	_ =	swait.ge [sflag:s17], $0x800  }
0x83: {  	[sflag:s17] =	ssyncset.done $0x0  }
0x84: {  	s13 =	sadd.s32 $0x2900, s12;
	[sflag:s17] =	ssyncadd.s32 $0xFFFFF800  }
0x85: {  	[spmem:s2] =	stream.indirect.scatter.add.f32 [tilespmem:s26], [sflag:$0xB], $0x10, s13, s18, $0xb8;
	[tilespmem:$0xD200] =	vst v63  }
0x86: {  	_ =	swait.ge [sflag:s21], $0x800  }
0x87: {  	[sflag:s21] =	ssyncset.done $0x0  }
0x88: {  	s13 =	sadd.s32 $0x2980, s12;
	[sflag:s21] =	ssyncadd.s32 $0xFFFFF800  }
0x89: {  	[spmem:s2] =	stream.indirect.scatter.add.f32 [tilespmem:s29], [sflag:$0xC], $0x10, s13, s18, $0xb8;
	[tilespmem:$0xD200] =	vst v63  }
0x8a: {  	_ =	swait.ge [sflag:s23], $0x800  }
0x8b: {  	[sflag:s23] =	ssyncset.done $0x0  }
0x8c: {  	s13 =	sadd.s32 $0x300, s12;
	[sflag:s23] =	ssyncadd.s32 $0xFFFFF800  }
0x8d: {  	[tilespmem:s19], [sflag:$0x1] =	stream.indirect.gather [spmem:s3], $0x10, s13, s18, $0xb8;
	[tilespmem:$0xD200] =	vst v63  }
0x8e: {  	_ =	swait.ge [sflag:s25], $0x800  }
0x8f: {  	[sflag:s25] =	ssyncset.done $0x0  }
0x90: {  	s13 =	sadd.s32 $0x380, s12;
	[sflag:s25] =	ssyncadd.s32 $0xFFFFF800  }
0x91: {  	[tilespmem:s20], [sflag:$0x2] =	stream.indirect.gather [spmem:s3], $0x10, s13, s18, $0xb8;
	[tilespmem:$0xD200] =	vst v63  }
0x92: {  	_ =	swait.ge [sflag:s28], $0x800  }
0x93: {  	[sflag:s28] =	ssyncset.done $0x0  }
0x94: {  	s13 =	sadd.s32 $0x400, s12;
	[sflag:s28] =	ssyncadd.s32 $0xFFFFF800  }
0x95: {  	[tilespmem:s22], [sflag:$0x3] =	stream.indirect.gather [spmem:s3], $0x10, s13, s18, $0xb8;
	[tilespmem:$0xD200] =	vst v63  }
0x96: {  	_ =	swait.ge [sflag:s5], $0x800  }
0x97: {  	[sflag:s5] =	ssyncset.done $0x0  }
0x98: {  	s13 =	sadd.s32 $0x480, s12;
	[sflag:s5] =	ssyncadd.s32 $0xFFFFF800  }
0x99: {  	[tilespmem:s24], [sflag:$0x4] =	stream.indirect.gather [spmem:s3], $0x10, s13, s18, $0xb8;
	[tilespmem:$0xD200] =	vst v63  }
0x9a: {  	_ =	swait.ge [sflag:s8], $0x800  }
0x9b: {  	[sflag:s8] =	ssyncset.done $0x0  }
.Ltmp0:
0x9c: {  	s13 =	sadd.s32 $0x500, s12;
	[sflag:s8] =	ssyncadd.s32 $0xFFFFF800;
	(pc) =	sbr.rel @p1 .LBB2_2-.Ltmp0, $4  }
0x9d: {  	[tilespmem:s26], [sflag:$0x5] =	stream.indirect.gather [spmem:s3], $0x10, s13, s18, $0xb8;
	[tilespmem:$0xD200] =	vst v63  }
0x9e: {  	_ =	swait.ge [sflag:s9], $0x800  }
0x9f: {  	[sflag:s9] =	ssyncset.done $0x0  }
0xa0: {  	s12 =	sadd.s32 $0x580, s12;
	[sflag:s9] =	ssyncadd.s32 $0xFFFFF800  }
0xa1: {  	[tilespmem:s29], [sflag:$0x6] =	stream.indirect.gather [spmem:s3], $0x10, s12, s18, $0xb8;
	[tilespmem:$0xD200] =	vst v63  }
0xa2: {  	_ =	swait.ge [sflag:s30], $0x800  }
0xa3: {  	[sflag:s30] =	ssyncset.done $0x0  }
0xa4: {  	s7 =	simm.s32 $0x4B00;
	[sflag:s30] =	ssyncadd.s32 $0xFFFFF800  }
0xa5: {  	[spmem:s2] =	stream.indirect.scatter.add.f32 [tilespmem:s19], [sflag:$0x7], $0x10, s7, s18, $0xb8;
	[tilespmem:$0xD200] =	vst v63  }
0xa6: {  	_ =	swait.ge [sflag:s31], $0x800  }
0xa7: {  	[sflag:s31] =	ssyncset.done $0x0  }
0xa8: {  	s12 =	simm.s32 $0x4B80;
	[sflag:s31] =	ssyncadd.s32 $0xFFFFF800  }
0xa9: {  	[spmem:s2] =	stream.indirect.scatter.add.f32 [tilespmem:s20], [sflag:$0x8], $0x10, s12, s18, $0xb8;
	[tilespmem:$0xD200] =	vst v63  }
0xaa: {  	_ =	swait.ge [sflag:s0], $0x800  }
0xab: {  	[sflag:s0] =	ssyncset.done $0x0  }
0xac: {  	s13 =	simm.s32 $0x4C00;
	[sflag:s0] =	ssyncadd.s32 $0xFFFFF800  }
0xad: {  	[spmem:s2] =	stream.indirect.scatter.add.f32 [tilespmem:s22], [sflag:$0x9], $0x10, s13, s18, $0xb8;
	[tilespmem:$0xD200] =	vst v63  }
0xae: {  	_ =	swait.ge [sflag:s1], $0x800  }
0xaf: {  	[sflag:s1] =	ssyncset.done $0x0  }
0xb0: {  	s16 =	simm.s32 $0x4C80;
	[sflag:s1] =	ssyncadd.s32 $0xFFFFF800  }
0xb1: {  	[spmem:s2] =	stream.indirect.scatter.add.f32 [tilespmem:s24], [sflag:$0xA], $0x10, s16, s18, $0xb8;
	[tilespmem:$0xD200] =	vst v63  }
0xb2: {  	_ =	swait.ge [sflag:s17], $0x800  }
0xb3: {  	[sflag:s17] =	ssyncset.done $0x0  }
0xb4: {  	s11 =	simm.s32 $0x4D00;
	[sflag:s17] =	ssyncadd.s32 $0xFFFFF800  }
0xb5: {  	[spmem:s2] =	stream.indirect.scatter.add.f32 [tilespmem:s26], [sflag:$0xB], $0x10, s11, s18, $0xb8;
	[tilespmem:$0xD200] =	vst v63  }
0xb6: {  	_ =	swait.ge [sflag:s21], $0x800  }
0xb7: {  	[sflag:s21] =	ssyncset.done $0x0  }
0xb8: {  	s12 =	simm.s32 $0x4D80;
	[sflag:s21] =	ssyncadd.s32 $0xFFFFF800  }
0xb9: {  	[spmem:s2] =	stream.indirect.scatter.add.f32 [tilespmem:s29], [sflag:$0xC], $0x10, s12, s18, $0xb8;
	[tilespmem:$0xD200] =	vst v63  }
0xba: {  	_ =	swait.ge [sflag:s23], $0x800  }
0xbb: {  	[sflag:s23] =	ssyncset.done $0x0  }
0xbc: {  	[sflag:s23] =	ssyncadd.s32 $0xFFFFF800  }
0xbd: {  	_ =	swait.ge [sflag:s25], $0x800  }
0xbe: {  	[sflag:s25] =	ssyncset.done $0x0  }
0xbf: {  	[sflag:s25] =	ssyncadd.s32 $0xFFFFF800  }
0xc0: {  	_ =	swait.ge [sflag:s28], $0x800  }
0xc1: {  	[sflag:s28] =	ssyncset.done $0x0  }
0xc2: {  	[sflag:s28] =	ssyncadd.s32 $0xFFFFF800  }
0xc3: {  	_ =	swait.ge [sflag:s5], $0x800  }
0xc4: {  	[sflag:s5] =	ssyncset.done $0x0  }
0xc5: {  	[sflag:s5] =	ssyncadd.s32 $0xFFFFF800  }
0xc6: {  	_ =	swait.ge [sflag:s8], $0x800  }
0xc7: {  	[sflag:s8] =	ssyncset.done $0x0  }
0xc8: {  	[sflag:s8] =	ssyncadd.s32 $0xFFFFF800  }
0xc9: {  	_ =	swait.ge [sflag:s9], $0x800  }
0xca: {  	s13 =	simm.s32 @!p0 $0xA200;
	[sflag:s9] =	ssyncset.done $0x0  }
0xcb: {  	s11 =	simm.s32 @!p0 $0x80;
	s12 =	simm.s32 @!p0 $0x4E00;
	[sflag:s9] =	ssyncadd.s32 $0xFFFFF800  }
0xcc: {  	[tilespmem:s13], [sflag:$0x1] =	stream.indirect.gather @!p0 [spmem:s3], $0x10, s12, s11, $0xb8;
	[tilespmem:$0xD200] =	vst v63  }
0xcd: {  	s12 =	simm.s32 @!p0 $0x1  }
0xce: {  	_ =	swait.ge @!p0 [sflag:s12], $0x800  }
0xcf: {  	[sflag:s12] =	ssyncset.done @!p0 $0x0  }
0xd0: {  	s16 =	simm.s32 @!p0 $0x5000;
	[sflag:s12] =	ssyncadd.s32 @!p0 $0xFFFFF800  }
0xd1: {  	[spmem:s2] =	stream.indirect.scatter.add.f32 @!p0 [tilespmem:s13], [sflag:$0xD], $0x10, s16, s11, $0xb8;
	[tilespmem:$0xD200] =	vst v63  }
0xd2: {  	s16 =	simm.s32 @!p0 $0xD  }
0xd3: {  	_ =	swait.ge @!p0 [sflag:s16], $0x800  }
0xd4: {  	[sflag:s16] =	ssyncset.done @!p0 $0x0  }
0xd5: {  	s7 =	simm.s32 @!p0 $0x4E80;
	[sflag:s16] =	ssyncadd.s32 @!p0 $0xFFFFF800  }
0xd6: {  	[tilespmem:s13], [sflag:$0x1] =	stream.indirect.gather @!p0 [spmem:s3], $0x10, s7, s11, $0xb8;
	[tilespmem:$0xD200] =	vst v63  }
0xd7: {  	_ =	swait.ge @!p0 [sflag:s12], $0x800  }
0xd8: {  	[sflag:s12] =	ssyncset.done @!p0 $0x0  }
0xd9: {  	s7 =	simm.s32 @!p0 $0x5080;
	[sflag:s12] =	ssyncadd.s32 @!p0 $0xFFFFF800  }
0xda: {  	[spmem:s2] =	stream.indirect.scatter.add.f32 @!p0 [tilespmem:s13], [sflag:$0xD], $0x10, s7, s11, $0xb8;
	[tilespmem:$0xD200] =	vst v63  }
0xdb: {  	_ =	swait.ge @!p0 [sflag:s16], $0x800  }
0xdc: {  	[sflag:s16] =	ssyncset.done @!p0 $0x0  }
0xdd: {  	s7 =	simm.s32 @!p0 $0x4F00;
	[sflag:s16] =	ssyncadd.s32 @!p0 $0xFFFFF800  }
0xde: {  	[tilespmem:s13], [sflag:$0x1] =	stream.indirect.gather @!p0 [spmem:s3], $0x10, s7, s11, $0xb8;
	[tilespmem:$0xD200] =	vst v63  }
0xdf: {  	_ =	swait.ge @!p0 [sflag:s12], $0x800  }
0xe0: {  	[sflag:s12] =	ssyncset.done @!p0 $0x0  }
0xe1: {  	s7 =	simm.s32 @!p0 $0x5100;
	[sflag:s12] =	ssyncadd.s32 @!p0 $0xFFFFF800  }
0xe2: {  	[spmem:s2] =	stream.indirect.scatter.add.f32 @!p0 [tilespmem:s13], [sflag:$0xD], $0x10, s7, s11, $0xb8;
	[tilespmem:$0xD200] =	vst v63  }
0xe3: {  	_ =	swait.ge @!p0 [sflag:s16], $0x800  }
0xe4: {  	[sflag:s16] =	ssyncset.done @!p0 $0x0  }
0xe5: {  	s7 =	simm.s32 @!p0 $0x4F80;
	[sflag:s16] =	ssyncadd.s32 @!p0 $0xFFFFF800  }
0xe6: {  	[tilespmem:s13], [sflag:$0x1] =	stream.indirect.gather @!p0 [spmem:s3], $0x10, s7, s11, $0xb8;
	[tilespmem:$0xD200] =	vst v63  }
0xe7: {  	_ =	swait.ge @!p0 [sflag:s12], $0x800  }
0xe8: {  	[sflag:s12] =	ssyncset.done @!p0 $0x0  }
0xe9: {  	s7 =	simm.s32 @!p0 $0x5180;
	[sflag:s12] =	ssyncadd.s32 @!p0 $0xFFFFF800  }
0xea: {  	[spmem:s2] =	stream.indirect.scatter.add.f32 @!p0 [tilespmem:s13], [sflag:$0xD], $0x10, s7, s11, $0xb8;
	[tilespmem:$0xD200] =	vst v63  }
0xeb: {  	_ =	swait.ge @!p0 [sflag:s16], $0x800  }
0xec: {  	[sflag:s16] =	ssyncset.done @!p0 $0x0  }
0xed: {  	[sflag:s16] =	ssyncadd.s32 @!p0 $0xFFFFF800  }
0xee: {  	[bflag:$0x0] =	sbarrier.arrive $0xFFFF  }
0xef: {  	s13 =	rddreg [dreg:$0xb]  }
0xf0: {  	[hbm:s13], [sflag:s6] =	dma.local [spmem:s14], $0x500  }
0xf1: {  	_ =	swait.ge [sflag:s15], $0x500  }
0xf2: {  	s10 =	sadd.s32 $0x1, s10;
	s16 =	rddreg [dreg:$0xc]  }
0xf3: {  	p1 =	sne.s32 s10, s16  }
.Ltmp1:
0xf4: {  	_ = 	snop;
	(pc) =	sbr.rel @p1 .LBB2_1-.Ltmp1, $3  }
0xf5: {  	_ =	sdelay $0x1  }
0xf6: {  	[sflag:s15] =	ssyncset.done $0x0  }
0xf7: {  	[sflag:s15] =	ssyncadd.s32 $0xFFFFFB00  }
0xf8: {  	_ =	sfence.sel $0x180000  }
0xf9: {  	[bflag:$0x0] =	sbarrier.arrive $0xFFFF  }
0xfa: {  	_ =	strace $0x9000004D  }
0xfb: {  	s0 =	stileid.u32;
	[bflag:$0x2] =	sbarrier.arrive $0xFFFF  }
0xfc: {  	p0 =	sne.s32 s0, $0x0;
	s0 =	rddreg [dreg:$0x4]  }
0xfd: {  	s0 =	sadd.s32 @!p0 $0x100000, s0  }
0xfe: {  	[sflag:s0] =	ssyncadd.tile.s32 @!p0 $0x1;
	_ =	shalt  }
.Lfunc_end2:
_tile_overlayer_lowered:
.L_overlay_start_2:
0xff: {  	(tag) =	ssettag $0x2  }
0x100: {  	s0 =	rddreg [dreg:$0x0];
	s2 =	stileid.u32  }
0x101: {  	s1 =	rddreg [dreg:$0x1];
	p0 =	sne.s32 s2, $0x0  }
0x102: {  	s3 =	rddreg [dreg:$0x2];
	[bflag:$0x3] =	sbarrier.arrive $0xFFFF;
	s2 =	simm.s32 @!p0 $0x1C0D  }
0x103: {  	[timem:s3], [sflag:s2] =	dma.local @!p0 [hbm:s0], s1  }
0x104: {  	s0 =	simm.s32 @!p0 $0xD  }
0x105: {  	_ =	swait.ge @!p0 [sflag:s0], s1  }
0x106: {  	s1 =	ssub.s32 @!p0 $0x0, s1;
	[sflag:s0] =	ssyncset.done @!p0 $0x0  }
0x107: {  	[sflag:s0] =	ssyncadd.s32 @!p0 s1  }
0x108: {  	[bflag:$0x3] =	sbarrier.arrive $0xFFFF  }
0x109: {  	_ =	shalt  }

// kernel: kernel.9.cloned.1.call-start
scs
__scs_entry_jumppad:
0x0: {  	(pc) =	sbr.rel $0x88, $3  }
0x1: {  	(tag) =	ssettag $0x0;
	lr =	simm.s32 $0x1  }
0x2: {  	[smem:$0x3F9B] =	sst lr;
	_ =	strace $0xD0000000  }
0x3: {  	_ = 	snop  }
0x4: {  	_ = 	snop  }
0x5: {  	_ = 	snop  }
0x6: {  	_ = 	snop  }
0x7: {  	_ = 	snop  }
__scs_overlays_trampoline_lowered:
0x8: {  	[smem:$0x3FAA] =	sst s0  }
0x9: {  	[smem:$0x3FAB] =	sst s1  }
0xa: {  	[smem:$0x3FAC] =	sst s2  }
0xb: {  	[smem:$0x3FAD] =	sst s3  }
0xc: {  	[smem:$0x3FAE] =	sst s4  }
0xd: {  	[smem:$0x3FAF] =	sst s5  }
0xe: {  	[smem:$0x3FB0] =	sst s6  }
0xf: {  	[smem:$0x3FB1] =	sst s7  }
0x10: {  	[smem:$0x3FB2] =	sst s8  }
0x11: {  	[smem:$0x3FB3] =	sst s9;
	s0 =	simm.s32 @!p0 $0x0  }
0x12: {  	s1 =	sld [smem:$0x3F99];
	s0 =	simm.s32 @p0 $0x1  }
0x13: {  	[smem:$0x3FB4] =	sst s0;
	s0 =	simm.s32 @!p1 $0x0  }
0x14: {  	s2 =	sld [smem:$0x3F98];
	s0 =	simm.s32 @p1 $0x1  }
0x15: {  	[smem:$0x3FB5] =	sst s0;
	s0 =	simm.s32 @!p2 $0x0  }
0x16: {  	s3 =	sld [smem:$0x3FDB];
	s0 =	simm.s32 @p2 $0x1  }
0x17: {  	s4 =	simm.s32 $0x1BF5;
	[smem:$0x3FB7] =	sst s0  }
0x18: {  	s0 =	sld [smem:$0x3F9A];
	_ =	swait.ge [sflag:s4], $0x0  }
0x19: {  	s7 =	sld [smem:$0x3F9B]  }
0x1a: {  	s8 =	sadd.s32 $0xFFFFE003, lr  }
0x1b: {  	s9 =	sadd.s32 $0xFFFFFEF7, lr;
	s5 =	simm.s32 $0xFFFFFFFF;
	p2 =	slt.u32 s8, $0xFFFFF086  }
0x1c: {  	p1 =	slt.u32 s9, $0xF7A;
	s5 =	simm.s32 @!p2 $0x0  }
0x1d: {  	s5 =	simm.s32 @p1 $0x1;
	p0 =	seq.s32 s7, s2  }
0x1e: {  	s7 =	smul.u32 @!p0 $0xF7A, s2;
	p2 =	seq.s32 @!p0 s5, $0x0  }
0x1f: {  	s9 =	smul.u32 $0xF7A, s1;
	s8 =	simm.s32 @!p0 $0x1BF5;
	p2 =	por !p2, p0  }
0x20: {  	[sflag:s8] =	ssyncset.s32 @!p0 $0xFFFFF086;
	s6 =	sadd.s32 @!p0 s3, s7;
	s7 =	simm.s32 @!p0 $0x108  }
0x21: {  	s3 =	sadd.s32 s3, s9;
	s6 =	sadd.s32 @!p0 $0x88, s6;
	s7 =	simm.s32 @p2 $0x1082  }
0x22: {  	[simem:s7], [sflag:s8] =	dma.local @!p0 [hbm:s6], $0xF7A  }
0x23: {  	s9 =	sor.u32 $0xD0000000, s2;
	s6 =	simm.s32 $0x108;
	_ =	swait.ge @!p0 [sflag:s8], $0x0  }
0x24: {  	s3 =	sadd.s32 $0x88, s3;
	s6 =	simm.s32 @!p1 $0x1082;
	[sflag:s4] =	ssyncset.s32 $0xFFFFF086  }
0x25: {  	[simem:s6], [sflag:s4] =	dma.local [hbm:s3], $0xF7A  }
0x26: {  	[smem:$0x3F9B] =	sst s1;
	(tag) =	ssettag s2;
	_ =	strace s9  }
0x27: {  	s1 =	sld [smem:$0x3FAB]  }
0x28: {  	s2 =	sld [smem:$0x3FAC]  }
0x29: {  	s4 =	sld [smem:$0x3FAE]  }
0x2a: {  	p0 =	seq.s32 s5, $0x0;
	s5 =	sld [smem:$0x3FAF]  }
0x2b: {  	s6 =	sld [smem:$0x3FB0]  }
0x2c: {  	s7 =	sld [smem:$0x3FB1]  }
0x2d: {  	s3 =	simm.s32 $0x108;
	s8 =	sld [smem:$0x3FB2]  }
0x2e: {  	s3 =	simm.s32 @!p0 $0x1082;
	s9 =	sld [smem:$0x3FB3]  }
0x2f: {  	lr =	sadd.s32 s0, s3;
	s0 =	sld [smem:$0x3FAA]  }
0x30: {  	s3 =	sld [smem:$0x3FAD]  }
0x31: {  	[smem:$0x3FB6] =	sst s10  }
0x32: {  	s10 =	sld [smem:$0x3FB4];
	_ =	sdelay $0x3  }
0x33: {  	p0 =	seq.s32 s10, $0x1;
	s10 =	sld [smem:$0x3FB6];
	_ =	sdelay $0x3  }
0x34: {  	[smem:$0x3FB6] =	sst s10  }
0x35: {  	s10 =	sld [smem:$0x3FB5];
	_ =	sdelay $0x3  }
0x36: {  	p1 =	seq.s32 s10, $0x1;
	s10 =	sld [smem:$0x3FB6];
	_ =	sdelay $0x3  }
0x37: {  	[smem:$0x3FB6] =	sst s10  }
0x38: {  	s10 =	sld [smem:$0x3FB7]  }
0x39: {  	_ = 	snop;
	(pc) =	sbr.ind lr, $3  }
0x3a: {  	_ = 	snop  }
0x3b: {  	_ = 	snop  }
0x3c: {  	p2 =	seq.s32 s10, $0x1;
	s10 =	sld [smem:$0x3FB6]  }
0x3d: {  	_ =	shalt  }
0x3e: {  	_ =	shalt  }
0x3f: {  	_ =	shalt  }
0x40: {  	_ =	shalt  }
0x41: {  	_ =	shalt  }
0x42: {  	_ =	shalt  }
0x43: {  	_ =	shalt  }
0x44: {  	_ =	shalt  }
0x45: {  	_ =	shalt  }
0x46: {  	_ =	shalt  }
0x47: {  	_ =	shalt  }
0x48: {  	_ =	shalt  }
0x49: {  	_ =	shalt  }
0x4a: {  	_ =	shalt  }
0x4b: {  	_ =	shalt  }
0x4c: {  	_ =	shalt  }
0x4d: {  	_ =	shalt  }
0x4e: {  	_ =	shalt  }
0x4f: {  	_ =	shalt  }
0x50: {  	_ =	shalt  }
0x51: {  	_ =	shalt  }
0x52: {  	_ =	shalt  }
0x53: {  	_ =	shalt  }
0x54: {  	_ =	shalt  }
0x55: {  	_ =	shalt  }
0x56: {  	_ =	shalt  }
0x57: {  	_ =	shalt  }
0x58: {  	_ =	shalt  }
0x59: {  	_ =	shalt  }
0x5a: {  	_ =	shalt  }
0x5b: {  	_ =	shalt  }
0x5c: {  	_ =	shalt  }
0x5d: {  	_ =	shalt  }
0x5e: {  	_ =	shalt  }
0x5f: {  	_ =	shalt  }
0x60: {  	_ =	shalt  }
0x61: {  	_ =	shalt  }
0x62: {  	_ =	shalt  }
0x63: {  	_ =	shalt  }
0x64: {  	_ =	shalt  }
0x65: {  	_ =	shalt  }
0x66: {  	_ =	shalt  }
0x67: {  	_ =	shalt  }
0x68: {  	_ =	shalt  }
0x69: {  	_ =	shalt  }
0x6a: {  	_ =	shalt  }
0x6b: {  	_ =	shalt  }
0x6c: {  	_ =	shalt  }
0x6d: {  	_ =	shalt  }
0x6e: {  	_ =	shalt  }
0x6f: {  	_ =	shalt  }
0x70: {  	_ =	shalt  }
0x71: {  	_ =	shalt  }
0x72: {  	_ =	shalt  }
0x73: {  	_ =	shalt  }
0x74: {  	_ =	shalt  }
0x75: {  	_ =	shalt  }
0x76: {  	_ =	shalt  }
0x77: {  	_ =	shalt  }
0x78: {  	_ =	shalt  }
0x79: {  	_ =	shalt  }
0x7a: {  	_ =	shalt  }
0x7b: {  	_ =	shalt  }
0x7c: {  	_ =	shalt  }
0x7d: {  	_ =	shalt  }
0x7e: {  	_ =	shalt  }
0x7f: {  	_ =	shalt  }
0x80: {  	_ =	shalt  }
0x81: {  	_ =	shalt  }
0x82: {  	_ =	shalt  }
0x83: {  	_ =	shalt  }
0x84: {  	_ =	shalt  }
0x85: {  	_ =	shalt  }
0x86: {  	_ =	shalt  }
0x87: {  	_ =	shalt  }
.Lfunc_end0:
.L_simem_size_0:
called_computation_lowered:
.L_overlay_start_0:
0x88: {  	s2 =	sld [smem:$0x3FD9]  }
0x89: {  	s3 =	sld [smem:$0x3FFE];
	_ =	sdelay $0x1  }
0x8a: {  	s1 =	srdreg.scid  }
0x8b: {  	s0 =	sand.u32 $0x1, s1  }
0x8c: {  	s17 =	sshll.u32 s0, $0xA;
	s2 =	sadd.s32 s3, s2  }
0x8d: {  	s2 =	sadd.s32 s2, s17  }
0x8e: {  	[smem:$0x3FC2] =	sst s2  }
0x8f: {  	_ = 	snop  }
0x90: {  	s2 =	sld [smem:$0x3FD0];
	(tm) =	ssettm $0x1  }
0x91: {  	s18 =	sld [smem:$0x3FFB];
	_ =	sdelay $0x3  }
0x92: {  	_ =	strace s18  }
0x93: {  	s3 =	sld [smem:$0x3FFC];
	_ =	sdelay $0x3  }
0x94: {  	_ =	strace s3  }
0x95: {  	s3 =	sld [smem:$0x3FFD];
	_ =	sdelay $0x3  }
0x96: {  	_ =	strace s3  }
0x97: {  	_ =	strace $0x8FFFFFFF  }
0x98: {  	s19 =	sld [smem:$0x3FDB];
	_ =	sdelay $0x1  }
0x99: {  	s4 =	simm.s32 $_scs_section_size  }
0x9a: {  	s5 =	simm.s32 $_size__tile_overlayer_lowered;
	s6 =	simm.s32 $_tile_overlayer_lowered  }
0x9b: {  	s22 =	simm.s32 $0x1BFF;
	s21 =	sshll.u32 s6, $0x1;
	s3 =	sadd.s32 s4, s19  }
0x9c: {  	s7 =	simm.s32 $0x0;
	s20 =	sshll.u32 s5, $0x1;
	s5 =	sadd.s32 s21, s3  }
0x9d: {  	[timem:s7], [sflag:s22] =	dma.local [hbm:s5], s20  }
0x9e: {  	_ =	swait.ge [sflag:s22], s20  }
0x9f: {  	s4 =	ssub.s32 $0x0, s20;
	[sflag:s22] =	ssyncset.done $0x0  }
0xa0: {  	[sflag:s22] =	ssyncadd.s32 s4;
	_ =	sdelay $0x1  }
0xa1: {  	s23 =	simm.s32 $0x1B8B  }
0xa2: {  	_ =	swait.ge [sflag:s23], $0x1  }
0xa3: {  	[sflag:s23] =	ssyncset.done $0x0  }
0xa4: {  	s25 =	simm.s32 $0x1B8E;
	s24 =	sld [smem:$0x3FFE];
	[sflag:s23] =	ssyncadd.s32 $0xFFFFFFFF  }
0xa5: {  	s26 =	simm.s32 $execute0_lowered;
	[smem:$0x3FD2] =	sst s25  }
0xa6: {  	s5 =	sshll.u32 s26, $0x1;
	_ =	strace $0x80000046;
	[dreg:$0x1] =	wrdreg $0xFFFFFFFF  }
0xa7: {  	s28 =	simm.s32 $_size_execute0_lowered;
	s3 =	sadd.s32 s3, s5;
	[dreg:$0x0] =	wrdreg $0x0  }
0xa8: {  	s5 =	sshll.u32 s28, $0x1;
	[dreg:$0x2] =	wrdreg s3  }
0xa9: {  	[dreg:$0x3] =	wrdreg s5  }
0xaa: {  	[dreg:$0x4] =	wrdreg $0xC0  }
0xab: {  	_ =	task [dreg:s7], $0x5FFFF  }
0xac: {  	[dreg:$0x1] =	wrdreg $0xFFFFFFFF  }
0xad: {  	[dreg:$0x0] =	wrdreg $0x60  }
0xae: {  	[dreg:$0x2] =	wrdreg s2  }
0xaf: {  	[dreg:$0x3] =	wrdreg s24  }
0xb0: {  	[dreg:$0x4] =	wrdreg $0x7D000  }
0xb1: {  	[dreg:$0x5] =	wrdreg $0x9  }
0xb2: {  	_ =	task.clear_ibuf [dreg:s7], $0x6FFFF;
	_ =	strace $0x90000046  }
0xb3: {  	s29 =	simm.s32 $0x9;
	_ =	strace $0x80000048  }
0xb4: {  	_ =	swait.ge [sflag:s29], $0x1  }
0xb5: {  	[sflag:s29] =	ssyncadd.s32 $0xFFFFFFFF  }
0xb6: {  	_ =	strace $0x90000048  }
0xb7: {  	_ =	sfence  }
0xb8: {  	s30 =	sld [smem:$0x0];
	_ =	sdelay $0x2  }
0xb9: {  	s31 =	sshll.u32 s1, $0xD;
	s1 =	sshrl.u32 s1, $0x2  }
0xba: {  	s3 =	sand.u32 $0x4000, s31;
	s1 =	sadd.s32 s1, s30  }
0xbb: {  	s0 =	sor.u32 s3, s0;
	s1 =	sshll.u32 s1, $0x11  }
0xbc: {  	s0 =	sor.u32 s1, s0  }
0xbd: {  	s0 =	sadd.s32 $0x8F2B, s0  }
0xbe: {  	[sflag:s0] =	ssyncadd.remote.s32 $0x1  }
0xbf: {  	_ =	sfence.sel $0xFFFF  }
0xc0: {  	[dreg:$0x0] =	wrdreg $0xFFFFFFFF;
	(pc) =	sbr.abs _section_cstart, $3  }
0xc1: {  	[dreg:$0x1] =	wrdreg $0xFFFFFFFF  }
0xc2: {  	_ =	task.clear_ibuf [dreg:s7], $0x2FFFF;
	_ =	strace $0x9FFFFFFF  }
0xc3: {  	(tm) =	ssettm $0x7FFFFFFF  }
tec
execute0_lowered:
.L_overlay_start_1:
0x0: {  	(tag) =	ssettag $0x1  }
0x1: {  	s5 =	rddreg [dreg:$0x0]  }
0x2: {  	s4 =	rddreg [dreg:$0x1]  }
0x3: {  	s2 =	rddreg [dreg:$0x2];
	s1 =	srdreg.scid  }
0x4: {  	s0 =	rddreg [dreg:$0x3];
	s3 =	simm.s32 $0x0;
	s12 =	simm.s32 $0x5200  }
0x5: {  	s13 =	simm.s32 $0x1;
	s14 =	simm.s32 $0x2;
	s15 =	simm.s32 $0x3  }
0x6: {  	s16 =	simm.s32 $0x4;
	s17 =	simm.s32 $0x5;
	s18 =	simm.s32 $0x6  }
0x7: {  	s19 =	simm.s32 $0x5500;
	s6 =	sand.u32 $0x1, s1;
	s1 =	stileid.u32  }
0x8: {  	s20 =	simm.s32 $0x0;
	[smem:$0x7FF] =	sst s3;
	s7 =	smul.u32 $0x28000, s6  }
0x9: {  	s8 =	smul.u32 $0x2800, s1;
	s9 =	sshll.u32 s6, $0x4;
	_ =	strace $0x80000047  }
0xa: {  	s6 =	ssub.s32 $0x2, s6;
	s10 =	smul.u32 $0xA00, s1;
	s9 =	sor.u32 s1, s9  }
0xb: {  	s29 =	sshrl.u32 s6, $0x1;
	s7 =	sadd.s32 s8, s7;
	s28 =	smul.u32 $0x2700, s9  }
0xc: {  	s11 =	ssub.s32 s6, s29;
	s31 =	sshrl.u32 s10, $0x2;
	p0 =	sne.s32 s9, $0x1F  }
0xd: {  	s9 =	simm.s32 $0x7;
	s10 =	simm.s32 $0x5280;
	s7 =	sshrl.u32 s7, $0x3  }
0xe: {  	s6 =	sadd.s32 s31, s2;
	s7 =	sadd.s32 s7, s4;
	s8 =	sshrl.u32 s28, $0x3  }
0xf: {  	s30 =	sadd.s32 s5, s8;
	s5 =	sadd.s32 $0x13840, s5;
	s7 =	sadd.s32 $0x2C00, s7  }
0x10: {  	v0 =	vimm.f32 $1.000000000e+00;
	v1 =	vimm.f32 $0.0e+00;
	s8 =	smax.u32 s11, $0x1;
	s11 =	simm.s32 $0x80;
	s4 =	sadd.s32 $0x9C40, s30  }
.LBB2_1:
0x11: {  	[tilespmem:s3], [sflag:$0x7] =	stream.linear.gather [hbm4b:s4+s3], $0x2700, $0x38;
	[tilespmem:$0x7F80] =	vst v63  }
0x12: {  	_ =	swait.ge [sflag:s9], $0x2700  }
0x13: {  	[sflag:s9] =	ssyncset.done $0x0  }
0x14: {  	s21 =	simm.s32 @!p0 $0x0;
	s22 =	simm.s32 @!p0 $0x4E00;
	[sflag:s9] =	ssyncadd.s32 $0xFFFFD900  }
0x15: {  	[tilespmem:s22], [sflag:$0x7] =	stream.linear.gather @!p0 [hbm4b:s5+s21], $0x200, $0x38;
	[tilespmem:$0x7F80] =	vst v63  }
0x16: {  	s21 =	simm.s32 @!p0 $0x7  }
0x17: {  	_ =	swait.ge @!p0 [sflag:s21], $0x200  }
0x18: {  	[sflag:s21] =	ssyncset.done @!p0 $0x0  }
0x19: {  	[sflag:s21] =	ssyncadd.s32 @!p0 $0xFFFFFE00  }
0x1a: {  	[tilespmem:$0x5200] =	vst v0  }
0x1b: {  	[tilespmem:$0x5210] =	vst v0  }
0x1c: {  	[tilespmem:$0x5220] =	vst v0  }
0x1d: {  	[tilespmem:$0x5230] =	vst v0  }
0x1e: {  	[tilespmem:$0x5240] =	vst v0  }
0x1f: {  	[tilespmem:$0x5250] =	vst v0  }
0x20: {  	[tilespmem:$0x5260] =	vst v0  }
0x21: {  	[tilespmem:$0x5270] =	vst v0  }
0x22: {  	[tilespmem:$0x5280] =	vst v1  }
0x23: {  	[tilespmem:$0x5290] =	vst v1  }
0x24: {  	[tilespmem:$0x52A0] =	vst v1  }
0x25: {  	[tilespmem:$0x52B0] =	vst v1  }
0x26: {  	[tilespmem:$0x52C0] =	vst v1  }
0x27: {  	[tilespmem:$0x52D0] =	vst v1  }
0x28: {  	[tilespmem:$0x52E0] =	vst v1  }
0x29: {  	[tilespmem:$0x52F0] =	vst v1  }
0x2a: {  	[tilespmem:$0x5300] =	vst v1  }
0x2b: {  	[tilespmem:$0x5310] =	vst v1  }
0x2c: {  	[tilespmem:$0x5320] =	vst v1  }
0x2d: {  	[tilespmem:$0x5330] =	vst v1  }
0x2e: {  	[tilespmem:$0x5340] =	vst v1  }
0x2f: {  	[tilespmem:$0x5350] =	vst v1  }
0x30: {  	[tilespmem:$0x5360] =	vst v1  }
0x31: {  	[tilespmem:$0x5370] =	vst v1  }
0x32: {  	[tilespmem:$0x5380] =	vst v1  }
0x33: {  	[tilespmem:$0x5390] =	vst v1  }
0x34: {  	[tilespmem:$0x53A0] =	vst v1  }
0x35: {  	[tilespmem:$0x53B0] =	vst v1  }
0x36: {  	[tilespmem:$0x53C0] =	vst v1  }
0x37: {  	[tilespmem:$0x53D0] =	vst v1  }
0x38: {  	[tilespmem:$0x53E0] =	vst v1  }
0x39: {  	[tilespmem:$0x53F0] =	vst v1  }
0x3a: {  	[tilespmem:$0x5400] =	vst v1  }
0x3b: {  	[tilespmem:$0x5410] =	vst v1  }
0x3c: {  	[tilespmem:$0x5420] =	vst v1  }
0x3d: {  	[tilespmem:$0x5430] =	vst v1  }
0x3e: {  	[tilespmem:$0x5440] =	vst v1  }
0x3f: {  	[tilespmem:$0x5450] =	vst v1  }
0x40: {  	[tilespmem:$0x5460] =	vst v1  }
0x41: {  	[tilespmem:$0x5470] =	vst v1  }
0x42: {  	[tilespmem:$0x5480] =	vst v1  }
0x43: {  	[tilespmem:$0x5490] =	vst v1  }
0x44: {  	[tilespmem:$0x54A0] =	vst v1  }
0x45: {  	[tilespmem:$0x54B0] =	vst v1  }
0x46: {  	[tilespmem:$0x54C0] =	vst v1  }
0x47: {  	[tilespmem:$0x54D0] =	vst v1  }
0x48: {  	[tilespmem:$0x54E0] =	vst v1  }
0x49: {  	[tilespmem:$0x54F0] =	vst v1  }
0x4a: {  	[spmem:s6] =	stream.linear.scatter [tilespmem:s10], [sflag:$0x7], $0x280, $0x38;
	[tilespmem:$0x7F80] =	vst v63  }
0x4b: {  	_ =	swait.ge [sflag:s9], $0x280  }
0x4c: {  	[sflag:s9] =	ssyncset.done $0x0  }
0x4d: {  	s21 =	simm.s32 $0x0;
	[sflag:s9] =	ssyncadd.s32 $0xFFFFFD80  }
0x4e: {  	v5 =	vld [tilespmem:s21+$0x70]  }
0x4f: {  	v6 =	vld [tilespmem:s21+$0x0]  }
0x50: {  	v7 =	vld [tilespmem:s21+$0x10]  }
0x51: {  	v4 =	vld [tilespmem:s21+$0x20]  }
0x52: {  	v2 =	vld [tilespmem:s21+$0x30]  }
0x53: {  	v3 =	vld [tilespmem:s21+$0x40];
	[tilespmem:s21+$0x2770] =	vst v5  }
0x54: {  	[tilespmem:s21+$0x2700] =	vst v6;
	v5 =	vld [tilespmem:s21+$0x50]  }
0x55: {  	s23 =	simm.s32 $0x400;
	s22 =	simm.s32 $0x80;
	[tilespmem:s21+$0x2710] =	vst v7;
	v6 =	vld [tilespmem:s21+$0x60]  }
.LBB2_2:
0x56: {  	p1 =	sne.s32 s23, $0x9A00;
	v7 =	vld [tilespmem:s22+$0x70];
	[tilespmem:s21+$0x2720] =	vst v4  }
0x57: {  	v8 =	vld [tilespmem:s22+$0x0];
	[tilespmem:s21+$0x2730] =	vst v2  }
0x58: {  	v9 =	vld [tilespmem:s22+$0x10];
	[tilespmem:s21+$0x2740] =	vst v3  }
.Ltmp0:
0x59: {  	v4 =	vld [tilespmem:s22+$0x20];
	[tilespmem:s21+$0x2750] =	vst v5;
	(pc) =	sbr.rel @p1 .LBB2_2-.Ltmp0, $4  }
0x5a: {  	v2 =	vld [tilespmem:s22+$0x30];
	[tilespmem:s21+$0x2760] =	vst v6;
	s21 =	smov.u32 s22  }
0x5b: {  	v3 =	vld [tilespmem:s21+$0x40];
	[tilespmem:s21+$0x2770] =	vst v7  }
0x5c: {  	[tilespmem:s21+$0x2700] =	vst v8;
	v5 =	vld [tilespmem:s21+$0x50]  }
0x5d: {  	s22 =	sshra.s32 s23, $0x2;
	s23 =	sadd.s32 $0x200, s23;
	[tilespmem:s21+$0x2710] =	vst v9;
	v6 =	vld [tilespmem:s21+$0x60]  }
0x5e: {  	v7 =	vld [tilespmem:s22+$0x70];
	[tilespmem:s21+$0x2720] =	vst v4  }
0x5f: {  	v4 =	vld [tilespmem:s22+$0x0];
	[tilespmem:s21+$0x2730] =	vst v2  }
0x60: {  	v2 =	vld [tilespmem:s22+$0x10];
	[tilespmem:s21+$0x2740] =	vst v3  }
0x61: {  	v3 =	vld [tilespmem:s22+$0x20];
	[tilespmem:s21+$0x2750] =	vst v5  }
0x62: {  	v5 =	vld [tilespmem:s22+$0x30];
	[tilespmem:s21+$0x2760] =	vst v6  }
0x63: {  	v6 =	vld [tilespmem:s22+$0x40];
	[tilespmem:s22+$0x2770] =	vst v7  }
0x64: {  	v63 =	vld [tilespmem:s22+$0x50];
	[tilespmem:s22+$0x2700] =	vst v4  }
0x65: {  	[tilespmem:s22+$0x2710] =	vst v2;
	v2 =	vld [tilespmem:s22+$0x60]  }
0x66: {  	[tilespmem:s22+$0x2720] =	vst v3  }
0x67: {  	[tilespmem:s22+$0x2730] =	vst v5  }
0x68: {  	[tilespmem:s22+$0x2740] =	vst v6  }
0x69: {  	[tilespmem:s22+$0x2750] =	vst v63  }
0x6a: {  	[tilespmem:s22+$0x2760] =	vst v2  }
0x6b: {  	v2 =	vld @!p0 [tilespmem:$0x4E00]  }
0x6c: {  	v3 =	vld @!p0 [tilespmem:$0x4E10]  }
0x6d: {  	v4 =	vld @!p0 [tilespmem:$0x4E20]  }
0x6e: {  	v5 =	vld @!p0 [tilespmem:$0x4E30]  }
0x6f: {  	v6 =	vld @!p0 [tilespmem:$0x4E40]  }
0x70: {  	[tilespmem:$0x5000] =	vst @!p0 v2;
	v2 =	vld @!p0 [tilespmem:$0x4E50]  }
0x71: {  	[tilespmem:$0x5010] =	vst @!p0 v3;
	v3 =	vld @!p0 [tilespmem:$0x4E60]  }
0x72: {  	[tilespmem:$0x5020] =	vst @!p0 v4;
	v4 =	vld @!p0 [tilespmem:$0x4E70]  }
0x73: {  	[tilespmem:$0x5030] =	vst @!p0 v5;
	v5 =	vld @!p0 [tilespmem:$0x4E80]  }
0x74: {  	[tilespmem:$0x5040] =	vst @!p0 v6;
	v6 =	vld @!p0 [tilespmem:$0x4E90]  }
0x75: {  	[tilespmem:$0x5050] =	vst @!p0 v2;
	v2 =	vld @!p0 [tilespmem:$0x4EA0]  }
0x76: {  	[tilespmem:$0x5060] =	vst @!p0 v3;
	v3 =	vld @!p0 [tilespmem:$0x4EB0]  }
0x77: {  	[tilespmem:$0x5070] =	vst @!p0 v4;
	v4 =	vld @!p0 [tilespmem:$0x4EC0]  }
0x78: {  	[tilespmem:$0x5080] =	vst @!p0 v5;
	v5 =	vld @!p0 [tilespmem:$0x4ED0]  }
0x79: {  	[tilespmem:$0x5090] =	vst @!p0 v6;
	v6 =	vld @!p0 [tilespmem:$0x4EE0]  }
0x7a: {  	[tilespmem:$0x50A0] =	vst @!p0 v2;
	v2 =	vld @!p0 [tilespmem:$0x4EF0]  }
0x7b: {  	[tilespmem:$0x50B0] =	vst @!p0 v3;
	v3 =	vld @!p0 [tilespmem:$0x4F00]  }
0x7c: {  	[tilespmem:$0x50C0] =	vst @!p0 v4;
	v4 =	vld @!p0 [tilespmem:$0x4F10]  }
0x7d: {  	[tilespmem:$0x50D0] =	vst @!p0 v5;
	v5 =	vld @!p0 [tilespmem:$0x4F20]  }
0x7e: {  	[tilespmem:$0x50E0] =	vst @!p0 v6;
	v6 =	vld @!p0 [tilespmem:$0x4F30]  }
0x7f: {  	[tilespmem:$0x50F0] =	vst @!p0 v2;
	v2 =	vld @!p0 [tilespmem:$0x4F40]  }
0x80: {  	[tilespmem:$0x5100] =	vst @!p0 v3;
	v3 =	vld @!p0 [tilespmem:$0x4F50]  }
0x81: {  	[tilespmem:$0x5110] =	vst @!p0 v4;
	v4 =	vld @!p0 [tilespmem:$0x4F60]  }
0x82: {  	[tilespmem:$0x5120] =	vst @!p0 v5;
	v5 =	vld @!p0 [tilespmem:$0x4F70]  }
0x83: {  	[tilespmem:$0x5130] =	vst @!p0 v6;
	v6 =	vld @!p0 [tilespmem:$0x4F80]  }
0x84: {  	[tilespmem:$0x5140] =	vst @!p0 v2;
	v2 =	vld @!p0 [tilespmem:$0x4F90]  }
0x85: {  	[tilespmem:$0x5150] =	vst @!p0 v3;
	v3 =	vld @!p0 [tilespmem:$0x4FA0]  }
0x86: {  	[tilespmem:$0x5160] =	vst @!p0 v4;
	v4 =	vld @!p0 [tilespmem:$0x4FB0]  }
0x87: {  	[tilespmem:$0x5170] =	vst @!p0 v5;
	v5 =	vld @!p0 [tilespmem:$0x4FC0]  }
0x88: {  	[tilespmem:$0x5180] =	vst @!p0 v6;
	v6 =	vld @!p0 [tilespmem:$0x4FD0]  }
0x89: {  	[tilespmem:$0x5190] =	vst @!p0 v2;
	v2 =	vld @!p0 [tilespmem:$0x4FE0]  }
0x8a: {  	[tilespmem:$0x51A0] =	vst @!p0 v3;
	v3 =	vld @!p0 [tilespmem:$0x4FF0]  }
0x8b: {  	[tilespmem:$0x51B0] =	vst @!p0 v4  }
0x8c: {  	[tilespmem:$0x51C0] =	vst @!p0 v5  }
0x8d: {  	[tilespmem:$0x51D0] =	vst @!p0 v6  }
0x8e: {  	[tilespmem:$0x51E0] =	vst @!p0 v2  }
0x8f: {  	[tilespmem:$0x51F0] =	vst @!p0 v3  }
0x90: {  	s25 =	simm.s32 $0x2700;
	[bflag:$0x0] =	sbarrier.arrive $0xFFFF  }
0x91: {  	[spmem:s2] =	stream.indirect.scatter.add.f32 [tilespmem:s12], [sflag:$0x1], $0x1, s25, s11, $0xb8;
	[tilespmem:$0x7F80] =	vst v63  }
0x92: {  	s26 =	simm.s32 $0x2780  }
0x93: {  	[spmem:s2] =	stream.indirect.scatter.add.f32 [tilespmem:s12], [sflag:$0x2], $0x1, s26, s11, $0xb8;
	[tilespmem:$0x7F80] =	vst v63  }
0x94: {  	s28 =	simm.s32 $0x2800  }
0x95: {  	[spmem:s2] =	stream.indirect.scatter.add.f32 [tilespmem:s12], [sflag:$0x3], $0x1, s28, s11, $0xb8;
	[tilespmem:$0x7F80] =	vst v63  }
0x96: {  	s29 =	simm.s32 $0x2880  }
0x97: {  	[spmem:s2] =	stream.indirect.scatter.add.f32 [tilespmem:s12], [sflag:$0x4], $0x1, s29, s11, $0xb8;
	[tilespmem:$0x7F80] =	vst v63  }
0x98: {  	s30 =	simm.s32 $0x2900  }
0x99: {  	[spmem:s2] =	stream.indirect.scatter.add.f32 [tilespmem:s12], [sflag:$0x5], $0x1, s30, s11, $0xb8;
	[tilespmem:$0x7F80] =	vst v63  }
0x9a: {  	s31 =	simm.s32 $0x2980  }
0x9b: {  	[spmem:s2] =	stream.indirect.scatter.add.f32 [tilespmem:s12], [sflag:$0x6], $0x1, s31, s11, $0xb8;
	[tilespmem:$0x7F80] =	vst v63  }
0x9c: {  	_ =	swait.ge [sflag:s13], $0x80  }
0x9d: {  	[sflag:s13] =	ssyncset.done $0x0  }
0x9e: {  	[sflag:s13] =	ssyncadd.s32 $0xFFFFFF80  }
0x9f: {  	_ =	swait.ge [sflag:s14], $0x80  }
0xa0: {  	[sflag:s14] =	ssyncset.done $0x0  }
0xa1: {  	[sflag:s14] =	ssyncadd.s32 $0xFFFFFF80  }
0xa2: {  	_ =	swait.ge [sflag:s15], $0x80  }
0xa3: {  	[sflag:s15] =	ssyncset.done $0x0  }
0xa4: {  	[sflag:s15] =	ssyncadd.s32 $0xFFFFFF80  }
0xa5: {  	_ =	swait.ge [sflag:s16], $0x80  }
0xa6: {  	[sflag:s16] =	ssyncset.done $0x0  }
0xa7: {  	[sflag:s16] =	ssyncadd.s32 $0xFFFFFF80  }
0xa8: {  	_ =	swait.ge [sflag:s17], $0x80  }
0xa9: {  	[sflag:s17] =	ssyncset.done $0x0  }
0xaa: {  	[sflag:s17] =	ssyncadd.s32 $0xFFFFFF80  }
0xab: {  	_ =	swait.ge [sflag:s18], $0x80  }
0xac: {  	s21 =	simm.s32 $0x300;
	s22 =	simm.s32 $0x1800;
	[sflag:s18] =	ssyncset.done $0x0  }
.LBB2_4:
0xad: {  	s23 =	sadd.s32 $0x2700, s21  }
0xae: {  	[sflag:s18] =	ssyncadd.s32 $0xFFFFFF80;
	s24 =	smov.u32 s22;
	s25 =	sadd.s32 $0xC00, s22  }
0xaf: {  	[spmem:s2] =	stream.indirect.scatter.add.f32 [tilespmem:s12], [sflag:$0x1], $0x1, s23, s11, $0xb8;
	[tilespmem:$0x7F80] =	vst v63  }
0xb0: {  	p1 =	sne.s32 s22, $0x9000;
	s22 =	sadd.s32 $0x2780, s21  }
0xb1: {  	[spmem:s2] =	stream.indirect.scatter.add.f32 [tilespmem:s12], [sflag:$0x2], $0x1, s22, s11, $0xb8;
	[tilespmem:$0x7F80] =	vst v63  }
0xb2: {  	s22 =	sadd.s32 $0x2800, s21  }
0xb3: {  	[spmem:s2] =	stream.indirect.scatter.add.f32 [tilespmem:s12], [sflag:$0x3], $0x1, s22, s11, $0xb8;
	[tilespmem:$0x7F80] =	vst v63  }
0xb4: {  	s22 =	sadd.s32 $0x2880, s21  }
0xb5: {  	[spmem:s2] =	stream.indirect.scatter.add.f32 [tilespmem:s12], [sflag:$0x4], $0x1, s22, s11, $0xb8;
	[tilespmem:$0x7F80] =	vst v63  }
0xb6: {  	s22 =	sadd.s32 $0x2900, s21  }
0xb7: {  	[spmem:s2] =	stream.indirect.scatter.add.f32 [tilespmem:s12], [sflag:$0x5], $0x1, s22, s11, $0xb8;
	[tilespmem:$0x7F80] =	vst v63  }
0xb8: {  	s21 =	sadd.s32 $0x2980, s21  }
0xb9: {  	[spmem:s2] =	stream.indirect.scatter.add.f32 [tilespmem:s12], [sflag:$0x6], $0x1, s21, s11, $0xb8;
	[tilespmem:$0x7F80] =	vst v63  }
0xba: {  	_ =	swait.ge [sflag:s13], $0x80  }
0xbb: {  	[sflag:s13] =	ssyncset.done $0x0  }
0xbc: {  	[sflag:s13] =	ssyncadd.s32 $0xFFFFFF80  }
0xbd: {  	_ =	swait.ge [sflag:s14], $0x80  }
0xbe: {  	[sflag:s14] =	ssyncset.done $0x0  }
0xbf: {  	[sflag:s14] =	ssyncadd.s32 $0xFFFFFF80  }
0xc0: {  	_ =	swait.ge [sflag:s15], $0x80  }
0xc1: {  	[sflag:s15] =	ssyncset.done $0x0  }
0xc2: {  	[sflag:s15] =	ssyncadd.s32 $0xFFFFFF80  }
0xc3: {  	_ =	swait.ge [sflag:s16], $0x80  }
0xc4: {  	[sflag:s16] =	ssyncset.done $0x0  }
0xc5: {  	[sflag:s16] =	ssyncadd.s32 $0xFFFFFF80  }
.Ltmp1:
0xc6: {  	_ =	swait.ge [sflag:s17], $0x80;
	(pc) =	sbr.rel @p1 .LBB2_4-.Ltmp1, $4  }
0xc7: {  	[sflag:s17] =	ssyncset.done $0x0  }
0xc8: {  	[sflag:s17] =	ssyncadd.s32 $0xFFFFFF80  }
0xc9: {  	_ =	swait.ge [sflag:s18], $0x80  }
0xca: {  	s22 =	smov.u32 s25;
	s21 =	sshra.s32 s24, $0x2;
	[sflag:s18] =	ssyncset.done $0x0  }
0xcb: {  	s22 =	sadd.s32 $0x2700, s21;
	[sflag:s18] =	ssyncadd.s32 $0xFFFFFF80  }
0xcc: {  	[spmem:s2] =	stream.indirect.scatter.add.f32 [tilespmem:s12], [sflag:$0x1], $0x1, s22, s11, $0xb8;
	[tilespmem:$0x7F80] =	vst v63  }
0xcd: {  	s25 =	sadd.s32 $0x2780, s21  }
0xce: {  	[spmem:s2] =	stream.indirect.scatter.add.f32 [tilespmem:s12], [sflag:$0x2], $0x1, s25, s11, $0xb8;
	[tilespmem:$0x7F80] =	vst v63  }
0xcf: {  	s26 =	sadd.s32 $0x2800, s21  }
0xd0: {  	[spmem:s2] =	stream.indirect.scatter.add.f32 [tilespmem:s12], [sflag:$0x3], $0x1, s26, s11, $0xb8;
	[tilespmem:$0x7F80] =	vst v63  }
0xd1: {  	s28 =	sadd.s32 $0x2880, s21  }
0xd2: {  	[spmem:s2] =	stream.indirect.scatter.add.f32 [tilespmem:s12], [sflag:$0x4], $0x1, s28, s11, $0xb8;
	[tilespmem:$0x7F80] =	vst v63  }
0xd3: {  	s29 =	sadd.s32 $0x2900, s21  }
0xd4: {  	[spmem:s2] =	stream.indirect.scatter.add.f32 [tilespmem:s12], [sflag:$0x5], $0x1, s29, s11, $0xb8;
	[tilespmem:$0x7F80] =	vst v63  }
0xd5: {  	s30 =	sadd.s32 $0x2980, s21  }
0xd6: {  	[spmem:s2] =	stream.indirect.scatter.add.f32 [tilespmem:s12], [sflag:$0x6], $0x1, s30, s11, $0xb8;
	[tilespmem:$0x7F80] =	vst v63  }
0xd7: {  	_ =	swait.ge [sflag:s13], $0x80  }
0xd8: {  	[sflag:s13] =	ssyncset.done $0x0  }
0xd9: {  	[sflag:s13] =	ssyncadd.s32 $0xFFFFFF80  }
0xda: {  	_ =	swait.ge [sflag:s14], $0x80  }
0xdb: {  	[sflag:s14] =	ssyncset.done $0x0  }
0xdc: {  	[sflag:s14] =	ssyncadd.s32 $0xFFFFFF80  }
0xdd: {  	_ =	swait.ge [sflag:s15], $0x80  }
0xde: {  	[sflag:s15] =	ssyncset.done $0x0  }
0xdf: {  	[sflag:s15] =	ssyncadd.s32 $0xFFFFFF80  }
0xe0: {  	_ =	swait.ge [sflag:s16], $0x80  }
0xe1: {  	[sflag:s16] =	ssyncset.done $0x0  }
0xe2: {  	[sflag:s16] =	ssyncadd.s32 $0xFFFFFF80  }
0xe3: {  	_ =	swait.ge [sflag:s17], $0x80  }
0xe4: {  	[sflag:s17] =	ssyncset.done $0x0  }
0xe5: {  	[sflag:s17] =	ssyncadd.s32 $0xFFFFFF80  }
0xe6: {  	_ =	swait.ge [sflag:s18], $0x80  }
0xe7: {  	s21 =	simm.s32 @!p0 $0x80;
	[sflag:s18] =	ssyncset.done $0x0  }
0xe8: {  	s23 =	simm.s32 @!p0 $0x5200;
	s22 =	simm.s32 @!p0 $0x5000;
	[sflag:s18] =	ssyncadd.s32 $0xFFFFFF80  }
0xe9: {  	[spmem:s2] =	stream.indirect.scatter.add.f32 @!p0 [tilespmem:s23], [sflag:$0x7], $0x1, s22, s21, $0xb8;
	[tilespmem:$0x7F80] =	vst v63  }
0xea: {  	s22 =	simm.s32 @!p0 $0x7  }
0xeb: {  	_ =	swait.ge @!p0 [sflag:s22], $0x80  }
0xec: {  	[sflag:s22] =	ssyncset.done @!p0 $0x0  }
0xed: {  	s24 =	simm.s32 @!p0 $0x5080;
	[sflag:s22] =	ssyncadd.s32 @!p0 $0xFFFFFF80  }
0xee: {  	[spmem:s2] =	stream.indirect.scatter.add.f32 @!p0 [tilespmem:s23], [sflag:$0x7], $0x1, s24, s21, $0xb8;
	[tilespmem:$0x7F80] =	vst v63  }
0xef: {  	_ =	swait.ge @!p0 [sflag:s22], $0x80  }
0xf0: {  	[sflag:s22] =	ssyncset.done @!p0 $0x0  }
0xf1: {  	s24 =	simm.s32 @!p0 $0x5100;
	[sflag:s22] =	ssyncadd.s32 @!p0 $0xFFFFFF80  }
0xf2: {  	[spmem:s2] =	stream.indirect.scatter.add.f32 @!p0 [tilespmem:s23], [sflag:$0x7], $0x1, s24, s21, $0xb8;
	[tilespmem:$0x7F80] =	vst v63  }
0xf3: {  	_ =	swait.ge @!p0 [sflag:s22], $0x80  }
0xf4: {  	[sflag:s22] =	ssyncset.done @!p0 $0x0  }
0xf5: {  	s24 =	simm.s32 @!p0 $0x5180;
	[sflag:s22] =	ssyncadd.s32 @!p0 $0xFFFFFF80  }
0xf6: {  	[spmem:s2] =	stream.indirect.scatter.add.f32 @!p0 [tilespmem:s23], [sflag:$0x7], $0x1, s24, s21, $0xb8;
	[tilespmem:$0x7F80] =	vst v63  }
0xf7: {  	_ =	swait.ge @!p0 [sflag:s22], $0x80  }
0xf8: {  	[sflag:s22] =	ssyncset.done @!p0 $0x0  }
0xf9: {  	[sflag:s22] =	ssyncadd.s32 @!p0 $0xFFFFFF80  }
0xfa: {  	[bflag:$0x0] =	sbarrier.arrive $0xFFFF  }
0xfb: {  	[tilespmem:s10], [sflag:$0x7] =	stream.linear.gather [spmem:s6], $0x280, $0x38;
	[tilespmem:$0x7F80] =	vst v63  }
0xfc: {  	_ =	swait.ge [sflag:s9], $0x280  }
0xfd: {  	[sflag:s9] =	ssyncset.done $0x0  }
0xfe: {  	s31 =	simm.s32 $0x0;
	[sflag:s9] =	ssyncadd.s32 $0xFFFFFD80  }
0xff: {  	v2 =	vld [tilespmem:s31+$0x5280];
	_ =	sdelay $0x4  }
0x100: {  	v3 =	vbroadcast v2, $0x0  }
0x101: {  	s21 =	simm.s32 $0x5580;
	v4 =	vbroadcast v2, $0x1  }
0x102: {  	v5 =	vbroadcast v2, $0x2;
	[tilespmem:s21+$0xFFFFFF80] =	vst v3  }
0x103: {  	v56 =	vbroadcast v2, $0x4;
	[tilespmem:s21+$0xFFFFFF90] =	vst v4  }
0x104: {  	v57 =	vbroadcast v2, $0x5;
	[tilespmem:s21+$0xFFFFFFA0] =	vst v5  }
0x105: {  	v58 =	vbroadcast v2, $0x7;
	[tilespmem:s21+$0xFFFFFFC0] =	vst v56  }
0x106: {  	v59 =	vbroadcast v2, $0x8;
	[tilespmem:s21+$0xFFFFFFD0] =	vst v57  }
0x107: {  	v60 =	vbroadcast v2, $0xA;
	[tilespmem:s21+$0xFFFFFFF0] =	vst v58  }
0x108: {  	v3 =	vbroadcast v2, $0x3;
	[tilespmem:s21+$0x0] =	vst v59  }
0x109: {  	v61 =	vbroadcast v2, $0xB;
	[tilespmem:s21+$0x20] =	vst v60  }
0x10a: {  	[tilespmem:s21+$0xFFFFFFB0] =	vst v3;
	v3 =	vbroadcast v2, $0x6  }
0x10b: {  	v62 =	vbroadcast v2, $0xD;
	[tilespmem:s21+$0x30] =	vst v61  }
0x10c: {  	[tilespmem:s21+$0xFFFFFFE0] =	vst v3;
	v3 =	vbroadcast v2, $0x9  }
0x10d: {  	v63 =	vbroadcast v2, $0xE;
	[tilespmem:s21+$0x50] =	vst v62  }
0x10e: {  	[tilespmem:s21+$0x10] =	vst v3;
	v3 =	vbroadcast v2, $0xC  }
0x10f: {  	[tilespmem:s21+$0x60] =	vst v63;
	v2 =	vbroadcast v2, $0xF  }
0x110: {  	[tilespmem:s21+$0x40] =	vst v3  }
0x111: {  	s23 =	simm.s32 $0x10;
	s22 =	simm.s32 $0x80;
	[tilespmem:s21+$0x70] =	vst v2  }
.LBB2_6:
0x112: {  	p1 =	sne.s32 s22, $0x9C0;
	v2 =	vld [tilespmem:s23+$0x5280];
	_ =	sdelay $0x4  }
0x113: {  	v3 =	vbroadcast v2, $0x0;
	v4 =	vbroadcast v2, $0x1  }
0x114: {  	s21 =	sadd.s32 $0x100, s21;
	v5 =	vbroadcast v2, $0x2;
	v6 =	vbroadcast v2, $0x3  }
0x115: {  	v7 =	vbroadcast v2, $0x5;
	[tilespmem:s21+$0xFFFFFF80] =	vst v3;
	v3 =	vbroadcast v2, $0x4  }
0x116: {  	v8 =	vbroadcast v2, $0x7;
	[tilespmem:s21+$0xFFFFFF90] =	vst v4;
	v4 =	vbroadcast v2, $0x6  }
0x117: {  	v9 =	vbroadcast v2, $0x9;
	[tilespmem:s21+$0xFFFFFFA0] =	vst v5;
	v5 =	vbroadcast v2, $0x8  }
0x118: {  	v10 =	vbroadcast v2, $0xB;
	[tilespmem:s21+$0xFFFFFFB0] =	vst v6;
	v6 =	vbroadcast v2, $0xA  }
0x119: {  	v11 =	vbroadcast v2, $0xD;
	[tilespmem:s21+$0xFFFFFFC0] =	vst v3;
	v3 =	vbroadcast v2, $0xC  }
0x11a: {  	[tilespmem:s21+$0xFFFFFFD0] =	vst v7;
	v7 =	vbroadcast v2, $0xE;
	v2 =	vbroadcast v2, $0xF  }
0x11b: {  	[tilespmem:s21+$0xFFFFFFE0] =	vst v4  }
0x11c: {  	[tilespmem:s21+$0xFFFFFFF0] =	vst v8  }
0x11d: {  	[tilespmem:s21+$0x0] =	vst v5  }
0x11e: {  	[tilespmem:s21+$0x10] =	vst v9  }
0x11f: {  	[tilespmem:s21+$0x20] =	vst v6  }
.Ltmp2:
0x120: {  	[tilespmem:s21+$0x30] =	vst v10;
	(pc) =	sbr.rel @p1 .LBB2_6-.Ltmp2, $4  }
0x121: {  	[tilespmem:s21+$0x40] =	vst v3  }
0x122: {  	[tilespmem:s21+$0x50] =	vst v11  }
0x123: {  	[tilespmem:s21+$0x60] =	vst v7  }
0x124: {  	s23 =	sshra.s32 s22, $0x2;
	s22 =	sadd.s32 $0x40, s22;
	[tilespmem:s21+$0x70] =	vst v2  }
0x125: {  	v2 =	vld [tilespmem:s23+$0x5280];
	_ =	sdelay $0x4  }
0x126: {  	v3 =	vbroadcast v2, $0x0  }
0x127: {  	s21 =	sadd.s32 $0x100, s21;
	v4 =	vbroadcast v2, $0x1  }
0x128: {  	v5 =	vbroadcast v2, $0x2;
	[tilespmem:s21+$0xFFFFFF80] =	vst v3  }
0x129: {  	v56 =	vbroadcast v2, $0x4;
	[tilespmem:s21+$0xFFFFFF90] =	vst v4  }
0x12a: {  	v57 =	vbroadcast v2, $0x5;
	[tilespmem:s21+$0xFFFFFFA0] =	vst v5  }
0x12b: {  	v58 =	vbroadcast v2, $0x7;
	[tilespmem:s21+$0xFFFFFFC0] =	vst v56  }
0x12c: {  	v59 =	vbroadcast v2, $0x8;
	[tilespmem:s21+$0xFFFFFFD0] =	vst v57  }
0x12d: {  	v60 =	vbroadcast v2, $0xA;
	[tilespmem:s21+$0xFFFFFFF0] =	vst v58  }
0x12e: {  	v3 =	vbroadcast v2, $0x3;
	[tilespmem:s21+$0x0] =	vst v59  }
0x12f: {  	v61 =	vbroadcast v2, $0xB;
	[tilespmem:s21+$0x20] =	vst v60  }
0x130: {  	[tilespmem:s21+$0xFFFFFFB0] =	vst v3;
	v3 =	vbroadcast v2, $0x6  }
0x131: {  	v62 =	vbroadcast v2, $0xD;
	[tilespmem:s21+$0x30] =	vst v61  }
0x132: {  	[tilespmem:s21+$0xFFFFFFE0] =	vst v3;
	v3 =	vbroadcast v2, $0x9  }
0x133: {  	v63 =	vbroadcast v2, $0xE;
	[tilespmem:s21+$0x50] =	vst v62  }
0x134: {  	[tilespmem:s21+$0x10] =	vst v3;
	v3 =	vbroadcast v2, $0xC  }
0x135: {  	s20 =	sadd.s32 $0x1, s20;
	[tilespmem:s21+$0x60] =	vst v63;
	v2 =	vbroadcast v2, $0xF  }
0x136: {  	p1 =	sne.s32 s20, s8;
	[tilespmem:s21+$0x40] =	vst v3  }
.Ltmp3:
0x137: {  	[tilespmem:s21+$0x70] =	vst v2;
	(pc) =	sbr.rel @p1 .LBB2_1-.Ltmp3, $4  }
0x138: {  	[hbm4b:s7+s3] =	stream.linear.scatter [tilespmem:s19], [sflag:$0x7], $0x2800, $0x38;
	[tilespmem:$0x7F80] =	vst v63  }
0x139: {  	_ =	swait.ge [sflag:s9], $0x2800  }
0x13a: {  	[sflag:s9] =	ssyncset.done $0x0  }
0x13b: {  	[sflag:s9] =	ssyncadd.s32 $0xFFFFD800  }
0x13c: {  	_ =	sfence.sel $0x180000  }
0x13d: {  	[bflag:$0x0] =	sbarrier.arrive $0xFFFF  }
0x13e: {  	p0 =	sne.s32 s1, $0x0;
	_ =	strace $0x90000047  }
0x13f: {  	s0 =	sadd.s32 @!p0 $0x100000, s0;
	[bflag:$0x2] =	sbarrier.arrive $0xFFFF  }
0x140: {  	[sflag:s0] =	ssyncadd.tile.s32 @!p0 $0x1;
	_ =	shalt  }
.Lfunc_end2:
_tile_overlayer_lowered:
.L_overlay_start_2:
0x141: {  	(tag) =	ssettag $0x2  }
0x142: {  	s0 =	rddreg [dreg:$0x0];
	s2 =	stileid.u32  }
0x143: {  	s1 =	rddreg [dreg:$0x1];
	p0 =	sne.s32 s2, $0x0  }
0x144: {  	s3 =	rddreg [dreg:$0x2];
	[bflag:$0x3] =	sbarrier.arrive $0xFFFF;
	s2 =	simm.s32 @!p0 $0x1C07  }
0x145: {  	[timem:s3], [sflag:s2] =	dma.local @!p0 [hbm:s0], s1  }
0x146: {  	s0 =	simm.s32 @!p0 $0x7  }
0x147: {  	_ =	swait.ge @!p0 [sflag:s0], s1  }
0x148: {  	s1 =	ssub.s32 @!p0 $0x0, s1;
	[sflag:s0] =	ssyncset.done @!p0 $0x0  }
0x149: {  	[sflag:s0] =	ssyncadd.s32 @!p0 s1  }
0x14a: {  	[bflag:$0x3] =	sbarrier.arrive $0xFFFF  }
0x14b: {  	_ =	shalt  }

</sc_bundles>
